<compile_context>
chip_gen: v7x
topology: tpu7x:2x2x1
jax: 0.10.2.dev20260603
libtpu: 0.0.44.dev20260713+nightly
codegen_flags: <defaults>
</compile_context>

<pallas_src>
import functools

import jax
import jax.numpy as jnp
from jax import lax
from jax.experimental import pallas as pl
from jax.experimental.pallas import tpu as pltpu
from jax.experimental.pallas import tpu_sc as plsc

N = 10000
E = 320000
H = 4

_C = 40
_EPT = E // 32
_NCH = _EPT // _C
_NPT = N // 16



def _ae_body(eblk, ve, ae0, ae1, ae2, esum):
    i = pl.program_id(0)
    a = jnp.dot(eblk[...], ve[...], preferred_element_type=jnp.float32)
    z12 = jnp.zeros((a.shape[0], 12), jnp.float32)
    z8 = jnp.zeros((a.shape[0], 8), jnp.float32)
    ae0[...] = jnp.concatenate([a[:, 0:4], z12], axis=1)
    ae1[...] = jnp.concatenate([a[:, 4:8], z12], axis=1)
    ae2[...] = jnp.concatenate([a[:, 8:16], z8], axis=1)

    @pl.when(i == 0)
    def _():
        esum[...] = jnp.zeros_like(esum)

    esum[...] += jnp.sum(eblk[...], axis=0, keepdims=True)


def _ae_kernel(edge_attr, ve_cat):
    be = 2000
    grid = (E // be,)
    return pl.pallas_call(
        _ae_body,
        grid=grid,
        in_specs=[
            pl.BlockSpec((be, 4), lambda i: (i, 0)),
            pl.BlockSpec((4, 16), lambda i: (0, 0)),
        ],
        out_specs=[
            pl.BlockSpec((be, 16), lambda i: (i, 0)),
            pl.BlockSpec((be, 16), lambda i: (i, 0)),
            pl.BlockSpec((be, 16), lambda i: (i, 0)),
            pl.BlockSpec((1, 4), lambda i: (0, 0)),
        ],
        out_shape=[
            jax.ShapeDtypeStruct((E, 16), jnp.float32),
            jax.ShapeDtypeStruct((E, 16), jnp.float32),
            jax.ShapeDtypeStruct((E, 16), jnp.float32),
            jax.ShapeDtypeStruct((1, 4), jnp.float32),
        ],
    )(edge_attr, ve_cat)


def _prep_body(hc, ch, hblk, wcat, aeloop, xs, asrc, adst, init, sinit):
    m = jnp.dot(hblk[...], wcat[...], preferred_element_type=jnp.float32)
    xsv = m[:, :hc]
    av = m[:, hc:hc + 4]
    dv = m[:, hc + 4:hc + 8]
    xs[...] = xsv
    asrc[...] = av
    adst[...] = dv
    al = av + dv + aeloop[...]
    exl = jnp.exp(jnp.where(al > 0, al, al * 0.2))
    half = 0.5 * exl
    sinit[...] = half
    parts = [xsv[:, h * ch:(h + 1) * ch] * half[:, h:h + 1] for h in range(H)]
    init[...] = jnp.concatenate(parts, axis=1)


def _prep_kernel(h_in, wcat, aeloop, hc, ch):
    bn = 1000
    grid = (N // bn,)
    k = wcat.shape[1]
    return pl.pallas_call(
        functools.partial(_prep_body, hc, ch),
        grid=grid,
        in_specs=[
            pl.BlockSpec((bn, 128), lambda i: (i, 0)),
            pl.BlockSpec((128, k), lambda i: (0, 0)),
            pl.BlockSpec((1, 4), lambda i: (0, 0)),
        ],
        out_specs=[
            pl.BlockSpec((bn, hc), lambda i: (i, 0)),
            pl.BlockSpec((bn, 4), lambda i: (i, 0)),
            pl.BlockSpec((bn, 4), lambda i: (i, 0)),
            pl.BlockSpec((bn, hc), lambda i: (i, 0)),
            pl.BlockSpec((bn, 4), lambda i: (i, 0)),
        ],
        out_shape=[
            jax.ShapeDtypeStruct((N, hc), jnp.float32),
            jax.ShapeDtypeStruct((N, 4), jnp.float32),
            jax.ShapeDtypeStruct((N, 4), jnp.float32),
            jax.ShapeDtypeStruct((N, hc), jnp.float32),
            jax.ShapeDtypeStruct((N, 4), jnp.float32),
        ],
    )(h_in, wcat, aeloop)


def _finish_body(acc2, s2, b, out):
    acc = acc2[0] + acc2[1]
    s = s2[0] + s2[1]
    parts = [acc[:, h * 32:(h + 1) * 32] / (s[:, h:h + 1] + 1e-16)
             for h in range(H)]
    o = jnp.concatenate(parts, axis=1) + b[...]
    out[...] = jnp.maximum(o, 0.0)


def _finish_kernel(acc2, s2, b):
    bn = 1000
    return pl.pallas_call(
        _finish_body,
        grid=(N // bn,),
        in_specs=[
            pl.BlockSpec((2, bn, 128), lambda i: (0, i, 0)),
            pl.BlockSpec((2, bn, 16), lambda i: (0, i, 0)),
            pl.BlockSpec((1, 128), lambda i: (0, 0)),
        ],
        out_specs=pl.BlockSpec((bn, 128), lambda i: (i, 0)),
        out_shape=jax.ShapeDtypeStruct((N, 128), jnp.float32),
    )(acc2, s2, b)


def _final_body(acc2, s2, bloc, bpinn, loc, pinn):
    acc = acc2[0] + acc2[1]
    s = s2[0] + s2[1]
    lsum = sum(acc[:, h * 32:(h + 1) * 32] / (s[:, h:h + 1] + 1e-16)
               for h in range(H))
    loc[...] = jnp.maximum(0.25 * lsum + bloc[...], 0.0)
    psum = sum(acc[:, 128 + h * 2:128 + (h + 1) * 2] / (s[:, 4 + h:5 + h] + 1e-16)
               for h in range(H))
    pinn[...] = 0.25 * psum + bpinn[...]


def _final_kernel(acc2, s2, bloc, bpinn):
    bn = 1000
    return pl.pallas_call(
        _final_body,
        grid=(N // bn,),
        in_specs=[
            pl.BlockSpec((2, bn, 144), lambda i: (0, i, 0)),
            pl.BlockSpec((2, bn, 16), lambda i: (0, i, 0)),
            pl.BlockSpec((1, 32), lambda i: (0, 0)),
            pl.BlockSpec((1, 2), lambda i: (0, 0)),
        ],
        out_specs=[
            pl.BlockSpec((bn, 32), lambda i: (i, 0)),
            pl.BlockSpec((bn, 2), lambda i: (i, 0)),
        ],
        out_shape=[
            jax.ShapeDtypeStruct((N, 32), jnp.float32),
            jax.ShapeDtypeStruct((N, 2), jnp.float32),
        ],
    )(acc2, s2, bloc, bpinn)


def _cls_body(locr, w, b, out):
    out[...] = jnp.dot(locr[...], w[...],
                       preferred_element_type=jnp.float32) + b[...]


def _cls_kernel(locr, w, b):
    return pl.pallas_call(
        _cls_body,
        out_shape=jax.ShapeDtypeStruct((100, 200), jnp.float32),
    )(locr, w, b)



def _make_sc_pass(r):
    mesh = plsc.VectorSubcoreMesh(core_axis_name="c", subcore_axis_name="s")

    buf_types = []
    for _ in range(3):
        buf_types += [
            pltpu.VMEM((_C,), jnp.int32),
            pltpu.VMEM((_C,), jnp.int32),
            pltpu.VMEM((_C, 16), jnp.float32),
            pltpu.VMEM((_C, 16), jnp.float32),
            pltpu.VMEM((_C, 16), jnp.float32),
            pltpu.VMEM((_C, 16), jnp.float32),
            pltpu.VMEM((_C, r), jnp.float32),
        ]
    sem_types = [pltpu.SemaphoreType.DMA] * 18

    @functools.partial(
        pl.kernel,
        out_type=[
            jax.ShapeDtypeStruct((2, N, r), jnp.float32),
            jax.ShapeDtypeStruct((2, N, 16), jnp.float32),
        ],
        mesh=mesh,
        compiler_params=pltpu.CompilerParams(needs_layout_passes=False,
                                             use_tc_tiling_on_sc=False),
        scratch_types=[
            pltpu.VMEM_SHARED((N, r), jnp.float32),
            pltpu.VMEM_SHARED((N, 16), jnp.float32),
        ] + buf_types + sem_types,
    )
    def sc_pass(src_h, dst_h, ae_h, asrc_h, adst_h, xs_h, init_h, sinit_h,
                acc_out, s_out, acc_sh, s_sh, *scratch):
        bufs = [scratch[7 * k:7 * (k + 1)] for k in range(3)]
        sems = [scratch[21 + 6 * k:21 + 6 * (k + 1)] for k in range(3)]
        cid = lax.axis_index("c")
        sid = lax.axis_index("s")

        def _row_split(fn):
            @pl.when(sid < 15)
            def _():
                r0 = pl.multiple_of(sid * 632, 8)
                fn(r0, 632)

            @pl.when(sid == 15)
            def _():
                fn(15 * 632, N - 15 * 632)

        _row_split(lambda r0, nr: (
            pltpu.sync_copy(init_h.at[pl.ds(r0, nr)],
                            acc_sh.at[pl.ds(r0, nr)]),
            pltpu.sync_copy(sinit_h.at[pl.ds(r0, nr)],
                            s_sh.at[pl.ds(r0, nr)]),
        ))
        plsc.subcore_barrier()

        tile_base = (cid * 16 + sid) * _EPT
        cidx = 4 + jnp.minimum(lax.iota(jnp.int32, 16) >> 1, 3)

        def fire_idx(k, base):
            srcv, dstv, aev = bufs[k][0], bufs[k][1], bufs[k][2]
            isem = sems[k][0]
            pltpu.async_copy(src_h.at[pl.ds(base, _C)], srcv, isem)
            pltpu.async_copy(dst_h.at[pl.ds(base, _C)], dstv, isem)
            pltpu.async_copy(ae_h.at[pl.ds(base, _C)], aev, isem)

        def wait_idx(k, base):
            srcv, dstv, aev = bufs[k][0], bufs[k][1], bufs[k][2]
            isem = sems[k][0]
            pltpu.make_async_copy(src_h.at[pl.ds(base, _C)], srcv, isem).wait()
            pltpu.make_async_copy(dst_h.at[pl.ds(base, _C)], dstv, isem).wait()
            pltpu.make_async_copy(ae_h.at[pl.ds(base, _C)], aev, isem).wait()

        def fire_gather(k):
            srcv, dstv, _, asg, adg, _, xsg = bufs[k]
            pltpu.async_copy(asrc_h.at[srcv], asg, sems[k][1])
            pltpu.async_copy(adst_h.at[dstv], adg, sems[k][2])
            pltpu.async_copy(xs_h.at[srcv], xsg, sems[k][3])

        def wait_gather(k):
            srcv, dstv, _, asg, adg, _, xsg = bufs[k]
            pltpu.make_async_copy(asrc_h.at[srcv], asg, sems[k][1]).wait()
            pltpu.make_async_copy(adst_h.at[dstv], adg, sems[k][2]).wait()
            pltpu.make_async_copy(xs_h.at[srcv], xsg, sems[k][3]).wait()

        def fire_scatter(k):
            _, dstv, _, _, _, exv, xsg = bufs[k]
            pltpu.async_copy(exv, s_sh.at[dstv], sems[k][4], add=True)
            pltpu.async_copy(xsg, acc_sh.at[dstv], sems[k][5], add=True)

        def wait_scatter(k):
            _, dstv, _, _, _, exv, xsg = bufs[k]
            pltpu.make_async_copy(exv, s_sh.at[dstv], sems[k][4]).wait()
            pltpu.make_async_copy(xsg, acc_sh.at[dstv], sems[k][5]).wait()

        def compute(k):
            _, _, aev, asg, adg, exv, xsg = bufs[k]

            def edge_body(e, carry2):
                al = asg[e, :] + adg[e, :] + aev[e, :]
                ex = jnp.exp(jnp.where(al > 0, al, al * 0.2))
                exv[e, :] = ex
                erow = jnp.full((16,), e, jnp.int32)
                for h in range(H):
                    w = plsc.load_gather(
                        exv, [erow, jnp.full((16,), h, jnp.int32)])
                    xsg[e, pl.ds(h * 32, 16)] = xsg[e, pl.ds(h * 32, 16)] * w
                    xsg[e, pl.ds(h * 32 + 16, 16)] = (
                        xsg[e, pl.ds(h * 32 + 16, 16)] * w)
                if r == 144:
                    w = plsc.load_gather(exv, [erow, cidx])
                    xsg[e, pl.ds(128, 16)] = xsg[e, pl.ds(128, 16)] * w
                return carry2

            lax.fori_loop(0, _C, edge_body, 0)

        fire_idx(0, tile_base)
        wait_idx(0, tile_base)
        fire_gather(0)

        def chunk_body(i, carry):
            for s in range(3):
                sn = (s + 1) % 3

                @pl.when(i % 3 == s)
                def _(s=s, sn=sn):
                    nbase = tile_base + (i + 1) * _C

                    @pl.when(i >= 2)
                    def _():
                        wait_scatter(sn)

                    @pl.when(i + 1 < _NCH)
                    def _():
                        fire_idx(sn, nbase)
                        wait_idx(sn, nbase)
                        fire_gather(sn)

                    wait_gather(s)
                    compute(s)
                    fire_scatter(s)

            return carry

        lax.fori_loop(0, _NCH, chunk_body, 0)
        wait_scatter((_NCH - 2) % 3)
        wait_scatter((_NCH - 1) % 3)
        plsc.subcore_barrier()
        _row_split(lambda r0, nr: (
            pltpu.sync_copy(acc_sh.at[pl.ds(r0, nr)],
                            acc_out.at[cid, pl.ds(r0, nr)]),
            pltpu.sync_copy(s_sh.at[pl.ds(r0, nr)],
                            s_out.at[cid, pl.ds(r0, nr)]),
        ))

    return sc_pass


_sc_pass_128 = _make_sc_pass(128)
_sc_pass_144 = _make_sc_pass(144)



def _fold(p):
    w = p['W']
    d_in = w.shape[0]
    heads, ch = p['a_src'].shape
    wr = w.reshape(d_in, heads, ch)
    u_src = jnp.einsum('dhc,hc->dh', wr, p['a_src'])
    u_dst = jnp.einsum('dhc,hc->dh', wr, p['a_dst'])
    v_e = jnp.einsum('dhc,hc->dh', p['W_e'].reshape(4, heads, ch), p['a_e'])
    wcat = jnp.concatenate([w, u_src, u_dst], axis=1)
    return wcat, v_e


def _pad16(a4, b4=None):
    z = jnp.zeros((N, 8), jnp.float32)
    if b4 is None:
        return jnp.concatenate([a4, jnp.zeros((N, 4), jnp.float32), z], axis=1)
    return jnp.concatenate([a4, b4, z], axis=1)


def kernel(x, edge_index, edge_attr, params):
    src = edge_index[0]
    dst = edge_index[1]

    g0, g1 = params['gnns']
    ploc = params['localize']
    ppinn = params['pinn']
    wcat0, ve0 = _fold(g0)
    wcat1, ve1 = _fold(g1)
    wcatl, vel = _fold(ploc)
    wcatp, vep = _fold(ppinn)

    ve_cat = jnp.concatenate([ve0, ve1, vel, vep], axis=1)
    ae0, ae1, ae2, esum = _ae_kernel(edge_attr, ve_cat)
    mean_e = esum / E
    al0 = mean_e @ ve0
    al1 = mean_e @ ve1
    all_ = mean_e @ vel
    alp = mean_e @ vep

    xs, a_s, a_d, init, sinit = _prep_kernel(x, wcat0, al0, 128, 32)
    acc2, s2 = _sc_pass_128(src, dst, ae0, _pad16(a_s), _pad16(a_d),
                            xs, init, _pad16(sinit))
    h1 = _finish_kernel(acc2, s2, g0['b'].reshape(1, 128))

    xs, a_s, a_d, init, sinit = _prep_kernel(h1, wcat1, al1, 128, 32)
    acc2, s2 = _sc_pass_128(src, dst, ae1, _pad16(a_s), _pad16(a_d),
                            xs, init, _pad16(sinit))
    h2 = _finish_kernel(acc2, s2, g1['b'].reshape(1, 128))

    xsl, asl, adl, initl, sinitl = _prep_kernel(h2, wcatl, all_, 128, 32)
    xsp, asp, adp, initp, sinitp = _prep_kernel(h2, wcatp, alp, 8, 2)
    z8 = jnp.zeros((N, 8), jnp.float32)
    xs_cat = jnp.concatenate([xsl, xsp, z8], axis=1)
    init_cat = jnp.concatenate([initl, initp, z8], axis=1)
    acc2, s2 = _sc_pass_144(src, dst, ae2, _pad16(asl, asp), _pad16(adl, adp),
                            xs_cat, init_cat, _pad16(sinitl, sinitp))
    loc, pinn = _final_kernel(acc2, s2, ploc['b'].reshape(1, 32),
                              ppinn['b'].reshape(1, 2))

    locr = loc.reshape(100, 3200)
    out2 = _cls_kernel(locr, params['cls_W'],
                       params['cls_b'].reshape(1, 200))
    return pinn, out2

# --- scband reference (transcript-rebuilt; emitter-appended) ---
"""Pipeline reference for scband-gcn-32650341384830 (READ-ONLY COPY).

The authoritative reference and input builder live on the scoring server;
editing this copy changes nothing except your own understanding.
"""

import jax, jax.numpy as jnp
import numpy as np

N = 10000
E = 320000
D_IN = 128
D_EDGE = 4
H = 4
HID = 32
N_OUT = 2
N_BUSES = 100
B = N // N_BUSES


def _init(key, shape, scale=0.1):
    return jax.random.normal(key, shape, dtype=jnp.float32) * scale


def _gat_params(key, d_in, heads, ch, concat):
    ks = jax.random.split(key, 5)
    return {
        'W': _init(ks[0], (d_in, heads * ch)),
        'W_e': _init(ks[1], (D_EDGE, heads * ch)),
        'a_src': _init(ks[2], (heads, ch)),
        'a_dst': _init(ks[3], (heads, ch)),
        'a_e': _init(ks[4], (heads, ch)),
        'b': jnp.zeros((heads * ch,) if concat else (ch,), jnp.float32),
    }


def gat_layer(x, src, dst, eattr, p, concat, num_nodes):
    heads, ch = p['a_src'].shape
    xs = (x @ p['W']).reshape(-1, heads, ch)
    ea = (eattr @ p['W_e']).reshape(-1, heads, ch)
    al = (xs * p['a_src']).sum(-1)[src] + (xs * p['a_dst']).sum(-1)[dst] + (ea * p['a_e']).sum(-1)
    al = jax.nn.leaky_relu(al, 0.2)
    m = jax.ops.segment_max(al, dst, num_segments=num_nodes)
    m = jax.lax.stop_gradient(jnp.where(jnp.isfinite(m), m, 0.0))
    ex = jnp.exp(al - m[dst])
    s = jax.ops.segment_sum(ex, dst, num_segments=num_nodes)
    w = ex / (s[dst] + 1e-16)
    out = jax.ops.segment_sum(w[:, :, None] * xs[src], dst, num_segments=num_nodes)
    out = out.reshape(num_nodes, heads * ch) if concat else out.mean(axis=1)
    return out + p['b']


def _forward(x, edge_attr, params, edge_index):
    # add self-loops (PyG GATConv default); edge_attr for loops filled with mean edge feature
    loop = jnp.arange(N, dtype=edge_index.dtype)
    src = jnp.concatenate([edge_index[0], loop])
    dst = jnp.concatenate([edge_index[1], loop])
    mean_e = jnp.mean(edge_attr, axis=0, keepdims=True)
    ea = jnp.concatenate([edge_attr, jnp.broadcast_to(mean_e, (N, D_EDGE))], axis=0)
    h = x
    for p in params['gnns']:
        h = jax.nn.relu(gat_layer(h, src, dst, ea, p, True, N))
    pinn = gat_layer(h, src, dst, ea, params['pinn'], False, N)
    loc = jax.nn.relu(gat_layer(h, src, dst, ea, params['localize'], False, N))
    loc = loc.reshape(B, N_BUSES * HID)
    loc = loc @ params['cls_W'] + params['cls_b']
    return pinn, loc


def setup_inputs(seed: int = 0):
    key = jax.random.key(seed)
    ks = jax.random.split(key, 10)
    x = jax.random.normal(ks[0], (N, D_IN), dtype=jnp.float32)
    edge_index = jax.random.randint(ks[1], (2, E), 0, N)
    edge_attr = jax.random.normal(ks[2], (E, D_EDGE), dtype=jnp.float32)
    params = {
        'gnns': [
            _gat_params(ks[3], D_IN, H, HID, True),
            _gat_params(ks[4], H * HID, H, HID, True),
        ],
        'pinn': _gat_params(ks[5], H * HID, H, N_OUT, False),
        'localize': _gat_params(ks[6], H * HID, H, HID, False),
        'cls_W': _init(ks[7], (HID * N_BUSES, 2 * N_BUSES)),
        'cls_b': jnp.zeros((2 * N_BUSES,), jnp.float32),
    }
    return {'x': x, 'edge_index': edge_index, 'edge_attr': edge_attr, 'params': params}


def reference(x, edge_index, edge_attr, params):
    return _forward(x, edge_attr, params, edge_index)

if __name__ == "__main__":
    import jax
    _d = setup_inputs()
    print(jax.jit(kernel)(*tuple(_d.values())))

</pallas_src>

<mosaic_0001>
#map = affine_map<(d0, d1) -> (0)>
#map1 = affine_map<(d0, d1) -> (0, 0)>
#map2 = affine_map<(d0, d1) -> (0, 0, 0)>
module attributes {stable_mosaic.version = 14 : i64} {
  func.func @sc_pass(%arg0: i32, %arg1: i32, %arg2: memref<320000xi32, #tpu.memory_space<hbm>>, %arg3: memref<320000xi32, #tpu.memory_space<hbm>>, %arg4: memref<320000x16xf32, #tpu.memory_space<hbm>>, %arg5: memref<10000x16xf32, #tpu.memory_space<hbm>>, %arg6: memref<10000x16xf32, #tpu.memory_space<hbm>>, %arg7: memref<10000x128xf32, #tpu.memory_space<hbm>>, %arg8: memref<10000x128xf32, #tpu.memory_space<hbm>>, %arg9: memref<10000x16xf32, #tpu.memory_space<hbm>>, %arg10: memref<2x10000x128xf32, #tpu.memory_space<hbm>>, %arg11: memref<2x10000x16xf32, #tpu.memory_space<hbm>>, %arg12: memref<10000x128xf32, #tpu.memory_space<vmem_shared>>, %arg13: memref<10000x16xf32, #tpu.memory_space<vmem_shared>>, %arg14: memref<40xi32, #tpu.memory_space<vmem>>, %arg15: memref<40xi32, #tpu.memory_space<vmem>>, %arg16: memref<40x16xf32, #tpu.memory_space<vmem>>, %arg17: memref<40x16xf32, #tpu.memory_space<vmem>>, %arg18: memref<40x16xf32, #tpu.memory_space<vmem>>, %arg19: memref<40x16xf32, #tpu.memory_space<vmem>>, %arg20: memref<40x128xf32, #tpu.memory_space<vmem>>, %arg21: memref<40xi32, #tpu.memory_space<vmem>>, %arg22: memref<40xi32, #tpu.memory_space<vmem>>, %arg23: memref<40x16xf32, #tpu.memory_space<vmem>>, %arg24: memref<40x16xf32, #tpu.memory_space<vmem>>, %arg25: memref<40x16xf32, #tpu.memory_space<vmem>>, %arg26: memref<40x16xf32, #tpu.memory_space<vmem>>, %arg27: memref<40x128xf32, #tpu.memory_space<vmem>>, %arg28: memref<40xi32, #tpu.memory_space<vmem>>, %arg29: memref<40xi32, #tpu.memory_space<vmem>>, %arg30: memref<40x16xf32, #tpu.memory_space<vmem>>, %arg31: memref<40x16xf32, #tpu.memory_space<vmem>>, %arg32: memref<40x16xf32, #tpu.memory_space<vmem>>, %arg33: memref<40x16xf32, #tpu.memory_space<vmem>>, %arg34: memref<40x128xf32, #tpu.memory_space<vmem>>, %arg35: memref<!tpu.dma_semaphore, #tpu.memory_space<semaphore_mem>>, %arg36: memref<!tpu.dma_semaphore, #tpu.memory_space<semaphore_mem>>, %arg37: memref<!tpu.dma_semaphore, #tpu.memory_space<semaphore_mem>>, %arg38: memref<!tpu.dma_semaphore, #tpu.memory_space<semaphore_mem>>, %arg39: memref<!tpu.dma_semaphore, #tpu.memory_space<semaphore_mem>>, %arg40: memref<!tpu.dma_semaphore, #tpu.memory_space<semaphore_mem>>, %arg41: memref<!tpu.dma_semaphore, #tpu.memory_space<semaphore_mem>>, %arg42: memref<!tpu.dma_semaphore, #tpu.memory_space<semaphore_mem>>, %arg43: memref<!tpu.dma_semaphore, #tpu.memory_space<semaphore_mem>>, %arg44: memref<!tpu.dma_semaphore, #tpu.memory_space<semaphore_mem>>, %arg45: memref<!tpu.dma_semaphore, #tpu.memory_space<semaphore_mem>>, %arg46: memref<!tpu.dma_semaphore, #tpu.memory_space<semaphore_mem>>, %arg47: memref<!tpu.dma_semaphore, #tpu.memory_space<semaphore_mem>>, %arg48: memref<!tpu.dma_semaphore, #tpu.memory_space<semaphore_mem>>, %arg49: memref<!tpu.dma_semaphore, #tpu.memory_space<semaphore_mem>>, %arg50: memref<!tpu.dma_semaphore, #tpu.memory_space<semaphore_mem>>, %arg51: memref<!tpu.dma_semaphore, #tpu.memory_space<semaphore_mem>>, %arg52: memref<!tpu.dma_semaphore, #tpu.memory_space<semaphore_mem>>) attributes {dimension_semantics = [#tpu.dimension_semantics<core_parallel>, #tpu.dimension_semantics<subcore_parallel>], iteration_bounds = array<i64: 2, 16>, scalar_prefetch = 0 : i64, scratch_operands = 41 : i64, tpu.core_type = #tpu.core_type<sc_vector_subcore>, window_params = [{transform_indices = #map}, {transform_indices = #map}, {transform_indices = #map1}, {transform_indices = #map1}, {transform_indices = #map1}, {transform_indices = #map1}, {transform_indices = #map1}, {transform_indices = #map1}, {transform_indices = #map2}, {transform_indices = #map2}]} {
    %lt3A = arith.constant 15 : i32
    %lt3A_0 = arith.cmpi slt, %arg1, %lt3A : i32
    %convert_element_type3A = arith.extui %lt3A_0 : i1 to i32
    %cond3A = arith.constant 0 : i32
    %cond3A_1 = arith.cmpi ne, %convert_element_type3A, %cond3A : i32
    scf.if %cond3A_1 {
      %mul3A_67 = arith.constant 632 : i32
      %mul3A_68 = arith.muli %arg1, %mul3A_67 : i32
      %multiple_of3A = tpu.assume_multiple %mul3A_68, 8 : i32
      "tpu.region"() ({
        %run_scoped3A = tpu.sem_alloc : memref<!tpu.dma_semaphore, #tpu.memory_space<semaphore_mem>>
        %dma_start3A_69 = arith.constant 0 : i32
        %dma_start3A_70 = tpu.memref_slice %arg12[%multiple_of3A, %dma_start3A_69] : memref<10000x128xf32, #tpu.memory_space<vmem_shared>> -> memref<632x128xf32, #tpu.memory_space<vmem_shared>>
        %dma_start3A_71 = arith.constant 0 : i32
        %dma_start3A_72 = tpu.memref_slice %arg8[%multiple_of3A, %dma_start3A_71] : memref<10000x128xf32, #tpu.memory_space<hbm>> -> memref<632x128xf32, #tpu.memory_space<hbm>>
        tpu.enqueue_dma source(%dma_start3A_72 : memref<632x128xf32, #tpu.memory_space<hbm>>) target(%dma_start3A_70 : memref<632x128xf32, #tpu.memory_space<vmem_shared>>) target_semaphore(%run_scoped3A : memref<!tpu.dma_semaphore, #tpu.memory_space<semaphore_mem>>)
        %dma_wait3A_73 = arith.constant 0 : i32
        %dma_wait3A_74 = tpu.memref_slice %arg12[%multiple_of3A, %dma_wait3A_73] : memref<10000x128xf32, #tpu.memory_space<vmem_shared>> -> memref<632x128xf32, #tpu.memory_space<vmem_shared>>
        %dma_wait3A_75 = arith.constant 0 : i32
        %dma_wait3A_76 = tpu.memref_slice %arg8[%multiple_of3A, %dma_wait3A_75] : memref<10000x128xf32, #tpu.memory_space<hbm>> -> memref<632x128xf32, #tpu.memory_space<hbm>>
        tpu.wait_dma2 semaphore(%run_scoped3A : memref<!tpu.dma_semaphore, #tpu.memory_space<semaphore_mem>>) src(%dma_wait3A_76 : memref<632x128xf32, #tpu.memory_space<hbm>>) dst(%dma_wait3A_74 : memref<632x128xf32, #tpu.memory_space<vmem_shared>>)
        tpu.yield
      }) : () -> ()
      "tpu.region"() ({
        %run_scoped3A = tpu.sem_alloc : memref<!tpu.dma_semaphore, #tpu.memory_space<semaphore_mem>>
        %dma_start3A_69 = arith.constant 0 : i32
        %dma_start3A_70 = tpu.memref_slice %arg13[%multiple_of3A, %dma_start3A_69] : memref<10000x16xf32, #tpu.memory_space<vmem_shared>> -> memref<632x16xf32, #tpu.memory_space<vmem_shared>>
        %dma_start3A_71 = arith.constant 0 : i32
        %dma_start3A_72 = tpu.memref_slice %arg9[%multiple_of3A, %dma_start3A_71] : memref<10000x16xf32, #tpu.memory_space<hbm>> -> memref<632x16xf32, #tpu.memory_space<hbm>>
        tpu.enqueue_dma source(%dma_start3A_72 : memref<632x16xf32, #tpu.memory_space<hbm>>) target(%dma_start3A_70 : memref<632x16xf32, #tpu.memory_space<vmem_shared>>) target_semaphore(%run_scoped3A : memref<!tpu.dma_semaphore, #tpu.memory_space<semaphore_mem>>)
        %dma_wait3A_73 = arith.constant 0 : i32
        %dma_wait3A_74 = tpu.memref_slice %arg13[%multiple_of3A, %dma_wait3A_73] : memref<10000x16xf32, #tpu.memory_space<vmem_shared>> -> memref<632x16xf32, #tpu.memory_space<vmem_shared>>
        %dma_wait3A_75 = arith.constant 0 : i32
        %dma_wait3A_76 = tpu.memref_slice %arg9[%multiple_of3A, %dma_wait3A_75] : memref<10000x16xf32, #tpu.memory_space<hbm>> -> memref<632x16xf32, #tpu.memory_space<hbm>>
        tpu.wait_dma2 semaphore(%run_scoped3A : memref<!tpu.dma_semaphore, #tpu.memory_space<semaphore_mem>>) src(%dma_wait3A_76 : memref<632x16xf32, #tpu.memory_space<hbm>>) dst(%dma_wait3A_74 : memref<632x16xf32, #tpu.memory_space<vmem_shared>>)
        tpu.yield
      }) : () -> ()
    } else {
    }
    %eq3A = arith.constant 15 : i32
    %eq3A_2 = arith.cmpi eq, %arg1, %eq3A : i32
    %convert_element_type3A_3 = arith.extui %eq3A_2 : i1 to i32
    %cond3A_4 = arith.constant 0 : i32
    %cond3A_5 = arith.cmpi ne, %convert_element_type3A_3, %cond3A_4 : i32
    scf.if %cond3A_5 {
      "tpu.region"() ({
        %run_scoped3A = tpu.sem_alloc : memref<!tpu.dma_semaphore, #tpu.memory_space<semaphore_mem>>
        %dma_start3A_67 = arith.constant 9480 : i32
        %dma_start3A_68 = arith.constant 0 : i32
        %dma_start3A_69 = tpu.memref_slice %arg12[%dma_start3A_67, %dma_start3A_68] : memref<10000x128xf32, #tpu.memory_space<vmem_shared>> -> memref<520x128xf32, #tpu.memory_space<vmem_shared>>
        %dma_start3A_70 = arith.constant 9480 : i32
        %dma_start3A_71 = arith.constant 0 : i32
        %dma_start3A_72 = tpu.memref_slice %arg8[%dma_start3A_70, %dma_start3A_71] : memref<10000x128xf32, #tpu.memory_space<hbm>> -> memref<520x128xf32, #tpu.memory_space<hbm>>
        tpu.enqueue_dma source(%dma_start3A_72 : memref<520x128xf32, #tpu.memory_space<hbm>>) target(%dma_start3A_69 : memref<520x128xf32, #tpu.memory_space<vmem_shared>>) target_semaphore(%run_scoped3A : memref<!tpu.dma_semaphore, #tpu.memory_space<semaphore_mem>>)
        %dma_wait3A_73 = arith.constant 9480 : i32
        %dma_wait3A_74 = arith.constant 0 : i32
        %dma_wait3A_75 = tpu.memref_slice %arg12[%dma_wait3A_73, %dma_wait3A_74] : memref<10000x128xf32, #tpu.memory_space<vmem_shared>> -> memref<520x128xf32, #tpu.memory_space<vmem_shared>>
        %dma_wait3A_76 = arith.constant 9480 : i32
        %dma_wait3A_77 = arith.constant 0 : i32
        %dma_wait3A_78 = tpu.memref_slice %arg8[%dma_wait3A_76, %dma_wait3A_77] : memref<10000x128xf32, #tpu.memory_space<hbm>> -> memref<520x128xf32, #tpu.memory_space<hbm>>
        tpu.wait_dma2 semaphore(%run_scoped3A : memref<!tpu.dma_semaphore, #tpu.memory_space<semaphore_mem>>) src(%dma_wait3A_78 : memref<520x128xf32, #tpu.memory_space<hbm>>) dst(%dma_wait3A_75 : memref<520x128xf32, #tpu.memory_space<vmem_shared>>)
        tpu.yield
      }) : () -> ()
      "tpu.region"() ({
        %run_scoped3A = tpu.sem_alloc : memref<!tpu.dma_semaphore, #tpu.memory_space<semaphore_mem>>
        %dma_start3A_67 = arith.constant 9480 : i32
        %dma_start3A_68 = arith.constant 0 : i32
        %dma_start3A_69 = tpu.memref_slice %arg13[%dma_start3A_67, %dma_start3A_68] : memref<10000x16xf32, #tpu.memory_space<vmem_shared>> -> memref<520x16xf32, #tpu.memory_space<vmem_shared>>
        %dma_start3A_70 = arith.constant 9480 : i32
        %dma_start3A_71 = arith.constant 0 : i32
        %dma_start3A_72 = tpu.memref_slice %arg9[%dma_start3A_70, %dma_start3A_71] : memref<10000x16xf32, #tpu.memory_space<hbm>> -> memref<520x16xf32, #tpu.memory_space<hbm>>
        tpu.enqueue_dma source(%dma_start3A_72 : memref<520x16xf32, #tpu.memory_space<hbm>>) target(%dma_start3A_69 : memref<520x16xf32, #tpu.memory_space<vmem_shared>>) target_semaphore(%run_scoped3A : memref<!tpu.dma_semaphore, #tpu.memory_space<semaphore_mem>>)
        %dma_wait3A_73 = arith.constant 9480 : i32
        %dma_wait3A_74 = arith.constant 0 : i32
        %dma_wait3A_75 = tpu.memref_slice %arg13[%dma_wait3A_73, %dma_wait3A_74] : memref<10000x16xf32, #tpu.memory_space<vmem_shared>> -> memref<520x16xf32, #tpu.memory_space<vmem_shared>>
        %dma_wait3A_76 = arith.constant 9480 : i32
        %dma_wait3A_77 = arith.constant 0 : i32
        %dma_wait3A_78 = tpu.memref_slice %arg9[%dma_wait3A_76, %dma_wait3A_77] : memref<10000x16xf32, #tpu.memory_space<hbm>> -> memref<520x16xf32, #tpu.memory_space<hbm>>
        tpu.wait_dma2 semaphore(%run_scoped3A : memref<!tpu.dma_semaphore, #tpu.memory_space<semaphore_mem>>) src(%dma_wait3A_78 : memref<520x16xf32, #tpu.memory_space<hbm>>) dst(%dma_wait3A_75 : memref<520x16xf32, #tpu.memory_space<vmem_shared>>)
        tpu.yield
      }) : () -> ()
    } else {
    }
    %barrier3A = arith.constant 0 : index
    tpu.barrier barrier_id(%barrier3A)
    %mul3A = arith.constant 16 : i32
    %mul3A_6 = arith.muli %arg0, %mul3A : i32
    %add3A = arith.addi %mul3A_6, %arg1 : i32
    %mul3A_7 = arith.constant 10000 : i32
    %mul3A_8 = arith.muli %add3A, %mul3A_7 : i32
    %iota3A = tpu.iota {dimensions = array<i32: 0>} : vector<16xi32>
    %shift_right_arithmetic3A = arith.constant 1 : i32
    %shift_right_arithmetic3A_9 = vector.broadcast %shift_right_arithmetic3A : i32 to vector<16xi32>
    %shift_right_arithmetic3A_10 = arith.shrsi %iota3A, %shift_right_arithmetic3A_9 : vector<16xi32>
    %min3A = arith.constant 3 : i32
    %min3A_11 = vector.broadcast %min3A : i32 to vector<16xi32>
    %min3A_12 = arith.minsi %shift_right_arithmetic3A_10, %min3A_11 : vector<16xi32>
    %add3A_13 = arith.constant 4 : i32
    %add3A_14 = vector.broadcast %add3A_13 : i32 to vector<16xi32>
    %add3A_15 = arith.addi %add3A_14, %min3A_12 : vector<16xi32>
    %dma_start3A = tpu.memref_slice %arg2[%mul3A_8] : memref<320000xi32, #tpu.memory_space<hbm>> -> memref<40xi32, #tpu.memory_space<hbm>>
    %dma_start3A_16 = tpu.memref_slice %arg2[%mul3A_8] : memref<320000xi32, #tpu.memory_space<hbm>> -> memref<40xi32, #tpu.memory_space<hbm>>
    tpu.enqueue_dma source(%dma_start3A_16 : memref<40xi32, #tpu.memory_space<hbm>>) target(%arg14 : memref<40xi32, #tpu.memory_space<vmem>>) target_semaphore(%arg35 : memref<!tpu.dma_semaphore, #tpu.memory_space<semaphore_mem>>)
    %dma_start3A_17 = tpu.memref_slice %arg3[%mul3A_8] : memref<320000xi32, #tpu.memory_space<hbm>> -> memref<40xi32, #tpu.memory_space<hbm>>
    %dma_start3A_18 = tpu.memref_slice %arg3[%mul3A_8] : memref<320000xi32, #tpu.memory_space<hbm>> -> memref<40xi32, #tpu.memory_space<hbm>>
    tpu.enqueue_dma source(%dma_start3A_18 : memref<40xi32, #tpu.memory_space<hbm>>) target(%arg15 : memref<40xi32, #tpu.memory_space<vmem>>) target_semaphore(%arg35 : memref<!tpu.dma_semaphore, #tpu.memory_space<semaphore_mem>>)
    %dma_start3A_19 = arith.constant 0 : i32
    %dma_start3A_20 = tpu.memref_slice %arg4[%mul3A_8, %dma_start3A_19] : memref<320000x16xf32, #tpu.memory_space<hbm>> -> memref<40x16xf32, #tpu.memory_space<hbm>>
    %dma_start3A_21 = arith.constant 0 : i32
    %dma_start3A_22 = tpu.memref_slice %arg4[%mul3A_8, %dma_start3A_21] : memref<320000x16xf32, #tpu.memory_space<hbm>> -> memref<40x16xf32, #tpu.memory_space<hbm>>
    tpu.enqueue_dma source(%dma_start3A_22 : memref<40x16xf32, #tpu.memory_space<hbm>>) target(%arg16 : memref<40x16xf32, #tpu.memory_space<vmem>>) target_semaphore(%arg35 : memref<!tpu.dma_semaphore, #tpu.memory_space<semaphore_mem>>)
    %dma_wait3A = tpu.memref_slice %arg2[%mul3A_8] : memref<320000xi32, #tpu.memory_space<hbm>> -> memref<40xi32, #tpu.memory_space<hbm>>
    %dma_wait3A_23 = tpu.memref_slice %arg2[%mul3A_8] : memref<320000xi32, #tpu.memory_space<hbm>> -> memref<40xi32, #tpu.memory_space<hbm>>
    tpu.wait_dma2 semaphore(%arg35 : memref<!tpu.dma_semaphore, #tpu.memory_space<semaphore_mem>>) src(%dma_wait3A_23 : memref<40xi32, #tpu.memory_space<hbm>>) dst(%arg14 : memref<40xi32, #tpu.memory_space<vmem>>)
    %dma_wait3A_24 = tpu.memref_slice %arg3[%mul3A_8] : memref<320000xi32, #tpu.memory_space<hbm>> -> memref<40xi32, #tpu.memory_space<hbm>>
    %dma_wait3A_25 = tpu.memref_slice %arg3[%mul3A_8] : memref<320000xi32, #tpu.memory_space<hbm>> -> memref<40xi32, #tpu.memory_space<hbm>>
    tpu.wait_dma2 semaphore(%arg35 : memref<!tpu.dma_semaphore, #tpu.memory_space<semaphore_mem>>) src(%dma_wait3A_25 : memref<40xi32, #tpu.memory_space<hbm>>) dst(%arg15 : memref<40xi32, #tpu.memory_space<vmem>>)
    %dma_wait3A_26 = arith.constant 0 : i32
    %dma_wait3A_27 = tpu.memref_slice %arg4[%mul3A_8, %dma_wait3A_26] : memref<320000x16xf32, #tpu.memory_space<hbm>> -> memref<40x16xf32, #tpu.memory_space<hbm>>
    %dma_wait3A_28 = arith.constant 0 : i32
    %dma_wait3A_29 = tpu.memref_slice %arg4[%mul3A_8, %dma_wait3A_28] : memref<320000x16xf32, #tpu.memory_space<hbm>> -> memref<40x16xf32, #tpu.memory_space<hbm>>
    tpu.wait_dma2 semaphore(%arg35 : memref<!tpu.dma_semaphore, #tpu.memory_space<semaphore_mem>>) src(%dma_wait3A_29 : memref<40x16xf32, #tpu.memory_space<hbm>>) dst(%arg16 : memref<40x16xf32, #tpu.memory_space<vmem>>)
    %dma_start3A_30 = arith.constant 0 : i32
    %dma_start3A_31 = arith.constant 0 : i32
    %dma_start3A_32 = tpu.memref_slice %arg5[%dma_start3A_30, %dma_start3A_31] : memref<10000x16xf32, #tpu.memory_space<hbm>> -> memref<10000x16xf32, #tpu.memory_space<hbm>>
    tpu.enqueue_indirect_dma source(%dma_start3A_32 : memref<10000x16xf32, #tpu.memory_space<hbm>>) target(%arg17 : memref<40x16xf32, #tpu.memory_space<vmem>>) offsets(%arg14 : memref<40xi32, #tpu.memory_space<vmem>>) semaphore(%arg36 : memref<!tpu.dma_semaphore, #tpu.memory_space<semaphore_mem>>)
    %dma_start3A_33 = arith.constant 0 : i32
    %dma_start3A_34 = arith.constant 0 : i32
    %dma_start3A_35 = tpu.memref_slice %arg6[%dma_start3A_33, %dma_start3A_34] : memref<10000x16xf32, #tpu.memory_space<hbm>> -> memref<10000x16xf32, #tpu.memory_space<hbm>>
    tpu.enqueue_indirect_dma source(%dma_start3A_35 : memref<10000x16xf32, #tpu.memory_space<hbm>>) target(%arg18 : memref<40x16xf32, #tpu.memory_space<vmem>>) offsets(%arg15 : memref<40xi32, #tpu.memory_space<vmem>>) semaphore(%arg37 : memref<!tpu.dma_semaphore, #tpu.memory_space<semaphore_mem>>)
    %dma_start3A_36 = arith.constant 0 : i32
    %dma_start3A_37 = arith.constant 0 : i32
    %dma_start3A_38 = tpu.memref_slice %arg7[%dma_start3A_36, %dma_start3A_37] : memref<10000x128xf32, #tpu.memory_space<hbm>> -> memref<10000x128xf32, #tpu.memory_space<hbm>>
    tpu.enqueue_indirect_dma source(%dma_start3A_38 : memref<10000x128xf32, #tpu.memory_space<hbm>>) target(%arg20 : memref<40x128xf32, #tpu.memory_space<vmem>>) offsets(%arg14 : memref<40xi32, #tpu.memory_space<vmem>>) semaphore(%arg38 : memref<!tpu.dma_semaphore, #tpu.memory_space<semaphore_mem>>)
    %scan3A = arith.constant 0 : i32
    %scan3A_39 = arith.constant 0 : i32
    %scan3A_40 = arith.constant 250 : i32
    %scan3A_41 = arith.addi %scan3A_39, %scan3A_40 : i32
    %scan3A_42 = arith.constant 1 : i32
    scf.for %scan3A_67 = %scan3A_39 to %scan3A_41 step %scan3A_42  : i32 {
      %jit3A = arith.constant 3 : i32
      %eq3A_68 = arith.constant 0 : i32
      %eq3A_69 = arith.cmpi eq, %jit3A, %eq3A_68 : i32
      %jit3A_70 = arith.constant 1 : i32
      %select_n3A = arith.select %eq3A_69, %jit3A_70, %jit3A : i32
      %rem3A = arith.remsi %scan3A_67, %select_n3A : i32
      %ne3A = arith.constant 0 : i32
      %ne3A_71 = arith.cmpi ne, %rem3A, %ne3A : i32
      %lt3A_72 = arith.constant 0 : i32
      %lt3A_73 = arith.cmpi slt, %rem3A, %lt3A_72 : i32
      %lt3A_74 = arith.constant 0 : i32
      %lt3A_75 = arith.cmpi slt, %select_n3A, %lt3A_74 : i32
      %ne3A_76 = arith.xori %lt3A_73, %lt3A_75 : i1
      %and3A = arith.andi %ne3A_76, %ne3A_71 : i1
      %add3A_77 = arith.addi %rem3A, %select_n3A : i32
      %select_n3A_78 = arith.select %and3A, %add3A_77, %rem3A : i32
      %eq3A_79 = arith.constant 0 : i32
      %eq3A_80 = arith.cmpi eq, %select_n3A_78, %eq3A_79 : i32
      %convert_element_type3A_81 = arith.extui %eq3A_80 : i1 to i32
      %cond3A_82 = arith.constant 0 : i32
      %cond3A_83 = arith.cmpi ne, %convert_element_type3A_81, %cond3A_82 : i32
      scf.if %cond3A_83 {
        %add3A_126 = arith.constant 1 : i32
        %add3A_127 = arith.addi %scan3A_67, %add3A_126 : i32
        %mul3A_128 = arith.constant 40 : i32
        %mul3A_129 = arith.muli %add3A_127, %mul3A_128 : i32
        %add3A_130 = arith.addi %mul3A_8, %mul3A_129 : i32
        %ge3A = arith.constant 2 : i32
        %ge3A_131 = arith.cmpi sge, %scan3A_67, %ge3A : i32
        %convert_element_type3A_132 = arith.extui %ge3A_131 : i1 to i32
        %cond3A_133 = arith.constant 0 : i32
        %cond3A_134 = arith.cmpi ne, %convert_element_type3A_132, %cond3A_133 : i32
        scf.if %cond3A_134 {
          %dma_wait3A_163 = arith.constant 0 : i32
          %dma_wait3A_164 = arith.constant 0 : i32
          %dma_wait3A_165 = tpu.memref_slice %arg13[%dma_wait3A_163, %dma_wait3A_164] : memref<10000x16xf32, #tpu.memory_space<vmem_shared>> -> memref<10000x16xf32, #tpu.memory_space<vmem_shared>>
          tpu.wait_indirect_dma semaphore(%arg45 : memref<!tpu.dma_semaphore, #tpu.memory_space<semaphore_mem>>) src(%arg26 : memref<40x16xf32, #tpu.memory_space<vmem>>) dst(%dma_wait3A_165 : memref<10000x16xf32, #tpu.memory_space<vmem_shared>>)
          %dma_wait3A_166 = arith.constant 0 : i32
          %dma_wait3A_167 = arith.constant 0 : i32
          %dma_wait3A_168 = tpu.memref_slice %arg12[%dma_wait3A_166, %dma_wait3A_167] : memref<10000x128xf32, #tpu.memory_space<vmem_shared>> -> memref<10000x128xf32, #tpu.memory_space<vmem_shared>>
          tpu.wait_indirect_dma semaphore(%arg46 : memref<!tpu.dma_semaphore, #tpu.memory_space<semaphore_mem>>) src(%arg27 : memref<40x128xf32, #tpu.memory_space<vmem>>) dst(%dma_wait3A_168 : memref<10000x128xf32, #tpu.memory_space<vmem_shared>>)
        } else {
        }
        %add3A_135 = arith.constant 1 : i32
        %add3A_136 = arith.addi %scan3A_67, %add3A_135 : i32
        %lt3A_137 = arith.constant 250 : i32
        %lt3A_138 = arith.cmpi slt, %add3A_136, %lt3A_137 : i32
        %convert_element_type3A_139 = arith.extui %lt3A_138 : i1 to i32
        %cond3A_140 = arith.constant 0 : i32
        %cond3A_141 = arith.cmpi ne, %convert_element_type3A_139, %cond3A_140 : i32
        scf.if %cond3A_141 {
          %dma_start3A_163 = tpu.memref_slice %arg2[%add3A_130] : memref<320000xi32, #tpu.memory_space<hbm>> -> memref<40xi32, #tpu.memory_space<hbm>>
          %dma_start3A_164 = tpu.memref_slice %arg2[%add3A_130] : memref<320000xi32, #tpu.memory_space<hbm>> -> memref<40xi32, #tpu.memory_space<hbm>>
          tpu.enqueue_dma source(%dma_start3A_164 : memref<40xi32, #tpu.memory_space<hbm>>) target(%arg21 : memref<40xi32, #tpu.memory_space<vmem>>) target_semaphore(%arg41 : memref<!tpu.dma_semaphore, #tpu.memory_space<semaphore_mem>>)
          %dma_start3A_165 = tpu.memref_slice %arg3[%add3A_130] : memref<320000xi32, #tpu.memory_space<hbm>> -> memref<40xi32, #tpu.memory_space<hbm>>
          %dma_start3A_166 = tpu.memref_slice %arg3[%add3A_130] : memref<320000xi32, #tpu.memory_space<hbm>> -> memref<40xi32, #tpu.memory_space<hbm>>
          tpu.enqueue_dma source(%dma_start3A_166 : memref<40xi32, #tpu.memory_space<hbm>>) target(%arg22 : memref<40xi32, #tpu.memory_space<vmem>>) target_semaphore(%arg41 : memref<!tpu.dma_semaphore, #tpu.memory_space<semaphore_mem>>)
          %dma_start3A_167 = arith.constant 0 : i32
          %dma_start3A_168 = tpu.memref_slice %arg4[%add3A_130, %dma_start3A_167] : memref<320000x16xf32, #tpu.memory_space<hbm>> -> memref<40x16xf32, #tpu.memory_space<hbm>>
          %dma_start3A_169 = arith.constant 0 : i32
          %dma_start3A_170 = tpu.memref_slice %arg4[%add3A_130, %dma_start3A_169] : memref<320000x16xf32, #tpu.memory_space<hbm>> -> memref<40x16xf32, #tpu.memory_space<hbm>>
          tpu.enqueue_dma source(%dma_start3A_170 : memref<40x16xf32, #tpu.memory_space<hbm>>) target(%arg23 : memref<40x16xf32, #tpu.memory_space<vmem>>) target_semaphore(%arg41 : memref<!tpu.dma_semaphore, #tpu.memory_space<semaphore_mem>>)
          %dma_wait3A_171 = tpu.memref_slice %arg2[%add3A_130] : memref<320000xi32, #tpu.memory_space<hbm>> -> memref<40xi32, #tpu.memory_space<hbm>>
          %dma_wait3A_172 = tpu.memref_slice %arg2[%add3A_130] : memref<320000xi32, #tpu.memory_space<hbm>> -> memref<40xi32, #tpu.memory_space<hbm>>
          tpu.wait_dma2 semaphore(%arg41 : memref<!tpu.dma_semaphore, #tpu.memory_space<semaphore_mem>>) src(%dma_wait3A_172 : memref<40xi32, #tpu.memory_space<hbm>>) dst(%arg21 : memref<40xi32, #tpu.memory_space<vmem>>)
          %dma_wait3A_173 = tpu.memref_slice %arg3[%add3A_130] : memref<320000xi32, #tpu.memory_space<hbm>> -> memref<40xi32, #tpu.memory_space<hbm>>
          %dma_wait3A_174 = tpu.memref_slice %arg3[%add3A_130] : memref<320000xi32, #tpu.memory_space<hbm>> -> memref<40xi32, #tpu.memory_space<hbm>>
          tpu.wait_dma2 semaphore(%arg41 : memref<!tpu.dma_semaphore, #tpu.memory_space<semaphore_mem>>) src(%dma_wait3A_174 : memref<40xi32, #tpu.memory_space<hbm>>) dst(%arg22 : memref<40xi32, #tpu.memory_space<vmem>>)
          %dma_wait3A_175 = arith.constant 0 : i32
          %dma_wait3A_176 = tpu.memref_slice %arg4[%add3A_130, %dma_wait3A_175] : memref<320000x16xf32, #tpu.memory_space<hbm>> -> memref<40x16xf32, #tpu.memory_space<hbm>>
          %dma_wait3A_177 = arith.constant 0 : i32
          %dma_wait3A_178 = tpu.memref_slice %arg4[%add3A_130, %dma_wait3A_177] : memref<320000x16xf32, #tpu.memory_space<hbm>> -> memref<40x16xf32, #tpu.memory_space<hbm>>
          tpu.wait_dma2 semaphore(%arg41 : memref<!tpu.dma_semaphore, #tpu.memory_space<semaphore_mem>>) src(%dma_wait3A_178 : memref<40x16xf32, #tpu.memory_space<hbm>>) dst(%arg23 : memref<40x16xf32, #tpu.memory_space<vmem>>)
          %dma_start3A_179 = arith.constant 0 : i32
          %dma_start3A_180 = arith.constant 0 : i32
          %dma_start3A_181 = tpu.memref_slice %arg5[%dma_start3A_179, %dma_start3A_180] : memref<10000x16xf32, #tpu.memory_space<hbm>> -> memref<10000x16xf32, #tpu.memory_space<hbm>>
          tpu.enqueue_indirect_dma source(%dma_start3A_181 : memref<10000x16xf32, #tpu.memory_space<hbm>>) target(%arg24 : memref<40x16xf32, #tpu.memory_space<vmem>>) offsets(%arg21 : memref<40xi32, #tpu.memory_space<vmem>>) semaphore(%arg42 : memref<!tpu.dma_semaphore, #tpu.memory_space<semaphore_mem>>)
          %dma_start3A_182 = arith.constant 0 : i32
          %dma_start3A_183 = arith.constant 0 : i32
          %dma_start3A_184 = tpu.memref_slice %arg6[%dma_start3A_182, %dma_start3A_183] : memref<10000x16xf32, #tpu.memory_space<hbm>> -> memref<10000x16xf32, #tpu.memory_space<hbm>>
          tpu.enqueue_indirect_dma source(%dma_start3A_184 : memref<10000x16xf32, #tpu.memory_space<hbm>>) target(%arg25 : memref<40x16xf32, #tpu.memory_space<vmem>>) offsets(%arg22 : memref<40xi32, #tpu.memory_space<vmem>>) semaphore(%arg43 : memref<!tpu.dma_semaphore, #tpu.memory_space<semaphore_mem>>)
          %dma_start3A_185 = arith.constant 0 : i32
          %dma_start3A_186 = arith.constant 0 : i32
          %dma_start3A_187 = tpu.memref_slice %arg7[%dma_start3A_185, %dma_start3A_186] : memref<10000x128xf32, #tpu.memory_space<hbm>> -> memref<10000x128xf32, #tpu.memory_space<hbm>>
          tpu.enqueue_indirect_dma source(%dma_start3A_187 : memref<10000x128xf32, #tpu.memory_space<hbm>>) target(%arg27 : memref<40x128xf32, #tpu.memory_space<vmem>>) offsets(%arg21 : memref<40xi32, #tpu.memory_space<vmem>>) semaphore(%arg44 : memref<!tpu.dma_semaphore, #tpu.memory_space<semaphore_mem>>)
        } else {
        }
        %dma_wait3A_142 = arith.constant 0 : i32
        %dma_wait3A_143 = arith.constant 0 : i32
        %dma_wait3A_144 = tpu.memref_slice %arg5[%dma_wait3A_142, %dma_wait3A_143] : memref<10000x16xf32, #tpu.memory_space<hbm>> -> memref<10000x16xf32, #tpu.memory_space<hbm>>
        tpu.wait_indirect_dma semaphore(%arg36 : memref<!tpu.dma_semaphore, #tpu.memory_space<semaphore_mem>>) src(%dma_wait3A_144 : memref<10000x16xf32, #tpu.memory_space<hbm>>) dst(%arg17 : memref<40x16xf32, #tpu.memory_space<vmem>>)
        %dma_wait3A_145 = arith.constant 0 : i32
        %dma_wait3A_146 = arith.constant 0 : i32
        %dma_wait3A_147 = tpu.memref_slice %arg6[%dma_wait3A_145, %dma_wait3A_146] : memref<10000x16xf32, #tpu.memory_space<hbm>> -> memref<10000x16xf32, #tpu.memory_space<hbm>>
        tpu.wait_indirect_dma semaphore(%arg37 : memref<!tpu.dma_semaphore, #tpu.memory_space<semaphore_mem>>) src(%dma_wait3A_147 : memref<10000x16xf32, #tpu.memory_space<hbm>>) dst(%arg18 : memref<40x16xf32, #tpu.memory_space<vmem>>)
        %dma_wait3A_148 = arith.constant 0 : i32
        %dma_wait3A_149 = arith.constant 0 : i32
        %dma_wait3A_150 = tpu.memref_slice %arg7[%dma_wait3A_148, %dma_wait3A_149] : memref<10000x128xf32, #tpu.memory_space<hbm>> -> memref<10000x128xf32, #tpu.memory_space<hbm>>
        tpu.wait_indirect_dma semaphore(%arg38 : memref<!tpu.dma_semaphore, #tpu.memory_space<semaphore_mem>>) src(%dma_wait3A_150 : memref<10000x128xf32, #tpu.memory_space<hbm>>) dst(%arg20 : memref<40x128xf32, #tpu.memory_space<vmem>>)
        %scan3A_151 = arith.constant 0 : i32
        %scan3A_152 = arith.constant 0 : i32
        %scan3A_153 = arith.constant 40 : i32
        %scan3A_154 = arith.addi %scan3A_152, %scan3A_153 : i32
        %scan3A_155 = arith.constant 1 : i32
        scf.for %scan3A_163 = %scan3A_152 to %scan3A_154 step %scan3A_155  : i32 {
          %get3A = arith.index_cast %scan3A_163 : i32 to index
          %get3A_164 = arith.constant 0 : index
          %get3A_165 = tpu.vector_load %arg17[%get3A, %get3A_164] {strides = array<i32>} : memref<40x16xf32, #tpu.memory_space<vmem>>, vector<16xf32>,
          %get3A_166 = arith.index_cast %scan3A_163 : i32 to index
          %get3A_167 = arith.constant 0 : index
          %get3A_168 = tpu.vector_load %arg18[%get3A_166, %get3A_167] {strides = array<i32>} : memref<40x16xf32, #tpu.memory_space<vmem>>, vector<16xf32>,
          %add3A_169 = arith.addf %get3A_165, %get3A_168 : vector<16xf32>
          %get3A_170 = arith.index_cast %scan3A_163 : i32 to index
          %get3A_171 = arith.constant 0 : index
          %get3A_172 = tpu.vector_load %arg16[%get3A_170, %get3A_171] {strides = array<i32>} : memref<40x16xf32, #tpu.memory_space<vmem>>, vector<16xf32>,
          %add3A_173 = arith.addf %add3A_169, %get3A_172 : vector<16xf32>
          %gt3A = arith.constant 0.000000e+00 : f32
          %gt3A_174 = vector.broadcast %gt3A : f32 to vector<16xf32>
          %gt3A_175 = arith.cmpf ogt, %add3A_173, %gt3A_174 : vector<16xf32>
          %mul3A_176 = arith.constant 2.000000e-01 : f32
          %mul3A_177 = vector.broadcast %mul3A_176 : f32 to vector<16xf32>
          %mul3A_178 = arith.mulf %add3A_173, %mul3A_177 : vector<16xf32>
          %select_n3A_179 = arith.select %gt3A_175, %add3A_173, %mul3A_178 : vector<16xi1>, vector<16xf32>
          %exp3A = math.exp %select_n3A_179 : vector<16xf32>
          %swap3A = arith.index_cast %scan3A_163 : i32 to index
          %swap3A_180 = arith.constant 0 : index
          %swap3A_181 = tpu.vector_load %arg19[%swap3A, %swap3A_180] {strides = array<i32>} : memref<40x16xf32, #tpu.memory_space<vmem>>, vector<16xf32>,
          tpu.vector_store %arg19[%swap3A, %swap3A_180], %exp3A {strides = array<i32>} : memref<40x16xf32, #tpu.memory_space<vmem>>, vector<16xf32>,
          %broadcast_in_dim3A = vector.broadcast %scan3A_163 : i32 to vector<16xi32>
          %broadcast_in_dim3A_182 = arith.constant 0 : i32
          %broadcast_in_dim3A_183 = vector.broadcast %broadcast_in_dim3A_182 : i32 to vector<16xi32>
          %gather3A = tpu.vector_load_idx %arg19[%broadcast_in_dim3A, %broadcast_in_dim3A_183] : memref<40x16xf32, #tpu.memory_space<vmem>>[vector<16xi32>, vector<16xi32>], vector<16xf32>,
          %get3A_184 = arith.index_cast %scan3A_163 : i32 to index
          %get3A_185 = arith.constant 0 : index
          %get3A_186 = tpu.vector_load %arg20[%get3A_184, %get3A_185] {strides = array<i32>} : memref<40x128xf32, #tpu.memory_space<vmem>>, vector<16xf32>,
          %mul3A_187 = arith.mulf %get3A_186, %gather3A : vector<16xf32>
          %swap3A_188 = arith.index_cast %scan3A_163 : i32 to index
          %swap3A_189 = arith.constant 0 : index
          %swap3A_190 = tpu.vector_load %arg20[%swap3A_188, %swap3A_189] {strides = array<i32>} : memref<40x128xf32, #tpu.memory_space<vmem>>, vector<16xf32>,
          tpu.vector_store %arg20[%swap3A_188, %swap3A_189], %mul3A_187 {strides = array<i32>} : memref<40x128xf32, #tpu.memory_space<vmem>>, vector<16xf32>,
          %get3A_191 = arith.index_cast %scan3A_163 : i32 to index
          %get3A_192 = arith.constant 16 : index
          %get3A_193 = tpu.vector_load %arg20[%get3A_191, %get3A_192] {strides = array<i32>} : memref<40x128xf32, #tpu.memory_space<vmem>>, vector<16xf32>,
          %mul3A_194 = arith.mulf %get3A_193, %gather3A : vector<16xf32>
          %swap3A_195 = arith.index_cast %scan3A_163 : i32 to index
          %swap3A_196 = arith.constant 16 : index
          %swap3A_197 = tpu.vector_load %arg20[%swap3A_195, %swap3A_196] {strides = array<i32>} : memref<40x128xf32, #tpu.memory_space<vmem>>, vector<16xf32>,
          tpu.vector_store %arg20[%swap3A_195, %swap3A_196], %mul3A_194 {strides = array<i32>} : memref<40x128xf32, #tpu.memory_space<vmem>>, vector<16xf32>,
          %broadcast_in_dim3A_198 = arith.constant 1 : i32
          %broadcast_in_dim3A_199 = vector.broadcast %broadcast_in_dim3A_198 : i32 to vector<16xi32>
          %gather3A_200 = tpu.vector_load_idx %arg19[%broadcast_in_dim3A, %broadcast_in_dim3A_199] : memref<40x16xf32, #tpu.memory_space<vmem>>[vector<16xi32>, vector<16xi32>], vector<16xf32>,
          %get3A_201 = arith.index_cast %scan3A_163 : i32 to index
          %get3A_202 = arith.constant 32 : index
          %get3A_203 = tpu.vector_load %arg20[%get3A_201, %get3A_202] {strides = array<i32>} : memref<40x128xf32, #tpu.memory_space<vmem>>, vector<16xf32>,
          %mul3A_204 = arith.mulf %get3A_203, %gather3A_200 : vector<16xf32>
          %swap3A_205 = arith.index_cast %scan3A_163 : i32 to index
          %swap3A_206 = arith.constant 32 : index
          %swap3A_207 = tpu.vector_load %arg20[%swap3A_205, %swap3A_206] {strides = array<i32>} : memref<40x128xf32, #tpu.memory_space<vmem>>, vector<16xf32>,
          tpu.vector_store %arg20[%swap3A_205, %swap3A_206], %mul3A_204 {strides = array<i32>} : memref<40x128xf32, #tpu.memory_space<vmem>>, vector<16xf32>,
          %get3A_208 = arith.index_cast %scan3A_163 : i32 to index
          %get3A_209 = arith.constant 48 : index
          %get3A_210 = tpu.vector_load %arg20[%get3A_208, %get3A_209] {strides = array<i32>} : memref<40x128xf32, #tpu.memory_space<vmem>>, vector<16xf32>,
          %mul3A_211 = arith.mulf %get3A_210, %gather3A_200 : vector<16xf32>
          %swap3A_212 = arith.index_cast %scan3A_163 : i32 to index
          %swap3A_213 = arith.constant 48 : index
          %swap3A_214 = tpu.vector_load %arg20[%swap3A_212, %swap3A_213] {strides = array<i32>} : memref<40x128xf32, #tpu.memory_space<vmem>>, vector<16xf32>,
          tpu.vector_store %arg20[%swap3A_212, %swap3A_213], %mul3A_211 {strides = array<i32>} : memref<40x128xf32, #tpu.memory_space<vmem>>, vector<16xf32>,
          %broadcast_in_dim3A_215 = arith.constant 2 : i32
          %broadcast_in_dim3A_216 = vector.broadcast %broadcast_in_dim3A_215 : i32 to vector<16xi32>
          %gather3A_217 = tpu.vector_load_idx %arg19[%broadcast_in_dim3A, %broadcast_in_dim3A_216] : memref<40x16xf32, #tpu.memory_space<vmem>>[vector<16xi32>, vector<16xi32>], vector<16xf32>,
          %get3A_218 = arith.index_cast %scan3A_163 : i32 to index
          %get3A_219 = arith.constant 64 : index
          %get3A_220 = tpu.vector_load %arg20[%get3A_218, %get3A_219] {strides = array<i32>} : memref<40x128xf32, #tpu.memory_space<vmem>>, vector<16xf32>,
          %mul3A_221 = arith.mulf %get3A_220, %gather3A_217 : vector<16xf32>
          %swap3A_222 = arith.index_cast %scan3A_163 : i32 to index
          %swap3A_223 = arith.constant 64 : index
          %swap3A_224 = tpu.vector_load %arg20[%swap3A_222, %swap3A_223] {strides = array<i32>} : memref<40x128xf32, #tpu.memory_space<vmem>>, vector<16xf32>,
          tpu.vector_store %arg20[%swap3A_222, %swap3A_223], %mul3A_221 {strides = array<i32>} : memref<40x128xf32, #tpu.memory_space<vmem>>, vector<16xf32>,
          %get3A_225 = arith.index_cast %scan3A_163 : i32 to index
          %get3A_226 = arith.constant 80 : index
          %get3A_227 = tpu.vector_load %arg20[%get3A_225, %get3A_226] {strides = array<i32>} : memref<40x128xf32, #tpu.memory_space<vmem>>, vector<16xf32>,
          %mul3A_228 = arith.mulf %get3A_227, %gather3A_217 : vector<16xf32>
          %swap3A_229 = arith.index_cast %scan3A_163 : i32 to index
          %swap3A_230 = arith.constant 80 : index
          %swap3A_231 = tpu.vector_load %arg20[%swap3A_229, %swap3A_230] {strides = array<i32>} : memref<40x128xf32, #tpu.memory_space<vmem>>, vector<16xf32>,
          tpu.vector_store %arg20[%swap3A_229, %swap3A_230], %mul3A_228 {strides = array<i32>} : memref<40x128xf32, #tpu.memory_space<vmem>>, vector<16xf32>,
          %broadcast_in_dim3A_232 = arith.constant 3 : i32
          %broadcast_in_dim3A_233 = vector.broadcast %broadcast_in_dim3A_232 : i32 to vector<16xi32>
          %gather3A_234 = tpu.vector_load_idx %arg19[%broadcast_in_dim3A, %broadcast_in_dim3A_233] : memref<40x16xf32, #tpu.memory_space<vmem>>[vector<16xi32>, vector<16xi32>], vector<16xf32>,
          %get3A_235 = arith.index_cast %scan3A_163 : i32 to index
          %get3A_236 = arith.constant 96 : index
          %get3A_237 = tpu.vector_load %arg20[%get3A_235, %get3A_236] {strides = array<i32>} : memref<40x128xf32, #tpu.memory_space<vmem>>, vector<16xf32>,
          %mul3A_238 = arith.mulf %get3A_237, %gather3A_234 : vector<16xf32>
          %swap3A_239 = arith.index_cast %scan3A_163 : i32 to index
          %swap3A_240 = arith.constant 96 : index
          %swap3A_241 = tpu.vector_load %arg20[%swap3A_239, %swap3A_240] {strides = array<i32>} : memref<40x128xf32, #tpu.memory_space<vmem>>, vector<16xf32>,
          tpu.vector_store %arg20[%swap3A_239, %swap3A_240], %mul3A_238 {strides = array<i32>} : memref<40x128xf32, #tpu.memory_space<vmem>>, vector<16xf32>,
          %get3A_242 = arith.index_cast %scan3A_163 : i32 to index
          %get3A_243 = arith.constant 112 : index
          %get3A_244 = tpu.vector_load %arg20[%get3A_242, %get3A_243] {strides = array<i32>} : memref<40x128xf32, #tpu.memory_space<vmem>>, vector<16xf32>,
          %mul3A_245 = arith.mulf %get3A_244, %gather3A_234 : vector<16xf32>
          %swap3A_246 = arith.index_cast %scan3A_163 : i32 to index
          %swap3A_247 = arith.constant 112 : index
          %swap3A_248 = tpu.vector_load %arg20[%swap3A_246, %swap3A_247] {strides = array<i32>} : memref<40x128xf32, #tpu.memory_space<vmem>>, vector<16xf32>,
          tpu.vector_store %arg20[%swap3A_246, %swap3A_247], %mul3A_245 {strides = array<i32>} : memref<40x128xf32, #tpu.memory_space<vmem>>, vector<16xf32>,
        }
        %scan3A_156 = arith.constant 40 : i32
        %dma_start3A_157 = arith.constant 0 : i32
        %dma_start3A_158 = arith.constant 0 : i32
        %dma_start3A_159 = tpu.memref_slice %arg13[%dma_start3A_157, %dma_start3A_158] : memref<10000x16xf32, #tpu.memory_space<vmem_shared>> -> memref<10000x16xf32, #tpu.memory_space<vmem_shared>>
        tpu.enqueue_indirect_dma source(%arg19 : memref<40x16xf32, #tpu.memory_space<vmem>>) target(%dma_start3A_159 : memref<10000x16xf32, #tpu.memory_space<vmem_shared>>) offsets(%arg15 : memref<40xi32, #tpu.memory_space<vmem>>) semaphore(%arg39 : memref<!tpu.dma_semaphore, #tpu.memory_space<semaphore_mem>>) {add = true}
        %dma_start3A_160 = arith.constant 0 : i32
        %dma_start3A_161 = arith.constant 0 : i32
        %dma_start3A_162 = tpu.memref_slice %arg12[%dma_start3A_160, %dma_start3A_161] : memref<10000x128xf32, #tpu.memory_space<vmem_shared>> -> memref<10000x128xf32, #tpu.memory_space<vmem_shared>>
        tpu.enqueue_indirect_dma source(%arg20 : memref<40x128xf32, #tpu.memory_space<vmem>>) target(%dma_start3A_162 : memref<10000x128xf32, #tpu.memory_space<vmem_shared>>) offsets(%arg15 : memref<40xi32, #tpu.memory_space<vmem>>) semaphore(%arg40 : memref<!tpu.dma_semaphore, #tpu.memory_space<semaphore_mem>>) {add = true}
      } else {
      }
      %jit3A_84 = arith.constant 3 : i32
      %eq3A_85 = arith.constant 0 : i32
      %eq3A_86 = arith.cmpi eq, %jit3A_84, %eq3A_85 : i32
      %jit3A_87 = arith.constant 1 : i32
      %select_n3A_88 = arith.select %eq3A_86, %jit3A_87, %jit3A_84 : i32
      %rem3A_89 = arith.remsi %scan3A_67, %select_n3A_88 : i32
      %ne3A_90 = arith.constant 0 : i32
      %ne3A_91 = arith.cmpi ne, %rem3A_89, %ne3A_90 : i32
      %lt3A_92 = arith.constant 0 : i32
      %lt3A_93 = arith.cmpi slt, %rem3A_89, %lt3A_92 : i32
      %lt3A_94 = arith.constant 0 : i32
      %lt3A_95 = arith.cmpi slt, %select_n3A_88, %lt3A_94 : i32
      %ne3A_96 = arith.xori %lt3A_93, %lt3A_95 : i1
      %and3A_97 = arith.andi %ne3A_96, %ne3A_91 : i1
      %add3A_98 = arith.addi %rem3A_89, %select_n3A_88 : i32
      %select_n3A_99 = arith.select %and3A_97, %add3A_98, %rem3A_89 : i32
      %eq3A_100 = arith.constant 1 : i32
      %eq3A_101 = arith.cmpi eq, %select_n3A_99, %eq3A_100 : i32
      %convert_element_type3A_102 = arith.extui %eq3A_101 : i1 to i32
      %cond3A_103 = arith.constant 0 : i32
      %cond3A_104 = arith.cmpi ne, %convert_element_type3A_102, %cond3A_103 : i32
      scf.if %cond3A_104 {
        %add3A_126 = arith.constant 1 : i32
        %add3A_127 = arith.addi %scan3A_67, %add3A_126 : i32
        %mul3A_128 = arith.constant 40 : i32
        %mul3A_129 = arith.muli %add3A_127, %mul3A_128 : i32
        %add3A_130 = arith.addi %mul3A_8, %mul3A_129 : i32
        %ge3A = arith.constant 2 : i32
        %ge3A_131 = arith.cmpi sge, %scan3A_67, %ge3A : i32
        %convert_element_type3A_132 = arith.extui %ge3A_131 : i1 to i32
        %cond3A_133 = arith.constant 0 : i32
        %cond3A_134 = arith.cmpi ne, %convert_element_type3A_132, %cond3A_133 : i32
        scf.if %cond3A_134 {
          %dma_wait3A_163 = arith.constant 0 : i32
          %dma_wait3A_164 = arith.constant 0 : i32
          %dma_wait3A_165 = tpu.memref_slice %arg13[%dma_wait3A_163, %dma_wait3A_164] : memref<10000x16xf32, #tpu.memory_space<vmem_shared>> -> memref<10000x16xf32, #tpu.memory_space<vmem_shared>>
          tpu.wait_indirect_dma semaphore(%arg51 : memref<!tpu.dma_semaphore, #tpu.memory_space<semaphore_mem>>) src(%arg33 : memref<40x16xf32, #tpu.memory_space<vmem>>) dst(%dma_wait3A_165 : memref<10000x16xf32, #tpu.memory_space<vmem_shared>>)
          %dma_wait3A_166 = arith.constant 0 : i32
          %dma_wait3A_167 = arith.constant 0 : i32
          %dma_wait3A_168 = tpu.memref_slice %arg12[%dma_wait3A_166, %dma_wait3A_167] : memref<10000x128xf32, #tpu.memory_space<vmem_shared>> -> memref<10000x128xf32, #tpu.memory_space<vmem_shared>>
          tpu.wait_indirect_dma semaphore(%arg52 : memref<!tpu.dma_semaphore, #tpu.memory_space<semaphore_mem>>) src(%arg34 : memref<40x128xf32, #tpu.memory_space<vmem>>) dst(%dma_wait3A_168 : memref<10000x128xf32, #tpu.memory_space<vmem_shared>>)
        } else {
        }
        %add3A_135 = arith.constant 1 : i32
        %add3A_136 = arith.addi %scan3A_67, %add3A_135 : i32
        %lt3A_137 = arith.constant 250 : i32
        %lt3A_138 = arith.cmpi slt, %add3A_136, %lt3A_137 : i32
        %convert_element_type3A_139 = arith.extui %lt3A_138 : i1 to i32
        %cond3A_140 = arith.constant 0 : i32
        %cond3A_141 = arith.cmpi ne, %convert_element_type3A_139, %cond3A_140 : i32
        scf.if %cond3A_141 {
          %dma_start3A_163 = tpu.memref_slice %arg2[%add3A_130] : memref<320000xi32, #tpu.memory_space<hbm>> -> memref<40xi32, #tpu.memory_space<hbm>>
          %dma_start3A_164 = tpu.memref_slice %arg2[%add3A_130] : memref<320000xi32, #tpu.memory_space<hbm>> -> memref<40xi32, #tpu.memory_space<hbm>>
          tpu.enqueue_dma source(%dma_start3A_164 : memref<40xi32, #tpu.memory_space<hbm>>) target(%arg28 : memref<40xi32, #tpu.memory_space<vmem>>) target_semaphore(%arg47 : memref<!tpu.dma_semaphore, #tpu.memory_space<semaphore_mem>>)
          %dma_start3A_165 = tpu.memref_slice %arg3[%add3A_130] : memref<320000xi32, #tpu.memory_space<hbm>> -> memref<40xi32, #tpu.memory_space<hbm>>
          %dma_start3A_166 = tpu.memref_slice %arg3[%add3A_130] : memref<320000xi32, #tpu.memory_space<hbm>> -> memref<40xi32, #tpu.memory_space<hbm>>
          tpu.enqueue_dma source(%dma_start3A_166 : memref<40xi32, #tpu.memory_space<hbm>>) target(%arg29 : memref<40xi32, #tpu.memory_space<vmem>>) target_semaphore(%arg47 : memref<!tpu.dma_semaphore, #tpu.memory_space<semaphore_mem>>)
          %dma_start3A_167 = arith.constant 0 : i32
          %dma_start3A_168 = tpu.memref_slice %arg4[%add3A_130, %dma_start3A_167] : memref<320000x16xf32, #tpu.memory_space<hbm>> -> memref<40x16xf32, #tpu.memory_space<hbm>>
          %dma_start3A_169 = arith.constant 0 : i32
          %dma_start3A_170 = tpu.memref_slice %arg4[%add3A_130, %dma_start3A_169] : memref<320000x16xf32, #tpu.memory_space<hbm>> -> memref<40x16xf32, #tpu.memory_space<hbm>>
          tpu.enqueue_dma source(%dma_start3A_170 : memref<40x16xf32, #tpu.memory_space<hbm>>) target(%arg30 : memref<40x16xf32, #tpu.memory_space<vmem>>) target_semaphore(%arg47 : memref<!tpu.dma_semaphore, #tpu.memory_space<semaphore_mem>>)
          %dma_wait3A_171 = tpu.memref_slice %arg2[%add3A_130] : memref<320000xi32, #tpu.memory_space<hbm>> -> memref<40xi32, #tpu.memory_space<hbm>>
          %dma_wait3A_172 = tpu.memref_slice %arg2[%add3A_130] : memref<320000xi32, #tpu.memory_space<hbm>> -> memref<40xi32, #tpu.memory_space<hbm>>
          tpu.wait_dma2 semaphore(%arg47 : memref<!tpu.dma_semaphore, #tpu.memory_space<semaphore_mem>>) src(%dma_wait3A_172 : memref<40xi32, #tpu.memory_space<hbm>>) dst(%arg28 : memref<40xi32, #tpu.memory_space<vmem>>)
          %dma_wait3A_173 = tpu.memref_slice %arg3[%add3A_130] : memref<320000xi32, #tpu.memory_space<hbm>> -> memref<40xi32, #tpu.memory_space<hbm>>
          %dma_wait3A_174 = tpu.memref_slice %arg3[%add3A_130] : memref<320000xi32, #tpu.memory_space<hbm>> -> memref<40xi32, #tpu.memory_space<hbm>>
          tpu.wait_dma2 semaphore(%arg47 : memref<!tpu.dma_semaphore, #tpu.memory_space<semaphore_mem>>) src(%dma_wait3A_174 : memref<40xi32, #tpu.memory_space<hbm>>) dst(%arg29 : memref<40xi32, #tpu.memory_space<vmem>>)
          %dma_wait3A_175 = arith.constant 0 : i32
          %dma_wait3A_176 = tpu.memref_slice %arg4[%add3A_130, %dma_wait3A_175] : memref<320000x16xf32, #tpu.memory_space<hbm>> -> memref<40x16xf32, #tpu.memory_space<hbm>>
          %dma_wait3A_177 = arith.constant 0 : i32
          %dma_wait3A_178 = tpu.memref_slice %arg4[%add3A_130, %dma_wait3A_177] : memref<320000x16xf32, #tpu.memory_space<hbm>> -> memref<40x16xf32, #tpu.memory_space<hbm>>
          tpu.wait_dma2 semaphore(%arg47 : memref<!tpu.dma_semaphore, #tpu.memory_space<semaphore_mem>>) src(%dma_wait3A_178 : memref<40x16xf32, #tpu.memory_space<hbm>>) dst(%arg30 : memref<40x16xf32, #tpu.memory_space<vmem>>)
          %dma_start3A_179 = arith.constant 0 : i32
          %dma_start3A_180 = arith.constant 0 : i32
          %dma_start3A_181 = tpu.memref_slice %arg5[%dma_start3A_179, %dma_start3A_180] : memref<10000x16xf32, #tpu.memory_space<hbm>> -> memref<10000x16xf32, #tpu.memory_space<hbm>>
          tpu.enqueue_indirect_dma source(%dma_start3A_181 : memref<10000x16xf32, #tpu.memory_space<hbm>>) target(%arg31 : memref<40x16xf32, #tpu.memory_space<vmem>>) offsets(%arg28 : memref<40xi32, #tpu.memory_space<vmem>>) semaphore(%arg48 : memref<!tpu.dma_semaphore, #tpu.memory_space<semaphore_mem>>)
          %dma_start3A_182 = arith.constant 0 : i32
          %dma_start3A_183 = arith.constant 0 : i32
          %dma_start3A_184 = tpu.memref_slice %arg6[%dma_start3A_182, %dma_start3A_183] : memref<10000x16xf32, #tpu.memory_space<hbm>> -> memref<10000x16xf32, #tpu.memory_space<hbm>>
          tpu.enqueue_indirect_dma source(%dma_start3A_184 : memref<10000x16xf32, #tpu.memory_space<hbm>>) target(%arg32 : memref<40x16xf32, #tpu.memory_space<vmem>>) offsets(%arg29 : memref<40xi32, #tpu.memory_space<vmem>>) semaphore(%arg49 : memref<!tpu.dma_semaphore, #tpu.memory_space<semaphore_mem>>)
          %dma_start3A_185 = arith.constant 0 : i32
          %dma_start3A_186 = arith.constant 0 : i32
          %dma_start3A_187 = tpu.memref_slice %arg7[%dma_start3A_185, %dma_start3A_186] : memref<10000x128xf32, #tpu.memory_space<hbm>> -> memref<10000x128xf32, #tpu.memory_space<hbm>>
          tpu.enqueue_indirect_dma source(%dma_start3A_187 : memref<10000x128xf32, #tpu.memory_space<hbm>>) target(%arg34 : memref<40x128xf32, #tpu.memory_space<vmem>>) offsets(%arg28 : memref<40xi32, #tpu.memory_space<vmem>>) semaphore(%arg50 : memref<!tpu.dma_semaphore, #tpu.memory_space<semaphore_mem>>)
        } else {
        }
        %dma_wait3A_142 = arith.constant 0 : i32
        %dma_wait3A_143 = arith.constant 0 : i32
        %dma_wait3A_144 = tpu.memref_slice %arg5[%dma_wait3A_142, %dma_wait3A_143] : memref<10000x16xf32, #tpu.memory_space<hbm>> -> memref<10000x16xf32, #tpu.memory_space<hbm>>
        tpu.wait_indirect_dma semaphore(%arg42 : memref<!tpu.dma_semaphore, #tpu.memory_space<semaphore_mem>>) src(%dma_wait3A_144 : memref<10000x16xf32, #tpu.memory_space<hbm>>) dst(%arg24 : memref<40x16xf32, #tpu.memory_space<vmem>>)
        %dma_wait3A_145 = arith.constant 0 : i32
        %dma_wait3A_146 = arith.constant 0 : i32
        %dma_wait3A_147 = tpu.memref_slice %arg6[%dma_wait3A_145, %dma_wait3A_146] : memref<10000x16xf32, #tpu.memory_space<hbm>> -> memref<10000x16xf32, #tpu.memory_space<hbm>>
        tpu.wait_indirect_dma semaphore(%arg43 : memref<!tpu.dma_semaphore, #tpu.memory_space<semaphore_mem>>) src(%dma_wait3A_147 : memref<10000x16xf32, #tpu.memory_space<hbm>>) dst(%arg25 : memref<40x16xf32, #tpu.memory_space<vmem>>)
        %dma_wait3A_148 = arith.constant 0 : i32
        %dma_wait3A_149 = arith.constant 0 : i32
        %dma_wait3A_150 = tpu.memref_slice %arg7[%dma_wait3A_148, %dma_wait3A_149] : memref<10000x128xf32, #tpu.memory_space<hbm>> -> memref<10000x128xf32, #tpu.memory_space<hbm>>
        tpu.wait_indirect_dma semaphore(%arg44 : memref<!tpu.dma_semaphore, #tpu.memory_space<semaphore_mem>>) src(%dma_wait3A_150 : memref<10000x128xf32, #tpu.memory_space<hbm>>) dst(%arg27 : memref<40x128xf32, #tpu.memory_space<vmem>>)
        %scan3A_151 = arith.constant 0 : i32
        %scan3A_152 = arith.constant 0 : i32
        %scan3A_153 = arith.constant 40 : i32
        %scan3A_154 = arith.addi %scan3A_152, %scan3A_153 : i32
        %scan3A_155 = arith.constant 1 : i32
        scf.for %scan3A_163 = %scan3A_152 to %scan3A_154 step %scan3A_155  : i32 {
          %get3A = arith.index_cast %scan3A_163 : i32 to index
          %get3A_164 = arith.constant 0 : index
          %get3A_165 = tpu.vector_load %arg24[%get3A, %get3A_164] {strides = array<i32>} : memref<40x16xf32, #tpu.memory_space<vmem>>, vector<16xf32>,
          %get3A_166 = arith.index_cast %scan3A_163 : i32 to index
          %get3A_167 = arith.constant 0 : index
          %get3A_168 = tpu.vector_load %arg25[%get3A_166, %get3A_167] {strides = array<i32>} : memref<40x16xf32, #tpu.memory_space<vmem>>, vector<16xf32>,
          %add3A_169 = arith.addf %get3A_165, %get3A_168 : vector<16xf32>
          %get3A_170 = arith.index_cast %scan3A_163 : i32 to index
          %get3A_171 = arith.constant 0 : index
          %get3A_172 = tpu.vector_load %arg23[%get3A_170, %get3A_171] {strides = array<i32>} : memref<40x16xf32, #tpu.memory_space<vmem>>, vector<16xf32>,
          %add3A_173 = arith.addf %add3A_169, %get3A_172 : vector<16xf32>
          %gt3A = arith.constant 0.000000e+00 : f32
          %gt3A_174 = vector.broadcast %gt3A : f32 to vector<16xf32>
          %gt3A_175 = arith.cmpf ogt, %add3A_173, %gt3A_174 : vector<16xf32>
          %mul3A_176 = arith.constant 2.000000e-01 : f32
          %mul3A_177 = vector.broadcast %mul3A_176 : f32 to vector<16xf32>
          %mul3A_178 = arith.mulf %add3A_173, %mul3A_177 : vector<16xf32>
          %select_n3A_179 = arith.select %gt3A_175, %add3A_173, %mul3A_178 : vector<16xi1>, vector<16xf32>
          %exp3A = math.exp %select_n3A_179 : vector<16xf32>
          %swap3A = arith.index_cast %scan3A_163 : i32 to index
          %swap3A_180 = arith.constant 0 : index
          %swap3A_181 = tpu.vector_load %arg26[%swap3A, %swap3A_180] {strides = array<i32>} : memref<40x16xf32, #tpu.memory_space<vmem>>, vector<16xf32>,
          tpu.vector_store %arg26[%swap3A, %swap3A_180], %exp3A {strides = array<i32>} : memref<40x16xf32, #tpu.memory_space<vmem>>, vector<16xf32>,
          %broadcast_in_dim3A = vector.broadcast %scan3A_163 : i32 to vector<16xi32>
          %broadcast_in_dim3A_182 = arith.constant 0 : i32
          %broadcast_in_dim3A_183 = vector.broadcast %broadcast_in_dim3A_182 : i32 to vector<16xi32>
          %gather3A = tpu.vector_load_idx %arg26[%broadcast_in_dim3A, %broadcast_in_dim3A_183] : memref<40x16xf32, #tpu.memory_space<vmem>>[vector<16xi32>, vector<16xi32>], vector<16xf32>,
          %get3A_184 = arith.index_cast %scan3A_163 : i32 to index
          %get3A_185 = arith.constant 0 : index
          %get3A_186 = tpu.vector_load %arg27[%get3A_184, %get3A_185] {strides = array<i32>} : memref<40x128xf32, #tpu.memory_space<vmem>>, vector<16xf32>,
          %mul3A_187 = arith.mulf %get3A_186, %gather3A : vector<16xf32>
          %swap3A_188 = arith.index_cast %scan3A_163 : i32 to index
          %swap3A_189 = arith.constant 0 : index
          %swap3A_190 = tpu.vector_load %arg27[%swap3A_188, %swap3A_189] {strides = array<i32>} : memref<40x128xf32, #tpu.memory_space<vmem>>, vector<16xf32>,
          tpu.vector_store %arg27[%swap3A_188, %swap3A_189], %mul3A_187 {strides = array<i32>} : memref<40x128xf32, #tpu.memory_space<vmem>>, vector<16xf32>,
          %get3A_191 = arith.index_cast %scan3A_163 : i32 to index
          %get3A_192 = arith.constant 16 : index
          %get3A_193 = tpu.vector_load %arg27[%get3A_191, %get3A_192] {strides = array<i32>} : memref<40x128xf32, #tpu.memory_space<vmem>>, vector<16xf32>,
          %mul3A_194 = arith.mulf %get3A_193, %gather3A : vector<16xf32>
          %swap3A_195 = arith.index_cast %scan3A_163 : i32 to index
          %swap3A_196 = arith.constant 16 : index
          %swap3A_197 = tpu.vector_load %arg27[%swap3A_195, %swap3A_196] {strides = array<i32>} : memref<40x128xf32, #tpu.memory_space<vmem>>, vector<16xf32>,
          tpu.vector_store %arg27[%swap3A_195, %swap3A_196], %mul3A_194 {strides = array<i32>} : memref<40x128xf32, #tpu.memory_space<vmem>>, vector<16xf32>,
          %broadcast_in_dim3A_198 = arith.constant 1 : i32
          %broadcast_in_dim3A_199 = vector.broadcast %broadcast_in_dim3A_198 : i32 to vector<16xi32>
          %gather3A_200 = tpu.vector_load_idx %arg26[%broadcast_in_dim3A, %broadcast_in_dim3A_199] : memref<40x16xf32, #tpu.memory_space<vmem>>[vector<16xi32>, vector<16xi32>], vector<16xf32>,
          %get3A_201 = arith.index_cast %scan3A_163 : i32 to index
          %get3A_202 = arith.constant 32 : index
          %get3A_203 = tpu.vector_load %arg27[%get3A_201, %get3A_202] {strides = array<i32>} : memref<40x128xf32, #tpu.memory_space<vmem>>, vector<16xf32>,
          %mul3A_204 = arith.mulf %get3A_203, %gather3A_200 : vector<16xf32>
          %swap3A_205 = arith.index_cast %scan3A_163 : i32 to index
          %swap3A_206 = arith.constant 32 : index
          %swap3A_207 = tpu.vector_load %arg27[%swap3A_205, %swap3A_206] {strides = array<i32>} : memref<40x128xf32, #tpu.memory_space<vmem>>, vector<16xf32>,
          tpu.vector_store %arg27[%swap3A_205, %swap3A_206], %mul3A_204 {strides = array<i32>} : memref<40x128xf32, #tpu.memory_space<vmem>>, vector<16xf32>,
          %get3A_208 = arith.index_cast %scan3A_163 : i32 to index
          %get3A_209 = arith.constant 48 : index
          %get3A_210 = tpu.vector_load %arg27[%get3A_208, %get3A_209] {strides = array<i32>} : memref<40x128xf32, #tpu.memory_space<vmem>>, vector<16xf32>,
          %mul3A_211 = arith.mulf %get3A_210, %gather3A_200 : vector<16xf32>
          %swap3A_212 = arith.index_cast %scan3A_163 : i32 to index
          %swap3A_213 = arith.constant 48 : index
          %swap3A_214 = tpu.vector_load %arg27[%swap3A_212, %swap3A_213] {strides = array<i32>} : memref<40x128xf32, #tpu.memory_space<vmem>>, vector<16xf32>,
          tpu.vector_store %arg27[%swap3A_212, %swap3A_213], %mul3A_211 {strides = array<i32>} : memref<40x128xf32, #tpu.memory_space<vmem>>, vector<16xf32>,
          %broadcast_in_dim3A_215 = arith.constant 2 : i32
          %broadcast_in_dim3A_216 = vector.broadcast %broadcast_in_dim3A_215 : i32 to vector<16xi32>
          %gather3A_217 = tpu.vector_load_idx %arg26[%broadcast_in_dim3A, %broadcast_in_dim3A_216] : memref<40x16xf32, #tpu.memory_space<vmem>>[vector<16xi32>, vector<16xi32>], vector<16xf32>,
          %get3A_218 = arith.index_cast %scan3A_163 : i32 to index
          %get3A_219 = arith.constant 64 : index
          %get3A_220 = tpu.vector_load %arg27[%get3A_218, %get3A_219] {strides = array<i32>} : memref<40x128xf32, #tpu.memory_space<vmem>>, vector<16xf32>,
          %mul3A_221 = arith.mulf %get3A_220, %gather3A_217 : vector<16xf32>
          %swap3A_222 = arith.index_cast %scan3A_163 : i32 to index
          %swap3A_223 = arith.constant 64 : index
          %swap3A_224 = tpu.vector_load %arg27[%swap3A_222, %swap3A_223] {strides = array<i32>} : memref<40x128xf32, #tpu.memory_space<vmem>>, vector<16xf32>,
          tpu.vector_store %arg27[%swap3A_222, %swap3A_223], %mul3A_221 {strides = array<i32>} : memref<40x128xf32, #tpu.memory_space<vmem>>, vector<16xf32>,
          %get3A_225 = arith.index_cast %scan3A_163 : i32 to index
          %get3A_226 = arith.constant 80 : index
          %get3A_227 = tpu.vector_load %arg27[%get3A_225, %get3A_226] {strides = array<i32>} : memref<40x128xf32, #tpu.memory_space<vmem>>, vector<16xf32>,
          %mul3A_228 = arith.mulf %get3A_227, %gather3A_217 : vector<16xf32>
          %swap3A_229 = arith.index_cast %scan3A_163 : i32 to index
          %swap3A_230 = arith.constant 80 : index
          %swap3A_231 = tpu.vector_load %arg27[%swap3A_229, %swap3A_230] {strides = array<i32>} : memref<40x128xf32, #tpu.memory_space<vmem>>, vector<16xf32>,
          tpu.vector_store %arg27[%swap3A_229, %swap3A_230], %mul3A_228 {strides = array<i32>} : memref<40x128xf32, #tpu.memory_space<vmem>>, vector<16xf32>,
          %broadcast_in_dim3A_232 = arith.constant 3 : i32
          %broadcast_in_dim3A_233 = vector.broadcast %broadcast_in_dim3A_232 : i32 to vector<16xi32>
          %gather3A_234 = tpu.vector_load_idx %arg26[%broadcast_in_dim3A, %broadcast_in_dim3A_233] : memref<40x16xf32, #tpu.memory_space<vmem>>[vector<16xi32>, vector<16xi32>], vector<16xf32>,
          %get3A_235 = arith.index_cast %scan3A_163 : i32 to index
          %get3A_236 = arith.constant 96 : index
          %get3A_237 = tpu.vector_load %arg27[%get3A_235, %get3A_236] {strides = array<i32>} : memref<40x128xf32, #tpu.memory_space<vmem>>, vector<16xf32>,
          %mul3A_238 = arith.mulf %get3A_237, %gather3A_234 : vector<16xf32>
          %swap3A_239 = arith.index_cast %scan3A_163 : i32 to index
          %swap3A_240 = arith.constant 96 : index
          %swap3A_241 = tpu.vector_load %arg27[%swap3A_239, %swap3A_240] {strides = array<i32>} : memref<40x128xf32, #tpu.memory_space<vmem>>, vector<16xf32>,
          tpu.vector_store %arg27[%swap3A_239, %swap3A_240], %mul3A_238 {strides = array<i32>} : memref<40x128xf32, #tpu.memory_space<vmem>>, vector<16xf32>,
          %get3A_242 = arith.index_cast %scan3A_163 : i32 to index
          %get3A_243 = arith.constant 112 : index
          %get3A_244 = tpu.vector_load %arg27[%get3A_242, %get3A_243] {strides = array<i32>} : memref<40x128xf32, #tpu.memory_space<vmem>>, vector<16xf32>,
          %mul3A_245 = arith.mulf %get3A_244, %gather3A_234 : vector<16xf32>
          %swap3A_246 = arith.index_cast %scan3A_163 : i32 to index
          %swap3A_247 = arith.constant 112 : index
          %swap3A_248 = tpu.vector_load %arg27[%swap3A_246, %swap3A_247] {strides = array<i32>} : memref<40x128xf32, #tpu.memory_space<vmem>>, vector<16xf32>,
          tpu.vector_store %arg27[%swap3A_246, %swap3A_247], %mul3A_245 {strides = array<i32>} : memref<40x128xf32, #tpu.memory_space<vmem>>, vector<16xf32>,
        }
        %scan3A_156 = arith.constant 40 : i32
        %dma_start3A_157 = arith.constant 0 : i32
        %dma_start3A_158 = arith.constant 0 : i32
        %dma_start3A_159 = tpu.memref_slice %arg13[%dma_start3A_157, %dma_start3A_158] : memref<10000x16xf32, #tpu.memory_space<vmem_shared>> -> memref<10000x16xf32, #tpu.memory_space<vmem_shared>>
        tpu.enqueue_indirect_dma source(%arg26 : memref<40x16xf32, #tpu.memory_space<vmem>>) target(%dma_start3A_159 : memref<10000x16xf32, #tpu.memory_space<vmem_shared>>) offsets(%arg22 : memref<40xi32, #tpu.memory_space<vmem>>) semaphore(%arg45 : memref<!tpu.dma_semaphore, #tpu.memory_space<semaphore_mem>>) {add = true}
        %dma_start3A_160 = arith.constant 0 : i32
        %dma_start3A_161 = arith.constant 0 : i32
        %dma_start3A_162 = tpu.memref_slice %arg12[%dma_start3A_160, %dma_start3A_161] : memref<10000x128xf32, #tpu.memory_space<vmem_shared>> -> memref<10000x128xf32, #tpu.memory_space<vmem_shared>>
        tpu.enqueue_indirect_dma source(%arg27 : memref<40x128xf32, #tpu.memory_space<vmem>>) target(%dma_start3A_162 : memref<10000x128xf32, #tpu.memory_space<vmem_shared>>) offsets(%arg22 : memref<40xi32, #tpu.memory_space<vmem>>) semaphore(%arg46 : memref<!tpu.dma_semaphore, #tpu.memory_space<semaphore_mem>>) {add = true}
      } else {
      }
      %jit3A_105 = arith.constant 3 : i32
      %eq3A_106 = arith.constant 0 : i32
      %eq3A_107 = arith.cmpi eq, %jit3A_105, %eq3A_106 : i32
      %jit3A_108 = arith.constant 1 : i32
      %select_n3A_109 = arith.select %eq3A_107, %jit3A_108, %jit3A_105 : i32
      %rem3A_110 = arith.remsi %scan3A_67, %select_n3A_109 : i32
      %ne3A_111 = arith.constant 0 : i32
      %ne3A_112 = arith.cmpi ne, %rem3A_110, %ne3A_111 : i32
      %lt3A_113 = arith.constant 0 : i32
      %lt3A_114 = arith.cmpi slt, %rem3A_110, %lt3A_113 : i32
      %lt3A_115 = arith.constant 0 : i32
      %lt3A_116 = arith.cmpi slt, %select_n3A_109, %lt3A_115 : i32
      %ne3A_117 = arith.xori %lt3A_114, %lt3A_116 : i1
      %and3A_118 = arith.andi %ne3A_117, %ne3A_112 : i1
      %add3A_119 = arith.addi %rem3A_110, %select_n3A_109 : i32
      %select_n3A_120 = arith.select %and3A_118, %add3A_119, %rem3A_110 : i32
      %eq3A_121 = arith.constant 2 : i32
      %eq3A_122 = arith.cmpi eq, %select_n3A_120, %eq3A_121 : i32
      %convert_element_type3A_123 = arith.extui %eq3A_122 : i1 to i32
      %cond3A_124 = arith.constant 0 : i32
      %cond3A_125 = arith.cmpi ne, %convert_element_type3A_123, %cond3A_124 : i32
      scf.if %cond3A_125 {
        %add3A_126 = arith.constant 1 : i32
        %add3A_127 = arith.addi %scan3A_67, %add3A_126 : i32
        %mul3A_128 = arith.constant 40 : i32
        %mul3A_129 = arith.muli %add3A_127, %mul3A_128 : i32
        %add3A_130 = arith.addi %mul3A_8, %mul3A_129 : i32
        %ge3A = arith.constant 2 : i32
        %ge3A_131 = arith.cmpi sge, %scan3A_67, %ge3A : i32
        %convert_element_type3A_132 = arith.extui %ge3A_131 : i1 to i32
        %cond3A_133 = arith.constant 0 : i32
        %cond3A_134 = arith.cmpi ne, %convert_element_type3A_132, %cond3A_133 : i32
        scf.if %cond3A_134 {
          %dma_wait3A_163 = arith.constant 0 : i32
          %dma_wait3A_164 = arith.constant 0 : i32
          %dma_wait3A_165 = tpu.memref_slice %arg13[%dma_wait3A_163, %dma_wait3A_164] : memref<10000x16xf32, #tpu.memory_space<vmem_shared>> -> memref<10000x16xf32, #tpu.memory_space<vmem_shared>>
          tpu.wait_indirect_dma semaphore(%arg39 : memref<!tpu.dma_semaphore, #tpu.memory_space<semaphore_mem>>) src(%arg19 : memref<40x16xf32, #tpu.memory_space<vmem>>) dst(%dma_wait3A_165 : memref<10000x16xf32, #tpu.memory_space<vmem_shared>>)
          %dma_wait3A_166 = arith.constant 0 : i32
          %dma_wait3A_167 = arith.constant 0 : i32
          %dma_wait3A_168 = tpu.memref_slice %arg12[%dma_wait3A_166, %dma_wait3A_167] : memref<10000x128xf32, #tpu.memory_space<vmem_shared>> -> memref<10000x128xf32, #tpu.memory_space<vmem_shared>>
          tpu.wait_indirect_dma semaphore(%arg40 : memref<!tpu.dma_semaphore, #tpu.memory_space<semaphore_mem>>) src(%arg20 : memref<40x128xf32, #tpu.memory_space<vmem>>) dst(%dma_wait3A_168 : memref<10000x128xf32, #tpu.memory_space<vmem_shared>>)
        } else {
        }
        %add3A_135 = arith.constant 1 : i32
        %add3A_136 = arith.addi %scan3A_67, %add3A_135 : i32
        %lt3A_137 = arith.constant 250 : i32
        %lt3A_138 = arith.cmpi slt, %add3A_136, %lt3A_137 : i32
        %convert_element_type3A_139 = arith.extui %lt3A_138 : i1 to i32
        %cond3A_140 = arith.constant 0 : i32
        %cond3A_141 = arith.cmpi ne, %convert_element_type3A_139, %cond3A_140 : i32
        scf.if %cond3A_141 {
          %dma_start3A_163 = tpu.memref_slice %arg2[%add3A_130] : memref<320000xi32, #tpu.memory_space<hbm>> -> memref<40xi32, #tpu.memory_space<hbm>>
          %dma_start3A_164 = tpu.memref_slice %arg2[%add3A_130] : memref<320000xi32, #tpu.memory_space<hbm>> -> memref<40xi32, #tpu.memory_space<hbm>>
          tpu.enqueue_dma source(%dma_start3A_164 : memref<40xi32, #tpu.memory_space<hbm>>) target(%arg14 : memref<40xi32, #tpu.memory_space<vmem>>) target_semaphore(%arg35 : memref<!tpu.dma_semaphore, #tpu.memory_space<semaphore_mem>>)
          %dma_start3A_165 = tpu.memref_slice %arg3[%add3A_130] : memref<320000xi32, #tpu.memory_space<hbm>> -> memref<40xi32, #tpu.memory_space<hbm>>
          %dma_start3A_166 = tpu.memref_slice %arg3[%add3A_130] : memref<320000xi32, #tpu.memory_space<hbm>> -> memref<40xi32, #tpu.memory_space<hbm>>
          tpu.enqueue_dma source(%dma_start3A_166 : memref<40xi32, #tpu.memory_space<hbm>>) target(%arg15 : memref<40xi32, #tpu.memory_space<vmem>>) target_semaphore(%arg35 : memref<!tpu.dma_semaphore, #tpu.memory_space<semaphore_mem>>)
          %dma_start3A_167 = arith.constant 0 : i32
          %dma_start3A_168 = tpu.memref_slice %arg4[%add3A_130, %dma_start3A_167] : memref<320000x16xf32, #tpu.memory_space<hbm>> -> memref<40x16xf32, #tpu.memory_space<hbm>>
          %dma_start3A_169 = arith.constant 0 : i32
          %dma_start3A_170 = tpu.memref_slice %arg4[%add3A_130, %dma_start3A_169] : memref<320000x16xf32, #tpu.memory_space<hbm>> -> memref<40x16xf32, #tpu.memory_space<hbm>>
          tpu.enqueue_dma source(%dma_start3A_170 : memref<40x16xf32, #tpu.memory_space<hbm>>) target(%arg16 : memref<40x16xf32, #tpu.memory_space<vmem>>) target_semaphore(%arg35 : memref<!tpu.dma_semaphore, #tpu.memory_space<semaphore_mem>>)
          %dma_wait3A_171 = tpu.memref_slice %arg2[%add3A_130] : memref<320000xi32, #tpu.memory_space<hbm>> -> memref<40xi32, #tpu.memory_space<hbm>>
          %dma_wait3A_172 = tpu.memref_slice %arg2[%add3A_130] : memref<320000xi32, #tpu.memory_space<hbm>> -> memref<40xi32, #tpu.memory_space<hbm>>
          tpu.wait_dma2 semaphore(%arg35 : memref<!tpu.dma_semaphore, #tpu.memory_space<semaphore_mem>>) src(%dma_wait3A_172 : memref<40xi32, #tpu.memory_space<hbm>>) dst(%arg14 : memref<40xi32, #tpu.memory_space<vmem>>)
          %dma_wait3A_173 = tpu.memref_slice %arg3[%add3A_130] : memref<320000xi32, #tpu.memory_space<hbm>> -> memref<40xi32, #tpu.memory_space<hbm>>
          %dma_wait3A_174 = tpu.memref_slice %arg3[%add3A_130] : memref<320000xi32, #tpu.memory_space<hbm>> -> memref<40xi32, #tpu.memory_space<hbm>>
          tpu.wait_dma2 semaphore(%arg35 : memref<!tpu.dma_semaphore, #tpu.memory_space<semaphore_mem>>) src(%dma_wait3A_174 : memref<40xi32, #tpu.memory_space<hbm>>) dst(%arg15 : memref<40xi32, #tpu.memory_space<vmem>>)
          %dma_wait3A_175 = arith.constant 0 : i32
          %dma_wait3A_176 = tpu.memref_slice %arg4[%add3A_130, %dma_wait3A_175] : memref<320000x16xf32, #tpu.memory_space<hbm>> -> memref<40x16xf32, #tpu.memory_space<hbm>>
          %dma_wait3A_177 = arith.constant 0 : i32
          %dma_wait3A_178 = tpu.memref_slice %arg4[%add3A_130, %dma_wait3A_177] : memref<320000x16xf32, #tpu.memory_space<hbm>> -> memref<40x16xf32, #tpu.memory_space<hbm>>
          tpu.wait_dma2 semaphore(%arg35 : memref<!tpu.dma_semaphore, #tpu.memory_space<semaphore_mem>>) src(%dma_wait3A_178 : memref<40x16xf32, #tpu.memory_space<hbm>>) dst(%arg16 : memref<40x16xf32, #tpu.memory_space<vmem>>)
          %dma_start3A_179 = arith.constant 0 : i32
          %dma_start3A_180 = arith.constant 0 : i32
          %dma_start3A_181 = tpu.memref_slice %arg5[%dma_start3A_179, %dma_start3A_180] : memref<10000x16xf32, #tpu.memory_space<hbm>> -> memref<10000x16xf32, #tpu.memory_space<hbm>>
          tpu.enqueue_indirect_dma source(%dma_start3A_181 : memref<10000x16xf32, #tpu.memory_space<hbm>>) target(%arg17 : memref<40x16xf32, #tpu.memory_space<vmem>>) offsets(%arg14 : memref<40xi32, #tpu.memory_space<vmem>>) semaphore(%arg36 : memref<!tpu.dma_semaphore, #tpu.memory_space<semaphore_mem>>)
          %dma_start3A_182 = arith.constant 0 : i32
          %dma_start3A_183 = arith.constant 0 : i32
          %dma_start3A_184 = tpu.memref_slice %arg6[%dma_start3A_182, %dma_start3A_183] : memref<10000x16xf32, #tpu.memory_space<hbm>> -> memref<10000x16xf32, #tpu.memory_space<hbm>>
          tpu.enqueue_indirect_dma source(%dma_start3A_184 : memref<10000x16xf32, #tpu.memory_space<hbm>>) target(%arg18 : memref<40x16xf32, #tpu.memory_space<vmem>>) offsets(%arg15 : memref<40xi32, #tpu.memory_space<vmem>>) semaphore(%arg37 : memref<!tpu.dma_semaphore, #tpu.memory_space<semaphore_mem>>)
          %dma_start3A_185 = arith.constant 0 : i32
          %dma_start3A_186 = arith.constant 0 : i32
          %dma_start3A_187 = tpu.memref_slice %arg7[%dma_start3A_185, %dma_start3A_186] : memref<10000x128xf32, #tpu.memory_space<hbm>> -> memref<10000x128xf32, #tpu.memory_space<hbm>>
          tpu.enqueue_indirect_dma source(%dma_start3A_187 : memref<10000x128xf32, #tpu.memory_space<hbm>>) target(%arg20 : memref<40x128xf32, #tpu.memory_space<vmem>>) offsets(%arg14 : memref<40xi32, #tpu.memory_space<vmem>>) semaphore(%arg38 : memref<!tpu.dma_semaphore, #tpu.memory_space<semaphore_mem>>)
        } else {
        }
        %dma_wait3A_142 = arith.constant 0 : i32
        %dma_wait3A_143 = arith.constant 0 : i32
        %dma_wait3A_144 = tpu.memref_slice %arg5[%dma_wait3A_142, %dma_wait3A_143] : memref<10000x16xf32, #tpu.memory_space<hbm>> -> memref<10000x16xf32, #tpu.memory_space<hbm>>
        tpu.wait_indirect_dma semaphore(%arg48 : memref<!tpu.dma_semaphore, #tpu.memory_space<semaphore_mem>>) src(%dma_wait3A_144 : memref<10000x16xf32, #tpu.memory_space<hbm>>) dst(%arg31 : memref<40x16xf32, #tpu.memory_space<vmem>>)
        %dma_wait3A_145 = arith.constant 0 : i32
        %dma_wait3A_146 = arith.constant 0 : i32
        %dma_wait3A_147 = tpu.memref_slice %arg6[%dma_wait3A_145, %dma_wait3A_146] : memref<10000x16xf32, #tpu.memory_space<hbm>> -> memref<10000x16xf32, #tpu.memory_space<hbm>>
        tpu.wait_indirect_dma semaphore(%arg49 : memref<!tpu.dma_semaphore, #tpu.memory_space<semaphore_mem>>) src(%dma_wait3A_147 : memref<10000x16xf32, #tpu.memory_space<hbm>>) dst(%arg32 : memref<40x16xf32, #tpu.memory_space<vmem>>)
        %dma_wait3A_148 = arith.constant 0 : i32
        %dma_wait3A_149 = arith.constant 0 : i32
        %dma_wait3A_150 = tpu.memref_slice %arg7[%dma_wait3A_148, %dma_wait3A_149] : memref<10000x128xf32, #tpu.memory_space<hbm>> -> memref<10000x128xf32, #tpu.memory_space<hbm>>
        tpu.wait_indirect_dma semaphore(%arg50 : memref<!tpu.dma_semaphore, #tpu.memory_space<semaphore_mem>>) src(%dma_wait3A_150 : memref<10000x128xf32, #tpu.memory_space<hbm>>) dst(%arg34 : memref<40x128xf32, #tpu.memory_space<vmem>>)
        %scan3A_151 = arith.constant 0 : i32
        %scan3A_152 = arith.constant 0 : i32
        %scan3A_153 = arith.constant 40 : i32
        %scan3A_154 = arith.addi %scan3A_152, %scan3A_153 : i32
        %scan3A_155 = arith.constant 1 : i32
        scf.for %scan3A_163 = %scan3A_152 to %scan3A_154 step %scan3A_155  : i32 {
          %get3A = arith.index_cast %scan3A_163 : i32 to index
          %get3A_164 = arith.constant 0 : index
          %get3A_165 = tpu.vector_load %arg31[%get3A, %get3A_164] {strides = array<i32>} : memref<40x16xf32, #tpu.memory_space<vmem>>, vector<16xf32>,
          %get3A_166 = arith.index_cast %scan3A_163 : i32 to index
          %get3A_167 = arith.constant 0 : index
          %get3A_168 = tpu.vector_load %arg32[%get3A_166, %get3A_167] {strides = array<i32>} : memref<40x16xf32, #tpu.memory_space<vmem>>, vector<16xf32>,
          %add3A_169 = arith.addf %get3A_165, %get3A_168 : vector<16xf32>
          %get3A_170 = arith.index_cast %scan3A_163 : i32 to index
          %get3A_171 = arith.constant 0 : index
          %get3A_172 = tpu.vector_load %arg30[%get3A_170, %get3A_171] {strides = array<i32>} : memref<40x16xf32, #tpu.memory_space<vmem>>, vector<16xf32>,
          %add3A_173 = arith.addf %add3A_169, %get3A_172 : vector<16xf32>
          %gt3A = arith.constant 0.000000e+00 : f32
          %gt3A_174 = vector.broadcast %gt3A : f32 to vector<16xf32>
          %gt3A_175 = arith.cmpf ogt, %add3A_173, %gt3A_174 : vector<16xf32>
          %mul3A_176 = arith.constant 2.000000e-01 : f32
          %mul3A_177 = vector.broadcast %mul3A_176 : f32 to vector<16xf32>
          %mul3A_178 = arith.mulf %add3A_173, %mul3A_177 : vector<16xf32>
          %select_n3A_179 = arith.select %gt3A_175, %add3A_173, %mul3A_178 : vector<16xi1>, vector<16xf32>
          %exp3A = math.exp %select_n3A_179 : vector<16xf32>
          %swap3A = arith.index_cast %scan3A_163 : i32 to index
          %swap3A_180 = arith.constant 0 : index
          %swap3A_181 = tpu.vector_load %arg33[%swap3A, %swap3A_180] {strides = array<i32>} : memref<40x16xf32, #tpu.memory_space<vmem>>, vector<16xf32>,
          tpu.vector_store %arg33[%swap3A, %swap3A_180], %exp3A {strides = array<i32>} : memref<40x16xf32, #tpu.memory_space<vmem>>, vector<16xf32>,
          %broadcast_in_dim3A = vector.broadcast %scan3A_163 : i32 to vector<16xi32>
          %broadcast_in_dim3A_182 = arith.constant 0 : i32
          %broadcast_in_dim3A_183 = vector.broadcast %broadcast_in_dim3A_182 : i32 to vector<16xi32>
          %gather3A = tpu.vector_load_idx %arg33[%broadcast_in_dim3A, %broadcast_in_dim3A_183] : memref<40x16xf32, #tpu.memory_space<vmem>>[vector<16xi32>, vector<16xi32>], vector<16xf32>,
          %get3A_184 = arith.index_cast %scan3A_163 : i32 to index
          %get3A_185 = arith.constant 0 : index
          %get3A_186 = tpu.vector_load %arg34[%get3A_184, %get3A_185] {strides = array<i32>} : memref<40x128xf32, #tpu.memory_space<vmem>>, vector<16xf32>,
          %mul3A_187 = arith.mulf %get3A_186, %gather3A : vector<16xf32>
          %swap3A_188 = arith.index_cast %scan3A_163 : i32 to index
          %swap3A_189 = arith.constant 0 : index
          %swap3A_190 = tpu.vector_load %arg34[%swap3A_188, %swap3A_189] {strides = array<i32>} : memref<40x128xf32, #tpu.memory_space<vmem>>, vector<16xf32>,
          tpu.vector_store %arg34[%swap3A_188, %swap3A_189], %mul3A_187 {strides = array<i32>} : memref<40x128xf32, #tpu.memory_space<vmem>>, vector<16xf32>,
          %get3A_191 = arith.index_cast %scan3A_163 : i32 to index
          %get3A_192 = arith.constant 16 : index
          %get3A_193 = tpu.vector_load %arg34[%get3A_191, %get3A_192] {strides = array<i32>} : memref<40x128xf32, #tpu.memory_space<vmem>>, vector<16xf32>,
          %mul3A_194 = arith.mulf %get3A_193, %gather3A : vector<16xf32>
          %swap3A_195 = arith.index_cast %scan3A_163 : i32 to index
          %swap3A_196 = arith.constant 16 : index
          %swap3A_197 = tpu.vector_load %arg34[%swap3A_195, %swap3A_196] {strides = array<i32>} : memref<40x128xf32, #tpu.memory_space<vmem>>, vector<16xf32>,
          tpu.vector_store %arg34[%swap3A_195, %swap3A_196], %mul3A_194 {strides = array<i32>} : memref<40x128xf32, #tpu.memory_space<vmem>>, vector<16xf32>,
          %broadcast_in_dim3A_198 = arith.constant 1 : i32
          %broadcast_in_dim3A_199 = vector.broadcast %broadcast_in_dim3A_198 : i32 to vector<16xi32>
          %gather3A_200 = tpu.vector_load_idx %arg33[%broadcast_in_dim3A, %broadcast_in_dim3A_199] : memref<40x16xf32, #tpu.memory_space<vmem>>[vector<16xi32>, vector<16xi32>], vector<16xf32>,
          %get3A_201 = arith.index_cast %scan3A_163 : i32 to index
          %get3A_202 = arith.constant 32 : index
          %get3A_203 = tpu.vector_load %arg34[%get3A_201, %get3A_202] {strides = array<i32>} : memref<40x128xf32, #tpu.memory_space<vmem>>, vector<16xf32>,
          %mul3A_204 = arith.mulf %get3A_203, %gather3A_200 : vector<16xf32>
          %swap3A_205 = arith.index_cast %scan3A_163 : i32 to index
          %swap3A_206 = arith.constant 32 : index
          %swap3A_207 = tpu.vector_load %arg34[%swap3A_205, %swap3A_206] {strides = array<i32>} : memref<40x128xf32, #tpu.memory_space<vmem>>, vector<16xf32>,
          tpu.vector_store %arg34[%swap3A_205, %swap3A_206], %mul3A_204 {strides = array<i32>} : memref<40x128xf32, #tpu.memory_space<vmem>>, vector<16xf32>,
          %get3A_208 = arith.index_cast %scan3A_163 : i32 to index
          %get3A_209 = arith.constant 48 : index
          %get3A_210 = tpu.vector_load %arg34[%get3A_208, %get3A_209] {strides = array<i32>} : memref<40x128xf32, #tpu.memory_space<vmem>>, vector<16xf32>,
          %mul3A_211 = arith.mulf %get3A_210, %gather3A_200 : vector<16xf32>
          %swap3A_212 = arith.index_cast %scan3A_163 : i32 to index
          %swap3A_213 = arith.constant 48 : index
          %swap3A_214 = tpu.vector_load %arg34[%swap3A_212, %swap3A_213] {strides = array<i32>} : memref<40x128xf32, #tpu.memory_space<vmem>>, vector<16xf32>,
          tpu.vector_store %arg34[%swap3A_212, %swap3A_213], %mul3A_211 {strides = array<i32>} : memref<40x128xf32, #tpu.memory_space<vmem>>, vector<16xf32>,
          %broadcast_in_dim3A_215 = arith.constant 2 : i32
          %broadcast_in_dim3A_216 = vector.broadcast %broadcast_in_dim3A_215 : i32 to vector<16xi32>
          %gather3A_217 = tpu.vector_load_idx %arg33[%broadcast_in_dim3A, %broadcast_in_dim3A_216] : memref<40x16xf32, #tpu.memory_space<vmem>>[vector<16xi32>, vector<16xi32>], vector<16xf32>,
          %get3A_218 = arith.index_cast %scan3A_163 : i32 to index
          %get3A_219 = arith.constant 64 : index
          %get3A_220 = tpu.vector_load %arg34[%get3A_218, %get3A_219] {strides = array<i32>} : memref<40x128xf32, #tpu.memory_space<vmem>>, vector<16xf32>,
          %mul3A_221 = arith.mulf %get3A_220, %gather3A_217 : vector<16xf32>
          %swap3A_222 = arith.index_cast %scan3A_163 : i32 to index
          %swap3A_223 = arith.constant 64 : index
          %swap3A_224 = tpu.vector_load %arg34[%swap3A_222, %swap3A_223] {strides = array<i32>} : memref<40x128xf32, #tpu.memory_space<vmem>>, vector<16xf32>,
          tpu.vector_store %arg34[%swap3A_222, %swap3A_223], %mul3A_221 {strides = array<i32>} : memref<40x128xf32, #tpu.memory_space<vmem>>, vector<16xf32>,
          %get3A_225 = arith.index_cast %scan3A_163 : i32 to index
          %get3A_226 = arith.constant 80 : index
          %get3A_227 = tpu.vector_load %arg34[%get3A_225, %get3A_226] {strides = array<i32>} : memref<40x128xf32, #tpu.memory_space<vmem>>, vector<16xf32>,
          %mul3A_228 = arith.mulf %get3A_227, %gather3A_217 : vector<16xf32>
          %swap3A_229 = arith.index_cast %scan3A_163 : i32 to index
          %swap3A_230 = arith.constant 80 : index
          %swap3A_231 = tpu.vector_load %arg34[%swap3A_229, %swap3A_230] {strides = array<i32>} : memref<40x128xf32, #tpu.memory_space<vmem>>, vector<16xf32>,
          tpu.vector_store %arg34[%swap3A_229, %swap3A_230], %mul3A_228 {strides = array<i32>} : memref<40x128xf32, #tpu.memory_space<vmem>>, vector<16xf32>,
          %broadcast_in_dim3A_232 = arith.constant 3 : i32
          %broadcast_in_dim3A_233 = vector.broadcast %broadcast_in_dim3A_232 : i32 to vector<16xi32>
          %gather3A_234 = tpu.vector_load_idx %arg33[%broadcast_in_dim3A, %broadcast_in_dim3A_233] : memref<40x16xf32, #tpu.memory_space<vmem>>[vector<16xi32>, vector<16xi32>], vector<16xf32>,
          %get3A_235 = arith.index_cast %scan3A_163 : i32 to index
          %get3A_236 = arith.constant 96 : index
          %get3A_237 = tpu.vector_load %arg34[%get3A_235, %get3A_236] {strides = array<i32>} : memref<40x128xf32, #tpu.memory_space<vmem>>, vector<16xf32>,
          %mul3A_238 = arith.mulf %get3A_237, %gather3A_234 : vector<16xf32>
          %swap3A_239 = arith.index_cast %scan3A_163 : i32 to index
          %swap3A_240 = arith.constant 96 : index
          %swap3A_241 = tpu.vector_load %arg34[%swap3A_239, %swap3A_240] {strides = array<i32>} : memref<40x128xf32, #tpu.memory_space<vmem>>, vector<16xf32>,
          tpu.vector_store %arg34[%swap3A_239, %swap3A_240], %mul3A_238 {strides = array<i32>} : memref<40x128xf32, #tpu.memory_space<vmem>>, vector<16xf32>,
          %get3A_242 = arith.index_cast %scan3A_163 : i32 to index
          %get3A_243 = arith.constant 112 : index
          %get3A_244 = tpu.vector_load %arg34[%get3A_242, %get3A_243] {strides = array<i32>} : memref<40x128xf32, #tpu.memory_space<vmem>>, vector<16xf32>,
          %mul3A_245 = arith.mulf %get3A_244, %gather3A_234 : vector<16xf32>
          %swap3A_246 = arith.index_cast %scan3A_163 : i32 to index
          %swap3A_247 = arith.constant 112 : index
          %swap3A_248 = tpu.vector_load %arg34[%swap3A_246, %swap3A_247] {strides = array<i32>} : memref<40x128xf32, #tpu.memory_space<vmem>>, vector<16xf32>,
          tpu.vector_store %arg34[%swap3A_246, %swap3A_247], %mul3A_245 {strides = array<i32>} : memref<40x128xf32, #tpu.memory_space<vmem>>, vector<16xf32>,
        }
        %scan3A_156 = arith.constant 40 : i32
        %dma_start3A_157 = arith.constant 0 : i32
        %dma_start3A_158 = arith.constant 0 : i32
        %dma_start3A_159 = tpu.memref_slice %arg13[%dma_start3A_157, %dma_start3A_158] : memref<10000x16xf32, #tpu.memory_space<vmem_shared>> -> memref<10000x16xf32, #tpu.memory_space<vmem_shared>>
        tpu.enqueue_indirect_dma source(%arg33 : memref<40x16xf32, #tpu.memory_space<vmem>>) target(%dma_start3A_159 : memref<10000x16xf32, #tpu.memory_space<vmem_shared>>) offsets(%arg29 : memref<40xi32, #tpu.memory_space<vmem>>) semaphore(%arg51 : memref<!tpu.dma_semaphore, #tpu.memory_space<semaphore_mem>>) {add = true}
        %dma_start3A_160 = arith.constant 0 : i32
        %dma_start3A_161 = arith.constant 0 : i32
        %dma_start3A_162 = tpu.memref_slice %arg12[%dma_start3A_160, %dma_start3A_161] : memref<10000x128xf32, #tpu.memory_space<vmem_shared>> -> memref<10000x128xf32, #tpu.memory_space<vmem_shared>>
        tpu.enqueue_indirect_dma source(%arg34 : memref<40x128xf32, #tpu.memory_space<vmem>>) target(%dma_start3A_162 : memref<10000x128xf32, #tpu.memory_space<vmem_shared>>) offsets(%arg29 : memref<40xi32, #tpu.memory_space<vmem>>) semaphore(%arg52 : memref<!tpu.dma_semaphore, #tpu.memory_space<semaphore_mem>>) {add = true}
      } else {
      }
    }
    %scan3A_43 = arith.constant 250 : i32
    %dma_wait3A_44 = arith.constant 0 : i32
    %dma_wait3A_45 = arith.constant 0 : i32
    %dma_wait3A_46 = tpu.memref_slice %arg13[%dma_wait3A_44, %dma_wait3A_45] : memref<10000x16xf32, #tpu.memory_space<vmem_shared>> -> memref<10000x16xf32, #tpu.memory_space<vmem_shared>>
    tpu.wait_indirect_dma semaphore(%arg51 : memref<!tpu.dma_semaphore, #tpu.memory_space<semaphore_mem>>) src(%arg33 : memref<40x16xf32, #tpu.memory_space<vmem>>) dst(%dma_wait3A_46 : memref<10000x16xf32, #tpu.memory_space<vmem_shared>>)
    %dma_wait3A_47 = arith.constant 0 : i32
    %dma_wait3A_48 = arith.constant 0 : i32
    %dma_wait3A_49 = tpu.memref_slice %arg12[%dma_wait3A_47, %dma_wait3A_48] : memref<10000x128xf32, #tpu.memory_space<vmem_shared>> -> memref<10000x128xf32, #tpu.memory_space<vmem_shared>>
    tpu.wait_indirect_dma semaphore(%arg52 : memref<!tpu.dma_semaphore, #tpu.memory_space<semaphore_mem>>) src(%arg34 : memref<40x128xf32, #tpu.memory_space<vmem>>) dst(%dma_wait3A_49 : memref<10000x128xf32, #tpu.memory_space<vmem_shared>>)
    %dma_wait3A_50 = arith.constant 0 : i32
    %dma_wait3A_51 = arith.constant 0 : i32
    %dma_wait3A_52 = tpu.memref_slice %arg13[%dma_wait3A_50, %dma_wait3A_51] : memref<10000x16xf32, #tpu.memory_space<vmem_shared>> -> memref<10000x16xf32, #tpu.memory_space<vmem_shared>>
    tpu.wait_indirect_dma semaphore(%arg39 : memref<!tpu.dma_semaphore, #tpu.memory_space<semaphore_mem>>) src(%arg19 : memref<40x16xf32, #tpu.memory_space<vmem>>) dst(%dma_wait3A_52 : memref<10000x16xf32, #tpu.memory_space<vmem_shared>>)
    %dma_wait3A_53 = arith.constant 0 : i32
    %dma_wait3A_54 = arith.constant 0 : i32
    %dma_wait3A_55 = tpu.memref_slice %arg12[%dma_wait3A_53, %dma_wait3A_54] : memref<10000x128xf32, #tpu.memory_space<vmem_shared>> -> memref<10000x128xf32, #tpu.memory_space<vmem_shared>>
    tpu.wait_indirect_dma semaphore(%arg40 : memref<!tpu.dma_semaphore, #tpu.memory_space<semaphore_mem>>) src(%arg20 : memref<40x128xf32, #tpu.memory_space<vmem>>) dst(%dma_wait3A_55 : memref<10000x128xf32, #tpu.memory_space<vmem_shared>>)
    %barrier3A_56 = arith.constant 0 : index
    tpu.barrier barrier_id(%barrier3A_56)
    %lt3A_57 = arith.constant 15 : i32
    %lt3A_58 = arith.cmpi slt, %arg1, %lt3A_57 : i32
    %convert_element_type3A_59 = arith.extui %lt3A_58 : i1 to i32
    %cond3A_60 = arith.constant 0 : i32
    %cond3A_61 = arith.cmpi ne, %convert_element_type3A_59, %cond3A_60 : i32
    scf.if %cond3A_61 {
      %mul3A_67 = arith.constant 632 : i32
      %mul3A_68 = arith.muli %arg1, %mul3A_67 : i32
      %multiple_of3A = tpu.assume_multiple %mul3A_68, 8 : i32
      "tpu.region"() ({
        %run_scoped3A = tpu.sem_alloc : memref<!tpu.dma_semaphore, #tpu.memory_space<semaphore_mem>>
        %dma_start3A_69 = arith.constant 0 : i32
        %dma_start3A_70 = tpu.memref_slice %arg10[%arg0, %multiple_of3A, %dma_start3A_69] : memref<2x10000x128xf32, #tpu.memory_space<hbm>> -> memref<1x632x128xf32, #tpu.memory_space<hbm>>
        %dma_start3A_71 = tpu.memref_squeeze %dma_start3A_70 : memref<1x632x128xf32, #tpu.memory_space<hbm>> -> memref<632x128xf32, #tpu.memory_space<hbm>>
        %dma_start3A_72 = arith.constant 0 : i32
        %dma_start3A_73 = tpu.memref_slice %arg12[%multiple_of3A, %dma_start3A_72] : memref<10000x128xf32, #tpu.memory_space<vmem_shared>> -> memref<632x128xf32, #tpu.memory_space<vmem_shared>>
        tpu.enqueue_dma source(%dma_start3A_73 : memref<632x128xf32, #tpu.memory_space<vmem_shared>>) target(%dma_start3A_71 : memref<632x128xf32, #tpu.memory_space<hbm>>) target_semaphore(%run_scoped3A : memref<!tpu.dma_semaphore, #tpu.memory_space<semaphore_mem>>)
        %dma_wait3A_74 = arith.constant 0 : i32
        %dma_wait3A_75 = tpu.memref_slice %arg10[%arg0, %multiple_of3A, %dma_wait3A_74] : memref<2x10000x128xf32, #tpu.memory_space<hbm>> -> memref<1x632x128xf32, #tpu.memory_space<hbm>>
        %dma_wait3A_76 = tpu.memref_squeeze %dma_wait3A_75 : memref<1x632x128xf32, #tpu.memory_space<hbm>> -> memref<632x128xf32, #tpu.memory_space<hbm>>
        %dma_wait3A_77 = arith.constant 0 : i32
        %dma_wait3A_78 = tpu.memref_slice %arg12[%multiple_of3A, %dma_wait3A_77] : memref<10000x128xf32, #tpu.memory_space<vmem_shared>> -> memref<632x128xf32, #tpu.memory_space<vmem_shared>>
        tpu.wait_dma2 semaphore(%run_scoped3A : memref<!tpu.dma_semaphore, #tpu.memory_space<semaphore_mem>>) src(%dma_wait3A_78 : memref<632x128xf32, #tpu.memory_space<vmem_shared>>) dst(%dma_wait3A_76 : memref<632x128xf32, #tpu.memory_space<hbm>>)
        tpu.yield
      }) : () -> ()
      "tpu.region"() ({
        %run_scoped3A = tpu.sem_alloc : memref<!tpu.dma_semaphore, #tpu.memory_space<semaphore_mem>>
        %dma_start3A_69 = arith.constant 0 : i32
        %dma_start3A_70 = tpu.memref_slice %arg11[%arg0, %multiple_of3A, %dma_start3A_69] : memref<2x10000x16xf32, #tpu.memory_space<hbm>> -> memref<1x632x16xf32, #tpu.memory_space<hbm>>
        %dma_start3A_71 = tpu.memref_squeeze %dma_start3A_70 : memref<1x632x16xf32, #tpu.memory_space<hbm>> -> memref<632x16xf32, #tpu.memory_space<hbm>>
        %dma_start3A_72 = arith.constant 0 : i32
        %dma_start3A_73 = tpu.memref_slice %arg13[%multiple_of3A, %dma_start3A_72] : memref<10000x16xf32, #tpu.memory_space<vmem_shared>> -> memref<632x16xf32, #tpu.memory_space<vmem_shared>>
        tpu.enqueue_dma source(%dma_start3A_73 : memref<632x16xf32, #tpu.memory_space<vmem_shared>>) target(%dma_start3A_71 : memref<632x16xf32, #tpu.memory_space<hbm>>) target_semaphore(%run_scoped3A : memref<!tpu.dma_semaphore, #tpu.memory_space<semaphore_mem>>)
        %dma_wait3A_74 = arith.constant 0 : i32
        %dma_wait3A_75 = tpu.memref_slice %arg11[%arg0, %multiple_of3A, %dma_wait3A_74] : memref<2x10000x16xf32, #tpu.memory_space<hbm>> -> memref<1x632x16xf32, #tpu.memory_space<hbm>>
        %dma_wait3A_76 = tpu.memref_squeeze %dma_wait3A_75 : memref<1x632x16xf32, #tpu.memory_space<hbm>> -> memref<632x16xf32, #tpu.memory_space<hbm>>
        %dma_wait3A_77 = arith.constant 0 : i32
        %dma_wait3A_78 = tpu.memref_slice %arg13[%multiple_of3A, %dma_wait3A_77] : memref<10000x16xf32, #tpu.memory_space<vmem_shared>> -> memref<632x16xf32, #tpu.memory_space<vmem_shared>>
        tpu.wait_dma2 semaphore(%run_scoped3A : memref<!tpu.dma_semaphore, #tpu.memory_space<semaphore_mem>>) src(%dma_wait3A_78 : memref<632x16xf32, #tpu.memory_space<vmem_shared>>) dst(%dma_wait3A_76 : memref<632x16xf32, #tpu.memory_space<hbm>>)
        tpu.yield
      }) : () -> ()
    } else {
    }
    %eq3A_62 = arith.constant 15 : i32
    %eq3A_63 = arith.cmpi eq, %arg1, %eq3A_62 : i32
    %convert_element_type3A_64 = arith.extui %eq3A_63 : i1 to i32
    %cond3A_65 = arith.constant 0 : i32
    %cond3A_66 = arith.cmpi ne, %convert_element_type3A_64, %cond3A_65 : i32
    scf.if %cond3A_66 {
      "tpu.region"() ({
        %run_scoped3A = tpu.sem_alloc : memref<!tpu.dma_semaphore, #tpu.memory_space<semaphore_mem>>
        %dma_start3A_67 = arith.constant 9480 : i32
        %dma_start3A_68 = arith.constant 0 : i32
        %dma_start3A_69 = tpu.memref_slice %arg10[%arg0, %dma_start3A_67, %dma_start3A_68] : memref<2x10000x128xf32, #tpu.memory_space<hbm>> -> memref<1x520x128xf32, #tpu.memory_space<hbm>>
        %dma_start3A_70 = tpu.memref_squeeze %dma_start3A_69 : memref<1x520x128xf32, #tpu.memory_space<hbm>> -> memref<520x128xf32, #tpu.memory_space<hbm>>
        %dma_start3A_71 = arith.constant 9480 : i32
        %dma_start3A_72 = arith.constant 0 : i32
        %dma_start3A_73 = tpu.memref_slice %arg12[%dma_start3A_71, %dma_start3A_72] : memref<10000x128xf32, #tpu.memory_space<vmem_shared>> -> memref<520x128xf32, #tpu.memory_space<vmem_shared>>
        tpu.enqueue_dma source(%dma_start3A_73 : memref<520x128xf32, #tpu.memory_space<vmem_shared>>) target(%dma_start3A_70 : memref<520x128xf32, #tpu.memory_space<hbm>>) target_semaphore(%run_scoped3A : memref<!tpu.dma_semaphore, #tpu.memory_space<semaphore_mem>>)
        %dma_wait3A_74 = arith.constant 9480 : i32
        %dma_wait3A_75 = arith.constant 0 : i32
        %dma_wait3A_76 = tpu.memref_slice %arg10[%arg0, %dma_wait3A_74, %dma_wait3A_75] : memref<2x10000x128xf32, #tpu.memory_space<hbm>> -> memref<1x520x128xf32, #tpu.memory_space<hbm>>
        %dma_wait3A_77 = tpu.memref_squeeze %dma_wait3A_76 : memref<1x520x128xf32, #tpu.memory_space<hbm>> -> memref<520x128xf32, #tpu.memory_space<hbm>>
        %dma_wait3A_78 = arith.constant 9480 : i32
        %dma_wait3A_79 = arith.constant 0 : i32
        %dma_wait3A_80 = tpu.memref_slice %arg12[%dma_wait3A_78, %dma_wait3A_79] : memref<10000x128xf32, #tpu.memory_space<vmem_shared>> -> memref<520x128xf32, #tpu.memory_space<vmem_shared>>
        tpu.wait_dma2 semaphore(%run_scoped3A : memref<!tpu.dma_semaphore, #tpu.memory_space<semaphore_mem>>) src(%dma_wait3A_80 : memref<520x128xf32, #tpu.memory_space<vmem_shared>>) dst(%dma_wait3A_77 : memref<520x128xf32, #tpu.memory_space<hbm>>)
        tpu.yield
      }) : () -> ()
      "tpu.region"() ({
        %run_scoped3A = tpu.sem_alloc : memref<!tpu.dma_semaphore, #tpu.memory_space<semaphore_mem>>
        %dma_start3A_67 = arith.constant 9480 : i32
        %dma_start3A_68 = arith.constant 0 : i32
        %dma_start3A_69 = tpu.memref_slice %arg11[%arg0, %dma_start3A_67, %dma_start3A_68] : memref<2x10000x16xf32, #tpu.memory_space<hbm>> -> memref<1x520x16xf32, #tpu.memory_space<hbm>>
        %dma_start3A_70 = tpu.memref_squeeze %dma_start3A_69 : memref<1x520x16xf32, #tpu.memory_space<hbm>> -> memref<520x16xf32, #tpu.memory_space<hbm>>
        %dma_start3A_71 = arith.constant 9480 : i32
        %dma_start3A_72 = arith.constant 0 : i32
        %dma_start3A_73 = tpu.memref_slice %arg13[%dma_start3A_71, %dma_start3A_72] : memref<10000x16xf32, #tpu.memory_space<vmem_shared>> -> memref<520x16xf32, #tpu.memory_space<vmem_shared>>
        tpu.enqueue_dma source(%dma_start3A_73 : memref<520x16xf32, #tpu.memory_space<vmem_shared>>) target(%dma_start3A_70 : memref<520x16xf32, #tpu.memory_space<hbm>>) target_semaphore(%run_scoped3A : memref<!tpu.dma_semaphore, #tpu.memory_space<semaphore_mem>>)
        %dma_wait3A_74 = arith.constant 9480 : i32
        %dma_wait3A_75 = arith.constant 0 : i32
        %dma_wait3A_76 = tpu.memref_slice %arg11[%arg0, %dma_wait3A_74, %dma_wait3A_75] : memref<2x10000x16xf32, #tpu.memory_space<hbm>> -> memref<1x520x16xf32, #tpu.memory_space<hbm>>
        %dma_wait3A_77 = tpu.memref_squeeze %dma_wait3A_76 : memref<1x520x16xf32, #tpu.memory_space<hbm>> -> memref<520x16xf32, #tpu.memory_space<hbm>>
        %dma_wait3A_78 = arith.constant 9480 : i32
        %dma_wait3A_79 = arith.constant 0 : i32
        %dma_wait3A_80 = tpu.memref_slice %arg13[%dma_wait3A_78, %dma_wait3A_79] : memref<10000x16xf32, #tpu.memory_space<vmem_shared>> -> memref<520x16xf32, #tpu.memory_space<vmem_shared>>
        tpu.wait_dma2 semaphore(%run_scoped3A : memref<!tpu.dma_semaphore, #tpu.memory_space<semaphore_mem>>) src(%dma_wait3A_80 : memref<520x16xf32, #tpu.memory_space<vmem_shared>>) dst(%dma_wait3A_77 : memref<520x16xf32, #tpu.memory_space<hbm>>)
        tpu.yield
      }) : () -> ()
    } else {
    }
    return
  }
}

#map = affine_map<(d0, d1) -> (0)>
#map1 = affine_map<(d0, d1) -> (0, 0)>
#map2 = affine_map<(d0, d1) -> (0, 0, 0)>
module attributes {stable_mosaic.version = 14 : i64} {
  func.func @sc_pass(%arg0: i32, %arg1: i32, %arg2: memref<320000xi32, #tpu.memory_space<hbm>>, %arg3: memref<320000xi32, #tpu.memory_space<hbm>>, %arg4: memref<320000x16xf32, #tpu.memory_space<hbm>>, %arg5: memref<10000x16xf32, #tpu.memory_space<hbm>>, %arg6: memref<10000x16xf32, #tpu.memory_space<hbm>>, %arg7: memref<10000x144xf32, #tpu.memory_space<hbm>>, %arg8: memref<10000x144xf32, #tpu.memory_space<hbm>>, %arg9: memref<10000x16xf32, #tpu.memory_space<hbm>>, %arg10: memref<2x10000x144xf32, #tpu.memory_space<hbm>>, %arg11: memref<2x10000x16xf32, #tpu.memory_space<hbm>>, %arg12: memref<10000x144xf32, #tpu.memory_space<vmem_shared>>, %arg13: memref<10000x16xf32, #tpu.memory_space<vmem_shared>>, %arg14: memref<40xi32, #tpu.memory_space<vmem>>, %arg15: memref<40xi32, #tpu.memory_space<vmem>>, %arg16: memref<40x16xf32, #tpu.memory_space<vmem>>, %arg17: memref<40x16xf32, #tpu.memory_space<vmem>>, %arg18: memref<40x16xf32, #tpu.memory_space<vmem>>, %arg19: memref<40x16xf32, #tpu.memory_space<vmem>>, %arg20: memref<40x144xf32, #tpu.memory_space<vmem>>, %arg21: memref<40xi32, #tpu.memory_space<vmem>>, %arg22: memref<40xi32, #tpu.memory_space<vmem>>, %arg23: memref<40x16xf32, #tpu.memory_space<vmem>>, %arg24: memref<40x16xf32, #tpu.memory_space<vmem>>, %arg25: memref<40x16xf32, #tpu.memory_space<vmem>>, %arg26: memref<40x16xf32, #tpu.memory_space<vmem>>, %arg27: memref<40x144xf32, #tpu.memory_space<vmem>>, %arg28: memref<40xi32, #tpu.memory_space<vmem>>, %arg29: memref<40xi32, #tpu.memory_space<vmem>>, %arg30: memref<40x16xf32, #tpu.memory_space<vmem>>, %arg31: memref<40x16xf32, #tpu.memory_space<vmem>>, %arg32: memref<40x16xf32, #tpu.memory_space<vmem>>, %arg33: memref<40x16xf32, #tpu.memory_space<vmem>>, %arg34: memref<40x144xf32, #tpu.memory_space<vmem>>, %arg35: memref<!tpu.dma_semaphore, #tpu.memory_space<semaphore_mem>>, %arg36: memref<!tpu.dma_semaphore, #tpu.memory_space<semaphore_mem>>, %arg37: memref<!tpu.dma_semaphore, #tpu.memory_space<semaphore_mem>>, %arg38: memref<!tpu.dma_semaphore, #tpu.memory_space<semaphore_mem>>, %arg39: memref<!tpu.dma_semaphore, #tpu.memory_space<semaphore_mem>>, %arg40: memref<!tpu.dma_semaphore, #tpu.memory_space<semaphore_mem>>, %arg41: memref<!tpu.dma_semaphore, #tpu.memory_space<semaphore_mem>>, %arg42: memref<!tpu.dma_semaphore, #tpu.memory_space<semaphore_mem>>, %arg43: memref<!tpu.dma_semaphore, #tpu.memory_space<semaphore_mem>>, %arg44: memref<!tpu.dma_semaphore, #tpu.memory_space<semaphore_mem>>, %arg45: memref<!tpu.dma_semaphore, #tpu.memory_space<semaphore_mem>>, %arg46: memref<!tpu.dma_semaphore, #tpu.memory_space<semaphore_mem>>, %arg47: memref<!tpu.dma_semaphore, #tpu.memory_space<semaphore_mem>>, %arg48: memref<!tpu.dma_semaphore, #tpu.memory_space<semaphore_mem>>, %arg49: memref<!tpu.dma_semaphore, #tpu.memory_space<semaphore_mem>>, %arg50: memref<!tpu.dma_semaphore, #tpu.memory_space<semaphore_mem>>, %arg51: memref<!tpu.dma_semaphore, #tpu.memory_space<semaphore_mem>>, %arg52: memref<!tpu.dma_semaphore, #tpu.memory_space<semaphore_mem>>) attributes {dimension_semantics = [#tpu.dimension_semantics<core_parallel>, #tpu.dimension_semantics<subcore_parallel>], iteration_bounds = array<i64: 2, 16>, scalar_prefetch = 0 : i64, scratch_operands = 41 : i64, tpu.core_type = #tpu.core_type<sc_vector_subcore>, window_params = [{transform_indices = #map}, {transform_indices = #map}, {transform_indices = #map1}, {transform_indices = #map1}, {transform_indices = #map1}, {transform_indices = #map1}, {transform_indices = #map1}, {transform_indices = #map1}, {transform_indices = #map2}, {transform_indices = #map2}]} {
    %lt3A = arith.constant 15 : i32
    %lt3A_0 = arith.cmpi slt, %arg1, %lt3A : i32
    %convert_element_type3A = arith.extui %lt3A_0 : i1 to i32
    %cond3A = arith.constant 0 : i32
    %cond3A_1 = arith.cmpi ne, %convert_element_type3A, %cond3A : i32
    scf.if %cond3A_1 {
      %mul3A_67 = arith.constant 632 : i32
      %mul3A_68 = arith.muli %arg1, %mul3A_67 : i32
      %multiple_of3A = tpu.assume_multiple %mul3A_68, 8 : i32
      "tpu.region"() ({
        %run_scoped3A = tpu.sem_alloc : memref<!tpu.dma_semaphore, #tpu.memory_space<semaphore_mem>>
        %dma_start3A_69 = arith.constant 0 : i32
        %dma_start3A_70 = tpu.memref_slice %arg12[%multiple_of3A, %dma_start3A_69] : memref<10000x144xf32, #tpu.memory_space<vmem_shared>> -> memref<632x144xf32, #tpu.memory_space<vmem_shared>>
        %dma_start3A_71 = arith.constant 0 : i32
        %dma_start3A_72 = tpu.memref_slice %arg8[%multiple_of3A, %dma_start3A_71] : memref<10000x144xf32, #tpu.memory_space<hbm>> -> memref<632x144xf32, #tpu.memory_space<hbm>>
        tpu.enqueue_dma source(%dma_start3A_72 : memref<632x144xf32, #tpu.memory_space<hbm>>) target(%dma_start3A_70 : memref<632x144xf32, #tpu.memory_space<vmem_shared>>) target_semaphore(%run_scoped3A : memref<!tpu.dma_semaphore, #tpu.memory_space<semaphore_mem>>)
        %dma_wait3A_73 = arith.constant 0 : i32
        %dma_wait3A_74 = tpu.memref_slice %arg12[%multiple_of3A, %dma_wait3A_73] : memref<10000x144xf32, #tpu.memory_space<vmem_shared>> -> memref<632x144xf32, #tpu.memory_space<vmem_shared>>
        %dma_wait3A_75 = arith.constant 0 : i32
        %dma_wait3A_76 = tpu.memref_slice %arg8[%multiple_of3A, %dma_wait3A_75] : memref<10000x144xf32, #tpu.memory_space<hbm>> -> memref<632x144xf32, #tpu.memory_space<hbm>>
        tpu.wait_dma2 semaphore(%run_scoped3A : memref<!tpu.dma_semaphore, #tpu.memory_space<semaphore_mem>>) src(%dma_wait3A_76 : memref<632x144xf32, #tpu.memory_space<hbm>>) dst(%dma_wait3A_74 : memref<632x144xf32, #tpu.memory_space<vmem_shared>>)
        tpu.yield
      }) : () -> ()
      "tpu.region"() ({
        %run_scoped3A = tpu.sem_alloc : memref<!tpu.dma_semaphore, #tpu.memory_space<semaphore_mem>>
        %dma_start3A_69 = arith.constant 0 : i32
        %dma_start3A_70 = tpu.memref_slice %arg13[%multiple_of3A, %dma_start3A_69] : memref<10000x16xf32, #tpu.memory_space<vmem_shared>> -> memref<632x16xf32, #tpu.memory_space<vmem_shared>>
        %dma_start3A_71 = arith.constant 0 : i32
        %dma_start3A_72 = tpu.memref_slice %arg9[%multiple_of3A, %dma_start3A_71] : memref<10000x16xf32, #tpu.memory_space<hbm>> -> memref<632x16xf32, #tpu.memory_space<hbm>>
        tpu.enqueue_dma source(%dma_start3A_72 : memref<632x16xf32, #tpu.memory_space<hbm>>) target(%dma_start3A_70 : memref<632x16xf32, #tpu.memory_space<vmem_shared>>) target_semaphore(%run_scoped3A : memref<!tpu.dma_semaphore, #tpu.memory_space<semaphore_mem>>)
        %dma_wait3A_73 = arith.constant 0 : i32
        %dma_wait3A_74 = tpu.memref_slice %arg13[%multiple_of3A, %dma_wait3A_73] : memref<10000x16xf32, #tpu.memory_space<vmem_shared>> -> memref<632x16xf32, #tpu.memory_space<vmem_shared>>
        %dma_wait3A_75 = arith.constant 0 : i32
        %dma_wait3A_76 = tpu.memref_slice %arg9[%multiple_of3A, %dma_wait3A_75] : memref<10000x16xf32, #tpu.memory_space<hbm>> -> memref<632x16xf32, #tpu.memory_space<hbm>>
        tpu.wait_dma2 semaphore(%run_scoped3A : memref<!tpu.dma_semaphore, #tpu.memory_space<semaphore_mem>>) src(%dma_wait3A_76 : memref<632x16xf32, #tpu.memory_space<hbm>>) dst(%dma_wait3A_74 : memref<632x16xf32, #tpu.memory_space<vmem_shared>>)
        tpu.yield
      }) : () -> ()
    } else {
    }
    %eq3A = arith.constant 15 : i32
    %eq3A_2 = arith.cmpi eq, %arg1, %eq3A : i32
    %convert_element_type3A_3 = arith.extui %eq3A_2 : i1 to i32
    %cond3A_4 = arith.constant 0 : i32
    %cond3A_5 = arith.cmpi ne, %convert_element_type3A_3, %cond3A_4 : i32
    scf.if %cond3A_5 {
      "tpu.region"() ({
        %run_scoped3A = tpu.sem_alloc : memref<!tpu.dma_semaphore, #tpu.memory_space<semaphore_mem>>
        %dma_start3A_67 = arith.constant 9480 : i32
        %dma_start3A_68 = arith.constant 0 : i32
        %dma_start3A_69 = tpu.memref_slice %arg12[%dma_start3A_67, %dma_start3A_68] : memref<10000x144xf32, #tpu.memory_space<vmem_shared>> -> memref<520x144xf32, #tpu.memory_space<vmem_shared>>
        %dma_start3A_70 = arith.constant 9480 : i32
        %dma_start3A_71 = arith.constant 0 : i32
        %dma_start3A_72 = tpu.memref_slice %arg8[%dma_start3A_70, %dma_start3A_71] : memref<10000x144xf32, #tpu.memory_space<hbm>> -> memref<520x144xf32, #tpu.memory_space<hbm>>
        tpu.enqueue_dma source(%dma_start3A_72 : memref<520x144xf32, #tpu.memory_space<hbm>>) target(%dma_start3A_69 : memref<520x144xf32, #tpu.memory_space<vmem_shared>>) target_semaphore(%run_scoped3A : memref<!tpu.dma_semaphore, #tpu.memory_space<semaphore_mem>>)
        %dma_wait3A_73 = arith.constant 9480 : i32
        %dma_wait3A_74 = arith.constant 0 : i32
        %dma_wait3A_75 = tpu.memref_slice %arg12[%dma_wait3A_73, %dma_wait3A_74] : memref<10000x144xf32, #tpu.memory_space<vmem_shared>> -> memref<520x144xf32, #tpu.memory_space<vmem_shared>>
        %dma_wait3A_76 = arith.constant 9480 : i32
        %dma_wait3A_77 = arith.constant 0 : i32
        %dma_wait3A_78 = tpu.memref_slice %arg8[%dma_wait3A_76, %dma_wait3A_77] : memref<10000x144xf32, #tpu.memory_space<hbm>> -> memref<520x144xf32, #tpu.memory_space<hbm>>
        tpu.wait_dma2 semaphore(%run_scoped3A : memref<!tpu.dma_semaphore, #tpu.memory_space<semaphore_mem>>) src(%dma_wait3A_78 : memref<520x144xf32, #tpu.memory_space<hbm>>) dst(%dma_wait3A_75 : memref<520x144xf32, #tpu.memory_space<vmem_shared>>)
        tpu.yield
      }) : () -> ()
      "tpu.region"() ({
        %run_scoped3A = tpu.sem_alloc : memref<!tpu.dma_semaphore, #tpu.memory_space<semaphore_mem>>
        %dma_start3A_67 = arith.constant 9480 : i32
        %dma_start3A_68 = arith.constant 0 : i32
        %dma_start3A_69 = tpu.memref_slice %arg13[%dma_start3A_67, %dma_start3A_68] : memref<10000x16xf32, #tpu.memory_space<vmem_shared>> -> memref<520x16xf32, #tpu.memory_space<vmem_shared>>
        %dma_start3A_70 = arith.constant 9480 : i32
        %dma_start3A_71 = arith.constant 0 : i32
        %dma_start3A_72 = tpu.memref_slice %arg9[%dma_start3A_70, %dma_start3A_71] : memref<10000x16xf32, #tpu.memory_space<hbm>> -> memref<520x16xf32, #tpu.memory_space<hbm>>
        tpu.enqueue_dma source(%dma_start3A_72 : memref<520x16xf32, #tpu.memory_space<hbm>>) target(%dma_start3A_69 : memref<520x16xf32, #tpu.memory_space<vmem_shared>>) target_semaphore(%run_scoped3A : memref<!tpu.dma_semaphore, #tpu.memory_space<semaphore_mem>>)
        %dma_wait3A_73 = arith.constant 9480 : i32
        %dma_wait3A_74 = arith.constant 0 : i32
        %dma_wait3A_75 = tpu.memref_slice %arg13[%dma_wait3A_73, %dma_wait3A_74] : memref<10000x16xf32, #tpu.memory_space<vmem_shared>> -> memref<520x16xf32, #tpu.memory_space<vmem_shared>>
        %dma_wait3A_76 = arith.constant 9480 : i32
        %dma_wait3A_77 = arith.constant 0 : i32
        %dma_wait3A_78 = tpu.memref_slice %arg9[%dma_wait3A_76, %dma_wait3A_77] : memref<10000x16xf32, #tpu.memory_space<hbm>> -> memref<520x16xf32, #tpu.memory_space<hbm>>
        tpu.wait_dma2 semaphore(%run_scoped3A : memref<!tpu.dma_semaphore, #tpu.memory_space<semaphore_mem>>) src(%dma_wait3A_78 : memref<520x16xf32, #tpu.memory_space<hbm>>) dst(%dma_wait3A_75 : memref<520x16xf32, #tpu.memory_space<vmem_shared>>)
        tpu.yield
      }) : () -> ()
    } else {
    }
    %barrier3A = arith.constant 0 : index
    tpu.barrier barrier_id(%barrier3A)
    %mul3A = arith.constant 16 : i32
    %mul3A_6 = arith.muli %arg0, %mul3A : i32
    %add3A = arith.addi %mul3A_6, %arg1 : i32
    %mul3A_7 = arith.constant 10000 : i32
    %mul3A_8 = arith.muli %add3A, %mul3A_7 : i32
    %iota3A = tpu.iota {dimensions = array<i32: 0>} : vector<16xi32>
    %shift_right_arithmetic3A = arith.constant 1 : i32
    %shift_right_arithmetic3A_9 = vector.broadcast %shift_right_arithmetic3A : i32 to vector<16xi32>
    %shift_right_arithmetic3A_10 = arith.shrsi %iota3A, %shift_right_arithmetic3A_9 : vector<16xi32>
    %min3A = arith.constant 3 : i32
    %min3A_11 = vector.broadcast %min3A : i32 to vector<16xi32>
    %min3A_12 = arith.minsi %shift_right_arithmetic3A_10, %min3A_11 : vector<16xi32>
    %add3A_13 = arith.constant 4 : i32
    %add3A_14 = vector.broadcast %add3A_13 : i32 to vector<16xi32>
    %add3A_15 = arith.addi %add3A_14, %min3A_12 : vector<16xi32>
    %dma_start3A = tpu.memref_slice %arg2[%mul3A_8] : memref<320000xi32, #tpu.memory_space<hbm>> -> memref<40xi32, #tpu.memory_space<hbm>>
    %dma_start3A_16 = tpu.memref_slice %arg2[%mul3A_8] : memref<320000xi32, #tpu.memory_space<hbm>> -> memref<40xi32, #tpu.memory_space<hbm>>
    tpu.enqueue_dma source(%dma_start3A_16 : memref<40xi32, #tpu.memory_space<hbm>>) target(%arg14 : memref<40xi32, #tpu.memory_space<vmem>>) target_semaphore(%arg35 : memref<!tpu.dma_semaphore, #tpu.memory_space<semaphore_mem>>)
    %dma_start3A_17 = tpu.memref_slice %arg3[%mul3A_8] : memref<320000xi32, #tpu.memory_space<hbm>> -> memref<40xi32, #tpu.memory_space<hbm>>
    %dma_start3A_18 = tpu.memref_slice %arg3[%mul3A_8] : memref<320000xi32, #tpu.memory_space<hbm>> -> memref<40xi32, #tpu.memory_space<hbm>>
    tpu.enqueue_dma source(%dma_start3A_18 : memref<40xi32, #tpu.memory_space<hbm>>) target(%arg15 : memref<40xi32, #tpu.memory_space<vmem>>) target_semaphore(%arg35 : memref<!tpu.dma_semaphore, #tpu.memory_space<semaphore_mem>>)
    %dma_start3A_19 = arith.constant 0 : i32
    %dma_start3A_20 = tpu.memref_slice %arg4[%mul3A_8, %dma_start3A_19] : memref<320000x16xf32, #tpu.memory_space<hbm>> -> memref<40x16xf32, #tpu.memory_space<hbm>>
    %dma_start3A_21 = arith.constant 0 : i32
    %dma_start3A_22 = tpu.memref_slice %arg4[%mul3A_8, %dma_start3A_21] : memref<320000x16xf32, #tpu.memory_space<hbm>> -> memref<40x16xf32, #tpu.memory_space<hbm>>
    tpu.enqueue_dma source(%dma_start3A_22 : memref<40x16xf32, #tpu.memory_space<hbm>>) target(%arg16 : memref<40x16xf32, #tpu.memory_space<vmem>>) target_semaphore(%arg35 : memref<!tpu.dma_semaphore, #tpu.memory_space<semaphore_mem>>)
    %dma_wait3A = tpu.memref_slice %arg2[%mul3A_8] : memref<320000xi32, #tpu.memory_space<hbm>> -> memref<40xi32, #tpu.memory_space<hbm>>
    %dma_wait3A_23 = tpu.memref_slice %arg2[%mul3A_8] : memref<320000xi32, #tpu.memory_space<hbm>> -> memref<40xi32, #tpu.memory_space<hbm>>
    tpu.wait_dma2 semaphore(%arg35 : memref<!tpu.dma_semaphore, #tpu.memory_space<semaphore_mem>>) src(%dma_wait3A_23 : memref<40xi32, #tpu.memory_space<hbm>>) dst(%arg14 : memref<40xi32, #tpu.memory_space<vmem>>)
    %dma_wait3A_24 = tpu.memref_slice %arg3[%mul3A_8] : memref<320000xi32, #tpu.memory_space<hbm>> -> memref<40xi32, #tpu.memory_space<hbm>>
    %dma_wait3A_25 = tpu.memref_slice %arg3[%mul3A_8] : memref<320000xi32, #tpu.memory_space<hbm>> -> memref<40xi32, #tpu.memory_space<hbm>>
    tpu.wait_dma2 semaphore(%arg35 : memref<!tpu.dma_semaphore, #tpu.memory_space<semaphore_mem>>) src(%dma_wait3A_25 : memref<40xi32, #tpu.memory_space<hbm>>) dst(%arg15 : memref<40xi32, #tpu.memory_space<vmem>>)
    %dma_wait3A_26 = arith.constant 0 : i32
    %dma_wait3A_27 = tpu.memref_slice %arg4[%mul3A_8, %dma_wait3A_26] : memref<320000x16xf32, #tpu.memory_space<hbm>> -> memref<40x16xf32, #tpu.memory_space<hbm>>
    %dma_wait3A_28 = arith.constant 0 : i32
    %dma_wait3A_29 = tpu.memref_slice %arg4[%mul3A_8, %dma_wait3A_28] : memref<320000x16xf32, #tpu.memory_space<hbm>> -> memref<40x16xf32, #tpu.memory_space<hbm>>
    tpu.wait_dma2 semaphore(%arg35 : memref<!tpu.dma_semaphore, #tpu.memory_space<semaphore_mem>>) src(%dma_wait3A_29 : memref<40x16xf32, #tpu.memory_space<hbm>>) dst(%arg16 : memref<40x16xf32, #tpu.memory_space<vmem>>)
    %dma_start3A_30 = arith.constant 0 : i32
    %dma_start3A_31 = arith.constant 0 : i32
    %dma_start3A_32 = tpu.memref_slice %arg5[%dma_start3A_30, %dma_start3A_31] : memref<10000x16xf32, #tpu.memory_space<hbm>> -> memref<10000x16xf32, #tpu.memory_space<hbm>>
    tpu.enqueue_indirect_dma source(%dma_start3A_32 : memref<10000x16xf32, #tpu.memory_space<hbm>>) target(%arg17 : memref<40x16xf32, #tpu.memory_space<vmem>>) offsets(%arg14 : memref<40xi32, #tpu.memory_space<vmem>>) semaphore(%arg36 : memref<!tpu.dma_semaphore, #tpu.memory_space<semaphore_mem>>)
    %dma_start3A_33 = arith.constant 0 : i32
    %dma_start3A_34 = arith.constant 0 : i32
    %dma_start3A_35 = tpu.memref_slice %arg6[%dma_start3A_33, %dma_start3A_34] : memref<10000x16xf32, #tpu.memory_space<hbm>> -> memref<10000x16xf32, #tpu.memory_space<hbm>>
    tpu.enqueue_indirect_dma source(%dma_start3A_35 : memref<10000x16xf32, #tpu.memory_space<hbm>>) target(%arg18 : memref<40x16xf32, #tpu.memory_space<vmem>>) offsets(%arg15 : memref<40xi32, #tpu.memory_space<vmem>>) semaphore(%arg37 : memref<!tpu.dma_semaphore, #tpu.memory_space<semaphore_mem>>)
    %dma_start3A_36 = arith.constant 0 : i32
    %dma_start3A_37 = arith.constant 0 : i32
    %dma_start3A_38 = tpu.memref_slice %arg7[%dma_start3A_36, %dma_start3A_37] : memref<10000x144xf32, #tpu.memory_space<hbm>> -> memref<10000x144xf32, #tpu.memory_space<hbm>>
    tpu.enqueue_indirect_dma source(%dma_start3A_38 : memref<10000x144xf32, #tpu.memory_space<hbm>>) target(%arg20 : memref<40x144xf32, #tpu.memory_space<vmem>>) offsets(%arg14 : memref<40xi32, #tpu.memory_space<vmem>>) semaphore(%arg38 : memref<!tpu.dma_semaphore, #tpu.memory_space<semaphore_mem>>)
    %scan3A = arith.constant 0 : i32
    %scan3A_39 = arith.constant 0 : i32
    %scan3A_40 = arith.constant 250 : i32
    %scan3A_41 = arith.addi %scan3A_39, %scan3A_40 : i32
    %scan3A_42 = arith.constant 1 : i32
    scf.for %scan3A_67 = %scan3A_39 to %scan3A_41 step %scan3A_42  : i32 {
      %jit3A = arith.constant 3 : i32
      %eq3A_68 = arith.constant 0 : i32
      %eq3A_69 = arith.cmpi eq, %jit3A, %eq3A_68 : i32
      %jit3A_70 = arith.constant 1 : i32
      %select_n3A = arith.select %eq3A_69, %jit3A_70, %jit3A : i32
      %rem3A = arith.remsi %scan3A_67, %select_n3A : i32
      %ne3A = arith.constant 0 : i32
      %ne3A_71 = arith.cmpi ne, %rem3A, %ne3A : i32
      %lt3A_72 = arith.constant 0 : i32
      %lt3A_73 = arith.cmpi slt, %rem3A, %lt3A_72 : i32
      %lt3A_74 = arith.constant 0 : i32
      %lt3A_75 = arith.cmpi slt, %select_n3A, %lt3A_74 : i32
      %ne3A_76 = arith.xori %lt3A_73, %lt3A_75 : i1
      %and3A = arith.andi %ne3A_76, %ne3A_71 : i1
      %add3A_77 = arith.addi %rem3A, %select_n3A : i32
      %select_n3A_78 = arith.select %and3A, %add3A_77, %rem3A : i32
      %eq3A_79 = arith.constant 0 : i32
      %eq3A_80 = arith.cmpi eq, %select_n3A_78, %eq3A_79 : i32
      %convert_element_type3A_81 = arith.extui %eq3A_80 : i1 to i32
      %cond3A_82 = arith.constant 0 : i32
      %cond3A_83 = arith.cmpi ne, %convert_element_type3A_81, %cond3A_82 : i32
      scf.if %cond3A_83 {
        %add3A_126 = arith.constant 1 : i32
        %add3A_127 = arith.addi %scan3A_67, %add3A_126 : i32
        %mul3A_128 = arith.constant 40 : i32
        %mul3A_129 = arith.muli %add3A_127, %mul3A_128 : i32
        %add3A_130 = arith.addi %mul3A_8, %mul3A_129 : i32
        %ge3A = arith.constant 2 : i32
        %ge3A_131 = arith.cmpi sge, %scan3A_67, %ge3A : i32
        %convert_element_type3A_132 = arith.extui %ge3A_131 : i1 to i32
        %cond3A_133 = arith.constant 0 : i32
        %cond3A_134 = arith.cmpi ne, %convert_element_type3A_132, %cond3A_133 : i32
        scf.if %cond3A_134 {
          %dma_wait3A_163 = arith.constant 0 : i32
          %dma_wait3A_164 = arith.constant 0 : i32
          %dma_wait3A_165 = tpu.memref_slice %arg13[%dma_wait3A_163, %dma_wait3A_164] : memref<10000x16xf32, #tpu.memory_space<vmem_shared>> -> memref<10000x16xf32, #tpu.memory_space<vmem_shared>>
          tpu.wait_indirect_dma semaphore(%arg45 : memref<!tpu.dma_semaphore, #tpu.memory_space<semaphore_mem>>) src(%arg26 : memref<40x16xf32, #tpu.memory_space<vmem>>) dst(%dma_wait3A_165 : memref<10000x16xf32, #tpu.memory_space<vmem_shared>>)
          %dma_wait3A_166 = arith.constant 0 : i32
          %dma_wait3A_167 = arith.constant 0 : i32
          %dma_wait3A_168 = tpu.memref_slice %arg12[%dma_wait3A_166, %dma_wait3A_167] : memref<10000x144xf32, #tpu.memory_space<vmem_shared>> -> memref<10000x144xf32, #tpu.memory_space<vmem_shared>>
          tpu.wait_indirect_dma semaphore(%arg46 : memref<!tpu.dma_semaphore, #tpu.memory_space<semaphore_mem>>) src(%arg27 : memref<40x144xf32, #tpu.memory_space<vmem>>) dst(%dma_wait3A_168 : memref<10000x144xf32, #tpu.memory_space<vmem_shared>>)
        } else {
        }
        %add3A_135 = arith.constant 1 : i32
        %add3A_136 = arith.addi %scan3A_67, %add3A_135 : i32
        %lt3A_137 = arith.constant 250 : i32
        %lt3A_138 = arith.cmpi slt, %add3A_136, %lt3A_137 : i32
        %convert_element_type3A_139 = arith.extui %lt3A_138 : i1 to i32
        %cond3A_140 = arith.constant 0 : i32
        %cond3A_141 = arith.cmpi ne, %convert_element_type3A_139, %cond3A_140 : i32
        scf.if %cond3A_141 {
          %dma_start3A_163 = tpu.memref_slice %arg2[%add3A_130] : memref<320000xi32, #tpu.memory_space<hbm>> -> memref<40xi32, #tpu.memory_space<hbm>>
          %dma_start3A_164 = tpu.memref_slice %arg2[%add3A_130] : memref<320000xi32, #tpu.memory_space<hbm>> -> memref<40xi32, #tpu.memory_space<hbm>>
          tpu.enqueue_dma source(%dma_start3A_164 : memref<40xi32, #tpu.memory_space<hbm>>) target(%arg21 : memref<40xi32, #tpu.memory_space<vmem>>) target_semaphore(%arg41 : memref<!tpu.dma_semaphore, #tpu.memory_space<semaphore_mem>>)
          %dma_start3A_165 = tpu.memref_slice %arg3[%add3A_130] : memref<320000xi32, #tpu.memory_space<hbm>> -> memref<40xi32, #tpu.memory_space<hbm>>
          %dma_start3A_166 = tpu.memref_slice %arg3[%add3A_130] : memref<320000xi32, #tpu.memory_space<hbm>> -> memref<40xi32, #tpu.memory_space<hbm>>
          tpu.enqueue_dma source(%dma_start3A_166 : memref<40xi32, #tpu.memory_space<hbm>>) target(%arg22 : memref<40xi32, #tpu.memory_space<vmem>>) target_semaphore(%arg41 : memref<!tpu.dma_semaphore, #tpu.memory_space<semaphore_mem>>)
          %dma_start3A_167 = arith.constant 0 : i32
          %dma_start3A_168 = tpu.memref_slice %arg4[%add3A_130, %dma_start3A_167] : memref<320000x16xf32, #tpu.memory_space<hbm>> -> memref<40x16xf32, #tpu.memory_space<hbm>>
          %dma_start3A_169 = arith.constant 0 : i32
          %dma_start3A_170 = tpu.memref_slice %arg4[%add3A_130, %dma_start3A_169] : memref<320000x16xf32, #tpu.memory_space<hbm>> -> memref<40x16xf32, #tpu.memory_space<hbm>>
          tpu.enqueue_dma source(%dma_start3A_170 : memref<40x16xf32, #tpu.memory_space<hbm>>) target(%arg23 : memref<40x16xf32, #tpu.memory_space<vmem>>) target_semaphore(%arg41 : memref<!tpu.dma_semaphore, #tpu.memory_space<semaphore_mem>>)
          %dma_wait3A_171 = tpu.memref_slice %arg2[%add3A_130] : memref<320000xi32, #tpu.memory_space<hbm>> -> memref<40xi32, #tpu.memory_space<hbm>>
          %dma_wait3A_172 = tpu.memref_slice %arg2[%add3A_130] : memref<320000xi32, #tpu.memory_space<hbm>> -> memref<40xi32, #tpu.memory_space<hbm>>
          tpu.wait_dma2 semaphore(%arg41 : memref<!tpu.dma_semaphore, #tpu.memory_space<semaphore_mem>>) src(%dma_wait3A_172 : memref<40xi32, #tpu.memory_space<hbm>>) dst(%arg21 : memref<40xi32, #tpu.memory_space<vmem>>)
          %dma_wait3A_173 = tpu.memref_slice %arg3[%add3A_130] : memref<320000xi32, #tpu.memory_space<hbm>> -> memref<40xi32, #tpu.memory_space<hbm>>
          %dma_wait3A_174 = tpu.memref_slice %arg3[%add3A_130] : memref<320000xi32, #tpu.memory_space<hbm>> -> memref<40xi32, #tpu.memory_space<hbm>>
          tpu.wait_dma2 semaphore(%arg41 : memref<!tpu.dma_semaphore, #tpu.memory_space<semaphore_mem>>) src(%dma_wait3A_174 : memref<40xi32, #tpu.memory_space<hbm>>) dst(%arg22 : memref<40xi32, #tpu.memory_space<vmem>>)
          %dma_wait3A_175 = arith.constant 0 : i32
          %dma_wait3A_176 = tpu.memref_slice %arg4[%add3A_130, %dma_wait3A_175] : memref<320000x16xf32, #tpu.memory_space<hbm>> -> memref<40x16xf32, #tpu.memory_space<hbm>>
          %dma_wait3A_177 = arith.constant 0 : i32
          %dma_wait3A_178 = tpu.memref_slice %arg4[%add3A_130, %dma_wait3A_177] : memref<320000x16xf32, #tpu.memory_space<hbm>> -> memref<40x16xf32, #tpu.memory_space<hbm>>
          tpu.wait_dma2 semaphore(%arg41 : memref<!tpu.dma_semaphore, #tpu.memory_space<semaphore_mem>>) src(%dma_wait3A_178 : memref<40x16xf32, #tpu.memory_space<hbm>>) dst(%arg23 : memref<40x16xf32, #tpu.memory_space<vmem>>)
          %dma_start3A_179 = arith.constant 0 : i32
          %dma_start3A_180 = arith.constant 0 : i32
          %dma_start3A_181 = tpu.memref_slice %arg5[%dma_start3A_179, %dma_start3A_180] : memref<10000x16xf32, #tpu.memory_space<hbm>> -> memref<10000x16xf32, #tpu.memory_space<hbm>>
          tpu.enqueue_indirect_dma source(%dma_start3A_181 : memref<10000x16xf32, #tpu.memory_space<hbm>>) target(%arg24 : memref<40x16xf32, #tpu.memory_space<vmem>>) offsets(%arg21 : memref<40xi32, #tpu.memory_space<vmem>>) semaphore(%arg42 : memref<!tpu.dma_semaphore, #tpu.memory_space<semaphore_mem>>)
          %dma_start3A_182 = arith.constant 0 : i32
          %dma_start3A_183 = arith.constant 0 : i32
          %dma_start3A_184 = tpu.memref_slice %arg6[%dma_start3A_182, %dma_start3A_183] : memref<10000x16xf32, #tpu.memory_space<hbm>> -> memref<10000x16xf32, #tpu.memory_space<hbm>>
          tpu.enqueue_indirect_dma source(%dma_start3A_184 : memref<10000x16xf32, #tpu.memory_space<hbm>>) target(%arg25 : memref<40x16xf32, #tpu.memory_space<vmem>>) offsets(%arg22 : memref<40xi32, #tpu.memory_space<vmem>>) semaphore(%arg43 : memref<!tpu.dma_semaphore, #tpu.memory_space<semaphore_mem>>)
          %dma_start3A_185 = arith.constant 0 : i32
          %dma_start3A_186 = arith.constant 0 : i32
          %dma_start3A_187 = tpu.memref_slice %arg7[%dma_start3A_185, %dma_start3A_186] : memref<10000x144xf32, #tpu.memory_space<hbm>> -> memref<10000x144xf32, #tpu.memory_space<hbm>>
          tpu.enqueue_indirect_dma source(%dma_start3A_187 : memref<10000x144xf32, #tpu.memory_space<hbm>>) target(%arg27 : memref<40x144xf32, #tpu.memory_space<vmem>>) offsets(%arg21 : memref<40xi32, #tpu.memory_space<vmem>>) semaphore(%arg44 : memref<!tpu.dma_semaphore, #tpu.memory_space<semaphore_mem>>)
        } else {
        }
        %dma_wait3A_142 = arith.constant 0 : i32
        %dma_wait3A_143 = arith.constant 0 : i32
        %dma_wait3A_144 = tpu.memref_slice %arg5[%dma_wait3A_142, %dma_wait3A_143] : memref<10000x16xf32, #tpu.memory_space<hbm>> -> memref<10000x16xf32, #tpu.memory_space<hbm>>
        tpu.wait_indirect_dma semaphore(%arg36 : memref<!tpu.dma_semaphore, #tpu.memory_space<semaphore_mem>>) src(%dma_wait3A_144 : memref<10000x16xf32, #tpu.memory_space<hbm>>) dst(%arg17 : memref<40x16xf32, #tpu.memory_space<vmem>>)
        %dma_wait3A_145 = arith.constant 0 : i32
        %dma_wait3A_146 = arith.constant 0 : i32
        %dma_wait3A_147 = tpu.memref_slice %arg6[%dma_wait3A_145, %dma_wait3A_146] : memref<10000x16xf32, #tpu.memory_space<hbm>> -> memref<10000x16xf32, #tpu.memory_space<hbm>>
        tpu.wait_indirect_dma semaphore(%arg37 : memref<!tpu.dma_semaphore, #tpu.memory_space<semaphore_mem>>) src(%dma_wait3A_147 : memref<10000x16xf32, #tpu.memory_space<hbm>>) dst(%arg18 : memref<40x16xf32, #tpu.memory_space<vmem>>)
        %dma_wait3A_148 = arith.constant 0 : i32
        %dma_wait3A_149 = arith.constant 0 : i32
        %dma_wait3A_150 = tpu.memref_slice %arg7[%dma_wait3A_148, %dma_wait3A_149] : memref<10000x144xf32, #tpu.memory_space<hbm>> -> memref<10000x144xf32, #tpu.memory_space<hbm>>
        tpu.wait_indirect_dma semaphore(%arg38 : memref<!tpu.dma_semaphore, #tpu.memory_space<semaphore_mem>>) src(%dma_wait3A_150 : memref<10000x144xf32, #tpu.memory_space<hbm>>) dst(%arg20 : memref<40x144xf32, #tpu.memory_space<vmem>>)
        %scan3A_151 = arith.constant 0 : i32
        %scan3A_152 = arith.constant 0 : i32
        %scan3A_153 = arith.constant 40 : i32
        %scan3A_154 = arith.addi %scan3A_152, %scan3A_153 : i32
        %scan3A_155 = arith.constant 1 : i32
        scf.for %scan3A_163 = %scan3A_152 to %scan3A_154 step %scan3A_155  : i32 {
          %get3A = arith.index_cast %scan3A_163 : i32 to index
          %get3A_164 = arith.constant 0 : index
          %get3A_165 = tpu.vector_load %arg17[%get3A, %get3A_164] {strides = array<i32>} : memref<40x16xf32, #tpu.memory_space<vmem>>, vector<16xf32>,
          %get3A_166 = arith.index_cast %scan3A_163 : i32 to index
          %get3A_167 = arith.constant 0 : index
          %get3A_168 = tpu.vector_load %arg18[%get3A_166, %get3A_167] {strides = array<i32>} : memref<40x16xf32, #tpu.memory_space<vmem>>, vector<16xf32>,
          %add3A_169 = arith.addf %get3A_165, %get3A_168 : vector<16xf32>
          %get3A_170 = arith.index_cast %scan3A_163 : i32 to index
          %get3A_171 = arith.constant 0 : index
          %get3A_172 = tpu.vector_load %arg16[%get3A_170, %get3A_171] {strides = array<i32>} : memref<40x16xf32, #tpu.memory_space<vmem>>, vector<16xf32>,
          %add3A_173 = arith.addf %add3A_169, %get3A_172 : vector<16xf32>
          %gt3A = arith.constant 0.000000e+00 : f32
          %gt3A_174 = vector.broadcast %gt3A : f32 to vector<16xf32>
          %gt3A_175 = arith.cmpf ogt, %add3A_173, %gt3A_174 : vector<16xf32>
          %mul3A_176 = arith.constant 2.000000e-01 : f32
          %mul3A_177 = vector.broadcast %mul3A_176 : f32 to vector<16xf32>
          %mul3A_178 = arith.mulf %add3A_173, %mul3A_177 : vector<16xf32>
          %select_n3A_179 = arith.select %gt3A_175, %add3A_173, %mul3A_178 : vector<16xi1>, vector<16xf32>
          %exp3A = math.exp %select_n3A_179 : vector<16xf32>
          %swap3A = arith.index_cast %scan3A_163 : i32 to index
          %swap3A_180 = arith.constant 0 : index
          %swap3A_181 = tpu.vector_load %arg19[%swap3A, %swap3A_180] {strides = array<i32>} : memref<40x16xf32, #tpu.memory_space<vmem>>, vector<16xf32>,
          tpu.vector_store %arg19[%swap3A, %swap3A_180], %exp3A {strides = array<i32>} : memref<40x16xf32, #tpu.memory_space<vmem>>, vector<16xf32>,
          %broadcast_in_dim3A = vector.broadcast %scan3A_163 : i32 to vector<16xi32>
          %broadcast_in_dim3A_182 = arith.constant 0 : i32
          %broadcast_in_dim3A_183 = vector.broadcast %broadcast_in_dim3A_182 : i32 to vector<16xi32>
          %gather3A = tpu.vector_load_idx %arg19[%broadcast_in_dim3A, %broadcast_in_dim3A_183] : memref<40x16xf32, #tpu.memory_space<vmem>>[vector<16xi32>, vector<16xi32>], vector<16xf32>,
          %get3A_184 = arith.index_cast %scan3A_163 : i32 to index
          %get3A_185 = arith.constant 0 : index
          %get3A_186 = tpu.vector_load %arg20[%get3A_184, %get3A_185] {strides = array<i32>} : memref<40x144xf32, #tpu.memory_space<vmem>>, vector<16xf32>,
          %mul3A_187 = arith.mulf %get3A_186, %gather3A : vector<16xf32>
          %swap3A_188 = arith.index_cast %scan3A_163 : i32 to index
          %swap3A_189 = arith.constant 0 : index
          %swap3A_190 = tpu.vector_load %arg20[%swap3A_188, %swap3A_189] {strides = array<i32>} : memref<40x144xf32, #tpu.memory_space<vmem>>, vector<16xf32>,
          tpu.vector_store %arg20[%swap3A_188, %swap3A_189], %mul3A_187 {strides = array<i32>} : memref<40x144xf32, #tpu.memory_space<vmem>>, vector<16xf32>,
          %get3A_191 = arith.index_cast %scan3A_163 : i32 to index
          %get3A_192 = arith.constant 16 : index
          %get3A_193 = tpu.vector_load %arg20[%get3A_191, %get3A_192] {strides = array<i32>} : memref<40x144xf32, #tpu.memory_space<vmem>>, vector<16xf32>,
          %mul3A_194 = arith.mulf %get3A_193, %gather3A : vector<16xf32>
          %swap3A_195 = arith.index_cast %scan3A_163 : i32 to index
          %swap3A_196 = arith.constant 16 : index
          %swap3A_197 = tpu.vector_load %arg20[%swap3A_195, %swap3A_196] {strides = array<i32>} : memref<40x144xf32, #tpu.memory_space<vmem>>, vector<16xf32>,
          tpu.vector_store %arg20[%swap3A_195, %swap3A_196], %mul3A_194 {strides = array<i32>} : memref<40x144xf32, #tpu.memory_space<vmem>>, vector<16xf32>,
          %broadcast_in_dim3A_198 = arith.constant 1 : i32
          %broadcast_in_dim3A_199 = vector.broadcast %broadcast_in_dim3A_198 : i32 to vector<16xi32>
          %gather3A_200 = tpu.vector_load_idx %arg19[%broadcast_in_dim3A, %broadcast_in_dim3A_199] : memref<40x16xf32, #tpu.memory_space<vmem>>[vector<16xi32>, vector<16xi32>], vector<16xf32>,
          %get3A_201 = arith.index_cast %scan3A_163 : i32 to index
          %get3A_202 = arith.constant 32 : index
          %get3A_203 = tpu.vector_load %arg20[%get3A_201, %get3A_202] {strides = array<i32>} : memref<40x144xf32, #tpu.memory_space<vmem>>, vector<16xf32>,
          %mul3A_204 = arith.mulf %get3A_203, %gather3A_200 : vector<16xf32>
          %swap3A_205 = arith.index_cast %scan3A_163 : i32 to index
          %swap3A_206 = arith.constant 32 : index
          %swap3A_207 = tpu.vector_load %arg20[%swap3A_205, %swap3A_206] {strides = array<i32>} : memref<40x144xf32, #tpu.memory_space<vmem>>, vector<16xf32>,
          tpu.vector_store %arg20[%swap3A_205, %swap3A_206], %mul3A_204 {strides = array<i32>} : memref<40x144xf32, #tpu.memory_space<vmem>>, vector<16xf32>,
          %get3A_208 = arith.index_cast %scan3A_163 : i32 to index
          %get3A_209 = arith.constant 48 : index
          %get3A_210 = tpu.vector_load %arg20[%get3A_208, %get3A_209] {strides = array<i32>} : memref<40x144xf32, #tpu.memory_space<vmem>>, vector<16xf32>,
          %mul3A_211 = arith.mulf %get3A_210, %gather3A_200 : vector<16xf32>
          %swap3A_212 = arith.index_cast %scan3A_163 : i32 to index
          %swap3A_213 = arith.constant 48 : index
          %swap3A_214 = tpu.vector_load %arg20[%swap3A_212, %swap3A_213] {strides = array<i32>} : memref<40x144xf32, #tpu.memory_space<vmem>>, vector<16xf32>,
          tpu.vector_store %arg20[%swap3A_212, %swap3A_213], %mul3A_211 {strides = array<i32>} : memref<40x144xf32, #tpu.memory_space<vmem>>, vector<16xf32>,
          %broadcast_in_dim3A_215 = arith.constant 2 : i32
          %broadcast_in_dim3A_216 = vector.broadcast %broadcast_in_dim3A_215 : i32 to vector<16xi32>
          %gather3A_217 = tpu.vector_load_idx %arg19[%broadcast_in_dim3A, %broadcast_in_dim3A_216] : memref<40x16xf32, #tpu.memory_space<vmem>>[vector<16xi32>, vector<16xi32>], vector<16xf32>,
          %get3A_218 = arith.index_cast %scan3A_163 : i32 to index
          %get3A_219 = arith.constant 64 : index
          %get3A_220 = tpu.vector_load %arg20[%get3A_218, %get3A_219] {strides = array<i32>} : memref<40x144xf32, #tpu.memory_space<vmem>>, vector<16xf32>,
          %mul3A_221 = arith.mulf %get3A_220, %gather3A_217 : vector<16xf32>
          %swap3A_222 = arith.index_cast %scan3A_163 : i32 to index
          %swap3A_223 = arith.constant 64 : index
          %swap3A_224 = tpu.vector_load %arg20[%swap3A_222, %swap3A_223] {strides = array<i32>} : memref<40x144xf32, #tpu.memory_space<vmem>>, vector<16xf32>,
          tpu.vector_store %arg20[%swap3A_222, %swap3A_223], %mul3A_221 {strides = array<i32>} : memref<40x144xf32, #tpu.memory_space<vmem>>, vector<16xf32>,
          %get3A_225 = arith.index_cast %scan3A_163 : i32 to index
          %get3A_226 = arith.constant 80 : index
          %get3A_227 = tpu.vector_load %arg20[%get3A_225, %get3A_226] {strides = array<i32>} : memref<40x144xf32, #tpu.memory_space<vmem>>, vector<16xf32>,
          %mul3A_228 = arith.mulf %get3A_227, %gather3A_217 : vector<16xf32>
          %swap3A_229 = arith.index_cast %scan3A_163 : i32 to index
          %swap3A_230 = arith.constant 80 : index
          %swap3A_231 = tpu.vector_load %arg20[%swap3A_229, %swap3A_230] {strides = array<i32>} : memref<40x144xf32, #tpu.memory_space<vmem>>, vector<16xf32>,
          tpu.vector_store %arg20[%swap3A_229, %swap3A_230], %mul3A_228 {strides = array<i32>} : memref<40x144xf32, #tpu.memory_space<vmem>>, vector<16xf32>,
          %broadcast_in_dim3A_232 = arith.constant 3 : i32
          %broadcast_in_dim3A_233 = vector.broadcast %broadcast_in_dim3A_232 : i32 to vector<16xi32>
          %gather3A_234 = tpu.vector_load_idx %arg19[%broadcast_in_dim3A, %broadcast_in_dim3A_233] : memref<40x16xf32, #tpu.memory_space<vmem>>[vector<16xi32>, vector<16xi32>], vector<16xf32>,
          %get3A_235 = arith.index_cast %scan3A_163 : i32 to index
          %get3A_236 = arith.constant 96 : index
          %get3A_237 = tpu.vector_load %arg20[%get3A_235, %get3A_236] {strides = array<i32>} : memref<40x144xf32, #tpu.memory_space<vmem>>, vector<16xf32>,
          %mul3A_238 = arith.mulf %get3A_237, %gather3A_234 : vector<16xf32>
          %swap3A_239 = arith.index_cast %scan3A_163 : i32 to index
          %swap3A_240 = arith.constant 96 : index
          %swap3A_241 = tpu.vector_load %arg20[%swap3A_239, %swap3A_240] {strides = array<i32>} : memref<40x144xf32, #tpu.memory_space<vmem>>, vector<16xf32>,
          tpu.vector_store %arg20[%swap3A_239, %swap3A_240], %mul3A_238 {strides = array<i32>} : memref<40x144xf32, #tpu.memory_space<vmem>>, vector<16xf32>,
          %get3A_242 = arith.index_cast %scan3A_163 : i32 to index
          %get3A_243 = arith.constant 112 : index
          %get3A_244 = tpu.vector_load %arg20[%get3A_242, %get3A_243] {strides = array<i32>} : memref<40x144xf32, #tpu.memory_space<vmem>>, vector<16xf32>,
          %mul3A_245 = arith.mulf %get3A_244, %gather3A_234 : vector<16xf32>
          %swap3A_246 = arith.index_cast %scan3A_163 : i32 to index
          %swap3A_247 = arith.constant 112 : index
          %swap3A_248 = tpu.vector_load %arg20[%swap3A_246, %swap3A_247] {strides = array<i32>} : memref<40x144xf32, #tpu.memory_space<vmem>>, vector<16xf32>,
          tpu.vector_store %arg20[%swap3A_246, %swap3A_247], %mul3A_245 {strides = array<i32>} : memref<40x144xf32, #tpu.memory_space<vmem>>, vector<16xf32>,
          %gather3A_249 = tpu.vector_load_idx %arg19[%broadcast_in_dim3A, %add3A_15] : memref<40x16xf32, #tpu.memory_space<vmem>>[vector<16xi32>, vector<16xi32>], vector<16xf32>,
          %get3A_250 = arith.index_cast %scan3A_163 : i32 to index
          %get3A_251 = arith.constant 128 : index
          %get3A_252 = tpu.vector_load %arg20[%get3A_250, %get3A_251] {strides = array<i32>} : memref<40x144xf32, #tpu.memory_space<vmem>>, vector<16xf32>,
          %mul3A_253 = arith.mulf %get3A_252, %gather3A_249 : vector<16xf32>
          %swap3A_254 = arith.index_cast %scan3A_163 : i32 to index
          %swap3A_255 = arith.constant 128 : index
          %swap3A_256 = tpu.vector_load %arg20[%swap3A_254, %swap3A_255] {strides = array<i32>} : memref<40x144xf32, #tpu.memory_space<vmem>>, vector<16xf32>,
          tpu.vector_store %arg20[%swap3A_254, %swap3A_255], %mul3A_253 {strides = array<i32>} : memref<40x144xf32, #tpu.memory_space<vmem>>, vector<16xf32>,
        }
        %scan3A_156 = arith.constant 40 : i32
        %dma_start3A_157 = arith.constant 0 : i32
        %dma_start3A_158 = arith.constant 0 : i32
        %dma_start3A_159 = tpu.memref_slice %arg13[%dma_start3A_157, %dma_start3A_158] : memref<10000x16xf32, #tpu.memory_space<vmem_shared>> -> memref<10000x16xf32, #tpu.memory_space<vmem_shared>>
        tpu.enqueue_indirect_dma source(%arg19 : memref<40x16xf32, #tpu.memory_space<vmem>>) target(%dma_start3A_159 : memref<10000x16xf32, #tpu.memory_space<vmem_shared>>) offsets(%arg15 : memref<40xi32, #tpu.memory_space<vmem>>) semaphore(%arg39 : memref<!tpu.dma_semaphore, #tpu.memory_space<semaphore_mem>>) {add = true}
        %dma_start3A_160 = arith.constant 0 : i32
        %dma_start3A_161 = arith.constant 0 : i32
        %dma_start3A_162 = tpu.memref_slice %arg12[%dma_start3A_160, %dma_start3A_161] : memref<10000x144xf32, #tpu.memory_space<vmem_shared>> -> memref<10000x144xf32, #tpu.memory_space<vmem_shared>>
        tpu.enqueue_indirect_dma source(%arg20 : memref<40x144xf32, #tpu.memory_space<vmem>>) target(%dma_start3A_162 : memref<10000x144xf32, #tpu.memory_space<vmem_shared>>) offsets(%arg15 : memref<40xi32, #tpu.memory_space<vmem>>) semaphore(%arg40 : memref<!tpu.dma_semaphore, #tpu.memory_space<semaphore_mem>>) {add = true}
      } else {
      }
      %jit3A_84 = arith.constant 3 : i32
      %eq3A_85 = arith.constant 0 : i32
      %eq3A_86 = arith.cmpi eq, %jit3A_84, %eq3A_85 : i32
      %jit3A_87 = arith.constant 1 : i32
      %select_n3A_88 = arith.select %eq3A_86, %jit3A_87, %jit3A_84 : i32
      %rem3A_89 = arith.remsi %scan3A_67, %select_n3A_88 : i32
      %ne3A_90 = arith.constant 0 : i32
      %ne3A_91 = arith.cmpi ne, %rem3A_89, %ne3A_90 : i32
      %lt3A_92 = arith.constant 0 : i32
      %lt3A_93 = arith.cmpi slt, %rem3A_89, %lt3A_92 : i32
      %lt3A_94 = arith.constant 0 : i32
      %lt3A_95 = arith.cmpi slt, %select_n3A_88, %lt3A_94 : i32
      %ne3A_96 = arith.xori %lt3A_93, %lt3A_95 : i1
      %and3A_97 = arith.andi %ne3A_96, %ne3A_91 : i1
      %add3A_98 = arith.addi %rem3A_89, %select_n3A_88 : i32
      %select_n3A_99 = arith.select %and3A_97, %add3A_98, %rem3A_89 : i32
      %eq3A_100 = arith.constant 1 : i32
      %eq3A_101 = arith.cmpi eq, %select_n3A_99, %eq3A_100 : i32
      %convert_element_type3A_102 = arith.extui %eq3A_101 : i1 to i32
      %cond3A_103 = arith.constant 0 : i32
      %cond3A_104 = arith.cmpi ne, %convert_element_type3A_102, %cond3A_103 : i32
      scf.if %cond3A_104 {
        %add3A_126 = arith.constant 1 : i32
        %add3A_127 = arith.addi %scan3A_67, %add3A_126 : i32
        %mul3A_128 = arith.constant 40 : i32
        %mul3A_129 = arith.muli %add3A_127, %mul3A_128 : i32
        %add3A_130 = arith.addi %mul3A_8, %mul3A_129 : i32
        %ge3A = arith.constant 2 : i32
        %ge3A_131 = arith.cmpi sge, %scan3A_67, %ge3A : i32
        %convert_element_type3A_132 = arith.extui %ge3A_131 : i1 to i32
        %cond3A_133 = arith.constant 0 : i32
        %cond3A_134 = arith.cmpi ne, %convert_element_type3A_132, %cond3A_133 : i32
        scf.if %cond3A_134 {
          %dma_wait3A_163 = arith.constant 0 : i32
          %dma_wait3A_164 = arith.constant 0 : i32
          %dma_wait3A_165 = tpu.memref_slice %arg13[%dma_wait3A_163, %dma_wait3A_164] : memref<10000x16xf32, #tpu.memory_space<vmem_shared>> -> memref<10000x16xf32, #tpu.memory_space<vmem_shared>>
          tpu.wait_indirect_dma semaphore(%arg51 : memref<!tpu.dma_semaphore, #tpu.memory_space<semaphore_mem>>) src(%arg33 : memref<40x16xf32, #tpu.memory_space<vmem>>) dst(%dma_wait3A_165 : memref<10000x16xf32, #tpu.memory_space<vmem_shared>>)
          %dma_wait3A_166 = arith.constant 0 : i32
          %dma_wait3A_167 = arith.constant 0 : i32
          %dma_wait3A_168 = tpu.memref_slice %arg12[%dma_wait3A_166, %dma_wait3A_167] : memref<10000x144xf32, #tpu.memory_space<vmem_shared>> -> memref<10000x144xf32, #tpu.memory_space<vmem_shared>>
          tpu.wait_indirect_dma semaphore(%arg52 : memref<!tpu.dma_semaphore, #tpu.memory_space<semaphore_mem>>) src(%arg34 : memref<40x144xf32, #tpu.memory_space<vmem>>) dst(%dma_wait3A_168 : memref<10000x144xf32, #tpu.memory_space<vmem_shared>>)
        } else {
        }
        %add3A_135 = arith.constant 1 : i32
        %add3A_136 = arith.addi %scan3A_67, %add3A_135 : i32
        %lt3A_137 = arith.constant 250 : i32
        %lt3A_138 = arith.cmpi slt, %add3A_136, %lt3A_137 : i32
        %convert_element_type3A_139 = arith.extui %lt3A_138 : i1 to i32
        %cond3A_140 = arith.constant 0 : i32
        %cond3A_141 = arith.cmpi ne, %convert_element_type3A_139, %cond3A_140 : i32
        scf.if %cond3A_141 {
          %dma_start3A_163 = tpu.memref_slice %arg2[%add3A_130] : memref<320000xi32, #tpu.memory_space<hbm>> -> memref<40xi32, #tpu.memory_space<hbm>>
          %dma_start3A_164 = tpu.memref_slice %arg2[%add3A_130] : memref<320000xi32, #tpu.memory_space<hbm>> -> memref<40xi32, #tpu.memory_space<hbm>>
          tpu.enqueue_dma source(%dma_start3A_164 : memref<40xi32, #tpu.memory_space<hbm>>) target(%arg28 : memref<40xi32, #tpu.memory_space<vmem>>) target_semaphore(%arg47 : memref<!tpu.dma_semaphore, #tpu.memory_space<semaphore_mem>>)
          %dma_start3A_165 = tpu.memref_slice %arg3[%add3A_130] : memref<320000xi32, #tpu.memory_space<hbm>> -> memref<40xi32, #tpu.memory_space<hbm>>
          %dma_start3A_166 = tpu.memref_slice %arg3[%add3A_130] : memref<320000xi32, #tpu.memory_space<hbm>> -> memref<40xi32, #tpu.memory_space<hbm>>
          tpu.enqueue_dma source(%dma_start3A_166 : memref<40xi32, #tpu.memory_space<hbm>>) target(%arg29 : memref<40xi32, #tpu.memory_space<vmem>>) target_semaphore(%arg47 : memref<!tpu.dma_semaphore, #tpu.memory_space<semaphore_mem>>)
          %dma_start3A_167 = arith.constant 0 : i32
          %dma_start3A_168 = tpu.memref_slice %arg4[%add3A_130, %dma_start3A_167] : memref<320000x16xf32, #tpu.memory_space<hbm>> -> memref<40x16xf32, #tpu.memory_space<hbm>>
          %dma_start3A_169 = arith.constant 0 : i32
          %dma_start3A_170 = tpu.memref_slice %arg4[%add3A_130, %dma_start3A_169] : memref<320000x16xf32, #tpu.memory_space<hbm>> -> memref<40x16xf32, #tpu.memory_space<hbm>>
          tpu.enqueue_dma source(%dma_start3A_170 : memref<40x16xf32, #tpu.memory_space<hbm>>) target(%arg30 : memref<40x16xf32, #tpu.memory_space<vmem>>) target_semaphore(%arg47 : memref<!tpu.dma_semaphore, #tpu.memory_space<semaphore_mem>>)
          %dma_wait3A_171 = tpu.memref_slice %arg2[%add3A_130] : memref<320000xi32, #tpu.memory_space<hbm>> -> memref<40xi32, #tpu.memory_space<hbm>>
          %dma_wait3A_172 = tpu.memref_slice %arg2[%add3A_130] : memref<320000xi32, #tpu.memory_space<hbm>> -> memref<40xi32, #tpu.memory_space<hbm>>
          tpu.wait_dma2 semaphore(%arg47 : memref<!tpu.dma_semaphore, #tpu.memory_space<semaphore_mem>>) src(%dma_wait3A_172 : memref<40xi32, #tpu.memory_space<hbm>>) dst(%arg28 : memref<40xi32, #tpu.memory_space<vmem>>)
          %dma_wait3A_173 = tpu.memref_slice %arg3[%add3A_130] : memref<320000xi32, #tpu.memory_space<hbm>> -> memref<40xi32, #tpu.memory_space<hbm>>
          %dma_wait3A_174 = tpu.memref_slice %arg3[%add3A_130] : memref<320000xi32, #tpu.memory_space<hbm>> -> memref<40xi32, #tpu.memory_space<hbm>>
          tpu.wait_dma2 semaphore(%arg47 : memref<!tpu.dma_semaphore, #tpu.memory_space<semaphore_mem>>) src(%dma_wait3A_174 : memref<40xi32, #tpu.memory_space<hbm>>) dst(%arg29 : memref<40xi32, #tpu.memory_space<vmem>>)
          %dma_wait3A_175 = arith.constant 0 : i32
          %dma_wait3A_176 = tpu.memref_slice %arg4[%add3A_130, %dma_wait3A_175] : memref<320000x16xf32, #tpu.memory_space<hbm>> -> memref<40x16xf32, #tpu.memory_space<hbm>>
          %dma_wait3A_177 = arith.constant 0 : i32
          %dma_wait3A_178 = tpu.memref_slice %arg4[%add3A_130, %dma_wait3A_177] : memref<320000x16xf32, #tpu.memory_space<hbm>> -> memref<40x16xf32, #tpu.memory_space<hbm>>
          tpu.wait_dma2 semaphore(%arg47 : memref<!tpu.dma_semaphore, #tpu.memory_space<semaphore_mem>>) src(%dma_wait3A_178 : memref<40x16xf32, #tpu.memory_space<hbm>>) dst(%arg30 : memref<40x16xf32, #tpu.memory_space<vmem>>)
          %dma_start3A_179 = arith.constant 0 : i32
          %dma_start3A_180 = arith.constant 0 : i32
          %dma_start3A_181 = tpu.memref_slice %arg5[%dma_start3A_179, %dma_start3A_180] : memref<10000x16xf32, #tpu.memory_space<hbm>> -> memref<10000x16xf32, #tpu.memory_space<hbm>>
          tpu.enqueue_indirect_dma source(%dma_start3A_181 : memref<10000x16xf32, #tpu.memory_space<hbm>>) target(%arg31 : memref<40x16xf32, #tpu.memory_space<vmem>>) offsets(%arg28 : memref<40xi32, #tpu.memory_space<vmem>>) semaphore(%arg48 : memref<!tpu.dma_semaphore, #tpu.memory_space<semaphore_mem>>)
          %dma_start3A_182 = arith.constant 0 : i32
          %dma_start3A_183 = arith.constant 0 : i32
          %dma_start3A_184 = tpu.memref_slice %arg6[%dma_start3A_182, %dma_start3A_183] : memref<10000x16xf32, #tpu.memory_space<hbm>> -> memref<10000x16xf32, #tpu.memory_space<hbm>>
          tpu.enqueue_indirect_dma source(%dma_start3A_184 : memref<10000x16xf32, #tpu.memory_space<hbm>>) target(%arg32 : memref<40x16xf32, #tpu.memory_space<vmem>>) offsets(%arg29 : memref<40xi32, #tpu.memory_space<vmem>>) semaphore(%arg49 : memref<!tpu.dma_semaphore, #tpu.memory_space<semaphore_mem>>)
          %dma_start3A_185 = arith.constant 0 : i32
          %dma_start3A_186 = arith.constant 0 : i32
          %dma_start3A_187 = tpu.memref_slice %arg7[%dma_start3A_185, %dma_start3A_186] : memref<10000x144xf32, #tpu.memory_space<hbm>> -> memref<10000x144xf32, #tpu.memory_space<hbm>>
          tpu.enqueue_indirect_dma source(%dma_start3A_187 : memref<10000x144xf32, #tpu.memory_space<hbm>>) target(%arg34 : memref<40x144xf32, #tpu.memory_space<vmem>>) offsets(%arg28 : memref<40xi32, #tpu.memory_space<vmem>>) semaphore(%arg50 : memref<!tpu.dma_semaphore, #tpu.memory_space<semaphore_mem>>)
        } else {
        }
        %dma_wait3A_142 = arith.constant 0 : i32
        %dma_wait3A_143 = arith.constant 0 : i32
        %dma_wait3A_144 = tpu.memref_slice %arg5[%dma_wait3A_142, %dma_wait3A_143] : memref<10000x16xf32, #tpu.memory_space<hbm>> -> memref<10000x16xf32, #tpu.memory_space<hbm>>
        tpu.wait_indirect_dma semaphore(%arg42 : memref<!tpu.dma_semaphore, #tpu.memory_space<semaphore_mem>>) src(%dma_wait3A_144 : memref<10000x16xf32, #tpu.memory_space<hbm>>) dst(%arg24 : memref<40x16xf32, #tpu.memory_space<vmem>>)
        %dma_wait3A_145 = arith.constant 0 : i32
        %dma_wait3A_146 = arith.constant 0 : i32
        %dma_wait3A_147 = tpu.memref_slice %arg6[%dma_wait3A_145, %dma_wait3A_146] : memref<10000x16xf32, #tpu.memory_space<hbm>> -> memref<10000x16xf32, #tpu.memory_space<hbm>>
        tpu.wait_indirect_dma semaphore(%arg43 : memref<!tpu.dma_semaphore, #tpu.memory_space<semaphore_mem>>) src(%dma_wait3A_147 : memref<10000x16xf32, #tpu.memory_space<hbm>>) dst(%arg25 : memref<40x16xf32, #tpu.memory_space<vmem>>)
        %dma_wait3A_148 = arith.constant 0 : i32
        %dma_wait3A_149 = arith.constant 0 : i32
        %dma_wait3A_150 = tpu.memref_slice %arg7[%dma_wait3A_148, %dma_wait3A_149] : memref<10000x144xf32, #tpu.memory_space<hbm>> -> memref<10000x144xf32, #tpu.memory_space<hbm>>
        tpu.wait_indirect_dma semaphore(%arg44 : memref<!tpu.dma_semaphore, #tpu.memory_space<semaphore_mem>>) src(%dma_wait3A_150 : memref<10000x144xf32, #tpu.memory_space<hbm>>) dst(%arg27 : memref<40x144xf32, #tpu.memory_space<vmem>>)
        %scan3A_151 = arith.constant 0 : i32
        %scan3A_152 = arith.constant 0 : i32
        %scan3A_153 = arith.constant 40 : i32
        %scan3A_154 = arith.addi %scan3A_152, %scan3A_153 : i32
        %scan3A_155 = arith.constant 1 : i32
        scf.for %scan3A_163 = %scan3A_152 to %scan3A_154 step %scan3A_155  : i32 {
          %get3A = arith.index_cast %scan3A_163 : i32 to index
          %get3A_164 = arith.constant 0 : index
          %get3A_165 = tpu.vector_load %arg24[%get3A, %get3A_164] {strides = array<i32>} : memref<40x16xf32, #tpu.memory_space<vmem>>, vector<16xf32>,
          %get3A_166 = arith.index_cast %scan3A_163 : i32 to index
          %get3A_167 = arith.constant 0 : index
          %get3A_168 = tpu.vector_load %arg25[%get3A_166, %get3A_167] {strides = array<i32>} : memref<40x16xf32, #tpu.memory_space<vmem>>, vector<16xf32>,
          %add3A_169 = arith.addf %get3A_165, %get3A_168 : vector<16xf32>
          %get3A_170 = arith.index_cast %scan3A_163 : i32 to index
          %get3A_171 = arith.constant 0 : index
          %get3A_172 = tpu.vector_load %arg23[%get3A_170, %get3A_171] {strides = array<i32>} : memref<40x16xf32, #tpu.memory_space<vmem>>, vector<16xf32>,
          %add3A_173 = arith.addf %add3A_169, %get3A_172 : vector<16xf32>
          %gt3A = arith.constant 0.000000e+00 : f32
          %gt3A_174 = vector.broadcast %gt3A : f32 to vector<16xf32>
          %gt3A_175 = arith.cmpf ogt, %add3A_173, %gt3A_174 : vector<16xf32>
          %mul3A_176 = arith.constant 2.000000e-01 : f32
          %mul3A_177 = vector.broadcast %mul3A_176 : f32 to vector<16xf32>
          %mul3A_178 = arith.mulf %add3A_173, %mul3A_177 : vector<16xf32>
          %select_n3A_179 = arith.select %gt3A_175, %add3A_173, %mul3A_178 : vector<16xi1>, vector<16xf32>
          %exp3A = math.exp %select_n3A_179 : vector<16xf32>
          %swap3A = arith.index_cast %scan3A_163 : i32 to index
          %swap3A_180 = arith.constant 0 : index
          %swap3A_181 = tpu.vector_load %arg26[%swap3A, %swap3A_180] {strides = array<i32>} : memref<40x16xf32, #tpu.memory_space<vmem>>, vector<16xf32>,
          tpu.vector_store %arg26[%swap3A, %swap3A_180], %exp3A {strides = array<i32>} : memref<40x16xf32, #tpu.memory_space<vmem>>, vector<16xf32>,
          %broadcast_in_dim3A = vector.broadcast %scan3A_163 : i32 to vector<16xi32>
          %broadcast_in_dim3A_182 = arith.constant 0 : i32
          %broadcast_in_dim3A_183 = vector.broadcast %broadcast_in_dim3A_182 : i32 to vector<16xi32>
          %gather3A = tpu.vector_load_idx %arg26[%broadcast_in_dim3A, %broadcast_in_dim3A_183] : memref<40x16xf32, #tpu.memory_space<vmem>>[vector<16xi32>, vector<16xi32>], vector<16xf32>,
          %get3A_184 = arith.index_cast %scan3A_163 : i32 to index
          %get3A_185 = arith.constant 0 : index
          %get3A_186 = tpu.vector_load %arg27[%get3A_184, %get3A_185] {strides = array<i32>} : memref<40x144xf32, #tpu.memory_space<vmem>>, vector<16xf32>,
          %mul3A_187 = arith.mulf %get3A_186, %gather3A : vector<16xf32>
          %swap3A_188 = arith.index_cast %scan3A_163 : i32 to index
          %swap3A_189 = arith.constant 0 : index
          %swap3A_190 = tpu.vector_load %arg27[%swap3A_188, %swap3A_189] {strides = array<i32>} : memref<40x144xf32, #tpu.memory_space<vmem>>, vector<16xf32>,
          tpu.vector_store %arg27[%swap3A_188, %swap3A_189], %mul3A_187 {strides = array<i32>} : memref<40x144xf32, #tpu.memory_space<vmem>>, vector<16xf32>,
          %get3A_191 = arith.index_cast %scan3A_163 : i32 to index
          %get3A_192 = arith.constant 16 : index
          %get3A_193 = tpu.vector_load %arg27[%get3A_191, %get3A_192] {strides = array<i32>} : memref<40x144xf32, #tpu.memory_space<vmem>>, vector<16xf32>,
          %mul3A_194 = arith.mulf %get3A_193, %gather3A : vector<16xf32>
          %swap3A_195 = arith.index_cast %scan3A_163 : i32 to index
          %swap3A_196 = arith.constant 16 : index
          %swap3A_197 = tpu.vector_load %arg27[%swap3A_195, %swap3A_196] {strides = array<i32>} : memref<40x144xf32, #tpu.memory_space<vmem>>, vector<16xf32>,
          tpu.vector_store %arg27[%swap3A_195, %swap3A_196], %mul3A_194 {strides = array<i32>} : memref<40x144xf32, #tpu.memory_space<vmem>>, vector<16xf32>,
          %broadcast_in_dim3A_198 = arith.constant 1 : i32
          %broadcast_in_dim3A_199 = vector.broadcast %broadcast_in_dim3A_198 : i32 to vector<16xi32>
          %gather3A_200 = tpu.vector_load_idx %arg26[%broadcast_in_dim3A, %broadcast_in_dim3A_199] : memref<40x16xf32, #tpu.memory_space<vmem>>[vector<16xi32>, vector<16xi32>], vector<16xf32>,
          %get3A_201 = arith.index_cast %scan3A_163 : i32 to index
          %get3A_202 = arith.constant 32 : index
          %get3A_203 = tpu.vector_load %arg27[%get3A_201, %get3A_202] {strides = array<i32>} : memref<40x144xf32, #tpu.memory_space<vmem>>, vector<16xf32>,
          %mul3A_204 = arith.mulf %get3A_203, %gather3A_200 : vector<16xf32>
          %swap3A_205 = arith.index_cast %scan3A_163 : i32 to index
          %swap3A_206 = arith.constant 32 : index
          %swap3A_207 = tpu.vector_load %arg27[%swap3A_205, %swap3A_206] {strides = array<i32>} : memref<40x144xf32, #tpu.memory_space<vmem>>, vector<16xf32>,
          tpu.vector_store %arg27[%swap3A_205, %swap3A_206], %mul3A_204 {strides = array<i32>} : memref<40x144xf32, #tpu.memory_space<vmem>>, vector<16xf32>,
          %get3A_208 = arith.index_cast %scan3A_163 : i32 to index
          %get3A_209 = arith.constant 48 : index
          %get3A_210 = tpu.vector_load %arg27[%get3A_208, %get3A_209] {strides = array<i32>} : memref<40x144xf32, #tpu.memory_space<vmem>>, vector<16xf32>,
          %mul3A_211 = arith.mulf %get3A_210, %gather3A_200 : vector<16xf32>
          %swap3A_212 = arith.index_cast %scan3A_163 : i32 to index
          %swap3A_213 = arith.constant 48 : index
          %swap3A_214 = tpu.vector_load %arg27[%swap3A_212, %swap3A_213] {strides = array<i32>} : memref<40x144xf32, #tpu.memory_space<vmem>>, vector<16xf32>,
          tpu.vector_store %arg27[%swap3A_212, %swap3A_213], %mul3A_211 {strides = array<i32>} : memref<40x144xf32, #tpu.memory_space<vmem>>, vector<16xf32>,
          %broadcast_in_dim3A_215 = arith.constant 2 : i32
          %broadcast_in_dim3A_216 = vector.broadcast %broadcast_in_dim3A_215 : i32 to vector<16xi32>
          %gather3A_217 = tpu.vector_load_idx %arg26[%broadcast_in_dim3A, %broadcast_in_dim3A_216] : memref<40x16xf32, #tpu.memory_space<vmem>>[vector<16xi32>, vector<16xi32>], vector<16xf32>,
          %get3A_218 = arith.index_cast %scan3A_163 : i32 to index
          %get3A_219 = arith.constant 64 : index
          %get3A_220 = tpu.vector_load %arg27[%get3A_218, %get3A_219] {strides = array<i32>} : memref<40x144xf32, #tpu.memory_space<vmem>>, vector<16xf32>,
          %mul3A_221 = arith.mulf %get3A_220, %gather3A_217 : vector<16xf32>
          %swap3A_222 = arith.index_cast %scan3A_163 : i32 to index
          %swap3A_223 = arith.constant 64 : index
          %swap3A_224 = tpu.vector_load %arg27[%swap3A_222, %swap3A_223] {strides = array<i32>} : memref<40x144xf32, #tpu.memory_space<vmem>>, vector<16xf32>,
          tpu.vector_store %arg27[%swap3A_222, %swap3A_223], %mul3A_221 {strides = array<i32>} : memref<40x144xf32, #tpu.memory_space<vmem>>, vector<16xf32>,
          %get3A_225 = arith.index_cast %scan3A_163 : i32 to index
          %get3A_226 = arith.constant 80 : index
          %get3A_227 = tpu.vector_load %arg27[%get3A_225, %get3A_226] {strides = array<i32>} : memref<40x144xf32, #tpu.memory_space<vmem>>, vector<16xf32>,
          %mul3A_228 = arith.mulf %get3A_227, %gather3A_217 : vector<16xf32>
          %swap3A_229 = arith.index_cast %scan3A_163 : i32 to index
          %swap3A_230 = arith.constant 80 : index
          %swap3A_231 = tpu.vector_load %arg27[%swap3A_229, %swap3A_230] {strides = array<i32>} : memref<40x144xf32, #tpu.memory_space<vmem>>, vector<16xf32>,
          tpu.vector_store %arg27[%swap3A_229, %swap3A_230], %mul3A_228 {strides = array<i32>} : memref<40x144xf32, #tpu.memory_space<vmem>>, vector<16xf32>,
          %broadcast_in_dim3A_232 = arith.constant 3 : i32
          %broadcast_in_dim3A_233 = vector.broadcast %broadcast_in_dim3A_232 : i32 to vector<16xi32>
          %gather3A_234 = tpu.vector_load_idx %arg26[%broadcast_in_dim3A, %broadcast_in_dim3A_233] : memref<40x16xf32, #tpu.memory_space<vmem>>[vector<16xi32>, vector<16xi32>], vector<16xf32>,
          %get3A_235 = arith.index_cast %scan3A_163 : i32 to index
          %get3A_236 = arith.constant 96 : index
          %get3A_237 = tpu.vector_load %arg27[%get3A_235, %get3A_236] {strides = array<i32>} : memref<40x144xf32, #tpu.memory_space<vmem>>, vector<16xf32>,
          %mul3A_238 = arith.mulf %get3A_237, %gather3A_234 : vector<16xf32>
          %swap3A_239 = arith.index_cast %scan3A_163 : i32 to index
          %swap3A_240 = arith.constant 96 : index
          %swap3A_241 = tpu.vector_load %arg27[%swap3A_239, %swap3A_240] {strides = array<i32>} : memref<40x144xf32, #tpu.memory_space<vmem>>, vector<16xf32>,
          tpu.vector_store %arg27[%swap3A_239, %swap3A_240], %mul3A_238 {strides = array<i32>} : memref<40x144xf32, #tpu.memory_space<vmem>>, vector<16xf32>,
          %get3A_242 = arith.index_cast %scan3A_163 : i32 to index
          %get3A_243 = arith.constant 112 : index
          %get3A_244 = tpu.vector_load %arg27[%get3A_242, %get3A_243] {strides = array<i32>} : memref<40x144xf32, #tpu.memory_space<vmem>>, vector<16xf32>,
          %mul3A_245 = arith.mulf %get3A_244, %gather3A_234 : vector<16xf32>
          %swap3A_246 = arith.index_cast %scan3A_163 : i32 to index
          %swap3A_247 = arith.constant 112 : index
          %swap3A_248 = tpu.vector_load %arg27[%swap3A_246, %swap3A_247] {strides = array<i32>} : memref<40x144xf32, #tpu.memory_space<vmem>>, vector<16xf32>,
          tpu.vector_store %arg27[%swap3A_246, %swap3A_247], %mul3A_245 {strides = array<i32>} : memref<40x144xf32, #tpu.memory_space<vmem>>, vector<16xf32>,
          %gather3A_249 = tpu.vector_load_idx %arg26[%broadcast_in_dim3A, %add3A_15] : memref<40x16xf32, #tpu.memory_space<vmem>>[vector<16xi32>, vector<16xi32>], vector<16xf32>,
          %get3A_250 = arith.index_cast %scan3A_163 : i32 to index
          %get3A_251 = arith.constant 128 : index
          %get3A_252 = tpu.vector_load %arg27[%get3A_250, %get3A_251] {strides = array<i32>} : memref<40x144xf32, #tpu.memory_space<vmem>>, vector<16xf32>,
          %mul3A_253 = arith.mulf %get3A_252, %gather3A_249 : vector<16xf32>
          %swap3A_254 = arith.index_cast %scan3A_163 : i32 to index
          %swap3A_255 = arith.constant 128 : index
          %swap3A_256 = tpu.vector_load %arg27[%swap3A_254, %swap3A_255] {strides = array<i32>} : memref<40x144xf32, #tpu.memory_space<vmem>>, vector<16xf32>,
          tpu.vector_store %arg27[%swap3A_254, %swap3A_255], %mul3A_253 {strides = array<i32>} : memref<40x144xf32, #tpu.memory_space<vmem>>, vector<16xf32>,
        }
        %scan3A_156 = arith.constant 40 : i32
        %dma_start3A_157 = arith.constant 0 : i32
        %dma_start3A_158 = arith.constant 0 : i32
        %dma_start3A_159 = tpu.memref_slice %arg13[%dma_start3A_157, %dma_start3A_158] : memref<10000x16xf32, #tpu.memory_space<vmem_shared>> -> memref<10000x16xf32, #tpu.memory_space<vmem_shared>>
        tpu.enqueue_indirect_dma source(%arg26 : memref<40x16xf32, #tpu.memory_space<vmem>>) target(%dma_start3A_159 : memref<10000x16xf32, #tpu.memory_space<vmem_shared>>) offsets(%arg22 : memref<40xi32, #tpu.memory_space<vmem>>) semaphore(%arg45 : memref<!tpu.dma_semaphore, #tpu.memory_space<semaphore_mem>>) {add = true}
        %dma_start3A_160 = arith.constant 0 : i32
        %dma_start3A_161 = arith.constant 0 : i32
        %dma_start3A_162 = tpu.memref_slice %arg12[%dma_start3A_160, %dma_start3A_161] : memref<10000x144xf32, #tpu.memory_space<vmem_shared>> -> memref<10000x144xf32, #tpu.memory_space<vmem_shared>>
        tpu.enqueue_indirect_dma source(%arg27 : memref<40x144xf32, #tpu.memory_space<vmem>>) target(%dma_start3A_162 : memref<10000x144xf32, #tpu.memory_space<vmem_shared>>) offsets(%arg22 : memref<40xi32, #tpu.memory_space<vmem>>) semaphore(%arg46 : memref<!tpu.dma_semaphore, #tpu.memory_space<semaphore_mem>>) {add = true}
      } else {
      }
      %jit3A_105 = arith.constant 3 : i32
      %eq3A_106 = arith.constant 0 : i32
      %eq3A_107 = arith.cmpi eq, %jit3A_105, %eq3A_106 : i32
      %jit3A_108 = arith.constant 1 : i32
      %select_n3A_109 = arith.select %eq3A_107, %jit3A_108, %jit3A_105 : i32
      %rem3A_110 = arith.remsi %scan3A_67, %select_n3A_109 : i32
      %ne3A_111 = arith.constant 0 : i32
      %ne3A_112 = arith.cmpi ne, %rem3A_110, %ne3A_111 : i32
      %lt3A_113 = arith.constant 0 : i32
      %lt3A_114 = arith.cmpi slt, %rem3A_110, %lt3A_113 : i32
      %lt3A_115 = arith.constant 0 : i32
      %lt3A_116 = arith.cmpi slt, %select_n3A_109, %lt3A_115 : i32
      %ne3A_117 = arith.xori %lt3A_114, %lt3A_116 : i1
      %and3A_118 = arith.andi %ne3A_117, %ne3A_112 : i1
      %add3A_119 = arith.addi %rem3A_110, %select_n3A_109 : i32
      %select_n3A_120 = arith.select %and3A_118, %add3A_119, %rem3A_110 : i32
      %eq3A_121 = arith.constant 2 : i32
      %eq3A_122 = arith.cmpi eq, %select_n3A_120, %eq3A_121 : i32
      %convert_element_type3A_123 = arith.extui %eq3A_122 : i1 to i32
      %cond3A_124 = arith.constant 0 : i32
      %cond3A_125 = arith.cmpi ne, %convert_element_type3A_123, %cond3A_124 : i32
      scf.if %cond3A_125 {
        %add3A_126 = arith.constant 1 : i32
        %add3A_127 = arith.addi %scan3A_67, %add3A_126 : i32
        %mul3A_128 = arith.constant 40 : i32
        %mul3A_129 = arith.muli %add3A_127, %mul3A_128 : i32
        %add3A_130 = arith.addi %mul3A_8, %mul3A_129 : i32
        %ge3A = arith.constant 2 : i32
        %ge3A_131 = arith.cmpi sge, %scan3A_67, %ge3A : i32
        %convert_element_type3A_132 = arith.extui %ge3A_131 : i1 to i32
        %cond3A_133 = arith.constant 0 : i32
        %cond3A_134 = arith.cmpi ne, %convert_element_type3A_132, %cond3A_133 : i32
        scf.if %cond3A_134 {
          %dma_wait3A_163 = arith.constant 0 : i32
          %dma_wait3A_164 = arith.constant 0 : i32
          %dma_wait3A_165 = tpu.memref_slice %arg13[%dma_wait3A_163, %dma_wait3A_164] : memref<10000x16xf32, #tpu.memory_space<vmem_shared>> -> memref<10000x16xf32, #tpu.memory_space<vmem_shared>>
          tpu.wait_indirect_dma semaphore(%arg39 : memref<!tpu.dma_semaphore, #tpu.memory_space<semaphore_mem>>) src(%arg19 : memref<40x16xf32, #tpu.memory_space<vmem>>) dst(%dma_wait3A_165 : memref<10000x16xf32, #tpu.memory_space<vmem_shared>>)
          %dma_wait3A_166 = arith.constant 0 : i32
          %dma_wait3A_167 = arith.constant 0 : i32
          %dma_wait3A_168 = tpu.memref_slice %arg12[%dma_wait3A_166, %dma_wait3A_167] : memref<10000x144xf32, #tpu.memory_space<vmem_shared>> -> memref<10000x144xf32, #tpu.memory_space<vmem_shared>>
          tpu.wait_indirect_dma semaphore(%arg40 : memref<!tpu.dma_semaphore, #tpu.memory_space<semaphore_mem>>) src(%arg20 : memref<40x144xf32, #tpu.memory_space<vmem>>) dst(%dma_wait3A_168 : memref<10000x144xf32, #tpu.memory_space<vmem_shared>>)
        } else {
        }
        %add3A_135 = arith.constant 1 : i32
        %add3A_136 = arith.addi %scan3A_67, %add3A_135 : i32
        %lt3A_137 = arith.constant 250 : i32
        %lt3A_138 = arith.cmpi slt, %add3A_136, %lt3A_137 : i32
        %convert_element_type3A_139 = arith.extui %lt3A_138 : i1 to i32
        %cond3A_140 = arith.constant 0 : i32
        %cond3A_141 = arith.cmpi ne, %convert_element_type3A_139, %cond3A_140 : i32
        scf.if %cond3A_141 {
          %dma_start3A_163 = tpu.memref_slice %arg2[%add3A_130] : memref<320000xi32, #tpu.memory_space<hbm>> -> memref<40xi32, #tpu.memory_space<hbm>>
          %dma_start3A_164 = tpu.memref_slice %arg2[%add3A_130] : memref<320000xi32, #tpu.memory_space<hbm>> -> memref<40xi32, #tpu.memory_space<hbm>>
          tpu.enqueue_dma source(%dma_start3A_164 : memref<40xi32, #tpu.memory_space<hbm>>) target(%arg14 : memref<40xi32, #tpu.memory_space<vmem>>) target_semaphore(%arg35 : memref<!tpu.dma_semaphore, #tpu.memory_space<semaphore_mem>>)
          %dma_start3A_165 = tpu.memref_slice %arg3[%add3A_130] : memref<320000xi32, #tpu.memory_space<hbm>> -> memref<40xi32, #tpu.memory_space<hbm>>
          %dma_start3A_166 = tpu.memref_slice %arg3[%add3A_130] : memref<320000xi32, #tpu.memory_space<hbm>> -> memref<40xi32, #tpu.memory_space<hbm>>
          tpu.enqueue_dma source(%dma_start3A_166 : memref<40xi32, #tpu.memory_space<hbm>>) target(%arg15 : memref<40xi32, #tpu.memory_space<vmem>>) target_semaphore(%arg35 : memref<!tpu.dma_semaphore, #tpu.memory_space<semaphore_mem>>)
          %dma_start3A_167 = arith.constant 0 : i32
          %dma_start3A_168 = tpu.memref_slice %arg4[%add3A_130, %dma_start3A_167] : memref<320000x16xf32, #tpu.memory_space<hbm>> -> memref<40x16xf32, #tpu.memory_space<hbm>>
          %dma_start3A_169 = arith.constant 0 : i32
          %dma_start3A_170 = tpu.memref_slice %arg4[%add3A_130, %dma_start3A_169] : memref<320000x16xf32, #tpu.memory_space<hbm>> -> memref<40x16xf32, #tpu.memory_space<hbm>>
          tpu.enqueue_dma source(%dma_start3A_170 : memref<40x16xf32, #tpu.memory_space<hbm>>) target(%arg16 : memref<40x16xf32, #tpu.memory_space<vmem>>) target_semaphore(%arg35 : memref<!tpu.dma_semaphore, #tpu.memory_space<semaphore_mem>>)
          %dma_wait3A_171 = tpu.memref_slice %arg2[%add3A_130] : memref<320000xi32, #tpu.memory_space<hbm>> -> memref<40xi32, #tpu.memory_space<hbm>>
          %dma_wait3A_172 = tpu.memref_slice %arg2[%add3A_130] : memref<320000xi32, #tpu.memory_space<hbm>> -> memref<40xi32, #tpu.memory_space<hbm>>
          tpu.wait_dma2 semaphore(%arg35 : memref<!tpu.dma_semaphore, #tpu.memory_space<semaphore_mem>>) src(%dma_wait3A_172 : memref<40xi32, #tpu.memory_space<hbm>>) dst(%arg14 : memref<40xi32, #tpu.memory_space<vmem>>)
          %dma_wait3A_173 = tpu.memref_slice %arg3[%add3A_130] : memref<320000xi32, #tpu.memory_space<hbm>> -> memref<40xi32, #tpu.memory_space<hbm>>
          %dma_wait3A_174 = tpu.memref_slice %arg3[%add3A_130] : memref<320000xi32, #tpu.memory_space<hbm>> -> memref<40xi32, #tpu.memory_space<hbm>>
          tpu.wait_dma2 semaphore(%arg35 : memref<!tpu.dma_semaphore, #tpu.memory_space<semaphore_mem>>) src(%dma_wait3A_174 : memref<40xi32, #tpu.memory_space<hbm>>) dst(%arg15 : memref<40xi32, #tpu.memory_space<vmem>>)
          %dma_wait3A_175 = arith.constant 0 : i32
          %dma_wait3A_176 = tpu.memref_slice %arg4[%add3A_130, %dma_wait3A_175] : memref<320000x16xf32, #tpu.memory_space<hbm>> -> memref<40x16xf32, #tpu.memory_space<hbm>>
          %dma_wait3A_177 = arith.constant 0 : i32
          %dma_wait3A_178 = tpu.memref_slice %arg4[%add3A_130, %dma_wait3A_177] : memref<320000x16xf32, #tpu.memory_space<hbm>> -> memref<40x16xf32, #tpu.memory_space<hbm>>
          tpu.wait_dma2 semaphore(%arg35 : memref<!tpu.dma_semaphore, #tpu.memory_space<semaphore_mem>>) src(%dma_wait3A_178 : memref<40x16xf32, #tpu.memory_space<hbm>>) dst(%arg16 : memref<40x16xf32, #tpu.memory_space<vmem>>)
          %dma_start3A_179 = arith.constant 0 : i32
          %dma_start3A_180 = arith.constant 0 : i32
          %dma_start3A_181 = tpu.memref_slice %arg5[%dma_start3A_179, %dma_start3A_180] : memref<10000x16xf32, #tpu.memory_space<hbm>> -> memref<10000x16xf32, #tpu.memory_space<hbm>>
          tpu.enqueue_indirect_dma source(%dma_start3A_181 : memref<10000x16xf32, #tpu.memory_space<hbm>>) target(%arg17 : memref<40x16xf32, #tpu.memory_space<vmem>>) offsets(%arg14 : memref<40xi32, #tpu.memory_space<vmem>>) semaphore(%arg36 : memref<!tpu.dma_semaphore, #tpu.memory_space<semaphore_mem>>)
          %dma_start3A_182 = arith.constant 0 : i32
          %dma_start3A_183 = arith.constant 0 : i32
          %dma_start3A_184 = tpu.memref_slice %arg6[%dma_start3A_182, %dma_start3A_183] : memref<10000x16xf32, #tpu.memory_space<hbm>> -> memref<10000x16xf32, #tpu.memory_space<hbm>>
          tpu.enqueue_indirect_dma source(%dma_start3A_184 : memref<10000x16xf32, #tpu.memory_space<hbm>>) target(%arg18 : memref<40x16xf32, #tpu.memory_space<vmem>>) offsets(%arg15 : memref<40xi32, #tpu.memory_space<vmem>>) semaphore(%arg37 : memref<!tpu.dma_semaphore, #tpu.memory_space<semaphore_mem>>)
          %dma_start3A_185 = arith.constant 0 : i32
          %dma_start3A_186 = arith.constant 0 : i32
          %dma_start3A_187 = tpu.memref_slice %arg7[%dma_start3A_185, %dma_start3A_186] : memref<10000x144xf32, #tpu.memory_space<hbm>> -> memref<10000x144xf32, #tpu.memory_space<hbm>>
          tpu.enqueue_indirect_dma source(%dma_start3A_187 : memref<10000x144xf32, #tpu.memory_space<hbm>>) target(%arg20 : memref<40x144xf32, #tpu.memory_space<vmem>>) offsets(%arg14 : memref<40xi32, #tpu.memory_space<vmem>>) semaphore(%arg38 : memref<!tpu.dma_semaphore, #tpu.memory_space<semaphore_mem>>)
        } else {
        }
        %dma_wait3A_142 = arith.constant 0 : i32
        %dma_wait3A_143 = arith.constant 0 : i32
        %dma_wait3A_144 = tpu.memref_slice %arg5[%dma_wait3A_142, %dma_wait3A_143] : memref<10000x16xf32, #tpu.memory_space<hbm>> -> memref<10000x16xf32, #tpu.memory_space<hbm>>
        tpu.wait_indirect_dma semaphore(%arg48 : memref<!tpu.dma_semaphore, #tpu.memory_space<semaphore_mem>>) src(%dma_wait3A_144 : memref<10000x16xf32, #tpu.memory_space<hbm>>) dst(%arg31 : memref<40x16xf32, #tpu.memory_space<vmem>>)
        %dma_wait3A_145 = arith.constant 0 : i32
        %dma_wait3A_146 = arith.constant 0 : i32
        %dma_wait3A_147 = tpu.memref_slice %arg6[%dma_wait3A_145, %dma_wait3A_146] : memref<10000x16xf32, #tpu.memory_space<hbm>> -> memref<10000x16xf32, #tpu.memory_space<hbm>>
        tpu.wait_indirect_dma semaphore(%arg49 : memref<!tpu.dma_semaphore, #tpu.memory_space<semaphore_mem>>) src(%dma_wait3A_147 : memref<10000x16xf32, #tpu.memory_space<hbm>>) dst(%arg32 : memref<40x16xf32, #tpu.memory_space<vmem>>)
        %dma_wait3A_148 = arith.constant 0 : i32
        %dma_wait3A_149 = arith.constant 0 : i32
        %dma_wait3A_150 = tpu.memref_slice %arg7[%dma_wait3A_148, %dma_wait3A_149] : memref<10000x144xf32, #tpu.memory_space<hbm>> -> memref<10000x144xf32, #tpu.memory_space<hbm>>
        tpu.wait_indirect_dma semaphore(%arg50 : memref<!tpu.dma_semaphore, #tpu.memory_space<semaphore_mem>>) src(%dma_wait3A_150 : memref<10000x144xf32, #tpu.memory_space<hbm>>) dst(%arg34 : memref<40x144xf32, #tpu.memory_space<vmem>>)
        %scan3A_151 = arith.constant 0 : i32
        %scan3A_152 = arith.constant 0 : i32
        %scan3A_153 = arith.constant 40 : i32
        %scan3A_154 = arith.addi %scan3A_152, %scan3A_153 : i32
        %scan3A_155 = arith.constant 1 : i32
        scf.for %scan3A_163 = %scan3A_152 to %scan3A_154 step %scan3A_155  : i32 {
          %get3A = arith.index_cast %scan3A_163 : i32 to index
          %get3A_164 = arith.constant 0 : index
          %get3A_165 = tpu.vector_load %arg31[%get3A, %get3A_164] {strides = array<i32>} : memref<40x16xf32, #tpu.memory_space<vmem>>, vector<16xf32>,
          %get3A_166 = arith.index_cast %scan3A_163 : i32 to index
          %get3A_167 = arith.constant 0 : index
          %get3A_168 = tpu.vector_load %arg32[%get3A_166, %get3A_167] {strides = array<i32>} : memref<40x16xf32, #tpu.memory_space<vmem>>, vector<16xf32>,
          %add3A_169 = arith.addf %get3A_165, %get3A_168 : vector<16xf32>
          %get3A_170 = arith.index_cast %scan3A_163 : i32 to index
          %get3A_171 = arith.constant 0 : index
          %get3A_172 = tpu.vector_load %arg30[%get3A_170, %get3A_171] {strides = array<i32>} : memref<40x16xf32, #tpu.memory_space<vmem>>, vector<16xf32>,
          %add3A_173 = arith.addf %add3A_169, %get3A_172 : vector<16xf32>
          %gt3A = arith.constant 0.000000e+00 : f32
          %gt3A_174 = vector.broadcast %gt3A : f32 to vector<16xf32>
          %gt3A_175 = arith.cmpf ogt, %add3A_173, %gt3A_174 : vector<16xf32>
          %mul3A_176 = arith.constant 2.000000e-01 : f32
          %mul3A_177 = vector.broadcast %mul3A_176 : f32 to vector<16xf32>
          %mul3A_178 = arith.mulf %add3A_173, %mul3A_177 : vector<16xf32>
          %select_n3A_179 = arith.select %gt3A_175, %add3A_173, %mul3A_178 : vector<16xi1>, vector<16xf32>
          %exp3A = math.exp %select_n3A_179 : vector<16xf32>
          %swap3A = arith.index_cast %scan3A_163 : i32 to index
          %swap3A_180 = arith.constant 0 : index
          %swap3A_181 = tpu.vector_load %arg33[%swap3A, %swap3A_180] {strides = array<i32>} : memref<40x16xf32, #tpu.memory_space<vmem>>, vector<16xf32>,
          tpu.vector_store %arg33[%swap3A, %swap3A_180], %exp3A {strides = array<i32>} : memref<40x16xf32, #tpu.memory_space<vmem>>, vector<16xf32>,
          %broadcast_in_dim3A = vector.broadcast %scan3A_163 : i32 to vector<16xi32>
          %broadcast_in_dim3A_182 = arith.constant 0 : i32
          %broadcast_in_dim3A_183 = vector.broadcast %broadcast_in_dim3A_182 : i32 to vector<16xi32>
          %gather3A = tpu.vector_load_idx %arg33[%broadcast_in_dim3A, %broadcast_in_dim3A_183] : memref<40x16xf32, #tpu.memory_space<vmem>>[vector<16xi32>, vector<16xi32>], vector<16xf32>,
          %get3A_184 = arith.index_cast %scan3A_163 : i32 to index
          %get3A_185 = arith.constant 0 : index
          %get3A_186 = tpu.vector_load %arg34[%get3A_184, %get3A_185] {strides = array<i32>} : memref<40x144xf32, #tpu.memory_space<vmem>>, vector<16xf32>,
          %mul3A_187 = arith.mulf %get3A_186, %gather3A : vector<16xf32>
          %swap3A_188 = arith.index_cast %scan3A_163 : i32 to index
          %swap3A_189 = arith.constant 0 : index
          %swap3A_190 = tpu.vector_load %arg34[%swap3A_188, %swap3A_189] {strides = array<i32>} : memref<40x144xf32, #tpu.memory_space<vmem>>, vector<16xf32>,
          tpu.vector_store %arg34[%swap3A_188, %swap3A_189], %mul3A_187 {strides = array<i32>} : memref<40x144xf32, #tpu.memory_space<vmem>>, vector<16xf32>,
          %get3A_191 = arith.index_cast %scan3A_163 : i32 to index
          %get3A_192 = arith.constant 16 : index
          %get3A_193 = tpu.vector_load %arg34[%get3A_191, %get3A_192] {strides = array<i32>} : memref<40x144xf32, #tpu.memory_space<vmem>>, vector<16xf32>,
          %mul3A_194 = arith.mulf %get3A_193, %gather3A : vector<16xf32>
          %swap3A_195 = arith.index_cast %scan3A_163 : i32 to index
          %swap3A_196 = arith.constant 16 : index
          %swap3A_197 = tpu.vector_load %arg34[%swap3A_195, %swap3A_196] {strides = array<i32>} : memref<40x144xf32, #tpu.memory_space<vmem>>, vector<16xf32>,
          tpu.vector_store %arg34[%swap3A_195, %swap3A_196], %mul3A_194 {strides = array<i32>} : memref<40x144xf32, #tpu.memory_space<vmem>>, vector<16xf32>,
          %broadcast_in_dim3A_198 = arith.constant 1 : i32
          %broadcast_in_dim3A_199 = vector.broadcast %broadcast_in_dim3A_198 : i32 to vector<16xi32>
          %gather3A_200 = tpu.vector_load_idx %arg33[%broadcast_in_dim3A, %broadcast_in_dim3A_199] : memref<40x16xf32, #tpu.memory_space<vmem>>[vector<16xi32>, vector<16xi32>], vector<16xf32>,
          %get3A_201 = arith.index_cast %scan3A_163 : i32 to index
          %get3A_202 = arith.constant 32 : index
          %get3A_203 = tpu.vector_load %arg34[%get3A_201, %get3A_202] {strides = array<i32>} : memref<40x144xf32, #tpu.memory_space<vmem>>, vector<16xf32>,
          %mul3A_204 = arith.mulf %get3A_203, %gather3A_200 : vector<16xf32>
          %swap3A_205 = arith.index_cast %scan3A_163 : i32 to index
          %swap3A_206 = arith.constant 32 : index
          %swap3A_207 = tpu.vector_load %arg34[%swap3A_205, %swap3A_206] {strides = array<i32>} : memref<40x144xf32, #tpu.memory_space<vmem>>, vector<16xf32>,
          tpu.vector_store %arg34[%swap3A_205, %swap3A_206], %mul3A_204 {strides = array<i32>} : memref<40x144xf32, #tpu.memory_space<vmem>>, vector<16xf32>,
          %get3A_208 = arith.index_cast %scan3A_163 : i32 to index
          %get3A_209 = arith.constant 48 : index
          %get3A_210 = tpu.vector_load %arg34[%get3A_208, %get3A_209] {strides = array<i32>} : memref<40x144xf32, #tpu.memory_space<vmem>>, vector<16xf32>,
          %mul3A_211 = arith.mulf %get3A_210, %gather3A_200 : vector<16xf32>
          %swap3A_212 = arith.index_cast %scan3A_163 : i32 to index
          %swap3A_213 = arith.constant 48 : index
          %swap3A_214 = tpu.vector_load %arg34[%swap3A_212, %swap3A_213] {strides = array<i32>} : memref<40x144xf32, #tpu.memory_space<vmem>>, vector<16xf32>,
          tpu.vector_store %arg34[%swap3A_212, %swap3A_213], %mul3A_211 {strides = array<i32>} : memref<40x144xf32, #tpu.memory_space<vmem>>, vector<16xf32>,
          %broadcast_in_dim3A_215 = arith.constant 2 : i32
          %broadcast_in_dim3A_216 = vector.broadcast %broadcast_in_dim3A_215 : i32 to vector<16xi32>
          %gather3A_217 = tpu.vector_load_idx %arg33[%broadcast_in_dim3A, %broadcast_in_dim3A_216] : memref<40x16xf32, #tpu.memory_space<vmem>>[vector<16xi32>, vector<16xi32>], vector<16xf32>,
          %get3A_218 = arith.index_cast %scan3A_163 : i32 to index
          %get3A_219 = arith.constant 64 : index
          %get3A_220 = tpu.vector_load %arg34[%get3A_218, %get3A_219] {strides = array<i32>} : memref<40x144xf32, #tpu.memory_space<vmem>>, vector<16xf32>,
          %mul3A_221 = arith.mulf %get3A_220, %gather3A_217 : vector<16xf32>
          %swap3A_222 = arith.index_cast %scan3A_163 : i32 to index
          %swap3A_223 = arith.constant 64 : index
          %swap3A_224 = tpu.vector_load %arg34[%swap3A_222, %swap3A_223] {strides = array<i32>} : memref<40x144xf32, #tpu.memory_space<vmem>>, vector<16xf32>,
          tpu.vector_store %arg34[%swap3A_222, %swap3A_223], %mul3A_221 {strides = array<i32>} : memref<40x144xf32, #tpu.memory_space<vmem>>, vector<16xf32>,
          %get3A_225 = arith.index_cast %scan3A_163 : i32 to index
          %get3A_226 = arith.constant 80 : index
          %get3A_227 = tpu.vector_load %arg34[%get3A_225, %get3A_226] {strides = array<i32>} : memref<40x144xf32, #tpu.memory_space<vmem>>, vector<16xf32>,
          %mul3A_228 = arith.mulf %get3A_227, %gather3A_217 : vector<16xf32>
          %swap3A_229 = arith.index_cast %scan3A_163 : i32 to index
          %swap3A_230 = arith.constant 80 : index
          %swap3A_231 = tpu.vector_load %arg34[%swap3A_229, %swap3A_230] {strides = array<i32>} : memref<40x144xf32, #tpu.memory_space<vmem>>, vector<16xf32>,
          tpu.vector_store %arg34[%swap3A_229, %swap3A_230], %mul3A_228 {strides = array<i32>} : memref<40x144xf32, #tpu.memory_space<vmem>>, vector<16xf32>,
          %broadcast_in_dim3A_232 = arith.constant 3 : i32
          %broadcast_in_dim3A_233 = vector.broadcast %broadcast_in_dim3A_232 : i32 to vector<16xi32>
          %gather3A_234 = tpu.vector_load_idx %arg33[%broadcast_in_dim3A, %broadcast_in_dim3A_233] : memref<40x16xf32, #tpu.memory_space<vmem>>[vector<16xi32>, vector<16xi32>], vector<16xf32>,
          %get3A_235 = arith.index_cast %scan3A_163 : i32 to index
          %get3A_236 = arith.constant 96 : index
          %get3A_237 = tpu.vector_load %arg34[%get3A_235, %get3A_236] {strides = array<i32>} : memref<40x144xf32, #tpu.memory_space<vmem>>, vector<16xf32>,
          %mul3A_238 = arith.mulf %get3A_237, %gather3A_234 : vector<16xf32>
          %swap3A_239 = arith.index_cast %scan3A_163 : i32 to index
          %swap3A_240 = arith.constant 96 : index
          %swap3A_241 = tpu.vector_load %arg34[%swap3A_239, %swap3A_240] {strides = array<i32>} : memref<40x144xf32, #tpu.memory_space<vmem>>, vector<16xf32>,
          tpu.vector_store %arg34[%swap3A_239, %swap3A_240], %mul3A_238 {strides = array<i32>} : memref<40x144xf32, #tpu.memory_space<vmem>>, vector<16xf32>,
          %get3A_242 = arith.index_cast %scan3A_163 : i32 to index
          %get3A_243 = arith.constant 112 : index
          %get3A_244 = tpu.vector_load %arg34[%get3A_242, %get3A_243] {strides = array<i32>} : memref<40x144xf32, #tpu.memory_space<vmem>>, vector<16xf32>,
          %mul3A_245 = arith.mulf %get3A_244, %gather3A_234 : vector<16xf32>
          %swap3A_246 = arith.index_cast %scan3A_163 : i32 to index
          %swap3A_247 = arith.constant 112 : index
          %swap3A_248 = tpu.vector_load %arg34[%swap3A_246, %swap3A_247] {strides = array<i32>} : memref<40x144xf32, #tpu.memory_space<vmem>>, vector<16xf32>,
          tpu.vector_store %arg34[%swap3A_246, %swap3A_247], %mul3A_245 {strides = array<i32>} : memref<40x144xf32, #tpu.memory_space<vmem>>, vector<16xf32>,
          %gather3A_249 = tpu.vector_load_idx %arg33[%broadcast_in_dim3A, %add3A_15] : memref<40x16xf32, #tpu.memory_space<vmem>>[vector<16xi32>, vector<16xi32>], vector<16xf32>,
          %get3A_250 = arith.index_cast %scan3A_163 : i32 to index
          %get3A_251 = arith.constant 128 : index
          %get3A_252 = tpu.vector_load %arg34[%get3A_250, %get3A_251] {strides = array<i32>} : memref<40x144xf32, #tpu.memory_space<vmem>>, vector<16xf32>,
          %mul3A_253 = arith.mulf %get3A_252, %gather3A_249 : vector<16xf32>
          %swap3A_254 = arith.index_cast %scan3A_163 : i32 to index
          %swap3A_255 = arith.constant 128 : index
          %swap3A_256 = tpu.vector_load %arg34[%swap3A_254, %swap3A_255] {strides = array<i32>} : memref<40x144xf32, #tpu.memory_space<vmem>>, vector<16xf32>,
          tpu.vector_store %arg34[%swap3A_254, %swap3A_255], %mul3A_253 {strides = array<i32>} : memref<40x144xf32, #tpu.memory_space<vmem>>, vector<16xf32>,
        }
        %scan3A_156 = arith.constant 40 : i32
        %dma_start3A_157 = arith.constant 0 : i32
        %dma_start3A_158 = arith.constant 0 : i32
        %dma_start3A_159 = tpu.memref_slice %arg13[%dma_start3A_157, %dma_start3A_158] : memref<10000x16xf32, #tpu.memory_space<vmem_shared>> -> memref<10000x16xf32, #tpu.memory_space<vmem_shared>>
        tpu.enqueue_indirect_dma source(%arg33 : memref<40x16xf32, #tpu.memory_space<vmem>>) target(%dma_start3A_159 : memref<10000x16xf32, #tpu.memory_space<vmem_shared>>) offsets(%arg29 : memref<40xi32, #tpu.memory_space<vmem>>) semaphore(%arg51 : memref<!tpu.dma_semaphore, #tpu.memory_space<semaphore_mem>>) {add = true}
        %dma_start3A_160 = arith.constant 0 : i32
        %dma_start3A_161 = arith.constant 0 : i32
        %dma_start3A_162 = tpu.memref_slice %arg12[%dma_start3A_160, %dma_start3A_161] : memref<10000x144xf32, #tpu.memory_space<vmem_shared>> -> memref<10000x144xf32, #tpu.memory_space<vmem_shared>>
        tpu.enqueue_indirect_dma source(%arg34 : memref<40x144xf32, #tpu.memory_space<vmem>>) target(%dma_start3A_162 : memref<10000x144xf32, #tpu.memory_space<vmem_shared>>) offsets(%arg29 : memref<40xi32, #tpu.memory_space<vmem>>) semaphore(%arg52 : memref<!tpu.dma_semaphore, #tpu.memory_space<semaphore_mem>>) {add = true}
      } else {
      }
    }
    %scan3A_43 = arith.constant 250 : i32
    %dma_wait3A_44 = arith.constant 0 : i32
    %dma_wait3A_45 = arith.constant 0 : i32
    %dma_wait3A_46 = tpu.memref_slice %arg13[%dma_wait3A_44, %dma_wait3A_45] : memref<10000x16xf32, #tpu.memory_space<vmem_shared>> -> memref<10000x16xf32, #tpu.memory_space<vmem_shared>>
    tpu.wait_indirect_dma semaphore(%arg51 : memref<!tpu.dma_semaphore, #tpu.memory_space<semaphore_mem>>) src(%arg33 : memref<40x16xf32, #tpu.memory_space<vmem>>) dst(%dma_wait3A_46 : memref<10000x16xf32, #tpu.memory_space<vmem_shared>>)
    %dma_wait3A_47 = arith.constant 0 : i32
    %dma_wait3A_48 = arith.constant 0 : i32
    %dma_wait3A_49 = tpu.memref_slice %arg12[%dma_wait3A_47, %dma_wait3A_48] : memref<10000x144xf32, #tpu.memory_space<vmem_shared>> -> memref<10000x144xf32, #tpu.memory_space<vmem_shared>>
    tpu.wait_indirect_dma semaphore(%arg52 : memref<!tpu.dma_semaphore, #tpu.memory_space<semaphore_mem>>) src(%arg34 : memref<40x144xf32, #tpu.memory_space<vmem>>) dst(%dma_wait3A_49 : memref<10000x144xf32, #tpu.memory_space<vmem_shared>>)
    %dma_wait3A_50 = arith.constant 0 : i32
    %dma_wait3A_51 = arith.constant 0 : i32
    %dma_wait3A_52 = tpu.memref_slice %arg13[%dma_wait3A_50, %dma_wait3A_51] : memref<10000x16xf32, #tpu.memory_space<vmem_shared>> -> memref<10000x16xf32, #tpu.memory_space<vmem_shared>>
    tpu.wait_indirect_dma semaphore(%arg39 : memref<!tpu.dma_semaphore, #tpu.memory_space<semaphore_mem>>) src(%arg19 : memref<40x16xf32, #tpu.memory_space<vmem>>) dst(%dma_wait3A_52 : memref<10000x16xf32, #tpu.memory_space<vmem_shared>>)
    %dma_wait3A_53 = arith.constant 0 : i32
    %dma_wait3A_54 = arith.constant 0 : i32
    %dma_wait3A_55 = tpu.memref_slice %arg12[%dma_wait3A_53, %dma_wait3A_54] : memref<10000x144xf32, #tpu.memory_space<vmem_shared>> -> memref<10000x144xf32, #tpu.memory_space<vmem_shared>>
    tpu.wait_indirect_dma semaphore(%arg40 : memref<!tpu.dma_semaphore, #tpu.memory_space<semaphore_mem>>) src(%arg20 : memref<40x144xf32, #tpu.memory_space<vmem>>) dst(%dma_wait3A_55 : memref<10000x144xf32, #tpu.memory_space<vmem_shared>>)
    %barrier3A_56 = arith.constant 0 : index
    tpu.barrier barrier_id(%barrier3A_56)
    %lt3A_57 = arith.constant 15 : i32
    %lt3A_58 = arith.cmpi slt, %arg1, %lt3A_57 : i32
    %convert_element_type3A_59 = arith.extui %lt3A_58 : i1 to i32
    %cond3A_60 = arith.constant 0 : i32
    %cond3A_61 = arith.cmpi ne, %convert_element_type3A_59, %cond3A_60 : i32
    scf.if %cond3A_61 {
      %mul3A_67 = arith.constant 632 : i32
      %mul3A_68 = arith.muli %arg1, %mul3A_67 : i32
      %multiple_of3A = tpu.assume_multiple %mul3A_68, 8 : i32
      "tpu.region"() ({
        %run_scoped3A = tpu.sem_alloc : memref<!tpu.dma_semaphore, #tpu.memory_space<semaphore_mem>>
        %dma_start3A_69 = arith.constant 0 : i32
        %dma_start3A_70 = tpu.memref_slice %arg10[%arg0, %multiple_of3A, %dma_start3A_69] : memref<2x10000x144xf32, #tpu.memory_space<hbm>> -> memref<1x632x144xf32, #tpu.memory_space<hbm>>
        %dma_start3A_71 = tpu.memref_squeeze %dma_start3A_70 : memref<1x632x144xf32, #tpu.memory_space<hbm>> -> memref<632x144xf32, #tpu.memory_space<hbm>>
        %dma_start3A_72 = arith.constant 0 : i32
        %dma_start3A_73 = tpu.memref_slice %arg12[%multiple_of3A, %dma_start3A_72] : memref<10000x144xf32, #tpu.memory_space<vmem_shared>> -> memref<632x144xf32, #tpu.memory_space<vmem_shared>>
        tpu.enqueue_dma source(%dma_start3A_73 : memref<632x144xf32, #tpu.memory_space<vmem_shared>>) target(%dma_start3A_71 : memref<632x144xf32, #tpu.memory_space<hbm>>) target_semaphore(%run_scoped3A : memref<!tpu.dma_semaphore, #tpu.memory_space<semaphore_mem>>)
        %dma_wait3A_74 = arith.constant 0 : i32
        %dma_wait3A_75 = tpu.memref_slice %arg10[%arg0, %multiple_of3A, %dma_wait3A_74] : memref<2x10000x144xf32, #tpu.memory_space<hbm>> -> memref<1x632x144xf32, #tpu.memory_space<hbm>>
        %dma_wait3A_76 = tpu.memref_squeeze %dma_wait3A_75 : memref<1x632x144xf32, #tpu.memory_space<hbm>> -> memref<632x144xf32, #tpu.memory_space<hbm>>
        %dma_wait3A_77 = arith.constant 0 : i32
        %dma_wait3A_78 = tpu.memref_slice %arg12[%multiple_of3A, %dma_wait3A_77] : memref<10000x144xf32, #tpu.memory_space<vmem_shared>> -> memref<632x144xf32, #tpu.memory_space<vmem_shared>>
        tpu.wait_dma2 semaphore(%run_scoped3A : memref<!tpu.dma_semaphore, #tpu.memory_space<semaphore_mem>>) src(%dma_wait3A_78 : memref<632x144xf32, #tpu.memory_space<vmem_shared>>) dst(%dma_wait3A_76 : memref<632x144xf32, #tpu.memory_space<hbm>>)
        tpu.yield
      }) : () -> ()
      "tpu.region"() ({
        %run_scoped3A = tpu.sem_alloc : memref<!tpu.dma_semaphore, #tpu.memory_space<semaphore_mem>>
        %dma_start3A_69 = arith.constant 0 : i32
        %dma_start3A_70 = tpu.memref_slice %arg11[%arg0, %multiple_of3A, %dma_start3A_69] : memref<2x10000x16xf32, #tpu.memory_space<hbm>> -> memref<1x632x16xf32, #tpu.memory_space<hbm>>
        %dma_start3A_71 = tpu.memref_squeeze %dma_start3A_70 : memref<1x632x16xf32, #tpu.memory_space<hbm>> -> memref<632x16xf32, #tpu.memory_space<hbm>>
        %dma_start3A_72 = arith.constant 0 : i32
        %dma_start3A_73 = tpu.memref_slice %arg13[%multiple_of3A, %dma_start3A_72] : memref<10000x16xf32, #tpu.memory_space<vmem_shared>> -> memref<632x16xf32, #tpu.memory_space<vmem_shared>>
        tpu.enqueue_dma source(%dma_start3A_73 : memref<632x16xf32, #tpu.memory_space<vmem_shared>>) target(%dma_start3A_71 : memref<632x16xf32, #tpu.memory_space<hbm>>) target_semaphore(%run_scoped3A : memref<!tpu.dma_semaphore, #tpu.memory_space<semaphore_mem>>)
        %dma_wait3A_74 = arith.constant 0 : i32
        %dma_wait3A_75 = tpu.memref_slice %arg11[%arg0, %multiple_of3A, %dma_wait3A_74] : memref<2x10000x16xf32, #tpu.memory_space<hbm>> -> memref<1x632x16xf32, #tpu.memory_space<hbm>>
        %dma_wait3A_76 = tpu.memref_squeeze %dma_wait3A_75 : memref<1x632x16xf32, #tpu.memory_space<hbm>> -> memref<632x16xf32, #tpu.memory_space<hbm>>
        %dma_wait3A_77 = arith.constant 0 : i32
        %dma_wait3A_78 = tpu.memref_slice %arg13[%multiple_of3A, %dma_wait3A_77] : memref<10000x16xf32, #tpu.memory_space<vmem_shared>> -> memref<632x16xf32, #tpu.memory_space<vmem_shared>>
        tpu.wait_dma2 semaphore(%run_scoped3A : memref<!tpu.dma_semaphore, #tpu.memory_space<semaphore_mem>>) src(%dma_wait3A_78 : memref<632x16xf32, #tpu.memory_space<vmem_shared>>) dst(%dma_wait3A_76 : memref<632x16xf32, #tpu.memory_space<hbm>>)
        tpu.yield
      }) : () -> ()
    } else {
    }
    %eq3A_62 = arith.constant 15 : i32
    %eq3A_63 = arith.cmpi eq, %arg1, %eq3A_62 : i32
    %convert_element_type3A_64 = arith.extui %eq3A_63 : i1 to i32
    %cond3A_65 = arith.constant 0 : i32
    %cond3A_66 = arith.cmpi ne, %convert_element_type3A_64, %cond3A_65 : i32
    scf.if %cond3A_66 {
      "tpu.region"() ({
        %run_scoped3A = tpu.sem_alloc : memref<!tpu.dma_semaphore, #tpu.memory_space<semaphore_mem>>
        %dma_start3A_67 = arith.constant 9480 : i32
        %dma_start3A_68 = arith.constant 0 : i32
        %dma_start3A_69 = tpu.memref_slice %arg10[%arg0, %dma_start3A_67, %dma_start3A_68] : memref<2x10000x144xf32, #tpu.memory_space<hbm>> -> memref<1x520x144xf32, #tpu.memory_space<hbm>>
        %dma_start3A_70 = tpu.memref_squeeze %dma_start3A_69 : memref<1x520x144xf32, #tpu.memory_space<hbm>> -> memref<520x144xf32, #tpu.memory_space<hbm>>
        %dma_start3A_71 = arith.constant 9480 : i32
        %dma_start3A_72 = arith.constant 0 : i32
        %dma_start3A_73 = tpu.memref_slice %arg12[%dma_start3A_71, %dma_start3A_72] : memref<10000x144xf32, #tpu.memory_space<vmem_shared>> -> memref<520x144xf32, #tpu.memory_space<vmem_shared>>
        tpu.enqueue_dma source(%dma_start3A_73 : memref<520x144xf32, #tpu.memory_space<vmem_shared>>) target(%dma_start3A_70 : memref<520x144xf32, #tpu.memory_space<hbm>>) target_semaphore(%run_scoped3A : memref<!tpu.dma_semaphore, #tpu.memory_space<semaphore_mem>>)
        %dma_wait3A_74 = arith.constant 9480 : i32
        %dma_wait3A_75 = arith.constant 0 : i32
        %dma_wait3A_76 = tpu.memref_slice %arg10[%arg0, %dma_wait3A_74, %dma_wait3A_75] : memref<2x10000x144xf32, #tpu.memory_space<hbm>> -> memref<1x520x144xf32, #tpu.memory_space<hbm>>
        %dma_wait3A_77 = tpu.memref_squeeze %dma_wait3A_76 : memref<1x520x144xf32, #tpu.memory_space<hbm>> -> memref<520x144xf32, #tpu.memory_space<hbm>>
        %dma_wait3A_78 = arith.constant 9480 : i32
        %dma_wait3A_79 = arith.constant 0 : i32
        %dma_wait3A_80 = tpu.memref_slice %arg12[%dma_wait3A_78, %dma_wait3A_79] : memref<10000x144xf32, #tpu.memory_space<vmem_shared>> -> memref<520x144xf32, #tpu.memory_space<vmem_shared>>
        tpu.wait_dma2 semaphore(%run_scoped3A : memref<!tpu.dma_semaphore, #tpu.memory_space<semaphore_mem>>) src(%dma_wait3A_80 : memref<520x144xf32, #tpu.memory_space<vmem_shared>>) dst(%dma_wait3A_77 : memref<520x144xf32, #tpu.memory_space<hbm>>)
        tpu.yield
      }) : () -> ()
      "tpu.region"() ({
        %run_scoped3A = tpu.sem_alloc : memref<!tpu.dma_semaphore, #tpu.memory_space<semaphore_mem>>
        %dma_start3A_67 = arith.constant 9480 : i32
        %dma_start3A_68 = arith.constant 0 : i32
        %dma_start3A_69 = tpu.memref_slice %arg11[%arg0, %dma_start3A_67, %dma_start3A_68] : memref<2x10000x16xf32, #tpu.memory_space<hbm>> -> memref<1x520x16xf32, #tpu.memory_space<hbm>>
        %dma_start3A_70 = tpu.memref_squeeze %dma_start3A_69 : memref<1x520x16xf32, #tpu.memory_space<hbm>> -> memref<520x16xf32, #tpu.memory_space<hbm>>
        %dma_start3A_71 = arith.constant 9480 : i32
        %dma_start3A_72 = arith.constant 0 : i32
        %dma_start3A_73 = tpu.memref_slice %arg13[%dma_start3A_71, %dma_start3A_72] : memref<10000x16xf32, #tpu.memory_space<vmem_shared>> -> memref<520x16xf32, #tpu.memory_space<vmem_shared>>
        tpu.enqueue_dma source(%dma_start3A_73 : memref<520x16xf32, #tpu.memory_space<vmem_shared>>) target(%dma_start3A_70 : memref<520x16xf32, #tpu.memory_space<hbm>>) target_semaphore(%run_scoped3A : memref<!tpu.dma_semaphore, #tpu.memory_space<semaphore_mem>>)
        %dma_wait3A_74 = arith.constant 9480 : i32
        %dma_wait3A_75 = arith.constant 0 : i32
        %dma_wait3A_76 = tpu.memref_slice %arg11[%arg0, %dma_wait3A_74, %dma_wait3A_75] : memref<2x10000x16xf32, #tpu.memory_space<hbm>> -> memref<1x520x16xf32, #tpu.memory_space<hbm>>
        %dma_wait3A_77 = tpu.memref_squeeze %dma_wait3A_76 : memref<1x520x16xf32, #tpu.memory_space<hbm>> -> memref<520x16xf32, #tpu.memory_space<hbm>>
        %dma_wait3A_78 = arith.constant 9480 : i32
        %dma_wait3A_79 = arith.constant 0 : i32
        %dma_wait3A_80 = tpu.memref_slice %arg13[%dma_wait3A_78, %dma_wait3A_79] : memref<10000x16xf32, #tpu.memory_space<vmem_shared>> -> memref<520x16xf32, #tpu.memory_space<vmem_shared>>
        tpu.wait_dma2 semaphore(%run_scoped3A : memref<!tpu.dma_semaphore, #tpu.memory_space<semaphore_mem>>) src(%dma_wait3A_80 : memref<520x16xf32, #tpu.memory_space<vmem_shared>>) dst(%dma_wait3A_77 : memref<520x16xf32, #tpu.memory_space<hbm>>)
        tpu.yield
      }) : () -> ()
    } else {
    }
    return
  }
}

#map = affine_map<(d0, d1) -> (0)>
#map1 = affine_map<(d0, d1) -> (0, 0)>
#map2 = affine_map<(d0, d1) -> (0, 0, 0)>
module attributes {stable_mosaic.version = 14 : i64} {
  func.func @sc_pass(%arg0: i32, %arg1: i32, %arg2: memref<320000xi32, #tpu.memory_space<hbm>>, %arg3: memref<320000xi32, #tpu.memory_space<hbm>>, %arg4: memref<320000x16xf32, #tpu.memory_space<hbm>>, %arg5: memref<10000x16xf32, #tpu.memory_space<hbm>>, %arg6: memref<10000x16xf32, #tpu.memory_space<hbm>>, %arg7: memref<10000x128xf32, #tpu.memory_space<hbm>>, %arg8: memref<10000x128xf32, #tpu.memory_space<hbm>>, %arg9: memref<10000x16xf32, #tpu.memory_space<hbm>>, %arg10: memref<2x10000x128xf32, #tpu.memory_space<hbm>>, %arg11: memref<2x10000x16xf32, #tpu.memory_space<hbm>>, %arg12: memref<10000x128xf32, #tpu.memory_space<vmem_shared>>, %arg13: memref<10000x16xf32, #tpu.memory_space<vmem_shared>>, %arg14: memref<40xi32, #tpu.memory_space<vmem>>, %arg15: memref<40xi32, #tpu.memory_space<vmem>>, %arg16: memref<40x16xf32, #tpu.memory_space<vmem>>, %arg17: memref<40x16xf32, #tpu.memory_space<vmem>>, %arg18: memref<40x16xf32, #tpu.memory_space<vmem>>, %arg19: memref<40x16xf32, #tpu.memory_space<vmem>>, %arg20: memref<40x128xf32, #tpu.memory_space<vmem>>, %arg21: memref<40xi32, #tpu.memory_space<vmem>>, %arg22: memref<40xi32, #tpu.memory_space<vmem>>, %arg23: memref<40x16xf32, #tpu.memory_space<vmem>>, %arg24: memref<40x16xf32, #tpu.memory_space<vmem>>, %arg25: memref<40x16xf32, #tpu.memory_space<vmem>>, %arg26: memref<40x16xf32, #tpu.memory_space<vmem>>, %arg27: memref<40x128xf32, #tpu.memory_space<vmem>>, %arg28: memref<40xi32, #tpu.memory_space<vmem>>, %arg29: memref<40xi32, #tpu.memory_space<vmem>>, %arg30: memref<40x16xf32, #tpu.memory_space<vmem>>, %arg31: memref<40x16xf32, #tpu.memory_space<vmem>>, %arg32: memref<40x16xf32, #tpu.memory_space<vmem>>, %arg33: memref<40x16xf32, #tpu.memory_space<vmem>>, %arg34: memref<40x128xf32, #tpu.memory_space<vmem>>, %arg35: memref<!tpu.dma_semaphore, #tpu.memory_space<semaphore_mem>>, %arg36: memref<!tpu.dma_semaphore, #tpu.memory_space<semaphore_mem>>, %arg37: memref<!tpu.dma_semaphore, #tpu.memory_space<semaphore_mem>>, %arg38: memref<!tpu.dma_semaphore, #tpu.memory_space<semaphore_mem>>, %arg39: memref<!tpu.dma_semaphore, #tpu.memory_space<semaphore_mem>>, %arg40: memref<!tpu.dma_semaphore, #tpu.memory_space<semaphore_mem>>, %arg41: memref<!tpu.dma_semaphore, #tpu.memory_space<semaphore_mem>>, %arg42: memref<!tpu.dma_semaphore, #tpu.memory_space<semaphore_mem>>, %arg43: memref<!tpu.dma_semaphore, #tpu.memory_space<semaphore_mem>>, %arg44: memref<!tpu.dma_semaphore, #tpu.memory_space<semaphore_mem>>, %arg45: memref<!tpu.dma_semaphore, #tpu.memory_space<semaphore_mem>>, %arg46: memref<!tpu.dma_semaphore, #tpu.memory_space<semaphore_mem>>, %arg47: memref<!tpu.dma_semaphore, #tpu.memory_space<semaphore_mem>>, %arg48: memref<!tpu.dma_semaphore, #tpu.memory_space<semaphore_mem>>, %arg49: memref<!tpu.dma_semaphore, #tpu.memory_space<semaphore_mem>>, %arg50: memref<!tpu.dma_semaphore, #tpu.memory_space<semaphore_mem>>, %arg51: memref<!tpu.dma_semaphore, #tpu.memory_space<semaphore_mem>>, %arg52: memref<!tpu.dma_semaphore, #tpu.memory_space<semaphore_mem>>) attributes {dimension_semantics = [#tpu.dimension_semantics<core_parallel>, #tpu.dimension_semantics<subcore_parallel>], iteration_bounds = array<i64: 2, 16>, scalar_prefetch = 0 : i64, scratch_operands = 41 : i64, tpu.core_type = #tpu.core_type<sc_vector_subcore>, window_params = [{transform_indices = #map}, {transform_indices = #map}, {transform_indices = #map1}, {transform_indices = #map1}, {transform_indices = #map1}, {transform_indices = #map1}, {transform_indices = #map1}, {transform_indices = #map1}, {transform_indices = #map2}, {transform_indices = #map2}]} {
    %lt3A = arith.constant 15 : i32
    %lt3A_0 = arith.cmpi slt, %arg1, %lt3A : i32
    %convert_element_type3A = arith.extui %lt3A_0 : i1 to i32
    %cond3A = arith.constant 0 : i32
    %cond3A_1 = arith.cmpi ne, %convert_element_type3A, %cond3A : i32
    scf.if %cond3A_1 {
      %mul3A_67 = arith.constant 632 : i32
      %mul3A_68 = arith.muli %arg1, %mul3A_67 : i32
      %multiple_of3A = tpu.assume_multiple %mul3A_68, 8 : i32
      "tpu.region"() ({
        %run_scoped3A = tpu.sem_alloc : memref<!tpu.dma_semaphore, #tpu.memory_space<semaphore_mem>>
        %dma_start3A_69 = arith.constant 0 : i32
        %dma_start3A_70 = tpu.memref_slice %arg12[%multiple_of3A, %dma_start3A_69] : memref<10000x128xf32, #tpu.memory_space<vmem_shared>> -> memref<632x128xf32, #tpu.memory_space<vmem_shared>>
        %dma_start3A_71 = arith.constant 0 : i32
        %dma_start3A_72 = tpu.memref_slice %arg8[%multiple_of3A, %dma_start3A_71] : memref<10000x128xf32, #tpu.memory_space<hbm>> -> memref<632x128xf32, #tpu.memory_space<hbm>>
        tpu.enqueue_dma source(%dma_start3A_72 : memref<632x128xf32, #tpu.memory_space<hbm>>) target(%dma_start3A_70 : memref<632x128xf32, #tpu.memory_space<vmem_shared>>) target_semaphore(%run_scoped3A : memref<!tpu.dma_semaphore, #tpu.memory_space<semaphore_mem>>)
        %dma_wait3A_73 = arith.constant 0 : i32
        %dma_wait3A_74 = tpu.memref_slice %arg12[%multiple_of3A, %dma_wait3A_73] : memref<10000x128xf32, #tpu.memory_space<vmem_shared>> -> memref<632x128xf32, #tpu.memory_space<vmem_shared>>
        %dma_wait3A_75 = arith.constant 0 : i32
        %dma_wait3A_76 = tpu.memref_slice %arg8[%multiple_of3A, %dma_wait3A_75] : memref<10000x128xf32, #tpu.memory_space<hbm>> -> memref<632x128xf32, #tpu.memory_space<hbm>>
        tpu.wait_dma2 semaphore(%run_scoped3A : memref<!tpu.dma_semaphore, #tpu.memory_space<semaphore_mem>>) src(%dma_wait3A_76 : memref<632x128xf32, #tpu.memory_space<hbm>>) dst(%dma_wait3A_74 : memref<632x128xf32, #tpu.memory_space<vmem_shared>>)
        tpu.yield
      }) : () -> ()
      "tpu.region"() ({
        %run_scoped3A = tpu.sem_alloc : memref<!tpu.dma_semaphore, #tpu.memory_space<semaphore_mem>>
        %dma_start3A_69 = arith.constant 0 : i32
        %dma_start3A_70 = tpu.memref_slice %arg13[%multiple_of3A, %dma_start3A_69] : memref<10000x16xf32, #tpu.memory_space<vmem_shared>> -> memref<632x16xf32, #tpu.memory_space<vmem_shared>>
        %dma_start3A_71 = arith.constant 0 : i32
        %dma_start3A_72 = tpu.memref_slice %arg9[%multiple_of3A, %dma_start3A_71] : memref<10000x16xf32, #tpu.memory_space<hbm>> -> memref<632x16xf32, #tpu.memory_space<hbm>>
        tpu.enqueue_dma source(%dma_start3A_72 : memref<632x16xf32, #tpu.memory_space<hbm>>) target(%dma_start3A_70 : memref<632x16xf32, #tpu.memory_space<vmem_shared>>) target_semaphore(%run_scoped3A : memref<!tpu.dma_semaphore, #tpu.memory_space<semaphore_mem>>)
        %dma_wait3A_73 = arith.constant 0 : i32
        %dma_wait3A_74 = tpu.memref_slice %arg13[%multiple_of3A, %dma_wait3A_73] : memref<10000x16xf32, #tpu.memory_space<vmem_shared>> -> memref<632x16xf32, #tpu.memory_space<vmem_shared>>
        %dma_wait3A_75 = arith.constant 0 : i32
        %dma_wait3A_76 = tpu.memref_slice %arg9[%multiple_of3A, %dma_wait3A_75] : memref<10000x16xf32, #tpu.memory_space<hbm>> -> memref<632x16xf32, #tpu.memory_space<hbm>>
        tpu.wait_dma2 semaphore(%run_scoped3A : memref<!tpu.dma_semaphore, #tpu.memory_space<semaphore_mem>>) src(%dma_wait3A_76 : memref<632x16xf32, #tpu.memory_space<hbm>>) dst(%dma_wait3A_74 : memref<632x16xf32, #tpu.memory_space<vmem_shared>>)
        tpu.yield
      }) : () -> ()
    } else {
    }
    %eq3A = arith.constant 15 : i32
    %eq3A_2 = arith.cmpi eq, %arg1, %eq3A : i32
    %convert_element_type3A_3 = arith.extui %eq3A_2 : i1 to i32
    %cond3A_4 = arith.constant 0 : i32
    %cond3A_5 = arith.cmpi ne, %convert_element_type3A_3, %cond3A_4 : i32
    scf.if %cond3A_5 {
      "tpu.region"() ({
        %run_scoped3A = tpu.sem_alloc : memref<!tpu.dma_semaphore, #tpu.memory_space<semaphore_mem>>
        %dma_start3A_67 = arith.constant 9480 : i32
        %dma_start3A_68 = arith.constant 0 : i32
        %dma_start3A_69 = tpu.memref_slice %arg12[%dma_start3A_67, %dma_start3A_68] : memref<10000x128xf32, #tpu.memory_space<vmem_shared>> -> memref<520x128xf32, #tpu.memory_space<vmem_shared>>
        %dma_start3A_70 = arith.constant 9480 : i32
        %dma_start3A_71 = arith.constant 0 : i32
        %dma_start3A_72 = tpu.memref_slice %arg8[%dma_start3A_70, %dma_start3A_71] : memref<10000x128xf32, #tpu.memory_space<hbm>> -> memref<520x128xf32, #tpu.memory_space<hbm>>
        tpu.enqueue_dma source(%dma_start3A_72 : memref<520x128xf32, #tpu.memory_space<hbm>>) target(%dma_start3A_69 : memref<520x128xf32, #tpu.memory_space<vmem_shared>>) target_semaphore(%run_scoped3A : memref<!tpu.dma_semaphore, #tpu.memory_space<semaphore_mem>>)
        %dma_wait3A_73 = arith.constant 9480 : i32
        %dma_wait3A_74 = arith.constant 0 : i32
        %dma_wait3A_75 = tpu.memref_slice %arg12[%dma_wait3A_73, %dma_wait3A_74] : memref<10000x128xf32, #tpu.memory_space<vmem_shared>> -> memref<520x128xf32, #tpu.memory_space<vmem_shared>>
        %dma_wait3A_76 = arith.constant 9480 : i32
        %dma_wait3A_77 = arith.constant 0 : i32
        %dma_wait3A_78 = tpu.memref_slice %arg8[%dma_wait3A_76, %dma_wait3A_77] : memref<10000x128xf32, #tpu.memory_space<hbm>> -> memref<520x128xf32, #tpu.memory_space<hbm>>
        tpu.wait_dma2 semaphore(%run_scoped3A : memref<!tpu.dma_semaphore, #tpu.memory_space<semaphore_mem>>) src(%dma_wait3A_78 : memref<520x128xf32, #tpu.memory_space<hbm>>) dst(%dma_wait3A_75 : memref<520x128xf32, #tpu.memory_space<vmem_shared>>)
        tpu.yield
      }) : () -> ()
      "tpu.region"() ({
        %run_scoped3A = tpu.sem_alloc : memref<!tpu.dma_semaphore, #tpu.memory_space<semaphore_mem>>
        %dma_start3A_67 = arith.constant 9480 : i32
        %dma_start3A_68 = arith.constant 0 : i32
        %dma_start3A_69 = tpu.memref_slice %arg13[%dma_start3A_67, %dma_start3A_68] : memref<10000x16xf32, #tpu.memory_space<vmem_shared>> -> memref<520x16xf32, #tpu.memory_space<vmem_shared>>
        %dma_start3A_70 = arith.constant 9480 : i32
        %dma_start3A_71 = arith.constant 0 : i32
        %dma_start3A_72 = tpu.memref_slice %arg9[%dma_start3A_70, %dma_start3A_71] : memref<10000x16xf32, #tpu.memory_space<hbm>> -> memref<520x16xf32, #tpu.memory_space<hbm>>
        tpu.enqueue_dma source(%dma_start3A_72 : memref<520x16xf32, #tpu.memory_space<hbm>>) target(%dma_start3A_69 : memref<520x16xf32, #tpu.memory_space<vmem_shared>>) target_semaphore(%run_scoped3A : memref<!tpu.dma_semaphore, #tpu.memory_space<semaphore_mem>>)
        %dma_wait3A_73 = arith.constant 9480 : i32
        %dma_wait3A_74 = arith.constant 0 : i32
        %dma_wait3A_75 = tpu.memref_slice %arg13[%dma_wait3A_73, %dma_wait3A_74] : memref<10000x16xf32, #tpu.memory_space<vmem_shared>> -> memref<520x16xf32, #tpu.memory_space<vmem_shared>>
        %dma_wait3A_76 = arith.constant 9480 : i32
        %dma_wait3A_77 = arith.constant 0 : i32
        %dma_wait3A_78 = tpu.memref_slice %arg9[%dma_wait3A_76, %dma_wait3A_77] : memref<10000x16xf32, #tpu.memory_space<hbm>> -> memref<520x16xf32, #tpu.memory_space<hbm>>
        tpu.wait_dma2 semaphore(%run_scoped3A : memref<!tpu.dma_semaphore, #tpu.memory_space<semaphore_mem>>) src(%dma_wait3A_78 : memref<520x16xf32, #tpu.memory_space<hbm>>) dst(%dma_wait3A_75 : memref<520x16xf32, #tpu.memory_space<vmem_shared>>)
        tpu.yield
      }) : () -> ()
    } else {
    }
    %barrier3A = arith.constant 0 : index
    tpu.barrier barrier_id(%barrier3A)
    %mul3A = arith.constant 16 : i32
    %mul3A_6 = arith.muli %arg0, %mul3A : i32
    %add3A = arith.addi %mul3A_6, %arg1 : i32
    %mul3A_7 = arith.constant 10000 : i32
    %mul3A_8 = arith.muli %add3A, %mul3A_7 : i32
    %iota3A = tpu.iota {dimensions = array<i32: 0>} : vector<16xi32>
    %shift_right_arithmetic3A = arith.constant 1 : i32
    %shift_right_arithmetic3A_9 = vector.broadcast %shift_right_arithmetic3A : i32 to vector<16xi32>
    %shift_right_arithmetic3A_10 = arith.shrsi %iota3A, %shift_right_arithmetic3A_9 : vector<16xi32>
    %min3A = arith.constant 3 : i32
    %min3A_11 = vector.broadcast %min3A : i32 to vector<16xi32>
    %min3A_12 = arith.minsi %shift_right_arithmetic3A_10, %min3A_11 : vector<16xi32>
    %add3A_13 = arith.constant 4 : i32
    %add3A_14 = vector.broadcast %add3A_13 : i32 to vector<16xi32>
    %add3A_15 = arith.addi %add3A_14, %min3A_12 : vector<16xi32>
    %dma_start3A = tpu.memref_slice %arg2[%mul3A_8] : memref<320000xi32, #tpu.memory_space<hbm>> -> memref<40xi32, #tpu.memory_space<hbm>>
    %dma_start3A_16 = tpu.memref_slice %arg2[%mul3A_8] : memref<320000xi32, #tpu.memory_space<hbm>> -> memref<40xi32, #tpu.memory_space<hbm>>
    tpu.enqueue_dma source(%dma_start3A_16 : memref<40xi32, #tpu.memory_space<hbm>>) target(%arg14 : memref<40xi32, #tpu.memory_space<vmem>>) target_semaphore(%arg35 : memref<!tpu.dma_semaphore, #tpu.memory_space<semaphore_mem>>)
    %dma_start3A_17 = tpu.memref_slice %arg3[%mul3A_8] : memref<320000xi32, #tpu.memory_space<hbm>> -> memref<40xi32, #tpu.memory_space<hbm>>
    %dma_start3A_18 = tpu.memref_slice %arg3[%mul3A_8] : memref<320000xi32, #tpu.memory_space<hbm>> -> memref<40xi32, #tpu.memory_space<hbm>>
    tpu.enqueue_dma source(%dma_start3A_18 : memref<40xi32, #tpu.memory_space<hbm>>) target(%arg15 : memref<40xi32, #tpu.memory_space<vmem>>) target_semaphore(%arg35 : memref<!tpu.dma_semaphore, #tpu.memory_space<semaphore_mem>>)
    %dma_start3A_19 = arith.constant 0 : i32
    %dma_start3A_20 = tpu.memref_slice %arg4[%mul3A_8, %dma_start3A_19] : memref<320000x16xf32, #tpu.memory_space<hbm>> -> memref<40x16xf32, #tpu.memory_space<hbm>>
    %dma_start3A_21 = arith.constant 0 : i32
    %dma_start3A_22 = tpu.memref_slice %arg4[%mul3A_8, %dma_start3A_21] : memref<320000x16xf32, #tpu.memory_space<hbm>> -> memref<40x16xf32, #tpu.memory_space<hbm>>
    tpu.enqueue_dma source(%dma_start3A_22 : memref<40x16xf32, #tpu.memory_space<hbm>>) target(%arg16 : memref<40x16xf32, #tpu.memory_space<vmem>>) target_semaphore(%arg35 : memref<!tpu.dma_semaphore, #tpu.memory_space<semaphore_mem>>)
    %dma_wait3A = tpu.memref_slice %arg2[%mul3A_8] : memref<320000xi32, #tpu.memory_space<hbm>> -> memref<40xi32, #tpu.memory_space<hbm>>
    %dma_wait3A_23 = tpu.memref_slice %arg2[%mul3A_8] : memref<320000xi32, #tpu.memory_space<hbm>> -> memref<40xi32, #tpu.memory_space<hbm>>
    tpu.wait_dma2 semaphore(%arg35 : memref<!tpu.dma_semaphore, #tpu.memory_space<semaphore_mem>>) src(%dma_wait3A_23 : memref<40xi32, #tpu.memory_space<hbm>>) dst(%arg14 : memref<40xi32, #tpu.memory_space<vmem>>)
    %dma_wait3A_24 = tpu.memref_slice %arg3[%mul3A_8] : memref<320000xi32, #tpu.memory_space<hbm>> -> memref<40xi32, #tpu.memory_space<hbm>>
    %dma_wait3A_25 = tpu.memref_slice %arg3[%mul3A_8] : memref<320000xi32, #tpu.memory_space<hbm>> -> memref<40xi32, #tpu.memory_space<hbm>>
    tpu.wait_dma2 semaphore(%arg35 : memref<!tpu.dma_semaphore, #tpu.memory_space<semaphore_mem>>) src(%dma_wait3A_25 : memref<40xi32, #tpu.memory_space<hbm>>) dst(%arg15 : memref<40xi32, #tpu.memory_space<vmem>>)
    %dma_wait3A_26 = arith.constant 0 : i32
    %dma_wait3A_27 = tpu.memref_slice %arg4[%mul3A_8, %dma_wait3A_26] : memref<320000x16xf32, #tpu.memory_space<hbm>> -> memref<40x16xf32, #tpu.memory_space<hbm>>
    %dma_wait3A_28 = arith.constant 0 : i32
    %dma_wait3A_29 = tpu.memref_slice %arg4[%mul3A_8, %dma_wait3A_28] : memref<320000x16xf32, #tpu.memory_space<hbm>> -> memref<40x16xf32, #tpu.memory_space<hbm>>
    tpu.wait_dma2 semaphore(%arg35 : memref<!tpu.dma_semaphore, #tpu.memory_space<semaphore_mem>>) src(%dma_wait3A_29 : memref<40x16xf32, #tpu.memory_space<hbm>>) dst(%arg16 : memref<40x16xf32, #tpu.memory_space<vmem>>)
    %dma_start3A_30 = arith.constant 0 : i32
    %dma_start3A_31 = arith.constant 0 : i32
    %dma_start3A_32 = tpu.memref_slice %arg5[%dma_start3A_30, %dma_start3A_31] : memref<10000x16xf32, #tpu.memory_space<hbm>> -> memref<10000x16xf32, #tpu.memory_space<hbm>>
    tpu.enqueue_indirect_dma source(%dma_start3A_32 : memref<10000x16xf32, #tpu.memory_space<hbm>>) target(%arg17 : memref<40x16xf32, #tpu.memory_space<vmem>>) offsets(%arg14 : memref<40xi32, #tpu.memory_space<vmem>>) semaphore(%arg36 : memref<!tpu.dma_semaphore, #tpu.memory_space<semaphore_mem>>)
    %dma_start3A_33 = arith.constant 0 : i32
    %dma_start3A_34 = arith.constant 0 : i32
    %dma_start3A_35 = tpu.memref_slice %arg6[%dma_start3A_33, %dma_start3A_34] : memref<10000x16xf32, #tpu.memory_space<hbm>> -> memref<10000x16xf32, #tpu.memory_space<hbm>>
    tpu.enqueue_indirect_dma source(%dma_start3A_35 : memref<10000x16xf32, #tpu.memory_space<hbm>>) target(%arg18 : memref<40x16xf32, #tpu.memory_space<vmem>>) offsets(%arg15 : memref<40xi32, #tpu.memory_space<vmem>>) semaphore(%arg37 : memref<!tpu.dma_semaphore, #tpu.memory_space<semaphore_mem>>)
    %dma_start3A_36 = arith.constant 0 : i32
    %dma_start3A_37 = arith.constant 0 : i32
    %dma_start3A_38 = tpu.memref_slice %arg7[%dma_start3A_36, %dma_start3A_37] : memref<10000x128xf32, #tpu.memory_space<hbm>> -> memref<10000x128xf32, #tpu.memory_space<hbm>>
    tpu.enqueue_indirect_dma source(%dma_start3A_38 : memref<10000x128xf32, #tpu.memory_space<hbm>>) target(%arg20 : memref<40x128xf32, #tpu.memory_space<vmem>>) offsets(%arg14 : memref<40xi32, #tpu.memory_space<vmem>>) semaphore(%arg38 : memref<!tpu.dma_semaphore, #tpu.memory_space<semaphore_mem>>)
    %scan3A = arith.constant 0 : i32
    %scan3A_39 = arith.constant 0 : i32
    %scan3A_40 = arith.constant 250 : i32
    %scan3A_41 = arith.addi %scan3A_39, %scan3A_40 : i32
    %scan3A_42 = arith.constant 1 : i32
    scf.for %scan3A_67 = %scan3A_39 to %scan3A_41 step %scan3A_42  : i32 {
      %jit3A = arith.constant 3 : i32
      %eq3A_68 = arith.constant 0 : i32
      %eq3A_69 = arith.cmpi eq, %jit3A, %eq3A_68 : i32
      %jit3A_70 = arith.constant 1 : i32
      %select_n3A = arith.select %eq3A_69, %jit3A_70, %jit3A : i32
      %rem3A = arith.remsi %scan3A_67, %select_n3A : i32
      %ne3A = arith.constant 0 : i32
      %ne3A_71 = arith.cmpi ne, %rem3A, %ne3A : i32
      %lt3A_72 = arith.constant 0 : i32
      %lt3A_73 = arith.cmpi slt, %rem3A, %lt3A_72 : i32
      %lt3A_74 = arith.constant 0 : i32
      %lt3A_75 = arith.cmpi slt, %select_n3A, %lt3A_74 : i32
      %ne3A_76 = arith.xori %lt3A_73, %lt3A_75 : i1
      %and3A = arith.andi %ne3A_76, %ne3A_71 : i1
      %add3A_77 = arith.addi %rem3A, %select_n3A : i32
      %select_n3A_78 = arith.select %and3A, %add3A_77, %rem3A : i32
      %eq3A_79 = arith.constant 0 : i32
      %eq3A_80 = arith.cmpi eq, %select_n3A_78, %eq3A_79 : i32
      %convert_element_type3A_81 = arith.extui %eq3A_80 : i1 to i32
      %cond3A_82 = arith.constant 0 : i32
      %cond3A_83 = arith.cmpi ne, %convert_element_type3A_81, %cond3A_82 : i32
      scf.if %cond3A_83 {
        %add3A_126 = arith.constant 1 : i32
        %add3A_127 = arith.addi %scan3A_67, %add3A_126 : i32
        %mul3A_128 = arith.constant 40 : i32
        %mul3A_129 = arith.muli %add3A_127, %mul3A_128 : i32
        %add3A_130 = arith.addi %mul3A_8, %mul3A_129 : i32
        %ge3A = arith.constant 2 : i32
        %ge3A_131 = arith.cmpi sge, %scan3A_67, %ge3A : i32
        %convert_element_type3A_132 = arith.extui %ge3A_131 : i1 to i32
        %cond3A_133 = arith.constant 0 : i32
        %cond3A_134 = arith.cmpi ne, %convert_element_type3A_132, %cond3A_133 : i32
        scf.if %cond3A_134 {
          %dma_wait3A_163 = arith.constant 0 : i32
          %dma_wait3A_164 = arith.constant 0 : i32
          %dma_wait3A_165 = tpu.memref_slice %arg13[%dma_wait3A_163, %dma_wait3A_164] : memref<10000x16xf32, #tpu.memory_space<vmem_shared>> -> memref<10000x16xf32, #tpu.memory_space<vmem_shared>>
          tpu.wait_indirect_dma semaphore(%arg45 : memref<!tpu.dma_semaphore, #tpu.memory_space<semaphore_mem>>) src(%arg26 : memref<40x16xf32, #tpu.memory_space<vmem>>) dst(%dma_wait3A_165 : memref<10000x16xf32, #tpu.memory_space<vmem_shared>>)
          %dma_wait3A_166 = arith.constant 0 : i32
          %dma_wait3A_167 = arith.constant 0 : i32
          %dma_wait3A_168 = tpu.memref_slice %arg12[%dma_wait3A_166, %dma_wait3A_167] : memref<10000x128xf32, #tpu.memory_space<vmem_shared>> -> memref<10000x128xf32, #tpu.memory_space<vmem_shared>>
          tpu.wait_indirect_dma semaphore(%arg46 : memref<!tpu.dma_semaphore, #tpu.memory_space<semaphore_mem>>) src(%arg27 : memref<40x128xf32, #tpu.memory_space<vmem>>) dst(%dma_wait3A_168 : memref<10000x128xf32, #tpu.memory_space<vmem_shared>>)
        } else {
        }
        %add3A_135 = arith.constant 1 : i32
        %add3A_136 = arith.addi %scan3A_67, %add3A_135 : i32
        %lt3A_137 = arith.constant 250 : i32
        %lt3A_138 = arith.cmpi slt, %add3A_136, %lt3A_137 : i32
        %convert_element_type3A_139 = arith.extui %lt3A_138 : i1 to i32
        %cond3A_140 = arith.constant 0 : i32
        %cond3A_141 = arith.cmpi ne, %convert_element_type3A_139, %cond3A_140 : i32
        scf.if %cond3A_141 {
          %dma_start3A_163 = tpu.memref_slice %arg2[%add3A_130] : memref<320000xi32, #tpu.memory_space<hbm>> -> memref<40xi32, #tpu.memory_space<hbm>>
          %dma_start3A_164 = tpu.memref_slice %arg2[%add3A_130] : memref<320000xi32, #tpu.memory_space<hbm>> -> memref<40xi32, #tpu.memory_space<hbm>>
          tpu.enqueue_dma source(%dma_start3A_164 : memref<40xi32, #tpu.memory_space<hbm>>) target(%arg21 : memref<40xi32, #tpu.memory_space<vmem>>) target_semaphore(%arg41 : memref<!tpu.dma_semaphore, #tpu.memory_space<semaphore_mem>>)
          %dma_start3A_165 = tpu.memref_slice %arg3[%add3A_130] : memref<320000xi32, #tpu.memory_space<hbm>> -> memref<40xi32, #tpu.memory_space<hbm>>
          %dma_start3A_166 = tpu.memref_slice %arg3[%add3A_130] : memref<320000xi32, #tpu.memory_space<hbm>> -> memref<40xi32, #tpu.memory_space<hbm>>
          tpu.enqueue_dma source(%dma_start3A_166 : memref<40xi32, #tpu.memory_space<hbm>>) target(%arg22 : memref<40xi32, #tpu.memory_space<vmem>>) target_semaphore(%arg41 : memref<!tpu.dma_semaphore, #tpu.memory_space<semaphore_mem>>)
          %dma_start3A_167 = arith.constant 0 : i32
          %dma_start3A_168 = tpu.memref_slice %arg4[%add3A_130, %dma_start3A_167] : memref<320000x16xf32, #tpu.memory_space<hbm>> -> memref<40x16xf32, #tpu.memory_space<hbm>>
          %dma_start3A_169 = arith.constant 0 : i32
          %dma_start3A_170 = tpu.memref_slice %arg4[%add3A_130, %dma_start3A_169] : memref<320000x16xf32, #tpu.memory_space<hbm>> -> memref<40x16xf32, #tpu.memory_space<hbm>>
          tpu.enqueue_dma source(%dma_start3A_170 : memref<40x16xf32, #tpu.memory_space<hbm>>) target(%arg23 : memref<40x16xf32, #tpu.memory_space<vmem>>) target_semaphore(%arg41 : memref<!tpu.dma_semaphore, #tpu.memory_space<semaphore_mem>>)
          %dma_wait3A_171 = tpu.memref_slice %arg2[%add3A_130] : memref<320000xi32, #tpu.memory_space<hbm>> -> memref<40xi32, #tpu.memory_space<hbm>>
          %dma_wait3A_172 = tpu.memref_slice %arg2[%add3A_130] : memref<320000xi32, #tpu.memory_space<hbm>> -> memref<40xi32, #tpu.memory_space<hbm>>
          tpu.wait_dma2 semaphore(%arg41 : memref<!tpu.dma_semaphore, #tpu.memory_space<semaphore_mem>>) src(%dma_wait3A_172 : memref<40xi32, #tpu.memory_space<hbm>>) dst(%arg21 : memref<40xi32, #tpu.memory_space<vmem>>)
          %dma_wait3A_173 = tpu.memref_slice %arg3[%add3A_130] : memref<320000xi32, #tpu.memory_space<hbm>> -> memref<40xi32, #tpu.memory_space<hbm>>
          %dma_wait3A_174 = tpu.memref_slice %arg3[%add3A_130] : memref<320000xi32, #tpu.memory_space<hbm>> -> memref<40xi32, #tpu.memory_space<hbm>>
          tpu.wait_dma2 semaphore(%arg41 : memref<!tpu.dma_semaphore, #tpu.memory_space<semaphore_mem>>) src(%dma_wait3A_174 : memref<40xi32, #tpu.memory_space<hbm>>) dst(%arg22 : memref<40xi32, #tpu.memory_space<vmem>>)
          %dma_wait3A_175 = arith.constant 0 : i32
          %dma_wait3A_176 = tpu.memref_slice %arg4[%add3A_130, %dma_wait3A_175] : memref<320000x16xf32, #tpu.memory_space<hbm>> -> memref<40x16xf32, #tpu.memory_space<hbm>>
          %dma_wait3A_177 = arith.constant 0 : i32
          %dma_wait3A_178 = tpu.memref_slice %arg4[%add3A_130, %dma_wait3A_177] : memref<320000x16xf32, #tpu.memory_space<hbm>> -> memref<40x16xf32, #tpu.memory_space<hbm>>
          tpu.wait_dma2 semaphore(%arg41 : memref<!tpu.dma_semaphore, #tpu.memory_space<semaphore_mem>>) src(%dma_wait3A_178 : memref<40x16xf32, #tpu.memory_space<hbm>>) dst(%arg23 : memref<40x16xf32, #tpu.memory_space<vmem>>)
          %dma_start3A_179 = arith.constant 0 : i32
          %dma_start3A_180 = arith.constant 0 : i32
          %dma_start3A_181 = tpu.memref_slice %arg5[%dma_start3A_179, %dma_start3A_180] : memref<10000x16xf32, #tpu.memory_space<hbm>> -> memref<10000x16xf32, #tpu.memory_space<hbm>>
          tpu.enqueue_indirect_dma source(%dma_start3A_181 : memref<10000x16xf32, #tpu.memory_space<hbm>>) target(%arg24 : memref<40x16xf32, #tpu.memory_space<vmem>>) offsets(%arg21 : memref<40xi32, #tpu.memory_space<vmem>>) semaphore(%arg42 : memref<!tpu.dma_semaphore, #tpu.memory_space<semaphore_mem>>)
          %dma_start3A_182 = arith.constant 0 : i32
          %dma_start3A_183 = arith.constant 0 : i32
          %dma_start3A_184 = tpu.memref_slice %arg6[%dma_start3A_182, %dma_start3A_183] : memref<10000x16xf32, #tpu.memory_space<hbm>> -> memref<10000x16xf32, #tpu.memory_space<hbm>>
          tpu.enqueue_indirect_dma source(%dma_start3A_184 : memref<10000x16xf32, #tpu.memory_space<hbm>>) target(%arg25 : memref<40x16xf32, #tpu.memory_space<vmem>>) offsets(%arg22 : memref<40xi32, #tpu.memory_space<vmem>>) semaphore(%arg43 : memref<!tpu.dma_semaphore, #tpu.memory_space<semaphore_mem>>)
          %dma_start3A_185 = arith.constant 0 : i32
          %dma_start3A_186 = arith.constant 0 : i32
          %dma_start3A_187 = tpu.memref_slice %arg7[%dma_start3A_185, %dma_start3A_186] : memref<10000x128xf32, #tpu.memory_space<hbm>> -> memref<10000x128xf32, #tpu.memory_space<hbm>>
          tpu.enqueue_indirect_dma source(%dma_start3A_187 : memref<10000x128xf32, #tpu.memory_space<hbm>>) target(%arg27 : memref<40x128xf32, #tpu.memory_space<vmem>>) offsets(%arg21 : memref<40xi32, #tpu.memory_space<vmem>>) semaphore(%arg44 : memref<!tpu.dma_semaphore, #tpu.memory_space<semaphore_mem>>)
        } else {
        }
        %dma_wait3A_142 = arith.constant 0 : i32
        %dma_wait3A_143 = arith.constant 0 : i32
        %dma_wait3A_144 = tpu.memref_slice %arg5[%dma_wait3A_142, %dma_wait3A_143] : memref<10000x16xf32, #tpu.memory_space<hbm>> -> memref<10000x16xf32, #tpu.memory_space<hbm>>
        tpu.wait_indirect_dma semaphore(%arg36 : memref<!tpu.dma_semaphore, #tpu.memory_space<semaphore_mem>>) src(%dma_wait3A_144 : memref<10000x16xf32, #tpu.memory_space<hbm>>) dst(%arg17 : memref<40x16xf32, #tpu.memory_space<vmem>>)
        %dma_wait3A_145 = arith.constant 0 : i32
        %dma_wait3A_146 = arith.constant 0 : i32
        %dma_wait3A_147 = tpu.memref_slice %arg6[%dma_wait3A_145, %dma_wait3A_146] : memref<10000x16xf32, #tpu.memory_space<hbm>> -> memref<10000x16xf32, #tpu.memory_space<hbm>>
        tpu.wait_indirect_dma semaphore(%arg37 : memref<!tpu.dma_semaphore, #tpu.memory_space<semaphore_mem>>) src(%dma_wait3A_147 : memref<10000x16xf32, #tpu.memory_space<hbm>>) dst(%arg18 : memref<40x16xf32, #tpu.memory_space<vmem>>)
        %dma_wait3A_148 = arith.constant 0 : i32
        %dma_wait3A_149 = arith.constant 0 : i32
        %dma_wait3A_150 = tpu.memref_slice %arg7[%dma_wait3A_148, %dma_wait3A_149] : memref<10000x128xf32, #tpu.memory_space<hbm>> -> memref<10000x128xf32, #tpu.memory_space<hbm>>
        tpu.wait_indirect_dma semaphore(%arg38 : memref<!tpu.dma_semaphore, #tpu.memory_space<semaphore_mem>>) src(%dma_wait3A_150 : memref<10000x128xf32, #tpu.memory_space<hbm>>) dst(%arg20 : memref<40x128xf32, #tpu.memory_space<vmem>>)
        %scan3A_151 = arith.constant 0 : i32
        %scan3A_152 = arith.constant 0 : i32
        %scan3A_153 = arith.constant 40 : i32
        %scan3A_154 = arith.addi %scan3A_152, %scan3A_153 : i32
        %scan3A_155 = arith.constant 1 : i32
        scf.for %scan3A_163 = %scan3A_152 to %scan3A_154 step %scan3A_155  : i32 {
          %get3A = arith.index_cast %scan3A_163 : i32 to index
          %get3A_164 = arith.constant 0 : index
          %get3A_165 = tpu.vector_load %arg17[%get3A, %get3A_164] {strides = array<i32>} : memref<40x16xf32, #tpu.memory_space<vmem>>, vector<16xf32>,
          %get3A_166 = arith.index_cast %scan3A_163 : i32 to index
          %get3A_167 = arith.constant 0 : index
          %get3A_168 = tpu.vector_load %arg18[%get3A_166, %get3A_167] {strides = array<i32>} : memref<40x16xf32, #tpu.memory_space<vmem>>, vector<16xf32>,
          %add3A_169 = arith.addf %get3A_165, %get3A_168 : vector<16xf32>
          %get3A_170 = arith.index_cast %scan3A_163 : i32 to index
          %get3A_171 = arith.constant 0 : index
          %get3A_172 = tpu.vector_load %arg16[%get3A_170, %get3A_171] {strides = array<i32>} : memref<40x16xf32, #tpu.memory_space<vmem>>, vector<16xf32>,
          %add3A_173 = arith.addf %add3A_169, %get3A_172 : vector<16xf32>
          %gt3A = arith.constant 0.000000e+00 : f32
          %gt3A_174 = vector.broadcast %gt3A : f32 to vector<16xf32>
          %gt3A_175 = arith.cmpf ogt, %add3A_173, %gt3A_174 : vector<16xf32>
          %mul3A_176 = arith.constant 2.000000e-01 : f32
          %mul3A_177 = vector.broadcast %mul3A_176 : f32 to vector<16xf32>
          %mul3A_178 = arith.mulf %add3A_173, %mul3A_177 : vector<16xf32>
          %select_n3A_179 = arith.select %gt3A_175, %add3A_173, %mul3A_178 : vector<16xi1>, vector<16xf32>
          %exp3A = math.exp %select_n3A_179 : vector<16xf32>
          %swap3A = arith.index_cast %scan3A_163 : i32 to index
          %swap3A_180 = arith.constant 0 : index
          %swap3A_181 = tpu.vector_load %arg19[%swap3A, %swap3A_180] {strides = array<i32>} : memref<40x16xf32, #tpu.memory_space<vmem>>, vector<16xf32>,
          tpu.vector_store %arg19[%swap3A, %swap3A_180], %exp3A {strides = array<i32>} : memref<40x16xf32, #tpu.memory_space<vmem>>, vector<16xf32>,
          %broadcast_in_dim3A = vector.broadcast %scan3A_163 : i32 to vector<16xi32>
          %broadcast_in_dim3A_182 = arith.constant 0 : i32
          %broadcast_in_dim3A_183 = vector.broadcast %broadcast_in_dim3A_182 : i32 to vector<16xi32>
          %gather3A = tpu.vector_load_idx %arg19[%broadcast_in_dim3A, %broadcast_in_dim3A_183] : memref<40x16xf32, #tpu.memory_space<vmem>>[vector<16xi32>, vector<16xi32>], vector<16xf32>,
          %get3A_184 = arith.index_cast %scan3A_163 : i32 to index
          %get3A_185 = arith.constant 0 : index
          %get3A_186 = tpu.vector_load %arg20[%get3A_184, %get3A_185] {strides = array<i32>} : memref<40x128xf32, #tpu.memory_space<vmem>>, vector<16xf32>,
          %mul3A_187 = arith.mulf %get3A_186, %gather3A : vector<16xf32>
          %swap3A_188 = arith.index_cast %scan3A_163 : i32 to index
          %swap3A_189 = arith.constant 0 : index
          %swap3A_190 = tpu.vector_load %arg20[%swap3A_188, %swap3A_189] {strides = array<i32>} : memref<40x128xf32, #tpu.memory_space<vmem>>, vector<16xf32>,
          tpu.vector_store %arg20[%swap3A_188, %swap3A_189], %mul3A_187 {strides = array<i32>} : memref<40x128xf32, #tpu.memory_space<vmem>>, vector<16xf32>,
          %get3A_191 = arith.index_cast %scan3A_163 : i32 to index
          %get3A_192 = arith.constant 16 : index
          %get3A_193 = tpu.vector_load %arg20[%get3A_191, %get3A_192] {strides = array<i32>} : memref<40x128xf32, #tpu.memory_space<vmem>>, vector<16xf32>,
          %mul3A_194 = arith.mulf %get3A_193, %gather3A : vector<16xf32>
          %swap3A_195 = arith.index_cast %scan3A_163 : i32 to index
          %swap3A_196 = arith.constant 16 : index
          %swap3A_197 = tpu.vector_load %arg20[%swap3A_195, %swap3A_196] {strides = array<i32>} : memref<40x128xf32, #tpu.memory_space<vmem>>, vector<16xf32>,
          tpu.vector_store %arg20[%swap3A_195, %swap3A_196], %mul3A_194 {strides = array<i32>} : memref<40x128xf32, #tpu.memory_space<vmem>>, vector<16xf32>,
          %broadcast_in_dim3A_198 = arith.constant 1 : i32
          %broadcast_in_dim3A_199 = vector.broadcast %broadcast_in_dim3A_198 : i32 to vector<16xi32>
          %gather3A_200 = tpu.vector_load_idx %arg19[%broadcast_in_dim3A, %broadcast_in_dim3A_199] : memref<40x16xf32, #tpu.memory_space<vmem>>[vector<16xi32>, vector<16xi32>], vector<16xf32>,
          %get3A_201 = arith.index_cast %scan3A_163 : i32 to index
          %get3A_202 = arith.constant 32 : index
          %get3A_203 = tpu.vector_load %arg20[%get3A_201, %get3A_202] {strides = array<i32>} : memref<40x128xf32, #tpu.memory_space<vmem>>, vector<16xf32>,
          %mul3A_204 = arith.mulf %get3A_203, %gather3A_200 : vector<16xf32>
          %swap3A_205 = arith.index_cast %scan3A_163 : i32 to index
          %swap3A_206 = arith.constant 32 : index
          %swap3A_207 = tpu.vector_load %arg20[%swap3A_205, %swap3A_206] {strides = array<i32>} : memref<40x128xf32, #tpu.memory_space<vmem>>, vector<16xf32>,
          tpu.vector_store %arg20[%swap3A_205, %swap3A_206], %mul3A_204 {strides = array<i32>} : memref<40x128xf32, #tpu.memory_space<vmem>>, vector<16xf32>,
          %get3A_208 = arith.index_cast %scan3A_163 : i32 to index
          %get3A_209 = arith.constant 48 : index
          %get3A_210 = tpu.vector_load %arg20[%get3A_208, %get3A_209] {strides = array<i32>} : memref<40x128xf32, #tpu.memory_space<vmem>>, vector<16xf32>,
          %mul3A_211 = arith.mulf %get3A_210, %gather3A_200 : vector<16xf32>
          %swap3A_212 = arith.index_cast %scan3A_163 : i32 to index
          %swap3A_213 = arith.constant 48 : index
          %swap3A_214 = tpu.vector_load %arg20[%swap3A_212, %swap3A_213] {strides = array<i32>} : memref<40x128xf32, #tpu.memory_space<vmem>>, vector<16xf32>,
          tpu.vector_store %arg20[%swap3A_212, %swap3A_213], %mul3A_211 {strides = array<i32>} : memref<40x128xf32, #tpu.memory_space<vmem>>, vector<16xf32>,
          %broadcast_in_dim3A_215 = arith.constant 2 : i32
          %broadcast_in_dim3A_216 = vector.broadcast %broadcast_in_dim3A_215 : i32 to vector<16xi32>
          %gather3A_217 = tpu.vector_load_idx %arg19[%broadcast_in_dim3A, %broadcast_in_dim3A_216] : memref<40x16xf32, #tpu.memory_space<vmem>>[vector<16xi32>, vector<16xi32>], vector<16xf32>,
          %get3A_218 = arith.index_cast %scan3A_163 : i32 to index
          %get3A_219 = arith.constant 64 : index
          %get3A_220 = tpu.vector_load %arg20[%get3A_218, %get3A_219] {strides = array<i32>} : memref<40x128xf32, #tpu.memory_space<vmem>>, vector<16xf32>,
          %mul3A_221 = arith.mulf %get3A_220, %gather3A_217 : vector<16xf32>
          %swap3A_222 = arith.index_cast %scan3A_163 : i32 to index
          %swap3A_223 = arith.constant 64 : index
          %swap3A_224 = tpu.vector_load %arg20[%swap3A_222, %swap3A_223] {strides = array<i32>} : memref<40x128xf32, #tpu.memory_space<vmem>>, vector<16xf32>,
          tpu.vector_store %arg20[%swap3A_222, %swap3A_223], %mul3A_221 {strides = array<i32>} : memref<40x128xf32, #tpu.memory_space<vmem>>, vector<16xf32>,
          %get3A_225 = arith.index_cast %scan3A_163 : i32 to index
          %get3A_226 = arith.constant 80 : index
          %get3A_227 = tpu.vector_load %arg20[%get3A_225, %get3A_226] {strides = array<i32>} : memref<40x128xf32, #tpu.memory_space<vmem>>, vector<16xf32>,
          %mul3A_228 = arith.mulf %get3A_227, %gather3A_217 : vector<16xf32>
          %swap3A_229 = arith.index_cast %scan3A_163 : i32 to index
          %swap3A_230 = arith.constant 80 : index
          %swap3A_231 = tpu.vector_load %arg20[%swap3A_229, %swap3A_230] {strides = array<i32>} : memref<40x128xf32, #tpu.memory_space<vmem>>, vector<16xf32>,
          tpu.vector_store %arg20[%swap3A_229, %swap3A_230], %mul3A_228 {strides = array<i32>} : memref<40x128xf32, #tpu.memory_space<vmem>>, vector<16xf32>,
          %broadcast_in_dim3A_232 = arith.constant 3 : i32
          %broadcast_in_dim3A_233 = vector.broadcast %broadcast_in_dim3A_232 : i32 to vector<16xi32>
          %gather3A_234 = tpu.vector_load_idx %arg19[%broadcast_in_dim3A, %broadcast_in_dim3A_233] : memref<40x16xf32, #tpu.memory_space<vmem>>[vector<16xi32>, vector<16xi32>], vector<16xf32>,
          %get3A_235 = arith.index_cast %scan3A_163 : i32 to index
          %get3A_236 = arith.constant 96 : index
          %get3A_237 = tpu.vector_load %arg20[%get3A_235, %get3A_236] {strides = array<i32>} : memref<40x128xf32, #tpu.memory_space<vmem>>, vector<16xf32>,
          %mul3A_238 = arith.mulf %get3A_237, %gather3A_234 : vector<16xf32>
          %swap3A_239 = arith.index_cast %scan3A_163 : i32 to index
          %swap3A_240 = arith.constant 96 : index
          %swap3A_241 = tpu.vector_load %arg20[%swap3A_239, %swap3A_240] {strides = array<i32>} : memref<40x128xf32, #tpu.memory_space<vmem>>, vector<16xf32>,
          tpu.vector_store %arg20[%swap3A_239, %swap3A_240], %mul3A_238 {strides = array<i32>} : memref<40x128xf32, #tpu.memory_space<vmem>>, vector<16xf32>,
          %get3A_242 = arith.index_cast %scan3A_163 : i32 to index
          %get3A_243 = arith.constant 112 : index
          %get3A_244 = tpu.vector_load %arg20[%get3A_242, %get3A_243] {strides = array<i32>} : memref<40x128xf32, #tpu.memory_space<vmem>>, vector<16xf32>,
          %mul3A_245 = arith.mulf %get3A_244, %gather3A_234 : vector<16xf32>
          %swap3A_246 = arith.index_cast %scan3A_163 : i32 to index
          %swap3A_247 = arith.constant 112 : index
          %swap3A_248 = tpu.vector_load %arg20[%swap3A_246, %swap3A_247] {strides = array<i32>} : memref<40x128xf32, #tpu.memory_space<vmem>>, vector<16xf32>,
          tpu.vector_store %arg20[%swap3A_246, %swap3A_247], %mul3A_245 {strides = array<i32>} : memref<40x128xf32, #tpu.memory_space<vmem>>, vector<16xf32>,
        }
        %scan3A_156 = arith.constant 40 : i32
        %dma_start3A_157 = arith.constant 0 : i32
        %dma_start3A_158 = arith.constant 0 : i32
        %dma_start3A_159 = tpu.memref_slice %arg13[%dma_start3A_157, %dma_start3A_158] : memref<10000x16xf32, #tpu.memory_space<vmem_shared>> -> memref<10000x16xf32, #tpu.memory_space<vmem_shared>>
        tpu.enqueue_indirect_dma source(%arg19 : memref<40x16xf32, #tpu.memory_space<vmem>>) target(%dma_start3A_159 : memref<10000x16xf32, #tpu.memory_space<vmem_shared>>) offsets(%arg15 : memref<40xi32, #tpu.memory_space<vmem>>) semaphore(%arg39 : memref<!tpu.dma_semaphore, #tpu.memory_space<semaphore_mem>>) {add = true}
        %dma_start3A_160 = arith.constant 0 : i32
        %dma_start3A_161 = arith.constant 0 : i32
        %dma_start3A_162 = tpu.memref_slice %arg12[%dma_start3A_160, %dma_start3A_161] : memref<10000x128xf32, #tpu.memory_space<vmem_shared>> -> memref<10000x128xf32, #tpu.memory_space<vmem_shared>>
        tpu.enqueue_indirect_dma source(%arg20 : memref<40x128xf32, #tpu.memory_space<vmem>>) target(%dma_start3A_162 : memref<10000x128xf32, #tpu.memory_space<vmem_shared>>) offsets(%arg15 : memref<40xi32, #tpu.memory_space<vmem>>) semaphore(%arg40 : memref<!tpu.dma_semaphore, #tpu.memory_space<semaphore_mem>>) {add = true}
      } else {
      }
      %jit3A_84 = arith.constant 3 : i32
      %eq3A_85 = arith.constant 0 : i32
      %eq3A_86 = arith.cmpi eq, %jit3A_84, %eq3A_85 : i32
      %jit3A_87 = arith.constant 1 : i32
      %select_n3A_88 = arith.select %eq3A_86, %jit3A_87, %jit3A_84 : i32
      %rem3A_89 = arith.remsi %scan3A_67, %select_n3A_88 : i32
      %ne3A_90 = arith.constant 0 : i32
      %ne3A_91 = arith.cmpi ne, %rem3A_89, %ne3A_90 : i32
      %lt3A_92 = arith.constant 0 : i32
      %lt3A_93 = arith.cmpi slt, %rem3A_89, %lt3A_92 : i32
      %lt3A_94 = arith.constant 0 : i32
      %lt3A_95 = arith.cmpi slt, %select_n3A_88, %lt3A_94 : i32
      %ne3A_96 = arith.xori %lt3A_93, %lt3A_95 : i1
      %and3A_97 = arith.andi %ne3A_96, %ne3A_91 : i1
      %add3A_98 = arith.addi %rem3A_89, %select_n3A_88 : i32
      %select_n3A_99 = arith.select %and3A_97, %add3A_98, %rem3A_89 : i32
      %eq3A_100 = arith.constant 1 : i32
      %eq3A_101 = arith.cmpi eq, %select_n3A_99, %eq3A_100 : i32
      %convert_element_type3A_102 = arith.extui %eq3A_101 : i1 to i32
      %cond3A_103 = arith.constant 0 : i32
      %cond3A_104 = arith.cmpi ne, %convert_element_type3A_102, %cond3A_103 : i32
      scf.if %cond3A_104 {
        %add3A_126 = arith.constant 1 : i32
        %add3A_127 = arith.addi %scan3A_67, %add3A_126 : i32
        %mul3A_128 = arith.constant 40 : i32
        %mul3A_129 = arith.muli %add3A_127, %mul3A_128 : i32
        %add3A_130 = arith.addi %mul3A_8, %mul3A_129 : i32
        %ge3A = arith.constant 2 : i32
        %ge3A_131 = arith.cmpi sge, %scan3A_67, %ge3A : i32
        %convert_element_type3A_132 = arith.extui %ge3A_131 : i1 to i32
        %cond3A_133 = arith.constant 0 : i32
        %cond3A_134 = arith.cmpi ne, %convert_element_type3A_132, %cond3A_133 : i32
        scf.if %cond3A_134 {
          %dma_wait3A_163 = arith.constant 0 : i32
          %dma_wait3A_164 = arith.constant 0 : i32
          %dma_wait3A_165 = tpu.memref_slice %arg13[%dma_wait3A_163, %dma_wait3A_164] : memref<10000x16xf32, #tpu.memory_space<vmem_shared>> -> memref<10000x16xf32, #tpu.memory_space<vmem_shared>>
          tpu.wait_indirect_dma semaphore(%arg51 : memref<!tpu.dma_semaphore, #tpu.memory_space<semaphore_mem>>) src(%arg33 : memref<40x16xf32, #tpu.memory_space<vmem>>) dst(%dma_wait3A_165 : memref<10000x16xf32, #tpu.memory_space<vmem_shared>>)
          %dma_wait3A_166 = arith.constant 0 : i32
          %dma_wait3A_167 = arith.constant 0 : i32
          %dma_wait3A_168 = tpu.memref_slice %arg12[%dma_wait3A_166, %dma_wait3A_167] : memref<10000x128xf32, #tpu.memory_space<vmem_shared>> -> memref<10000x128xf32, #tpu.memory_space<vmem_shared>>
          tpu.wait_indirect_dma semaphore(%arg52 : memref<!tpu.dma_semaphore, #tpu.memory_space<semaphore_mem>>) src(%arg34 : memref<40x128xf32, #tpu.memory_space<vmem>>) dst(%dma_wait3A_168 : memref<10000x128xf32, #tpu.memory_space<vmem_shared>>)
        } else {
        }
        %add3A_135 = arith.constant 1 : i32
        %add3A_136 = arith.addi %scan3A_67, %add3A_135 : i32
        %lt3A_137 = arith.constant 250 : i32
        %lt3A_138 = arith.cmpi slt, %add3A_136, %lt3A_137 : i32
        %convert_element_type3A_139 = arith.extui %lt3A_138 : i1 to i32
        %cond3A_140 = arith.constant 0 : i32
        %cond3A_141 = arith.cmpi ne, %convert_element_type3A_139, %cond3A_140 : i32
        scf.if %cond3A_141 {
          %dma_start3A_163 = tpu.memref_slice %arg2[%add3A_130] : memref<320000xi32, #tpu.memory_space<hbm>> -> memref<40xi32, #tpu.memory_space<hbm>>
          %dma_start3A_164 = tpu.memref_slice %arg2[%add3A_130] : memref<320000xi32, #tpu.memory_space<hbm>> -> memref<40xi32, #tpu.memory_space<hbm>>
          tpu.enqueue_dma source(%dma_start3A_164 : memref<40xi32, #tpu.memory_space<hbm>>) target(%arg28 : memref<40xi32, #tpu.memory_space<vmem>>) target_semaphore(%arg47 : memref<!tpu.dma_semaphore, #tpu.memory_space<semaphore_mem>>)
          %dma_start3A_165 = tpu.memref_slice %arg3[%add3A_130] : memref<320000xi32, #tpu.memory_space<hbm>> -> memref<40xi32, #tpu.memory_space<hbm>>
          %dma_start3A_166 = tpu.memref_slice %arg3[%add3A_130] : memref<320000xi32, #tpu.memory_space<hbm>> -> memref<40xi32, #tpu.memory_space<hbm>>
          tpu.enqueue_dma source(%dma_start3A_166 : memref<40xi32, #tpu.memory_space<hbm>>) target(%arg29 : memref<40xi32, #tpu.memory_space<vmem>>) target_semaphore(%arg47 : memref<!tpu.dma_semaphore, #tpu.memory_space<semaphore_mem>>)
          %dma_start3A_167 = arith.constant 0 : i32
          %dma_start3A_168 = tpu.memref_slice %arg4[%add3A_130, %dma_start3A_167] : memref<320000x16xf32, #tpu.memory_space<hbm>> -> memref<40x16xf32, #tpu.memory_space<hbm>>
          %dma_start3A_169 = arith.constant 0 : i32
          %dma_start3A_170 = tpu.memref_slice %arg4[%add3A_130, %dma_start3A_169] : memref<320000x16xf32, #tpu.memory_space<hbm>> -> memref<40x16xf32, #tpu.memory_space<hbm>>
          tpu.enqueue_dma source(%dma_start3A_170 : memref<40x16xf32, #tpu.memory_space<hbm>>) target(%arg30 : memref<40x16xf32, #tpu.memory_space<vmem>>) target_semaphore(%arg47 : memref<!tpu.dma_semaphore, #tpu.memory_space<semaphore_mem>>)
          %dma_wait3A_171 = tpu.memref_slice %arg2[%add3A_130] : memref<320000xi32, #tpu.memory_space<hbm>> -> memref<40xi32, #tpu.memory_space<hbm>>
          %dma_wait3A_172 = tpu.memref_slice %arg2[%add3A_130] : memref<320000xi32, #tpu.memory_space<hbm>> -> memref<40xi32, #tpu.memory_space<hbm>>
          tpu.wait_dma2 semaphore(%arg47 : memref<!tpu.dma_semaphore, #tpu.memory_space<semaphore_mem>>) src(%dma_wait3A_172 : memref<40xi32, #tpu.memory_space<hbm>>) dst(%arg28 : memref<40xi32, #tpu.memory_space<vmem>>)
          %dma_wait3A_173 = tpu.memref_slice %arg3[%add3A_130] : memref<320000xi32, #tpu.memory_space<hbm>> -> memref<40xi32, #tpu.memory_space<hbm>>
          %dma_wait3A_174 = tpu.memref_slice %arg3[%add3A_130] : memref<320000xi32, #tpu.memory_space<hbm>> -> memref<40xi32, #tpu.memory_space<hbm>>
          tpu.wait_dma2 semaphore(%arg47 : memref<!tpu.dma_semaphore, #tpu.memory_space<semaphore_mem>>) src(%dma_wait3A_174 : memref<40xi32, #tpu.memory_space<hbm>>) dst(%arg29 : memref<40xi32, #tpu.memory_space<vmem>>)
          %dma_wait3A_175 = arith.constant 0 : i32
          %dma_wait3A_176 = tpu.memref_slice %arg4[%add3A_130, %dma_wait3A_175] : memref<320000x16xf32, #tpu.memory_space<hbm>> -> memref<40x16xf32, #tpu.memory_space<hbm>>
          %dma_wait3A_177 = arith.constant 0 : i32
          %dma_wait3A_178 = tpu.memref_slice %arg4[%add3A_130, %dma_wait3A_177] : memref<320000x16xf32, #tpu.memory_space<hbm>> -> memref<40x16xf32, #tpu.memory_space<hbm>>
          tpu.wait_dma2 semaphore(%arg47 : memref<!tpu.dma_semaphore, #tpu.memory_space<semaphore_mem>>) src(%dma_wait3A_178 : memref<40x16xf32, #tpu.memory_space<hbm>>) dst(%arg30 : memref<40x16xf32, #tpu.memory_space<vmem>>)
          %dma_start3A_179 = arith.constant 0 : i32
          %dma_start3A_180 = arith.constant 0 : i32
          %dma_start3A_181 = tpu.memref_slice %arg5[%dma_start3A_179, %dma_start3A_180] : memref<10000x16xf32, #tpu.memory_space<hbm>> -> memref<10000x16xf32, #tpu.memory_space<hbm>>
          tpu.enqueue_indirect_dma source(%dma_start3A_181 : memref<10000x16xf32, #tpu.memory_space<hbm>>) target(%arg31 : memref<40x16xf32, #tpu.memory_space<vmem>>) offsets(%arg28 : memref<40xi32, #tpu.memory_space<vmem>>) semaphore(%arg48 : memref<!tpu.dma_semaphore, #tpu.memory_space<semaphore_mem>>)
          %dma_start3A_182 = arith.constant 0 : i32
          %dma_start3A_183 = arith.constant 0 : i32
          %dma_start3A_184 = tpu.memref_slice %arg6[%dma_start3A_182, %dma_start3A_183] : memref<10000x16xf32, #tpu.memory_space<hbm>> -> memref<10000x16xf32, #tpu.memory_space<hbm>>
          tpu.enqueue_indirect_dma source(%dma_start3A_184 : memref<10000x16xf32, #tpu.memory_space<hbm>>) target(%arg32 : memref<40x16xf32, #tpu.memory_space<vmem>>) offsets(%arg29 : memref<40xi32, #tpu.memory_space<vmem>>) semaphore(%arg49 : memref<!tpu.dma_semaphore, #tpu.memory_space<semaphore_mem>>)
          %dma_start3A_185 = arith.constant 0 : i32
          %dma_start3A_186 = arith.constant 0 : i32
          %dma_start3A_187 = tpu.memref_slice %arg7[%dma_start3A_185, %dma_start3A_186] : memref<10000x128xf32, #tpu.memory_space<hbm>> -> memref<10000x128xf32, #tpu.memory_space<hbm>>
          tpu.enqueue_indirect_dma source(%dma_start3A_187 : memref<10000x128xf32, #tpu.memory_space<hbm>>) target(%arg34 : memref<40x128xf32, #tpu.memory_space<vmem>>) offsets(%arg28 : memref<40xi32, #tpu.memory_space<vmem>>) semaphore(%arg50 : memref<!tpu.dma_semaphore, #tpu.memory_space<semaphore_mem>>)
        } else {
        }
        %dma_wait3A_142 = arith.constant 0 : i32
        %dma_wait3A_143 = arith.constant 0 : i32
        %dma_wait3A_144 = tpu.memref_slice %arg5[%dma_wait3A_142, %dma_wait3A_143] : memref<10000x16xf32, #tpu.memory_space<hbm>> -> memref<10000x16xf32, #tpu.memory_space<hbm>>
        tpu.wait_indirect_dma semaphore(%arg42 : memref<!tpu.dma_semaphore, #tpu.memory_space<semaphore_mem>>) src(%dma_wait3A_144 : memref<10000x16xf32, #tpu.memory_space<hbm>>) dst(%arg24 : memref<40x16xf32, #tpu.memory_space<vmem>>)
        %dma_wait3A_145 = arith.constant 0 : i32
        %dma_wait3A_146 = arith.constant 0 : i32
        %dma_wait3A_147 = tpu.memref_slice %arg6[%dma_wait3A_145, %dma_wait3A_146] : memref<10000x16xf32, #tpu.memory_space<hbm>> -> memref<10000x16xf32, #tpu.memory_space<hbm>>
        tpu.wait_indirect_dma semaphore(%arg43 : memref<!tpu.dma_semaphore, #tpu.memory_space<semaphore_mem>>) src(%dma_wait3A_147 : memref<10000x16xf32, #tpu.memory_space<hbm>>) dst(%arg25 : memref<40x16xf32, #tpu.memory_space<vmem>>)
        %dma_wait3A_148 = arith.constant 0 : i32
        %dma_wait3A_149 = arith.constant 0 : i32
        %dma_wait3A_150 = tpu.memref_slice %arg7[%dma_wait3A_148, %dma_wait3A_149] : memref<10000x128xf32, #tpu.memory_space<hbm>> -> memref<10000x128xf32, #tpu.memory_space<hbm>>
        tpu.wait_indirect_dma semaphore(%arg44 : memref<!tpu.dma_semaphore, #tpu.memory_space<semaphore_mem>>) src(%dma_wait3A_150 : memref<10000x128xf32, #tpu.memory_space<hbm>>) dst(%arg27 : memref<40x128xf32, #tpu.memory_space<vmem>>)
        %scan3A_151 = arith.constant 0 : i32
        %scan3A_152 = arith.constant 0 : i32
        %scan3A_153 = arith.constant 40 : i32
        %scan3A_154 = arith.addi %scan3A_152, %scan3A_153 : i32
        %scan3A_155 = arith.constant 1 : i32
        scf.for %scan3A_163 = %scan3A_152 to %scan3A_154 step %scan3A_155  : i32 {
          %get3A = arith.index_cast %scan3A_163 : i32 to index
          %get3A_164 = arith.constant 0 : index
          %get3A_165 = tpu.vector_load %arg24[%get3A, %get3A_164] {strides = array<i32>} : memref<40x16xf32, #tpu.memory_space<vmem>>, vector<16xf32>,
          %get3A_166 = arith.index_cast %scan3A_163 : i32 to index
          %get3A_167 = arith.constant 0 : index
          %get3A_168 = tpu.vector_load %arg25[%get3A_166, %get3A_167] {strides = array<i32>} : memref<40x16xf32, #tpu.memory_space<vmem>>, vector<16xf32>,
          %add3A_169 = arith.addf %get3A_165, %get3A_168 : vector<16xf32>
          %get3A_170 = arith.index_cast %scan3A_163 : i32 to index
          %get3A_171 = arith.constant 0 : index
          %get3A_172 = tpu.vector_load %arg23[%get3A_170, %get3A_171] {strides = array<i32>} : memref<40x16xf32, #tpu.memory_space<vmem>>, vector<16xf32>,
          %add3A_173 = arith.addf %add3A_169, %get3A_172 : vector<16xf32>
          %gt3A = arith.constant 0.000000e+00 : f32
          %gt3A_174 = vector.broadcast %gt3A : f32 to vector<16xf32>
          %gt3A_175 = arith.cmpf ogt, %add3A_173, %gt3A_174 : vector<16xf32>
          %mul3A_176 = arith.constant 2.000000e-01 : f32
          %mul3A_177 = vector.broadcast %mul3A_176 : f32 to vector<16xf32>
          %mul3A_178 = arith.mulf %add3A_173, %mul3A_177 : vector<16xf32>
          %select_n3A_179 = arith.select %gt3A_175, %add3A_173, %mul3A_178 : vector<16xi1>, vector<16xf32>
          %exp3A = math.exp %select_n3A_179 : vector<16xf32>
          %swap3A = arith.index_cast %scan3A_163 : i32 to index
          %swap3A_180 = arith.constant 0 : index
          %swap3A_181 = tpu.vector_load %arg26[%swap3A, %swap3A_180] {strides = array<i32>} : memref<40x16xf32, #tpu.memory_space<vmem>>, vector<16xf32>,
          tpu.vector_store %arg26[%swap3A, %swap3A_180], %exp3A {strides = array<i32>} : memref<40x16xf32, #tpu.memory_space<vmem>>, vector<16xf32>,
          %broadcast_in_dim3A = vector.broadcast %scan3A_163 : i32 to vector<16xi32>
          %broadcast_in_dim3A_182 = arith.constant 0 : i32
          %broadcast_in_dim3A_183 = vector.broadcast %broadcast_in_dim3A_182 : i32 to vector<16xi32>
          %gather3A = tpu.vector_load_idx %arg26[%broadcast_in_dim3A, %broadcast_in_dim3A_183] : memref<40x16xf32, #tpu.memory_space<vmem>>[vector<16xi32>, vector<16xi32>], vector<16xf32>,
          %get3A_184 = arith.index_cast %scan3A_163 : i32 to index
          %get3A_185 = arith.constant 0 : index
          %get3A_186 = tpu.vector_load %arg27[%get3A_184, %get3A_185] {strides = array<i32>} : memref<40x128xf32, #tpu.memory_space<vmem>>, vector<16xf32>,
          %mul3A_187 = arith.mulf %get3A_186, %gather3A : vector<16xf32>
          %swap3A_188 = arith.index_cast %scan3A_163 : i32 to index
          %swap3A_189 = arith.constant 0 : index
          %swap3A_190 = tpu.vector_load %arg27[%swap3A_188, %swap3A_189] {strides = array<i32>} : memref<40x128xf32, #tpu.memory_space<vmem>>, vector<16xf32>,
          tpu.vector_store %arg27[%swap3A_188, %swap3A_189], %mul3A_187 {strides = array<i32>} : memref<40x128xf32, #tpu.memory_space<vmem>>, vector<16xf32>,
          %get3A_191 = arith.index_cast %scan3A_163 : i32 to index
          %get3A_192 = arith.constant 16 : index
          %get3A_193 = tpu.vector_load %arg27[%get3A_191, %get3A_192] {strides = array<i32>} : memref<40x128xf32, #tpu.memory_space<vmem>>, vector<16xf32>,
          %mul3A_194 = arith.mulf %get3A_193, %gather3A : vector<16xf32>
          %swap3A_195 = arith.index_cast %scan3A_163 : i32 to index
          %swap3A_196 = arith.constant 16 : index
          %swap3A_197 = tpu.vector_load %arg27[%swap3A_195, %swap3A_196] {strides = array<i32>} : memref<40x128xf32, #tpu.memory_space<vmem>>, vector<16xf32>,
          tpu.vector_store %arg27[%swap3A_195, %swap3A_196], %mul3A_194 {strides = array<i32>} : memref<40x128xf32, #tpu.memory_space<vmem>>, vector<16xf32>,
          %broadcast_in_dim3A_198 = arith.constant 1 : i32
          %broadcast_in_dim3A_199 = vector.broadcast %broadcast_in_dim3A_198 : i32 to vector<16xi32>
          %gather3A_200 = tpu.vector_load_idx %arg26[%broadcast_in_dim3A, %broadcast_in_dim3A_199] : memref<40x16xf32, #tpu.memory_space<vmem>>[vector<16xi32>, vector<16xi32>], vector<16xf32>,
          %get3A_201 = arith.index_cast %scan3A_163 : i32 to index
          %get3A_202 = arith.constant 32 : index
          %get3A_203 = tpu.vector_load %arg27[%get3A_201, %get3A_202] {strides = array<i32>} : memref<40x128xf32, #tpu.memory_space<vmem>>, vector<16xf32>,
          %mul3A_204 = arith.mulf %get3A_203, %gather3A_200 : vector<16xf32>
          %swap3A_205 = arith.index_cast %scan3A_163 : i32 to index
          %swap3A_206 = arith.constant 32 : index
          %swap3A_207 = tpu.vector_load %arg27[%swap3A_205, %swap3A_206] {strides = array<i32>} : memref<40x128xf32, #tpu.memory_space<vmem>>, vector<16xf32>,
          tpu.vector_store %arg27[%swap3A_205, %swap3A_206], %mul3A_204 {strides = array<i32>} : memref<40x128xf32, #tpu.memory_space<vmem>>, vector<16xf32>,
          %get3A_208 = arith.index_cast %scan3A_163 : i32 to index
          %get3A_209 = arith.constant 48 : index
          %get3A_210 = tpu.vector_load %arg27[%get3A_208, %get3A_209] {strides = array<i32>} : memref<40x128xf32, #tpu.memory_space<vmem>>, vector<16xf32>,
          %mul3A_211 = arith.mulf %get3A_210, %gather3A_200 : vector<16xf32>
          %swap3A_212 = arith.index_cast %scan3A_163 : i32 to index
          %swap3A_213 = arith.constant 48 : index
          %swap3A_214 = tpu.vector_load %arg27[%swap3A_212, %swap3A_213] {strides = array<i32>} : memref<40x128xf32, #tpu.memory_space<vmem>>, vector<16xf32>,
          tpu.vector_store %arg27[%swap3A_212, %swap3A_213], %mul3A_211 {strides = array<i32>} : memref<40x128xf32, #tpu.memory_space<vmem>>, vector<16xf32>,
          %broadcast_in_dim3A_215 = arith.constant 2 : i32
          %broadcast_in_dim3A_216 = vector.broadcast %broadcast_in_dim3A_215 : i32 to vector<16xi32>
          %gather3A_217 = tpu.vector_load_idx %arg26[%broadcast_in_dim3A, %broadcast_in_dim3A_216] : memref<40x16xf32, #tpu.memory_space<vmem>>[vector<16xi32>, vector<16xi32>], vector<16xf32>,
          %get3A_218 = arith.index_cast %scan3A_163 : i32 to index
          %get3A_219 = arith.constant 64 : index
          %get3A_220 = tpu.vector_load %arg27[%get3A_218, %get3A_219] {strides = array<i32>} : memref<40x128xf32, #tpu.memory_space<vmem>>, vector<16xf32>,
          %mul3A_221 = arith.mulf %get3A_220, %gather3A_217 : vector<16xf32>
          %swap3A_222 = arith.index_cast %scan3A_163 : i32 to index
          %swap3A_223 = arith.constant 64 : index
          %swap3A_224 = tpu.vector_load %arg27[%swap3A_222, %swap3A_223] {strides = array<i32>} : memref<40x128xf32, #tpu.memory_space<vmem>>, vector<16xf32>,
          tpu.vector_store %arg27[%swap3A_222, %swap3A_223], %mul3A_221 {strides = array<i32>} : memref<40x128xf32, #tpu.memory_space<vmem>>, vector<16xf32>,
          %get3A_225 = arith.index_cast %scan3A_163 : i32 to index
          %get3A_226 = arith.constant 80 : index
          %get3A_227 = tpu.vector_load %arg27[%get3A_225, %get3A_226] {strides = array<i32>} : memref<40x128xf32, #tpu.memory_space<vmem>>, vector<16xf32>,
          %mul3A_228 = arith.mulf %get3A_227, %gather3A_217 : vector<16xf32>
          %swap3A_229 = arith.index_cast %scan3A_163 : i32 to index
          %swap3A_230 = arith.constant 80 : index
          %swap3A_231 = tpu.vector_load %arg27[%swap3A_229, %swap3A_230] {strides = array<i32>} : memref<40x128xf32, #tpu.memory_space<vmem>>, vector<16xf32>,
          tpu.vector_store %arg27[%swap3A_229, %swap3A_230], %mul3A_228 {strides = array<i32>} : memref<40x128xf32, #tpu.memory_space<vmem>>, vector<16xf32>,
          %broadcast_in_dim3A_232 = arith.constant 3 : i32
          %broadcast_in_dim3A_233 = vector.broadcast %broadcast_in_dim3A_232 : i32 to vector<16xi32>
          %gather3A_234 = tpu.vector_load_idx %arg26[%broadcast_in_dim3A, %broadcast_in_dim3A_233] : memref<40x16xf32, #tpu.memory_space<vmem>>[vector<16xi32>, vector<16xi32>], vector<16xf32>,
          %get3A_235 = arith.index_cast %scan3A_163 : i32 to index
          %get3A_236 = arith.constant 96 : index
          %get3A_237 = tpu.vector_load %arg27[%get3A_235, %get3A_236] {strides = array<i32>} : memref<40x128xf32, #tpu.memory_space<vmem>>, vector<16xf32>,
          %mul3A_238 = arith.mulf %get3A_237, %gather3A_234 : vector<16xf32>
          %swap3A_239 = arith.index_cast %scan3A_163 : i32 to index
          %swap3A_240 = arith.constant 96 : index
          %swap3A_241 = tpu.vector_load %arg27[%swap3A_239, %swap3A_240] {strides = array<i32>} : memref<40x128xf32, #tpu.memory_space<vmem>>, vector<16xf32>,
          tpu.vector_store %arg27[%swap3A_239, %swap3A_240], %mul3A_238 {strides = array<i32>} : memref<40x128xf32, #tpu.memory_space<vmem>>, vector<16xf32>,
          %get3A_242 = arith.index_cast %scan3A_163 : i32 to index
          %get3A_243 = arith.constant 112 : index
          %get3A_244 = tpu.vector_load %arg27[%get3A_242, %get3A_243] {strides = array<i32>} : memref<40x128xf32, #tpu.memory_space<vmem>>, vector<16xf32>,
          %mul3A_245 = arith.mulf %get3A_244, %gather3A_234 : vector<16xf32>
          %swap3A_246 = arith.index_cast %scan3A_163 : i32 to index
          %swap3A_247 = arith.constant 112 : index
          %swap3A_248 = tpu.vector_load %arg27[%swap3A_246, %swap3A_247] {strides = array<i32>} : memref<40x128xf32, #tpu.memory_space<vmem>>, vector<16xf32>,
          tpu.vector_store %arg27[%swap3A_246, %swap3A_247], %mul3A_245 {strides = array<i32>} : memref<40x128xf32, #tpu.memory_space<vmem>>, vector<16xf32>,
        }
        %scan3A_156 = arith.constant 40 : i32
        %dma_start3A_157 = arith.constant 0 : i32
        %dma_start3A_158 = arith.constant 0 : i32
        %dma_start3A_159 = tpu.memref_slice %arg13[%dma_start3A_157, %dma_start3A_158] : memref<10000x16xf32, #tpu.memory_space<vmem_shared>> -> memref<10000x16xf32, #tpu.memory_space<vmem_shared>>
        tpu.enqueue_indirect_dma source(%arg26 : memref<40x16xf32, #tpu.memory_space<vmem>>) target(%dma_start3A_159 : memref<10000x16xf32, #tpu.memory_space<vmem_shared>>) offsets(%arg22 : memref<40xi32, #tpu.memory_space<vmem>>) semaphore(%arg45 : memref<!tpu.dma_semaphore, #tpu.memory_space<semaphore_mem>>) {add = true}
        %dma_start3A_160 = arith.constant 0 : i32
        %dma_start3A_161 = arith.constant 0 : i32
        %dma_start3A_162 = tpu.memref_slice %arg12[%dma_start3A_160, %dma_start3A_161] : memref<10000x128xf32, #tpu.memory_space<vmem_shared>> -> memref<10000x128xf32, #tpu.memory_space<vmem_shared>>
        tpu.enqueue_indirect_dma source(%arg27 : memref<40x128xf32, #tpu.memory_space<vmem>>) target(%dma_start3A_162 : memref<10000x128xf32, #tpu.memory_space<vmem_shared>>) offsets(%arg22 : memref<40xi32, #tpu.memory_space<vmem>>) semaphore(%arg46 : memref<!tpu.dma_semaphore, #tpu.memory_space<semaphore_mem>>) {add = true}
      } else {
      }
      %jit3A_105 = arith.constant 3 : i32
      %eq3A_106 = arith.constant 0 : i32
      %eq3A_107 = arith.cmpi eq, %jit3A_105, %eq3A_106 : i32
      %jit3A_108 = arith.constant 1 : i32
      %select_n3A_109 = arith.select %eq3A_107, %jit3A_108, %jit3A_105 : i32
      %rem3A_110 = arith.remsi %scan3A_67, %select_n3A_109 : i32
      %ne3A_111 = arith.constant 0 : i32
      %ne3A_112 = arith.cmpi ne, %rem3A_110, %ne3A_111 : i32
      %lt3A_113 = arith.constant 0 : i32
      %lt3A_114 = arith.cmpi slt, %rem3A_110, %lt3A_113 : i32
      %lt3A_115 = arith.constant 0 : i32
      %lt3A_116 = arith.cmpi slt, %select_n3A_109, %lt3A_115 : i32
      %ne3A_117 = arith.xori %lt3A_114, %lt3A_116 : i1
      %and3A_118 = arith.andi %ne3A_117, %ne3A_112 : i1
      %add3A_119 = arith.addi %rem3A_110, %select_n3A_109 : i32
      %select_n3A_120 = arith.select %and3A_118, %add3A_119, %rem3A_110 : i32
      %eq3A_121 = arith.constant 2 : i32
      %eq3A_122 = arith.cmpi eq, %select_n3A_120, %eq3A_121 : i32
      %convert_element_type3A_123 = arith.extui %eq3A_122 : i1 to i32
      %cond3A_124 = arith.constant 0 : i32
      %cond3A_125 = arith.cmpi ne, %convert_element_type3A_123, %cond3A_124 : i32
      scf.if %cond3A_125 {
        %add3A_126 = arith.constant 1 : i32
        %add3A_127 = arith.addi %scan3A_67, %add3A_126 : i32
        %mul3A_128 = arith.constant 40 : i32
        %mul3A_129 = arith.muli %add3A_127, %mul3A_128 : i32
        %add3A_130 = arith.addi %mul3A_8, %mul3A_129 : i32
        %ge3A = arith.constant 2 : i32
        %ge3A_131 = arith.cmpi sge, %scan3A_67, %ge3A : i32
        %convert_element_type3A_132 = arith.extui %ge3A_131 : i1 to i32
        %cond3A_133 = arith.constant 0 : i32
        %cond3A_134 = arith.cmpi ne, %convert_element_type3A_132, %cond3A_133 : i32
        scf.if %cond3A_134 {
          %dma_wait3A_163 = arith.constant 0 : i32
          %dma_wait3A_164 = arith.constant 0 : i32
          %dma_wait3A_165 = tpu.memref_slice %arg13[%dma_wait3A_163, %dma_wait3A_164] : memref<10000x16xf32, #tpu.memory_space<vmem_shared>> -> memref<10000x16xf32, #tpu.memory_space<vmem_shared>>
          tpu.wait_indirect_dma semaphore(%arg39 : memref<!tpu.dma_semaphore, #tpu.memory_space<semaphore_mem>>) src(%arg19 : memref<40x16xf32, #tpu.memory_space<vmem>>) dst(%dma_wait3A_165 : memref<10000x16xf32, #tpu.memory_space<vmem_shared>>)
          %dma_wait3A_166 = arith.constant 0 : i32
          %dma_wait3A_167 = arith.constant 0 : i32
          %dma_wait3A_168 = tpu.memref_slice %arg12[%dma_wait3A_166, %dma_wait3A_167] : memref<10000x128xf32, #tpu.memory_space<vmem_shared>> -> memref<10000x128xf32, #tpu.memory_space<vmem_shared>>
          tpu.wait_indirect_dma semaphore(%arg40 : memref<!tpu.dma_semaphore, #tpu.memory_space<semaphore_mem>>) src(%arg20 : memref<40x128xf32, #tpu.memory_space<vmem>>) dst(%dma_wait3A_168 : memref<10000x128xf32, #tpu.memory_space<vmem_shared>>)
        } else {
        }
        %add3A_135 = arith.constant 1 : i32
        %add3A_136 = arith.addi %scan3A_67, %add3A_135 : i32
        %lt3A_137 = arith.constant 250 : i32
        %lt3A_138 = arith.cmpi slt, %add3A_136, %lt3A_137 : i32
        %convert_element_type3A_139 = arith.extui %lt3A_138 : i1 to i32
        %cond3A_140 = arith.constant 0 : i32
        %cond3A_141 = arith.cmpi ne, %convert_element_type3A_139, %cond3A_140 : i32
        scf.if %cond3A_141 {
          %dma_start3A_163 = tpu.memref_slice %arg2[%add3A_130] : memref<320000xi32, #tpu.memory_space<hbm>> -> memref<40xi32, #tpu.memory_space<hbm>>
          %dma_start3A_164 = tpu.memref_slice %arg2[%add3A_130] : memref<320000xi32, #tpu.memory_space<hbm>> -> memref<40xi32, #tpu.memory_space<hbm>>
          tpu.enqueue_dma source(%dma_start3A_164 : memref<40xi32, #tpu.memory_space<hbm>>) target(%arg14 : memref<40xi32, #tpu.memory_space<vmem>>) target_semaphore(%arg35 : memref<!tpu.dma_semaphore, #tpu.memory_space<semaphore_mem>>)
          %dma_start3A_165 = tpu.memref_slice %arg3[%add3A_130] : memref<320000xi32, #tpu.memory_space<hbm>> -> memref<40xi32, #tpu.memory_space<hbm>>
          %dma_start3A_166 = tpu.memref_slice %arg3[%add3A_130] : memref<320000xi32, #tpu.memory_space<hbm>> -> memref<40xi32, #tpu.memory_space<hbm>>
          tpu.enqueue_dma source(%dma_start3A_166 : memref<40xi32, #tpu.memory_space<hbm>>) target(%arg15 : memref<40xi32, #tpu.memory_space<vmem>>) target_semaphore(%arg35 : memref<!tpu.dma_semaphore, #tpu.memory_space<semaphore_mem>>)
          %dma_start3A_167 = arith.constant 0 : i32
          %dma_start3A_168 = tpu.memref_slice %arg4[%add3A_130, %dma_start3A_167] : memref<320000x16xf32, #tpu.memory_space<hbm>> -> memref<40x16xf32, #tpu.memory_space<hbm>>
          %dma_start3A_169 = arith.constant 0 : i32
          %dma_start3A_170 = tpu.memref_slice %arg4[%add3A_130, %dma_start3A_169] : memref<320000x16xf32, #tpu.memory_space<hbm>> -> memref<40x16xf32, #tpu.memory_space<hbm>>
          tpu.enqueue_dma source(%dma_start3A_170 : memref<40x16xf32, #tpu.memory_space<hbm>>) target(%arg16 : memref<40x16xf32, #tpu.memory_space<vmem>>) target_semaphore(%arg35 : memref<!tpu.dma_semaphore, #tpu.memory_space<semaphore_mem>>)
          %dma_wait3A_171 = tpu.memref_slice %arg2[%add3A_130] : memref<320000xi32, #tpu.memory_space<hbm>> -> memref<40xi32, #tpu.memory_space<hbm>>
          %dma_wait3A_172 = tpu.memref_slice %arg2[%add3A_130] : memref<320000xi32, #tpu.memory_space<hbm>> -> memref<40xi32, #tpu.memory_space<hbm>>
          tpu.wait_dma2 semaphore(%arg35 : memref<!tpu.dma_semaphore, #tpu.memory_space<semaphore_mem>>) src(%dma_wait3A_172 : memref<40xi32, #tpu.memory_space<hbm>>) dst(%arg14 : memref<40xi32, #tpu.memory_space<vmem>>)
          %dma_wait3A_173 = tpu.memref_slice %arg3[%add3A_130] : memref<320000xi32, #tpu.memory_space<hbm>> -> memref<40xi32, #tpu.memory_space<hbm>>
          %dma_wait3A_174 = tpu.memref_slice %arg3[%add3A_130] : memref<320000xi32, #tpu.memory_space<hbm>> -> memref<40xi32, #tpu.memory_space<hbm>>
          tpu.wait_dma2 semaphore(%arg35 : memref<!tpu.dma_semaphore, #tpu.memory_space<semaphore_mem>>) src(%dma_wait3A_174 : memref<40xi32, #tpu.memory_space<hbm>>) dst(%arg15 : memref<40xi32, #tpu.memory_space<vmem>>)
          %dma_wait3A_175 = arith.constant 0 : i32
          %dma_wait3A_176 = tpu.memref_slice %arg4[%add3A_130, %dma_wait3A_175] : memref<320000x16xf32, #tpu.memory_space<hbm>> -> memref<40x16xf32, #tpu.memory_space<hbm>>
          %dma_wait3A_177 = arith.constant 0 : i32
          %dma_wait3A_178 = tpu.memref_slice %arg4[%add3A_130, %dma_wait3A_177] : memref<320000x16xf32, #tpu.memory_space<hbm>> -> memref<40x16xf32, #tpu.memory_space<hbm>>
          tpu.wait_dma2 semaphore(%arg35 : memref<!tpu.dma_semaphore, #tpu.memory_space<semaphore_mem>>) src(%dma_wait3A_178 : memref<40x16xf32, #tpu.memory_space<hbm>>) dst(%arg16 : memref<40x16xf32, #tpu.memory_space<vmem>>)
          %dma_start3A_179 = arith.constant 0 : i32
          %dma_start3A_180 = arith.constant 0 : i32
          %dma_start3A_181 = tpu.memref_slice %arg5[%dma_start3A_179, %dma_start3A_180] : memref<10000x16xf32, #tpu.memory_space<hbm>> -> memref<10000x16xf32, #tpu.memory_space<hbm>>
          tpu.enqueue_indirect_dma source(%dma_start3A_181 : memref<10000x16xf32, #tpu.memory_space<hbm>>) target(%arg17 : memref<40x16xf32, #tpu.memory_space<vmem>>) offsets(%arg14 : memref<40xi32, #tpu.memory_space<vmem>>) semaphore(%arg36 : memref<!tpu.dma_semaphore, #tpu.memory_space<semaphore_mem>>)
          %dma_start3A_182 = arith.constant 0 : i32
          %dma_start3A_183 = arith.constant 0 : i32
          %dma_start3A_184 = tpu.memref_slice %arg6[%dma_start3A_182, %dma_start3A_183] : memref<10000x16xf32, #tpu.memory_space<hbm>> -> memref<10000x16xf32, #tpu.memory_space<hbm>>
          tpu.enqueue_indirect_dma source(%dma_start3A_184 : memref<10000x16xf32, #tpu.memory_space<hbm>>) target(%arg18 : memref<40x16xf32, #tpu.memory_space<vmem>>) offsets(%arg15 : memref<40xi32, #tpu.memory_space<vmem>>) semaphore(%arg37 : memref<!tpu.dma_semaphore, #tpu.memory_space<semaphore_mem>>)
          %dma_start3A_185 = arith.constant 0 : i32
          %dma_start3A_186 = arith.constant 0 : i32
          %dma_start3A_187 = tpu.memref_slice %arg7[%dma_start3A_185, %dma_start3A_186] : memref<10000x128xf32, #tpu.memory_space<hbm>> -> memref<10000x128xf32, #tpu.memory_space<hbm>>
          tpu.enqueue_indirect_dma source(%dma_start3A_187 : memref<10000x128xf32, #tpu.memory_space<hbm>>) target(%arg20 : memref<40x128xf32, #tpu.memory_space<vmem>>) offsets(%arg14 : memref<40xi32, #tpu.memory_space<vmem>>) semaphore(%arg38 : memref<!tpu.dma_semaphore, #tpu.memory_space<semaphore_mem>>)
        } else {
        }
        %dma_wait3A_142 = arith.constant 0 : i32
        %dma_wait3A_143 = arith.constant 0 : i32
        %dma_wait3A_144 = tpu.memref_slice %arg5[%dma_wait3A_142, %dma_wait3A_143] : memref<10000x16xf32, #tpu.memory_space<hbm>> -> memref<10000x16xf32, #tpu.memory_space<hbm>>
        tpu.wait_indirect_dma semaphore(%arg48 : memref<!tpu.dma_semaphore, #tpu.memory_space<semaphore_mem>>) src(%dma_wait3A_144 : memref<10000x16xf32, #tpu.memory_space<hbm>>) dst(%arg31 : memref<40x16xf32, #tpu.memory_space<vmem>>)
        %dma_wait3A_145 = arith.constant 0 : i32
        %dma_wait3A_146 = arith.constant 0 : i32
        %dma_wait3A_147 = tpu.memref_slice %arg6[%dma_wait3A_145, %dma_wait3A_146] : memref<10000x16xf32, #tpu.memory_space<hbm>> -> memref<10000x16xf32, #tpu.memory_space<hbm>>
        tpu.wait_indirect_dma semaphore(%arg49 : memref<!tpu.dma_semaphore, #tpu.memory_space<semaphore_mem>>) src(%dma_wait3A_147 : memref<10000x16xf32, #tpu.memory_space<hbm>>) dst(%arg32 : memref<40x16xf32, #tpu.memory_space<vmem>>)
        %dma_wait3A_148 = arith.constant 0 : i32
        %dma_wait3A_149 = arith.constant 0 : i32
        %dma_wait3A_150 = tpu.memref_slice %arg7[%dma_wait3A_148, %dma_wait3A_149] : memref<10000x128xf32, #tpu.memory_space<hbm>> -> memref<10000x128xf32, #tpu.memory_space<hbm>>
        tpu.wait_indirect_dma semaphore(%arg50 : memref<!tpu.dma_semaphore, #tpu.memory_space<semaphore_mem>>) src(%dma_wait3A_150 : memref<10000x128xf32, #tpu.memory_space<hbm>>) dst(%arg34 : memref<40x128xf32, #tpu.memory_space<vmem>>)
        %scan3A_151 = arith.constant 0 : i32
        %scan3A_152 = arith.constant 0 : i32
        %scan3A_153 = arith.constant 40 : i32
        %scan3A_154 = arith.addi %scan3A_152, %scan3A_153 : i32
        %scan3A_155 = arith.constant 1 : i32
        scf.for %scan3A_163 = %scan3A_152 to %scan3A_154 step %scan3A_155  : i32 {
          %get3A = arith.index_cast %scan3A_163 : i32 to index
          %get3A_164 = arith.constant 0 : index
          %get3A_165 = tpu.vector_load %arg31[%get3A, %get3A_164] {strides = array<i32>} : memref<40x16xf32, #tpu.memory_space<vmem>>, vector<16xf32>,
          %get3A_166 = arith.index_cast %scan3A_163 : i32 to index
          %get3A_167 = arith.constant 0 : index
          %get3A_168 = tpu.vector_load %arg32[%get3A_166, %get3A_167] {strides = array<i32>} : memref<40x16xf32, #tpu.memory_space<vmem>>, vector<16xf32>,
          %add3A_169 = arith.addf %get3A_165, %get3A_168 : vector<16xf32>
          %get3A_170 = arith.index_cast %scan3A_163 : i32 to index
          %get3A_171 = arith.constant 0 : index
          %get3A_172 = tpu.vector_load %arg30[%get3A_170, %get3A_171] {strides = array<i32>} : memref<40x16xf32, #tpu.memory_space<vmem>>, vector<16xf32>,
          %add3A_173 = arith.addf %add3A_169, %get3A_172 : vector<16xf32>
          %gt3A = arith.constant 0.000000e+00 : f32
          %gt3A_174 = vector.broadcast %gt3A : f32 to vector<16xf32>
          %gt3A_175 = arith.cmpf ogt, %add3A_173, %gt3A_174 : vector<16xf32>
          %mul3A_176 = arith.constant 2.000000e-01 : f32
          %mul3A_177 = vector.broadcast %mul3A_176 : f32 to vector<16xf32>
          %mul3A_178 = arith.mulf %add3A_173, %mul3A_177 : vector<16xf32>
          %select_n3A_179 = arith.select %gt3A_175, %add3A_173, %mul3A_178 : vector<16xi1>, vector<16xf32>
          %exp3A = math.exp %select_n3A_179 : vector<16xf32>
          %swap3A = arith.index_cast %scan3A_163 : i32 to index
          %swap3A_180 = arith.constant 0 : index
          %swap3A_181 = tpu.vector_load %arg33[%swap3A, %swap3A_180] {strides = array<i32>} : memref<40x16xf32, #tpu.memory_space<vmem>>, vector<16xf32>,
          tpu.vector_store %arg33[%swap3A, %swap3A_180], %exp3A {strides = array<i32>} : memref<40x16xf32, #tpu.memory_space<vmem>>, vector<16xf32>,
          %broadcast_in_dim3A = vector.broadcast %scan3A_163 : i32 to vector<16xi32>
          %broadcast_in_dim3A_182 = arith.constant 0 : i32
          %broadcast_in_dim3A_183 = vector.broadcast %broadcast_in_dim3A_182 : i32 to vector<16xi32>
          %gather3A = tpu.vector_load_idx %arg33[%broadcast_in_dim3A, %broadcast_in_dim3A_183] : memref<40x16xf32, #tpu.memory_space<vmem>>[vector<16xi32>, vector<16xi32>], vector<16xf32>,
          %get3A_184 = arith.index_cast %scan3A_163 : i32 to index
          %get3A_185 = arith.constant 0 : index
          %get3A_186 = tpu.vector_load %arg34[%get3A_184, %get3A_185] {strides = array<i32>} : memref<40x128xf32, #tpu.memory_space<vmem>>, vector<16xf32>,
          %mul3A_187 = arith.mulf %get3A_186, %gather3A : vector<16xf32>
          %swap3A_188 = arith.index_cast %scan3A_163 : i32 to index
          %swap3A_189 = arith.constant 0 : index
          %swap3A_190 = tpu.vector_load %arg34[%swap3A_188, %swap3A_189] {strides = array<i32>} : memref<40x128xf32, #tpu.memory_space<vmem>>, vector<16xf32>,
          tpu.vector_store %arg34[%swap3A_188, %swap3A_189], %mul3A_187 {strides = array<i32>} : memref<40x128xf32, #tpu.memory_space<vmem>>, vector<16xf32>,
          %get3A_191 = arith.index_cast %scan3A_163 : i32 to index
          %get3A_192 = arith.constant 16 : index
          %get3A_193 = tpu.vector_load %arg34[%get3A_191, %get3A_192] {strides = array<i32>} : memref<40x128xf32, #tpu.memory_space<vmem>>, vector<16xf32>,
          %mul3A_194 = arith.mulf %get3A_193, %gather3A : vector<16xf32>
          %swap3A_195 = arith.index_cast %scan3A_163 : i32 to index
          %swap3A_196 = arith.constant 16 : index
          %swap3A_197 = tpu.vector_load %arg34[%swap3A_195, %swap3A_196] {strides = array<i32>} : memref<40x128xf32, #tpu.memory_space<vmem>>, vector<16xf32>,
          tpu.vector_store %arg34[%swap3A_195, %swap3A_196], %mul3A_194 {strides = array<i32>} : memref<40x128xf32, #tpu.memory_space<vmem>>, vector<16xf32>,
          %broadcast_in_dim3A_198 = arith.constant 1 : i32
          %broadcast_in_dim3A_199 = vector.broadcast %broadcast_in_dim3A_198 : i32 to vector<16xi32>
          %gather3A_200 = tpu.vector_load_idx %arg33[%broadcast_in_dim3A, %broadcast_in_dim3A_199] : memref<40x16xf32, #tpu.memory_space<vmem>>[vector<16xi32>, vector<16xi32>], vector<16xf32>,
          %get3A_201 = arith.index_cast %scan3A_163 : i32 to index
          %get3A_202 = arith.constant 32 : index
          %get3A_203 = tpu.vector_load %arg34[%get3A_201, %get3A_202] {strides = array<i32>} : memref<40x128xf32, #tpu.memory_space<vmem>>, vector<16xf32>,
          %mul3A_204 = arith.mulf %get3A_203, %gather3A_200 : vector<16xf32>
          %swap3A_205 = arith.index_cast %scan3A_163 : i32 to index
          %swap3A_206 = arith.constant 32 : index
          %swap3A_207 = tpu.vector_load %arg34[%swap3A_205, %swap3A_206] {strides = array<i32>} : memref<40x128xf32, #tpu.memory_space<vmem>>, vector<16xf32>,
          tpu.vector_store %arg34[%swap3A_205, %swap3A_206], %mul3A_204 {strides = array<i32>} : memref<40x128xf32, #tpu.memory_space<vmem>>, vector<16xf32>,
          %get3A_208 = arith.index_cast %scan3A_163 : i32 to index
          %get3A_209 = arith.constant 48 : index
          %get3A_210 = tpu.vector_load %arg34[%get3A_208, %get3A_209] {strides = array<i32>} : memref<40x128xf32, #tpu.memory_space<vmem>>, vector<16xf32>,
          %mul3A_211 = arith.mulf %get3A_210, %gather3A_200 : vector<16xf32>
          %swap3A_212 = arith.index_cast %scan3A_163 : i32 to index
          %swap3A_213 = arith.constant 48 : index
          %swap3A_214 = tpu.vector_load %arg34[%swap3A_212, %swap3A_213] {strides = array<i32>} : memref<40x128xf32, #tpu.memory_space<vmem>>, vector<16xf32>,
          tpu.vector_store %arg34[%swap3A_212, %swap3A_213], %mul3A_211 {strides = array<i32>} : memref<40x128xf32, #tpu.memory_space<vmem>>, vector<16xf32>,
          %broadcast_in_dim3A_215 = arith.constant 2 : i32
          %broadcast_in_dim3A_216 = vector.broadcast %broadcast_in_dim3A_215 : i32 to vector<16xi32>
          %gather3A_217 = tpu.vector_load_idx %arg33[%broadcast_in_dim3A, %broadcast_in_dim3A_216] : memref<40x16xf32, #tpu.memory_space<vmem>>[vector<16xi32>, vector<16xi32>], vector<16xf32>,
          %get3A_218 = arith.index_cast %scan3A_163 : i32 to index
          %get3A_219 = arith.constant 64 : index
          %get3A_220 = tpu.vector_load %arg34[%get3A_218, %get3A_219] {strides = array<i32>} : memref<40x128xf32, #tpu.memory_space<vmem>>, vector<16xf32>,
          %mul3A_221 = arith.mulf %get3A_220, %gather3A_217 : vector<16xf32>
          %swap3A_222 = arith.index_cast %scan3A_163 : i32 to index
          %swap3A_223 = arith.constant 64 : index
          %swap3A_224 = tpu.vector_load %arg34[%swap3A_222, %swap3A_223] {strides = array<i32>} : memref<40x128xf32, #tpu.memory_space<vmem>>, vector<16xf32>,
          tpu.vector_store %arg34[%swap3A_222, %swap3A_223], %mul3A_221 {strides = array<i32>} : memref<40x128xf32, #tpu.memory_space<vmem>>, vector<16xf32>,
          %get3A_225 = arith.index_cast %scan3A_163 : i32 to index
          %get3A_226 = arith.constant 80 : index
          %get3A_227 = tpu.vector_load %arg34[%get3A_225, %get3A_226] {strides = array<i32>} : memref<40x128xf32, #tpu.memory_space<vmem>>, vector<16xf32>,
          %mul3A_228 = arith.mulf %get3A_227, %gather3A_217 : vector<16xf32>
          %swap3A_229 = arith.index_cast %scan3A_163 : i32 to index
          %swap3A_230 = arith.constant 80 : index
          %swap3A_231 = tpu.vector_load %arg34[%swap3A_229, %swap3A_230] {strides = array<i32>} : memref<40x128xf32, #tpu.memory_space<vmem>>, vector<16xf32>,
          tpu.vector_store %arg34[%swap3A_229, %swap3A_230], %mul3A_228 {strides = array<i32>} : memref<40x128xf32, #tpu.memory_space<vmem>>, vector<16xf32>,
          %broadcast_in_dim3A_232 = arith.constant 3 : i32
          %broadcast_in_dim3A_233 = vector.broadcast %broadcast_in_dim3A_232 : i32 to vector<16xi32>
          %gather3A_234 = tpu.vector_load_idx %arg33[%broadcast_in_dim3A, %broadcast_in_dim3A_233] : memref<40x16xf32, #tpu.memory_space<vmem>>[vector<16xi32>, vector<16xi32>], vector<16xf32>,
          %get3A_235 = arith.index_cast %scan3A_163 : i32 to index
          %get3A_236 = arith.constant 96 : index
          %get3A_237 = tpu.vector_load %arg34[%get3A_235, %get3A_236] {strides = array<i32>} : memref<40x128xf32, #tpu.memory_space<vmem>>, vector<16xf32>,
          %mul3A_238 = arith.mulf %get3A_237, %gather3A_234 : vector<16xf32>
          %swap3A_239 = arith.index_cast %scan3A_163 : i32 to index
          %swap3A_240 = arith.constant 96 : index
          %swap3A_241 = tpu.vector_load %arg34[%swap3A_239, %swap3A_240] {strides = array<i32>} : memref<40x128xf32, #tpu.memory_space<vmem>>, vector<16xf32>,
          tpu.vector_store %arg34[%swap3A_239, %swap3A_240], %mul3A_238 {strides = array<i32>} : memref<40x128xf32, #tpu.memory_space<vmem>>, vector<16xf32>,
          %get3A_242 = arith.index_cast %scan3A_163 : i32 to index
          %get3A_243 = arith.constant 112 : index
          %get3A_244 = tpu.vector_load %arg34[%get3A_242, %get3A_243] {strides = array<i32>} : memref<40x128xf32, #tpu.memory_space<vmem>>, vector<16xf32>,
          %mul3A_245 = arith.mulf %get3A_244, %gather3A_234 : vector<16xf32>
          %swap3A_246 = arith.index_cast %scan3A_163 : i32 to index
          %swap3A_247 = arith.constant 112 : index
          %swap3A_248 = tpu.vector_load %arg34[%swap3A_246, %swap3A_247] {strides = array<i32>} : memref<40x128xf32, #tpu.memory_space<vmem>>, vector<16xf32>,
          tpu.vector_store %arg34[%swap3A_246, %swap3A_247], %mul3A_245 {strides = array<i32>} : memref<40x128xf32, #tpu.memory_space<vmem>>, vector<16xf32>,
        }
        %scan3A_156 = arith.constant 40 : i32
        %dma_start3A_157 = arith.constant 0 : i32
        %dma_start3A_158 = arith.constant 0 : i32
        %dma_start3A_159 = tpu.memref_slice %arg13[%dma_start3A_157, %dma_start3A_158] : memref<10000x16xf32, #tpu.memory_space<vmem_shared>> -> memref<10000x16xf32, #tpu.memory_space<vmem_shared>>
        tpu.enqueue_indirect_dma source(%arg33 : memref<40x16xf32, #tpu.memory_space<vmem>>) target(%dma_start3A_159 : memref<10000x16xf32, #tpu.memory_space<vmem_shared>>) offsets(%arg29 : memref<40xi32, #tpu.memory_space<vmem>>) semaphore(%arg51 : memref<!tpu.dma_semaphore, #tpu.memory_space<semaphore_mem>>) {add = true}
        %dma_start3A_160 = arith.constant 0 : i32
        %dma_start3A_161 = arith.constant 0 : i32
        %dma_start3A_162 = tpu.memref_slice %arg12[%dma_start3A_160, %dma_start3A_161] : memref<10000x128xf32, #tpu.memory_space<vmem_shared>> -> memref<10000x128xf32, #tpu.memory_space<vmem_shared>>
        tpu.enqueue_indirect_dma source(%arg34 : memref<40x128xf32, #tpu.memory_space<vmem>>) target(%dma_start3A_162 : memref<10000x128xf32, #tpu.memory_space<vmem_shared>>) offsets(%arg29 : memref<40xi32, #tpu.memory_space<vmem>>) semaphore(%arg52 : memref<!tpu.dma_semaphore, #tpu.memory_space<semaphore_mem>>) {add = true}
      } else {
      }
    }
    %scan3A_43 = arith.constant 250 : i32
    %dma_wait3A_44 = arith.constant 0 : i32
    %dma_wait3A_45 = arith.constant 0 : i32
    %dma_wait3A_46 = tpu.memref_slice %arg13[%dma_wait3A_44, %dma_wait3A_45] : memref<10000x16xf32, #tpu.memory_space<vmem_shared>> -> memref<10000x16xf32, #tpu.memory_space<vmem_shared>>
    tpu.wait_indirect_dma semaphore(%arg51 : memref<!tpu.dma_semaphore, #tpu.memory_space<semaphore_mem>>) src(%arg33 : memref<40x16xf32, #tpu.memory_space<vmem>>) dst(%dma_wait3A_46 : memref<10000x16xf32, #tpu.memory_space<vmem_shared>>)
    %dma_wait3A_47 = arith.constant 0 : i32
    %dma_wait3A_48 = arith.constant 0 : i32
    %dma_wait3A_49 = tpu.memref_slice %arg12[%dma_wait3A_47, %dma_wait3A_48] : memref<10000x128xf32, #tpu.memory_space<vmem_shared>> -> memref<10000x128xf32, #tpu.memory_space<vmem_shared>>
    tpu.wait_indirect_dma semaphore(%arg52 : memref<!tpu.dma_semaphore, #tpu.memory_space<semaphore_mem>>) src(%arg34 : memref<40x128xf32, #tpu.memory_space<vmem>>) dst(%dma_wait3A_49 : memref<10000x128xf32, #tpu.memory_space<vmem_shared>>)
    %dma_wait3A_50 = arith.constant 0 : i32
    %dma_wait3A_51 = arith.constant 0 : i32
    %dma_wait3A_52 = tpu.memref_slice %arg13[%dma_wait3A_50, %dma_wait3A_51] : memref<10000x16xf32, #tpu.memory_space<vmem_shared>> -> memref<10000x16xf32, #tpu.memory_space<vmem_shared>>
    tpu.wait_indirect_dma semaphore(%arg39 : memref<!tpu.dma_semaphore, #tpu.memory_space<semaphore_mem>>) src(%arg19 : memref<40x16xf32, #tpu.memory_space<vmem>>) dst(%dma_wait3A_52 : memref<10000x16xf32, #tpu.memory_space<vmem_shared>>)
    %dma_wait3A_53 = arith.constant 0 : i32
    %dma_wait3A_54 = arith.constant 0 : i32
    %dma_wait3A_55 = tpu.memref_slice %arg12[%dma_wait3A_53, %dma_wait3A_54] : memref<10000x128xf32, #tpu.memory_space<vmem_shared>> -> memref<10000x128xf32, #tpu.memory_space<vmem_shared>>
    tpu.wait_indirect_dma semaphore(%arg40 : memref<!tpu.dma_semaphore, #tpu.memory_space<semaphore_mem>>) src(%arg20 : memref<40x128xf32, #tpu.memory_space<vmem>>) dst(%dma_wait3A_55 : memref<10000x128xf32, #tpu.memory_space<vmem_shared>>)
    %barrier3A_56 = arith.constant 0 : index
    tpu.barrier barrier_id(%barrier3A_56)
    %lt3A_57 = arith.constant 15 : i32
    %lt3A_58 = arith.cmpi slt, %arg1, %lt3A_57 : i32
    %convert_element_type3A_59 = arith.extui %lt3A_58 : i1 to i32
    %cond3A_60 = arith.constant 0 : i32
    %cond3A_61 = arith.cmpi ne, %convert_element_type3A_59, %cond3A_60 : i32
    scf.if %cond3A_61 {
      %mul3A_67 = arith.constant 632 : i32
      %mul3A_68 = arith.muli %arg1, %mul3A_67 : i32
      %multiple_of3A = tpu.assume_multiple %mul3A_68, 8 : i32
      "tpu.region"() ({
        %run_scoped3A = tpu.sem_alloc : memref<!tpu.dma_semaphore, #tpu.memory_space<semaphore_mem>>
        %dma_start3A_69 = arith.constant 0 : i32
        %dma_start3A_70 = tpu.memref_slice %arg10[%arg0, %multiple_of3A, %dma_start3A_69] : memref<2x10000x128xf32, #tpu.memory_space<hbm>> -> memref<1x632x128xf32, #tpu.memory_space<hbm>>
        %dma_start3A_71 = tpu.memref_squeeze %dma_start3A_70 : memref<1x632x128xf32, #tpu.memory_space<hbm>> -> memref<632x128xf32, #tpu.memory_space<hbm>>
        %dma_start3A_72 = arith.constant 0 : i32
        %dma_start3A_73 = tpu.memref_slice %arg12[%multiple_of3A, %dma_start3A_72] : memref<10000x128xf32, #tpu.memory_space<vmem_shared>> -> memref<632x128xf32, #tpu.memory_space<vmem_shared>>
        tpu.enqueue_dma source(%dma_start3A_73 : memref<632x128xf32, #tpu.memory_space<vmem_shared>>) target(%dma_start3A_71 : memref<632x128xf32, #tpu.memory_space<hbm>>) target_semaphore(%run_scoped3A : memref<!tpu.dma_semaphore, #tpu.memory_space<semaphore_mem>>)
        %dma_wait3A_74 = arith.constant 0 : i32
        %dma_wait3A_75 = tpu.memref_slice %arg10[%arg0, %multiple_of3A, %dma_wait3A_74] : memref<2x10000x128xf32, #tpu.memory_space<hbm>> -> memref<1x632x128xf32, #tpu.memory_space<hbm>>
        %dma_wait3A_76 = tpu.memref_squeeze %dma_wait3A_75 : memref<1x632x128xf32, #tpu.memory_space<hbm>> -> memref<632x128xf32, #tpu.memory_space<hbm>>
        %dma_wait3A_77 = arith.constant 0 : i32
        %dma_wait3A_78 = tpu.memref_slice %arg12[%multiple_of3A, %dma_wait3A_77] : memref<10000x128xf32, #tpu.memory_space<vmem_shared>> -> memref<632x128xf32, #tpu.memory_space<vmem_shared>>
        tpu.wait_dma2 semaphore(%run_scoped3A : memref<!tpu.dma_semaphore, #tpu.memory_space<semaphore_mem>>) src(%dma_wait3A_78 : memref<632x128xf32, #tpu.memory_space<vmem_shared>>) dst(%dma_wait3A_76 : memref<632x128xf32, #tpu.memory_space<hbm>>)
        tpu.yield
      }) : () -> ()
      "tpu.region"() ({
        %run_scoped3A = tpu.sem_alloc : memref<!tpu.dma_semaphore, #tpu.memory_space<semaphore_mem>>
        %dma_start3A_69 = arith.constant 0 : i32
        %dma_start3A_70 = tpu.memref_slice %arg11[%arg0, %multiple_of3A, %dma_start3A_69] : memref<2x10000x16xf32, #tpu.memory_space<hbm>> -> memref<1x632x16xf32, #tpu.memory_space<hbm>>
        %dma_start3A_71 = tpu.memref_squeeze %dma_start3A_70 : memref<1x632x16xf32, #tpu.memory_space<hbm>> -> memref<632x16xf32, #tpu.memory_space<hbm>>
        %dma_start3A_72 = arith.constant 0 : i32
        %dma_start3A_73 = tpu.memref_slice %arg13[%multiple_of3A, %dma_start3A_72] : memref<10000x16xf32, #tpu.memory_space<vmem_shared>> -> memref<632x16xf32, #tpu.memory_space<vmem_shared>>
        tpu.enqueue_dma source(%dma_start3A_73 : memref<632x16xf32, #tpu.memory_space<vmem_shared>>) target(%dma_start3A_71 : memref<632x16xf32, #tpu.memory_space<hbm>>) target_semaphore(%run_scoped3A : memref<!tpu.dma_semaphore, #tpu.memory_space<semaphore_mem>>)
        %dma_wait3A_74 = arith.constant 0 : i32
        %dma_wait3A_75 = tpu.memref_slice %arg11[%arg0, %multiple_of3A, %dma_wait3A_74] : memref<2x10000x16xf32, #tpu.memory_space<hbm>> -> memref<1x632x16xf32, #tpu.memory_space<hbm>>
        %dma_wait3A_76 = tpu.memref_squeeze %dma_wait3A_75 : memref<1x632x16xf32, #tpu.memory_space<hbm>> -> memref<632x16xf32, #tpu.memory_space<hbm>>
        %dma_wait3A_77 = arith.constant 0 : i32
        %dma_wait3A_78 = tpu.memref_slice %arg13[%multiple_of3A, %dma_wait3A_77] : memref<10000x16xf32, #tpu.memory_space<vmem_shared>> -> memref<632x16xf32, #tpu.memory_space<vmem_shared>>
        tpu.wait_dma2 semaphore(%run_scoped3A : memref<!tpu.dma_semaphore, #tpu.memory_space<semaphore_mem>>) src(%dma_wait3A_78 : memref<632x16xf32, #tpu.memory_space<vmem_shared>>) dst(%dma_wait3A_76 : memref<632x16xf32, #tpu.memory_space<hbm>>)
        tpu.yield
      }) : () -> ()
    } else {
    }
    %eq3A_62 = arith.constant 15 : i32
    %eq3A_63 = arith.cmpi eq, %arg1, %eq3A_62 : i32
    %convert_element_type3A_64 = arith.extui %eq3A_63 : i1 to i32
    %cond3A_65 = arith.constant 0 : i32
    %cond3A_66 = arith.cmpi ne, %convert_element_type3A_64, %cond3A_65 : i32
    scf.if %cond3A_66 {
      "tpu.region"() ({
        %run_scoped3A = tpu.sem_alloc : memref<!tpu.dma_semaphore, #tpu.memory_space<semaphore_mem>>
        %dma_start3A_67 = arith.constant 9480 : i32
        %dma_start3A_68 = arith.constant 0 : i32
        %dma_start3A_69 = tpu.memref_slice %arg10[%arg0, %dma_start3A_67, %dma_start3A_68] : memref<2x10000x128xf32, #tpu.memory_space<hbm>> -> memref<1x520x128xf32, #tpu.memory_space<hbm>>
        %dma_start3A_70 = tpu.memref_squeeze %dma_start3A_69 : memref<1x520x128xf32, #tpu.memory_space<hbm>> -> memref<520x128xf32, #tpu.memory_space<hbm>>
        %dma_start3A_71 = arith.constant 9480 : i32
        %dma_start3A_72 = arith.constant 0 : i32
        %dma_start3A_73 = tpu.memref_slice %arg12[%dma_start3A_71, %dma_start3A_72] : memref<10000x128xf32, #tpu.memory_space<vmem_shared>> -> memref<520x128xf32, #tpu.memory_space<vmem_shared>>
        tpu.enqueue_dma source(%dma_start3A_73 : memref<520x128xf32, #tpu.memory_space<vmem_shared>>) target(%dma_start3A_70 : memref<520x128xf32, #tpu.memory_space<hbm>>) target_semaphore(%run_scoped3A : memref<!tpu.dma_semaphore, #tpu.memory_space<semaphore_mem>>)
        %dma_wait3A_74 = arith.constant 9480 : i32
        %dma_wait3A_75 = arith.constant 0 : i32
        %dma_wait3A_76 = tpu.memref_slice %arg10[%arg0, %dma_wait3A_74, %dma_wait3A_75] : memref<2x10000x128xf32, #tpu.memory_space<hbm>> -> memref<1x520x128xf32, #tpu.memory_space<hbm>>
        %dma_wait3A_77 = tpu.memref_squeeze %dma_wait3A_76 : memref<1x520x128xf32, #tpu.memory_space<hbm>> -> memref<520x128xf32, #tpu.memory_space<hbm>>
        %dma_wait3A_78 = arith.constant 9480 : i32
        %dma_wait3A_79 = arith.constant 0 : i32
        %dma_wait3A_80 = tpu.memref_slice %arg12[%dma_wait3A_78, %dma_wait3A_79] : memref<10000x128xf32, #tpu.memory_space<vmem_shared>> -> memref<520x128xf32, #tpu.memory_space<vmem_shared>>
        tpu.wait_dma2 semaphore(%run_scoped3A : memref<!tpu.dma_semaphore, #tpu.memory_space<semaphore_mem>>) src(%dma_wait3A_80 : memref<520x128xf32, #tpu.memory_space<vmem_shared>>) dst(%dma_wait3A_77 : memref<520x128xf32, #tpu.memory_space<hbm>>)
        tpu.yield
      }) : () -> ()
      "tpu.region"() ({
        %run_scoped3A = tpu.sem_alloc : memref<!tpu.dma_semaphore, #tpu.memory_space<semaphore_mem>>
        %dma_start3A_67 = arith.constant 9480 : i32
        %dma_start3A_68 = arith.constant 0 : i32
        %dma_start3A_69 = tpu.memref_slice %arg11[%arg0, %dma_start3A_67, %dma_start3A_68] : memref<2x10000x16xf32, #tpu.memory_space<hbm>> -> memref<1x520x16xf32, #tpu.memory_space<hbm>>
        %dma_start3A_70 = tpu.memref_squeeze %dma_start3A_69 : memref<1x520x16xf32, #tpu.memory_space<hbm>> -> memref<520x16xf32, #tpu.memory_space<hbm>>
        %dma_start3A_71 = arith.constant 9480 : i32
        %dma_start3A_72 = arith.constant 0 : i32
        %dma_start3A_73 = tpu.memref_slice %arg13[%dma_start3A_71, %dma_start3A_72] : memref<10000x16xf32, #tpu.memory_space<vmem_shared>> -> memref<520x16xf32, #tpu.memory_space<vmem_shared>>
        tpu.enqueue_dma source(%dma_start3A_73 : memref<520x16xf32, #tpu.memory_space<vmem_shared>>) target(%dma_start3A_70 : memref<520x16xf32, #tpu.memory_space<hbm>>) target_semaphore(%run_scoped3A : memref<!tpu.dma_semaphore, #tpu.memory_space<semaphore_mem>>)
        %dma_wait3A_74 = arith.constant 9480 : i32
        %dma_wait3A_75 = arith.constant 0 : i32
        %dma_wait3A_76 = tpu.memref_slice %arg11[%arg0, %dma_wait3A_74, %dma_wait3A_75] : memref<2x10000x16xf32, #tpu.memory_space<hbm>> -> memref<1x520x16xf32, #tpu.memory_space<hbm>>
        %dma_wait3A_77 = tpu.memref_squeeze %dma_wait3A_76 : memref<1x520x16xf32, #tpu.memory_space<hbm>> -> memref<520x16xf32, #tpu.memory_space<hbm>>
        %dma_wait3A_78 = arith.constant 9480 : i32
        %dma_wait3A_79 = arith.constant 0 : i32
        %dma_wait3A_80 = tpu.memref_slice %arg13[%dma_wait3A_78, %dma_wait3A_79] : memref<10000x16xf32, #tpu.memory_space<vmem_shared>> -> memref<520x16xf32, #tpu.memory_space<vmem_shared>>
        tpu.wait_dma2 semaphore(%run_scoped3A : memref<!tpu.dma_semaphore, #tpu.memory_space<semaphore_mem>>) src(%dma_wait3A_80 : memref<520x16xf32, #tpu.memory_space<vmem_shared>>) dst(%dma_wait3A_77 : memref<520x16xf32, #tpu.memory_space<hbm>>)
        tpu.yield
      }) : () -> ()
    } else {
    }
    return
  }
}

module attributes {stable_mosaic.version = 14 : i64} {
  func.func @_ae_body(%arg0: i32, %arg1: memref<2000x4xf32, #tpu.memory_space<vmem>>, %arg2: memref<4x16xf32, #tpu.memory_space<vmem>>, %arg3: memref<2000x16xf32, #tpu.memory_space<vmem>>, %arg4: memref<2000x16xf32, #tpu.memory_space<vmem>>, %arg5: memref<2000x16xf32, #tpu.memory_space<vmem>>, %arg6: memref<1x4xf32, #tpu.memory_space<vmem>>) attributes {dimension_semantics = [#tpu.dimension_semantics<arbitrary>], iteration_bounds = array<i64: 160>, scalar_prefetch = 0 : i64, scratch_operands = 0 : i64, tpu.core_type = #tpu.core_type<tc>, window_params = [{transform_indices = @transform_0, window_bounds = array<i64: 2000, 4>}, {pipeline_mode = #tpu.pipeline_mode<synchronous>, transform_indices = @transform_1, window_bounds = array<i64: 4, 16>}, {transform_indices = @transform_2, window_bounds = array<i64: 2000, 16>}, {transform_indices = @transform_3, window_bounds = array<i64: 2000, 16>}, {transform_indices = @transform_4, window_bounds = array<i64: 2000, 16>}, {pipeline_mode = #tpu.pipeline_mode<synchronous>, transform_indices = @transform_5, window_bounds = array<i64: 1, 4>}]} {
    %get3A = arith.constant 0 : index
    %get3A_0 = arith.constant 0 : index
    %get3A_1 = vector.load %arg1[%get3A, %get3A_0] : memref<2000x4xf32, #tpu.memory_space<vmem>>, vector<2000x4xf32>
    %get3A_2 = arith.constant 0 : index
    %get3A_3 = arith.constant 0 : index
    %get3A_4 = vector.load %arg2[%get3A_2, %get3A_3] : memref<4x16xf32, #tpu.memory_space<vmem>>, vector<4x16xf32>
    %dot_general3A = arith.constant dense<0.000000e+00> : vector<2000x16xf32>
    %dot_general3A_5 = tpu.matmul %get3A_1, %get3A_4, %dot_general3A {dimension_numbers = #tpu.dot_dimension_numbers<[1], [0], [0], [1], [0, 0, 1, 1], [], []>, transpose_lhs_hint = false} : vector<2000x4xf32>, vector<4x16xf32>, vector<2000x16xf32> -> vector<2000x16xf32>
    %broadcast_in_dim3A = arith.constant 0.000000e+00 : f32
    %broadcast_in_dim3A_6 = vector.broadcast %broadcast_in_dim3A : f32 to vector<2000x12xf32>
    %broadcast_in_dim3A_7 = arith.constant 0.000000e+00 : f32
    %broadcast_in_dim3A_8 = vector.broadcast %broadcast_in_dim3A_7 : f32 to vector<2000x8xf32>
    %slice3A = vector.extract_strided_slice %dot_general3A_5 {offsets = [0, 0], sizes = [2000, 4], strides = [1, 1]} : vector<2000x16xf32> to vector<2000x4xf32>
    %concatenate3A = tpu.concatenate %slice3A, %broadcast_in_dim3A_6 in 1 : vector<2000x4xf32>, vector<2000x12xf32> -> vector<2000x16xf32>
    %swap3A = arith.constant 0 : index
    %swap3A_9 = arith.constant 0 : index
    %swap3A_10 = vector.load %arg3[%swap3A, %swap3A_9] : memref<2000x16xf32, #tpu.memory_space<vmem>>, vector<2000x16xf32>
    tpu.vector_store %arg3[%swap3A, %swap3A_9], %concatenate3A {strides = array<i32>} : memref<2000x16xf32, #tpu.memory_space<vmem>>, vector<2000x16xf32>,
    %slice3A_11 = vector.extract_strided_slice %dot_general3A_5 {offsets = [0, 4], sizes = [2000, 4], strides = [1, 1]} : vector<2000x16xf32> to vector<2000x4xf32>
    %concatenate3A_12 = tpu.concatenate %slice3A_11, %broadcast_in_dim3A_6 in 1 : vector<2000x4xf32>, vector<2000x12xf32> -> vector<2000x16xf32>
    %swap3A_13 = arith.constant 0 : index
    %swap3A_14 = arith.constant 0 : index
    %swap3A_15 = vector.load %arg4[%swap3A_13, %swap3A_14] : memref<2000x16xf32, #tpu.memory_space<vmem>>, vector<2000x16xf32>
    tpu.vector_store %arg4[%swap3A_13, %swap3A_14], %concatenate3A_12 {strides = array<i32>} : memref<2000x16xf32, #tpu.memory_space<vmem>>, vector<2000x16xf32>,
    %slice3A_16 = vector.extract_strided_slice %dot_general3A_5 {offsets = [0, 8], sizes = [2000, 8], strides = [1, 1]} : vector<2000x16xf32> to vector<2000x8xf32>
    %concatenate3A_17 = tpu.concatenate %slice3A_16, %broadcast_in_dim3A_8 in 1 : vector<2000x8xf32>, vector<2000x8xf32> -> vector<2000x16xf32>
    %swap3A_18 = arith.constant 0 : index
    %swap3A_19 = arith.constant 0 : index
    %swap3A_20 = vector.load %arg5[%swap3A_18, %swap3A_19] : memref<2000x16xf32, #tpu.memory_space<vmem>>, vector<2000x16xf32>
    tpu.vector_store %arg5[%swap3A_18, %swap3A_19], %concatenate3A_17 {strides = array<i32>} : memref<2000x16xf32, #tpu.memory_space<vmem>>, vector<2000x16xf32>,
    %eq3A = arith.constant 0 : i32
    %eq3A_21 = arith.cmpi eq, %arg0, %eq3A : i32
    %convert_element_type3A = arith.extui %eq3A_21 : i1 to i32
    %cond3A = arith.constant 0 : i32
    %cond3A_22 = arith.cmpi ne, %convert_element_type3A, %cond3A : i32
    scf.if %cond3A_22 {
      %broadcast_in_dim3A_34 = arith.constant 0.000000e+00 : f32
      %broadcast_in_dim3A_35 = vector.broadcast %broadcast_in_dim3A_34 : f32 to vector<1x4xf32>
      %swap3A_36 = arith.constant 0 : index
      %swap3A_37 = arith.constant 0 : index
      %swap3A_38 = vector.load %arg6[%swap3A_36, %swap3A_37] : memref<1x4xf32, #tpu.memory_space<vmem>>, vector<1x4xf32>
      tpu.vector_store %arg6[%swap3A_36, %swap3A_37], %broadcast_in_dim3A_35 {strides = array<i32>} : memref<1x4xf32, #tpu.memory_space<vmem>>, vector<1x4xf32>,
    } else {
    }
    %get3A_23 = arith.constant 0 : index
    %get3A_24 = arith.constant 0 : index
    %get3A_25 = vector.load %arg6[%get3A_23, %get3A_24] : memref<1x4xf32, #tpu.memory_space<vmem>>, vector<1x4xf32>
    %get3A_26 = arith.constant 0 : index
    %get3A_27 = arith.constant 0 : index
    %get3A_28 = vector.load %arg1[%get3A_26, %get3A_27] : memref<2000x4xf32, #tpu.memory_space<vmem>>, vector<2000x4xf32>
    %reduce_sum3A = arith.constant dense<0.000000e+00> : vector<4xf32>
    %reduce_sum3A_29 = vector.multi_reduction <add>, %get3A_28, %reduce_sum3A [0] : vector<2000x4xf32> to vector<4xf32>
    %broadcast_in_dim3A_30 = vector.shape_cast %reduce_sum3A_29 : vector<4xf32> to vector<1x4xf32>
    %add3A = arith.addf %get3A_25, %broadcast_in_dim3A_30 : vector<1x4xf32>
    %swap3A_31 = arith.constant 0 : index
    %swap3A_32 = arith.constant 0 : index
    %swap3A_33 = vector.load %arg6[%swap3A_31, %swap3A_32] : memref<1x4xf32, #tpu.memory_space<vmem>>, vector<1x4xf32>
    tpu.vector_store %arg6[%swap3A_31, %swap3A_32], %add3A {strides = array<i32>} : memref<1x4xf32, #tpu.memory_space<vmem>>, vector<1x4xf32>,
    return
  }
  func.func @transform_0(%arg0: i32) -> (i32, i32) {
    %c0_i32 = arith.constant 0 : i32
    %c0_i32_0 = arith.constant 0 : i32
    return %arg0, %c0_i32 : i32, i32
  }
  func.func @transform_1(%arg0: i32) -> (i32, i32) {
    %c0_i32 = arith.constant 0 : i32
    %c0_i32_0 = arith.constant 0 : i32
    %c0_i32_1 = arith.constant 0 : i32
    return %c0_i32, %c0_i32_0 : i32, i32
  }
  func.func @transform_2(%arg0: i32) -> (i32, i32) {
    %c0_i32 = arith.constant 0 : i32
    %c0_i32_0 = arith.constant 0 : i32
    return %arg0, %c0_i32 : i32, i32
  }
  func.func @transform_3(%arg0: i32) -> (i32, i32) {
    %c0_i32 = arith.constant 0 : i32
    %c0_i32_0 = arith.constant 0 : i32
    return %arg0, %c0_i32 : i32, i32
  }
  func.func @transform_4(%arg0: i32) -> (i32, i32) {
    %c0_i32 = arith.constant 0 : i32
    %c0_i32_0 = arith.constant 0 : i32
    return %arg0, %c0_i32 : i32, i32
  }
  func.func @transform_5(%arg0: i32) -> (i32, i32) {
    %c0_i32 = arith.constant 0 : i32
    %c0_i32_0 = arith.constant 0 : i32
    %c0_i32_1 = arith.constant 0 : i32
    return %c0_i32, %c0_i32_0 : i32, i32
  }
}

module attributes {stable_mosaic.version = 14 : i64} {
  func.func @_prep_body(%arg0: i32, %arg1: memref<1000x128xf32, #tpu.memory_space<vmem>>, %arg2: memref<128x136xf32, #tpu.memory_space<vmem>>, %arg3: memref<1x4xf32, #tpu.memory_space<vmem>>, %arg4: memref<1000x128xf32, #tpu.memory_space<vmem>>, %arg5: memref<1000x4xf32, #tpu.memory_space<vmem>>, %arg6: memref<1000x4xf32, #tpu.memory_space<vmem>>, %arg7: memref<1000x128xf32, #tpu.memory_space<vmem>>, %arg8: memref<1000x4xf32, #tpu.memory_space<vmem>>) attributes {dimension_semantics = [#tpu.dimension_semantics<arbitrary>], iteration_bounds = array<i64: 10>, scalar_prefetch = 0 : i64, scratch_operands = 0 : i64, tpu.core_type = #tpu.core_type<tc>, window_params = [{transform_indices = @transform_0, window_bounds = array<i64: 1000, 128>}, {pipeline_mode = #tpu.pipeline_mode<synchronous>, transform_indices = @transform_1, window_bounds = array<i64: 128, 136>}, {pipeline_mode = #tpu.pipeline_mode<synchronous>, transform_indices = @transform_2, window_bounds = array<i64: 1, 4>}, {transform_indices = @transform_3, window_bounds = array<i64: 1000, 128>}, {transform_indices = @transform_4, window_bounds = array<i64: 1000, 4>}, {transform_indices = @transform_5, window_bounds = array<i64: 1000, 4>}, {transform_indices = @transform_6, window_bounds = array<i64: 1000, 128>}, {transform_indices = @transform_7, window_bounds = array<i64: 1000, 4>}]} {
    %get3A = arith.constant 0 : index
    %get3A_0 = arith.constant 0 : index
    %get3A_1 = vector.load %arg1[%get3A, %get3A_0] : memref<1000x128xf32, #tpu.memory_space<vmem>>, vector<1000x128xf32>
    %get3A_2 = arith.constant 0 : index
    %get3A_3 = arith.constant 0 : index
    %get3A_4 = vector.load %arg2[%get3A_2, %get3A_3] : memref<128x136xf32, #tpu.memory_space<vmem>>, vector<128x136xf32>
    %dot_general3A = arith.constant dense<0.000000e+00> : vector<1000x136xf32>
    %dot_general3A_5 = tpu.matmul %get3A_1, %get3A_4, %dot_general3A {dimension_numbers = #tpu.dot_dimension_numbers<[1], [0], [0], [1], [0, 0, 1, 1], [], []>, transpose_lhs_hint = false} : vector<1000x128xf32>, vector<128x136xf32>, vector<1000x136xf32> -> vector<1000x136xf32>
    %slice3A = vector.extract_strided_slice %dot_general3A_5 {offsets = [0, 0], sizes = [1000, 128], strides = [1, 1]} : vector<1000x136xf32> to vector<1000x128xf32>
    %slice3A_6 = vector.extract_strided_slice %dot_general3A_5 {offsets = [0, 128], sizes = [1000, 4], strides = [1, 1]} : vector<1000x136xf32> to vector<1000x4xf32>
    %slice3A_7 = vector.extract_strided_slice %dot_general3A_5 {offsets = [0, 132], sizes = [1000, 4], strides = [1, 1]} : vector<1000x136xf32> to vector<1000x4xf32>
    %swap3A = arith.constant 0 : index
    %swap3A_8 = arith.constant 0 : index
    %swap3A_9 = vector.load %arg4[%swap3A, %swap3A_8] : memref<1000x128xf32, #tpu.memory_space<vmem>>, vector<1000x128xf32>
    tpu.vector_store %arg4[%swap3A, %swap3A_8], %slice3A {strides = array<i32>} : memref<1000x128xf32, #tpu.memory_space<vmem>>, vector<1000x128xf32>,
    %swap3A_10 = arith.constant 0 : index
    %swap3A_11 = arith.constant 0 : index
    %swap3A_12 = vector.load %arg5[%swap3A_10, %swap3A_11] : memref<1000x4xf32, #tpu.memory_space<vmem>>, vector<1000x4xf32>
    tpu.vector_store %arg5[%swap3A_10, %swap3A_11], %slice3A_6 {strides = array<i32>} : memref<1000x4xf32, #tpu.memory_space<vmem>>, vector<1000x4xf32>,
    %swap3A_13 = arith.constant 0 : index
    %swap3A_14 = arith.constant 0 : index
    %swap3A_15 = vector.load %arg6[%swap3A_13, %swap3A_14] : memref<1000x4xf32, #tpu.memory_space<vmem>>, vector<1000x4xf32>
    tpu.vector_store %arg6[%swap3A_13, %swap3A_14], %slice3A_7 {strides = array<i32>} : memref<1000x4xf32, #tpu.memory_space<vmem>>, vector<1000x4xf32>,
    %add3A = arith.addf %slice3A_6, %slice3A_7 : vector<1000x4xf32>
    %get3A_16 = arith.constant 0 : index
    %get3A_17 = arith.constant 0 : index
    %get3A_18 = vector.load %arg3[%get3A_16, %get3A_17] : memref<1x4xf32, #tpu.memory_space<vmem>>, vector<1x4xf32>
    %add3A_19 = vector.broadcast %get3A_18 : vector<1x4xf32> to vector<1000x4xf32>
    %add3A_20 = arith.addf %add3A, %add3A_19 : vector<1000x4xf32>
    %gt3A = arith.constant 0.000000e+00 : f32
    %gt3A_21 = vector.broadcast %gt3A : f32 to vector<1000x4xf32>
    %gt3A_22 = arith.cmpf ogt, %add3A_20, %gt3A_21 : vector<1000x4xf32>
    %mul3A = arith.constant 2.000000e-01 : f32
    %mul3A_23 = vector.broadcast %mul3A : f32 to vector<1000x4xf32>
    %mul3A_24 = arith.mulf %add3A_20, %mul3A_23 : vector<1000x4xf32>
    %select_n3A = arith.select %gt3A_22, %add3A_20, %mul3A_24 : vector<1000x4xi1>, vector<1000x4xf32>
    %exp3A = math.exp %select_n3A : vector<1000x4xf32>
    %mul3A_25 = arith.constant 5.000000e-01 : f32
    %mul3A_26 = vector.broadcast %mul3A_25 : f32 to vector<1000x4xf32>
    %mul3A_27 = arith.mulf %mul3A_26, %exp3A : vector<1000x4xf32>
    %swap3A_28 = arith.constant 0 : index
    %swap3A_29 = arith.constant 0 : index
    %swap3A_30 = vector.load %arg8[%swap3A_28, %swap3A_29] : memref<1000x4xf32, #tpu.memory_space<vmem>>, vector<1000x4xf32>
    tpu.vector_store %arg8[%swap3A_28, %swap3A_29], %mul3A_27 {strides = array<i32>} : memref<1000x4xf32, #tpu.memory_space<vmem>>, vector<1000x4xf32>,
    %slice3A_31 = vector.extract_strided_slice %slice3A {offsets = [0, 0], sizes = [1000, 32], strides = [1, 1]} : vector<1000x128xf32> to vector<1000x32xf32>
    %slice3A_32 = vector.extract_strided_slice %mul3A_27 {offsets = [0, 0], sizes = [1000, 1], strides = [1, 1]} : vector<1000x4xf32> to vector<1000x1xf32>
    %mul3A_33 = vector.broadcast %slice3A_32 : vector<1000x1xf32> to vector<1000x32xf32>
    %mul3A_34 = arith.mulf %slice3A_31, %mul3A_33 : vector<1000x32xf32>
    %slice3A_35 = vector.extract_strided_slice %slice3A {offsets = [0, 32], sizes = [1000, 32], strides = [1, 1]} : vector<1000x128xf32> to vector<1000x32xf32>
    %slice3A_36 = vector.extract_strided_slice %mul3A_27 {offsets = [0, 1], sizes = [1000, 1], strides = [1, 1]} : vector<1000x4xf32> to vector<1000x1xf32>
    %mul3A_37 = vector.broadcast %slice3A_36 : vector<1000x1xf32> to vector<1000x32xf32>
    %mul3A_38 = arith.mulf %slice3A_35, %mul3A_37 : vector<1000x32xf32>
    %slice3A_39 = vector.extract_strided_slice %slice3A {offsets = [0, 64], sizes = [1000, 32], strides = [1, 1]} : vector<1000x128xf32> to vector<1000x32xf32>
    %slice3A_40 = vector.extract_strided_slice %mul3A_27 {offsets = [0, 2], sizes = [1000, 1], strides = [1, 1]} : vector<1000x4xf32> to vector<1000x1xf32>
    %mul3A_41 = vector.broadcast %slice3A_40 : vector<1000x1xf32> to vector<1000x32xf32>
    %mul3A_42 = arith.mulf %slice3A_39, %mul3A_41 : vector<1000x32xf32>
    %slice3A_43 = vector.extract_strided_slice %slice3A {offsets = [0, 96], sizes = [1000, 32], strides = [1, 1]} : vector<1000x128xf32> to vector<1000x32xf32>
    %slice3A_44 = vector.extract_strided_slice %mul3A_27 {offsets = [0, 3], sizes = [1000, 1], strides = [1, 1]} : vector<1000x4xf32> to vector<1000x1xf32>
    %mul3A_45 = vector.broadcast %slice3A_44 : vector<1000x1xf32> to vector<1000x32xf32>
    %mul3A_46 = arith.mulf %slice3A_43, %mul3A_45 : vector<1000x32xf32>
    %concatenate3A = tpu.concatenate %mul3A_34, %mul3A_38, %mul3A_42, %mul3A_46 in 1 : vector<1000x32xf32>, vector<1000x32xf32>, vector<1000x32xf32>, vector<1000x32xf32> -> vector<1000x128xf32>
    %swap3A_47 = arith.constant 0 : index
    %swap3A_48 = arith.constant 0 : index
    %swap3A_49 = vector.load %arg7[%swap3A_47, %swap3A_48] : memref<1000x128xf32, #tpu.memory_space<vmem>>, vector<1000x128xf32>
    tpu.vector_store %arg7[%swap3A_47, %swap3A_48], %concatenate3A {strides = array<i32>} : memref<1000x128xf32, #tpu.memory_space<vmem>>, vector<1000x128xf32>,
    return
  }
  func.func @transform_0(%arg0: i32) -> (i32, i32) {
    %c0_i32 = arith.constant 0 : i32
    %c0_i32_0 = arith.constant 0 : i32
    return %arg0, %c0_i32 : i32, i32
  }
  func.func @transform_1(%arg0: i32) -> (i32, i32) {
    %c0_i32 = arith.constant 0 : i32
    %c0_i32_0 = arith.constant 0 : i32
    %c0_i32_1 = arith.constant 0 : i32
    return %c0_i32, %c0_i32_0 : i32, i32
  }
  func.func @transform_2(%arg0: i32) -> (i32, i32) {
    %c0_i32 = arith.constant 0 : i32
    %c0_i32_0 = arith.constant 0 : i32
    %c0_i32_1 = arith.constant 0 : i32
    return %c0_i32, %c0_i32_0 : i32, i32
  }
  func.func @transform_3(%arg0: i32) -> (i32, i32) {
    %c0_i32 = arith.constant 0 : i32
    %c0_i32_0 = arith.constant 0 : i32
    return %arg0, %c0_i32 : i32, i32
  }
  func.func @transform_4(%arg0: i32) -> (i32, i32) {
    %c0_i32 = arith.constant 0 : i32
    %c0_i32_0 = arith.constant 0 : i32
    return %arg0, %c0_i32 : i32, i32
  }
  func.func @transform_5(%arg0: i32) -> (i32, i32) {
    %c0_i32 = arith.constant 0 : i32
    %c0_i32_0 = arith.constant 0 : i32
    return %arg0, %c0_i32 : i32, i32
  }
  func.func @transform_6(%arg0: i32) -> (i32, i32) {
    %c0_i32 = arith.constant 0 : i32
    %c0_i32_0 = arith.constant 0 : i32
    return %arg0, %c0_i32 : i32, i32
  }
  func.func @transform_7(%arg0: i32) -> (i32, i32) {
    %c0_i32 = arith.constant 0 : i32
    %c0_i32_0 = arith.constant 0 : i32
    return %arg0, %c0_i32 : i32, i32
  }
}

module attributes {stable_mosaic.version = 14 : i64} {
  func.func @_finish_body(%arg0: i32, %arg1: memref<2x1000x128xf32, #tpu.memory_space<vmem>>, %arg2: memref<2x1000x16xf32, #tpu.memory_space<vmem>>, %arg3: memref<1x128xf32, #tpu.memory_space<vmem>>, %arg4: memref<1000x128xf32, #tpu.memory_space<vmem>>) attributes {dimension_semantics = [#tpu.dimension_semantics<arbitrary>], iteration_bounds = array<i64: 10>, scalar_prefetch = 0 : i64, scratch_operands = 0 : i64, tpu.core_type = #tpu.core_type<tc>, window_params = [{transform_indices = @transform_0, window_bounds = array<i64: 2, 1000, 128>}, {transform_indices = @transform_1, window_bounds = array<i64: 2, 1000, 16>}, {pipeline_mode = #tpu.pipeline_mode<synchronous>, transform_indices = @transform_2, window_bounds = array<i64: 1, 128>}, {transform_indices = @transform_3, window_bounds = array<i64: 1000, 128>}]} {
    %get3A = arith.constant 0 : index
    %get3A_0 = arith.constant 0 : index
    %get3A_1 = arith.constant 0 : index
    %get3A_2 = vector.load %arg1[%get3A, %get3A_0, %get3A_1] : memref<2x1000x128xf32, #tpu.memory_space<vmem>>, vector<1x1000x128xf32>
    %get3A_3 = vector.shape_cast %get3A_2 : vector<1x1000x128xf32> to vector<1000x128xf32>
    %get3A_4 = arith.constant 1 : index
    %get3A_5 = arith.constant 0 : index
    %get3A_6 = arith.constant 0 : index
    %get3A_7 = vector.load %arg1[%get3A_4, %get3A_5, %get3A_6] : memref<2x1000x128xf32, #tpu.memory_space<vmem>>, vector<1x1000x128xf32>
    %get3A_8 = vector.shape_cast %get3A_7 : vector<1x1000x128xf32> to vector<1000x128xf32>
    %add3A = arith.addf %get3A_3, %get3A_8 : vector<1000x128xf32>
    %get3A_9 = arith.constant 0 : index
    %get3A_10 = arith.constant 0 : index
    %get3A_11 = arith.constant 0 : index
    %get3A_12 = vector.load %arg2[%get3A_9, %get3A_10, %get3A_11] : memref<2x1000x16xf32, #tpu.memory_space<vmem>>, vector<1x1000x16xf32>
    %get3A_13 = vector.shape_cast %get3A_12 : vector<1x1000x16xf32> to vector<1000x16xf32>
    %get3A_14 = arith.constant 1 : index
    %get3A_15 = arith.constant 0 : index
    %get3A_16 = arith.constant 0 : index
    %get3A_17 = vector.load %arg2[%get3A_14, %get3A_15, %get3A_16] : memref<2x1000x16xf32, #tpu.memory_space<vmem>>, vector<1x1000x16xf32>
    %get3A_18 = vector.shape_cast %get3A_17 : vector<1x1000x16xf32> to vector<1000x16xf32>
    %add3A_19 = arith.addf %get3A_13, %get3A_18 : vector<1000x16xf32>
    %slice3A = vector.extract_strided_slice %add3A {offsets = [0, 0], sizes = [1000, 32], strides = [1, 1]} : vector<1000x128xf32> to vector<1000x32xf32>
    %slice3A_20 = vector.extract_strided_slice %add3A_19 {offsets = [0, 0], sizes = [1000, 1], strides = [1, 1]} : vector<1000x16xf32> to vector<1000x1xf32>
    %add3A_21 = arith.constant 1.000000e-16 : f32
    %add3A_22 = vector.broadcast %add3A_21 : f32 to vector<1000x1xf32>
    %add3A_23 = arith.addf %slice3A_20, %add3A_22 : vector<1000x1xf32>
    %div3A = vector.broadcast %add3A_23 : vector<1000x1xf32> to vector<1000x32xf32>
    %div3A_24 = arith.divf %slice3A, %div3A : vector<1000x32xf32>
    %slice3A_25 = vector.extract_strided_slice %add3A {offsets = [0, 32], sizes = [1000, 32], strides = [1, 1]} : vector<1000x128xf32> to vector<1000x32xf32>
    %slice3A_26 = vector.extract_strided_slice %add3A_19 {offsets = [0, 1], sizes = [1000, 1], strides = [1, 1]} : vector<1000x16xf32> to vector<1000x1xf32>
    %add3A_27 = arith.constant 1.000000e-16 : f32
    %add3A_28 = vector.broadcast %add3A_27 : f32 to vector<1000x1xf32>
    %add3A_29 = arith.addf %slice3A_26, %add3A_28 : vector<1000x1xf32>
    %div3A_30 = vector.broadcast %add3A_29 : vector<1000x1xf32> to vector<1000x32xf32>
    %div3A_31 = arith.divf %slice3A_25, %div3A_30 : vector<1000x32xf32>
    %slice3A_32 = vector.extract_strided_slice %add3A {offsets = [0, 64], sizes = [1000, 32], strides = [1, 1]} : vector<1000x128xf32> to vector<1000x32xf32>
    %slice3A_33 = vector.extract_strided_slice %add3A_19 {offsets = [0, 2], sizes = [1000, 1], strides = [1, 1]} : vector<1000x16xf32> to vector<1000x1xf32>
    %add3A_34 = arith.constant 1.000000e-16 : f32
    %add3A_35 = vector.broadcast %add3A_34 : f32 to vector<1000x1xf32>
    %add3A_36 = arith.addf %slice3A_33, %add3A_35 : vector<1000x1xf32>
    %div3A_37 = vector.broadcast %add3A_36 : vector<1000x1xf32> to vector<1000x32xf32>
    %div3A_38 = arith.divf %slice3A_32, %div3A_37 : vector<1000x32xf32>
    %slice3A_39 = vector.extract_strided_slice %add3A {offsets = [0, 96], sizes = [1000, 32], strides = [1, 1]} : vector<1000x128xf32> to vector<1000x32xf32>
    %slice3A_40 = vector.extract_strided_slice %add3A_19 {offsets = [0, 3], sizes = [1000, 1], strides = [1, 1]} : vector<1000x16xf32> to vector<1000x1xf32>
    %add3A_41 = arith.constant 1.000000e-16 : f32
    %add3A_42 = vector.broadcast %add3A_41 : f32 to vector<1000x1xf32>
    %add3A_43 = arith.addf %slice3A_40, %add3A_42 : vector<1000x1xf32>
    %div3A_44 = vector.broadcast %add3A_43 : vector<1000x1xf32> to vector<1000x32xf32>
    %div3A_45 = arith.divf %slice3A_39, %div3A_44 : vector<1000x32xf32>
    %concatenate3A = tpu.concatenate %div3A_24, %div3A_31, %div3A_38, %div3A_45 in 1 : vector<1000x32xf32>, vector<1000x32xf32>, vector<1000x32xf32>, vector<1000x32xf32> -> vector<1000x128xf32>
    %get3A_46 = arith.constant 0 : index
    %get3A_47 = arith.constant 0 : index
    %get3A_48 = vector.load %arg3[%get3A_46, %get3A_47] : memref<1x128xf32, #tpu.memory_space<vmem>>, vector<1x128xf32>
    %add3A_49 = vector.broadcast %get3A_48 : vector<1x128xf32> to vector<1000x128xf32>
    %add3A_50 = arith.addf %concatenate3A, %add3A_49 : vector<1000x128xf32>
    %max3A = arith.constant 0.000000e+00 : f32
    %max3A_51 = vector.broadcast %max3A : f32 to vector<1000x128xf32>
    %max3A_52 = arith.maximumf %add3A_50, %max3A_51 : vector<1000x128xf32>
    %swap3A = arith.constant 0 : index
    %swap3A_53 = arith.constant 0 : index
    %swap3A_54 = vector.load %arg4[%swap3A, %swap3A_53] : memref<1000x128xf32, #tpu.memory_space<vmem>>, vector<1000x128xf32>
    tpu.vector_store %arg4[%swap3A, %swap3A_53], %max3A_52 {strides = array<i32>} : memref<1000x128xf32, #tpu.memory_space<vmem>>, vector<1000x128xf32>,
    return
  }
  func.func @transform_0(%arg0: i32) -> (i32, i32, i32) {
    %c0_i32 = arith.constant 0 : i32
    %c0_i32_0 = arith.constant 0 : i32
    %c0_i32_1 = arith.constant 0 : i32
    return %c0_i32, %arg0, %c0_i32_0 : i32, i32, i32
  }
  func.func @transform_1(%arg0: i32) -> (i32, i32, i32) {
    %c0_i32 = arith.constant 0 : i32
    %c0_i32_0 = arith.constant 0 : i32
    %c0_i32_1 = arith.constant 0 : i32
    return %c0_i32, %arg0, %c0_i32_0 : i32, i32, i32
  }
  func.func @transform_2(%arg0: i32) -> (i32, i32) {
    %c0_i32 = arith.constant 0 : i32
    %c0_i32_0 = arith.constant 0 : i32
    %c0_i32_1 = arith.constant 0 : i32
    return %c0_i32, %c0_i32_0 : i32, i32
  }
  func.func @transform_3(%arg0: i32) -> (i32, i32) {
    %c0_i32 = arith.constant 0 : i32
    %c0_i32_0 = arith.constant 0 : i32
    return %arg0, %c0_i32 : i32, i32
  }
}

module attributes {stable_mosaic.version = 14 : i64} {
  func.func @_prep_body(%arg0: i32, %arg1: memref<1000x128xf32, #tpu.memory_space<vmem>>, %arg2: memref<128x16xf32, #tpu.memory_space<vmem>>, %arg3: memref<1x4xf32, #tpu.memory_space<vmem>>, %arg4: memref<1000x8xf32, #tpu.memory_space<vmem>>, %arg5: memref<1000x4xf32, #tpu.memory_space<vmem>>, %arg6: memref<1000x4xf32, #tpu.memory_space<vmem>>, %arg7: memref<1000x8xf32, #tpu.memory_space<vmem>>, %arg8: memref<1000x4xf32, #tpu.memory_space<vmem>>) attributes {dimension_semantics = [#tpu.dimension_semantics<arbitrary>], iteration_bounds = array<i64: 10>, scalar_prefetch = 0 : i64, scratch_operands = 0 : i64, tpu.core_type = #tpu.core_type<tc>, window_params = [{transform_indices = @transform_0, window_bounds = array<i64: 1000, 128>}, {pipeline_mode = #tpu.pipeline_mode<synchronous>, transform_indices = @transform_1, window_bounds = array<i64: 128, 16>}, {pipeline_mode = #tpu.pipeline_mode<synchronous>, transform_indices = @transform_2, window_bounds = array<i64: 1, 4>}, {transform_indices = @transform_3, window_bounds = array<i64: 1000, 8>}, {transform_indices = @transform_4, window_bounds = array<i64: 1000, 4>}, {transform_indices = @transform_5, window_bounds = array<i64: 1000, 4>}, {transform_indices = @transform_6, window_bounds = array<i64: 1000, 8>}, {transform_indices = @transform_7, window_bounds = array<i64: 1000, 4>}]} {
    %get3A = arith.constant 0 : index
    %get3A_0 = arith.constant 0 : index
    %get3A_1 = vector.load %arg1[%get3A, %get3A_0] : memref<1000x128xf32, #tpu.memory_space<vmem>>, vector<1000x128xf32>
    %get3A_2 = arith.constant 0 : index
    %get3A_3 = arith.constant 0 : index
    %get3A_4 = vector.load %arg2[%get3A_2, %get3A_3] : memref<128x16xf32, #tpu.memory_space<vmem>>, vector<128x16xf32>
    %dot_general3A = arith.constant dense<0.000000e+00> : vector<1000x16xf32>
    %dot_general3A_5 = tpu.matmul %get3A_1, %get3A_4, %dot_general3A {dimension_numbers = #tpu.dot_dimension_numbers<[1], [0], [0], [1], [0, 0, 1, 1], [], []>, transpose_lhs_hint = false} : vector<1000x128xf32>, vector<128x16xf32>, vector<1000x16xf32> -> vector<1000x16xf32>
    %slice3A = vector.extract_strided_slice %dot_general3A_5 {offsets = [0, 0], sizes = [1000, 8], strides = [1, 1]} : vector<1000x16xf32> to vector<1000x8xf32>
    %slice3A_6 = vector.extract_strided_slice %dot_general3A_5 {offsets = [0, 8], sizes = [1000, 4], strides = [1, 1]} : vector<1000x16xf32> to vector<1000x4xf32>
    %slice3A_7 = vector.extract_strided_slice %dot_general3A_5 {offsets = [0, 12], sizes = [1000, 4], strides = [1, 1]} : vector<1000x16xf32> to vector<1000x4xf32>
    %swap3A = arith.constant 0 : index
    %swap3A_8 = arith.constant 0 : index
    %swap3A_9 = vector.load %arg4[%swap3A, %swap3A_8] : memref<1000x8xf32, #tpu.memory_space<vmem>>, vector<1000x8xf32>
    tpu.vector_store %arg4[%swap3A, %swap3A_8], %slice3A {strides = array<i32>} : memref<1000x8xf32, #tpu.memory_space<vmem>>, vector<1000x8xf32>,
    %swap3A_10 = arith.constant 0 : index
    %swap3A_11 = arith.constant 0 : index
    %swap3A_12 = vector.load %arg5[%swap3A_10, %swap3A_11] : memref<1000x4xf32, #tpu.memory_space<vmem>>, vector<1000x4xf32>
    tpu.vector_store %arg5[%swap3A_10, %swap3A_11], %slice3A_6 {strides = array<i32>} : memref<1000x4xf32, #tpu.memory_space<vmem>>, vector<1000x4xf32>,
    %swap3A_13 = arith.constant 0 : index
    %swap3A_14 = arith.constant 0 : index
    %swap3A_15 = vector.load %arg6[%swap3A_13, %swap3A_14] : memref<1000x4xf32, #tpu.memory_space<vmem>>, vector<1000x4xf32>
    tpu.vector_store %arg6[%swap3A_13, %swap3A_14], %slice3A_7 {strides = array<i32>} : memref<1000x4xf32, #tpu.memory_space<vmem>>, vector<1000x4xf32>,
    %add3A = arith.addf %slice3A_6, %slice3A_7 : vector<1000x4xf32>
    %get3A_16 = arith.constant 0 : index
    %get3A_17 = arith.constant 0 : index
    %get3A_18 = vector.load %arg3[%get3A_16, %get3A_17] : memref<1x4xf32, #tpu.memory_space<vmem>>, vector<1x4xf32>
    %add3A_19 = vector.broadcast %get3A_18 : vector<1x4xf32> to vector<1000x4xf32>
    %add3A_20 = arith.addf %add3A, %add3A_19 : vector<1000x4xf32>
    %gt3A = arith.constant 0.000000e+00 : f32
    %gt3A_21 = vector.broadcast %gt3A : f32 to vector<1000x4xf32>
    %gt3A_22 = arith.cmpf ogt, %add3A_20, %gt3A_21 : vector<1000x4xf32>
    %mul3A = arith.constant 2.000000e-01 : f32
    %mul3A_23 = vector.broadcast %mul3A : f32 to vector<1000x4xf32>
    %mul3A_24 = arith.mulf %add3A_20, %mul3A_23 : vector<1000x4xf32>
    %select_n3A = arith.select %gt3A_22, %add3A_20, %mul3A_24 : vector<1000x4xi1>, vector<1000x4xf32>
    %exp3A = math.exp %select_n3A : vector<1000x4xf32>
    %mul3A_25 = arith.constant 5.000000e-01 : f32
    %mul3A_26 = vector.broadcast %mul3A_25 : f32 to vector<1000x4xf32>
    %mul3A_27 = arith.mulf %mul3A_26, %exp3A : vector<1000x4xf32>
    %swap3A_28 = arith.constant 0 : index
    %swap3A_29 = arith.constant 0 : index
    %swap3A_30 = vector.load %arg8[%swap3A_28, %swap3A_29] : memref<1000x4xf32, #tpu.memory_space<vmem>>, vector<1000x4xf32>
    tpu.vector_store %arg8[%swap3A_28, %swap3A_29], %mul3A_27 {strides = array<i32>} : memref<1000x4xf32, #tpu.memory_space<vmem>>, vector<1000x4xf32>,
    %slice3A_31 = vector.extract_strided_slice %slice3A {offsets = [0, 0], sizes = [1000, 2], strides = [1, 1]} : vector<1000x8xf32> to vector<1000x2xf32>
    %slice3A_32 = vector.extract_strided_slice %mul3A_27 {offsets = [0, 0], sizes = [1000, 1], strides = [1, 1]} : vector<1000x4xf32> to vector<1000x1xf32>
    %mul3A_33 = vector.broadcast %slice3A_32 : vector<1000x1xf32> to vector<1000x2xf32>
    %mul3A_34 = arith.mulf %slice3A_31, %mul3A_33 : vector<1000x2xf32>
    %slice3A_35 = vector.extract_strided_slice %slice3A {offsets = [0, 2], sizes = [1000, 2], strides = [1, 1]} : vector<1000x8xf32> to vector<1000x2xf32>
    %slice3A_36 = vector.extract_strided_slice %mul3A_27 {offsets = [0, 1], sizes = [1000, 1], strides = [1, 1]} : vector<1000x4xf32> to vector<1000x1xf32>
    %mul3A_37 = vector.broadcast %slice3A_36 : vector<1000x1xf32> to vector<1000x2xf32>
    %mul3A_38 = arith.mulf %slice3A_35, %mul3A_37 : vector<1000x2xf32>
    %slice3A_39 = vector.extract_strided_slice %slice3A {offsets = [0, 4], sizes = [1000, 2], strides = [1, 1]} : vector<1000x8xf32> to vector<1000x2xf32>
    %slice3A_40 = vector.extract_strided_slice %mul3A_27 {offsets = [0, 2], sizes = [1000, 1], strides = [1, 1]} : vector<1000x4xf32> to vector<1000x1xf32>
    %mul3A_41 = vector.broadcast %slice3A_40 : vector<1000x1xf32> to vector<1000x2xf32>
    %mul3A_42 = arith.mulf %slice3A_39, %mul3A_41 : vector<1000x2xf32>
    %slice3A_43 = vector.extract_strided_slice %slice3A {offsets = [0, 6], sizes = [1000, 2], strides = [1, 1]} : vector<1000x8xf32> to vector<1000x2xf32>
    %slice3A_44 = vector.extract_strided_slice %mul3A_27 {offsets = [0, 3], sizes = [1000, 1], strides = [1, 1]} : vector<1000x4xf32> to vector<1000x1xf32>
    %mul3A_45 = vector.broadcast %slice3A_44 : vector<1000x1xf32> to vector<1000x2xf32>
    %mul3A_46 = arith.mulf %slice3A_43, %mul3A_45 : vector<1000x2xf32>
    %concatenate3A = tpu.concatenate %mul3A_34, %mul3A_38, %mul3A_42, %mul3A_46 in 1 : vector<1000x2xf32>, vector<1000x2xf32>, vector<1000x2xf32>, vector<1000x2xf32> -> vector<1000x8xf32>
    %swap3A_47 = arith.constant 0 : index
    %swap3A_48 = arith.constant 0 : index
    %swap3A_49 = vector.load %arg7[%swap3A_47, %swap3A_48] : memref<1000x8xf32, #tpu.memory_space<vmem>>, vector<1000x8xf32>
    tpu.vector_store %arg7[%swap3A_47, %swap3A_48], %concatenate3A {strides = array<i32>} : memref<1000x8xf32, #tpu.memory_space<vmem>>, vector<1000x8xf32>,
    return
  }
  func.func @transform_0(%arg0: i32) -> (i32, i32) {
    %c0_i32 = arith.constant 0 : i32
    %c0_i32_0 = arith.constant 0 : i32
    return %arg0, %c0_i32 : i32, i32
  }
  func.func @transform_1(%arg0: i32) -> (i32, i32) {
    %c0_i32 = arith.constant 0 : i32
    %c0_i32_0 = arith.constant 0 : i32
    %c0_i32_1 = arith.constant 0 : i32
    return %c0_i32, %c0_i32_0 : i32, i32
  }
  func.func @transform_2(%arg0: i32) -> (i32, i32) {
    %c0_i32 = arith.constant 0 : i32
    %c0_i32_0 = arith.constant 0 : i32
    %c0_i32_1 = arith.constant 0 : i32
    return %c0_i32, %c0_i32_0 : i32, i32
  }
  func.func @transform_3(%arg0: i32) -> (i32, i32) {
    %c0_i32 = arith.constant 0 : i32
    %c0_i32_0 = arith.constant 0 : i32
    return %arg0, %c0_i32 : i32, i32
  }
  func.func @transform_4(%arg0: i32) -> (i32, i32) {
    %c0_i32 = arith.constant 0 : i32
    %c0_i32_0 = arith.constant 0 : i32
    return %arg0, %c0_i32 : i32, i32
  }
  func.func @transform_5(%arg0: i32) -> (i32, i32) {
    %c0_i32 = arith.constant 0 : i32
    %c0_i32_0 = arith.constant 0 : i32
    return %arg0, %c0_i32 : i32, i32
  }
  func.func @transform_6(%arg0: i32) -> (i32, i32) {
    %c0_i32 = arith.constant 0 : i32
    %c0_i32_0 = arith.constant 0 : i32
    return %arg0, %c0_i32 : i32, i32
  }
  func.func @transform_7(%arg0: i32) -> (i32, i32) {
    %c0_i32 = arith.constant 0 : i32
    %c0_i32_0 = arith.constant 0 : i32
    return %arg0, %c0_i32 : i32, i32
  }
}

module attributes {stable_mosaic.version = 14 : i64} {
  func.func @_final_body(%arg0: i32, %arg1: memref<2x1000x144xf32, #tpu.memory_space<vmem>>, %arg2: memref<2x1000x16xf32, #tpu.memory_space<vmem>>, %arg3: memref<1x32xf32, #tpu.memory_space<vmem>>, %arg4: memref<1x2xf32, #tpu.memory_space<vmem>>, %arg5: memref<1000x32xf32, #tpu.memory_space<vmem>>, %arg6: memref<1000x2xf32, #tpu.memory_space<vmem>>) attributes {dimension_semantics = [#tpu.dimension_semantics<arbitrary>], iteration_bounds = array<i64: 10>, scalar_prefetch = 0 : i64, scratch_operands = 0 : i64, tpu.core_type = #tpu.core_type<tc>, window_params = [{transform_indices = @transform_0, window_bounds = array<i64: 2, 1000, 144>}, {transform_indices = @transform_1, window_bounds = array<i64: 2, 1000, 16>}, {pipeline_mode = #tpu.pipeline_mode<synchronous>, transform_indices = @transform_2, window_bounds = array<i64: 1, 32>}, {pipeline_mode = #tpu.pipeline_mode<synchronous>, transform_indices = @transform_3, window_bounds = array<i64: 1, 2>}, {transform_indices = @transform_4, window_bounds = array<i64: 1000, 32>}, {transform_indices = @transform_5, window_bounds = array<i64: 1000, 2>}]} {
    %get3A = arith.constant 0 : index
    %get3A_0 = arith.constant 0 : index
    %get3A_1 = arith.constant 0 : index
    %get3A_2 = vector.load %arg1[%get3A, %get3A_0, %get3A_1] : memref<2x1000x144xf32, #tpu.memory_space<vmem>>, vector<1x1000x144xf32>
    %get3A_3 = vector.shape_cast %get3A_2 : vector<1x1000x144xf32> to vector<1000x144xf32>
    %get3A_4 = arith.constant 1 : index
    %get3A_5 = arith.constant 0 : index
    %get3A_6 = arith.constant 0 : index
    %get3A_7 = vector.load %arg1[%get3A_4, %get3A_5, %get3A_6] : memref<2x1000x144xf32, #tpu.memory_space<vmem>>, vector<1x1000x144xf32>
    %get3A_8 = vector.shape_cast %get3A_7 : vector<1x1000x144xf32> to vector<1000x144xf32>
    %add3A = arith.addf %get3A_3, %get3A_8 : vector<1000x144xf32>
    %get3A_9 = arith.constant 0 : index
    %get3A_10 = arith.constant 0 : index
    %get3A_11 = arith.constant 0 : index
    %get3A_12 = vector.load %arg2[%get3A_9, %get3A_10, %get3A_11] : memref<2x1000x16xf32, #tpu.memory_space<vmem>>, vector<1x1000x16xf32>
    %get3A_13 = vector.shape_cast %get3A_12 : vector<1x1000x16xf32> to vector<1000x16xf32>
    %get3A_14 = arith.constant 1 : index
    %get3A_15 = arith.constant 0 : index
    %get3A_16 = arith.constant 0 : index
    %get3A_17 = vector.load %arg2[%get3A_14, %get3A_15, %get3A_16] : memref<2x1000x16xf32, #tpu.memory_space<vmem>>, vector<1x1000x16xf32>
    %get3A_18 = vector.shape_cast %get3A_17 : vector<1x1000x16xf32> to vector<1000x16xf32>
    %add3A_19 = arith.addf %get3A_13, %get3A_18 : vector<1000x16xf32>
    %slice3A = vector.extract_strided_slice %add3A {offsets = [0, 0], sizes = [1000, 32], strides = [1, 1]} : vector<1000x144xf32> to vector<1000x32xf32>
    %slice3A_20 = vector.extract_strided_slice %add3A_19 {offsets = [0, 0], sizes = [1000, 1], strides = [1, 1]} : vector<1000x16xf32> to vector<1000x1xf32>
    %add3A_21 = arith.constant 1.000000e-16 : f32
    %add3A_22 = vector.broadcast %add3A_21 : f32 to vector<1000x1xf32>
    %add3A_23 = arith.addf %slice3A_20, %add3A_22 : vector<1000x1xf32>
    %div3A = vector.broadcast %add3A_23 : vector<1000x1xf32> to vector<1000x32xf32>
    %div3A_24 = arith.divf %slice3A, %div3A : vector<1000x32xf32>
    %add3A_25 = arith.constant 0.000000e+00 : f32
    %add3A_26 = vector.broadcast %add3A_25 : f32 to vector<1000x32xf32>
    %add3A_27 = arith.addf %add3A_26, %div3A_24 : vector<1000x32xf32>
    %slice3A_28 = vector.extract_strided_slice %add3A {offsets = [0, 32], sizes = [1000, 32], strides = [1, 1]} : vector<1000x144xf32> to vector<1000x32xf32>
    %slice3A_29 = vector.extract_strided_slice %add3A_19 {offsets = [0, 1], sizes = [1000, 1], strides = [1, 1]} : vector<1000x16xf32> to vector<1000x1xf32>
    %add3A_30 = arith.constant 1.000000e-16 : f32
    %add3A_31 = vector.broadcast %add3A_30 : f32 to vector<1000x1xf32>
    %add3A_32 = arith.addf %slice3A_29, %add3A_31 : vector<1000x1xf32>
    %div3A_33 = vector.broadcast %add3A_32 : vector<1000x1xf32> to vector<1000x32xf32>
    %div3A_34 = arith.divf %slice3A_28, %div3A_33 : vector<1000x32xf32>
    %add3A_35 = arith.addf %add3A_27, %div3A_34 : vector<1000x32xf32>
    %slice3A_36 = vector.extract_strided_slice %add3A {offsets = [0, 64], sizes = [1000, 32], strides = [1, 1]} : vector<1000x144xf32> to vector<1000x32xf32>
    %slice3A_37 = vector.extract_strided_slice %add3A_19 {offsets = [0, 2], sizes = [1000, 1], strides = [1, 1]} : vector<1000x16xf32> to vector<1000x1xf32>
    %add3A_38 = arith.constant 1.000000e-16 : f32
    %add3A_39 = vector.broadcast %add3A_38 : f32 to vector<1000x1xf32>
    %add3A_40 = arith.addf %slice3A_37, %add3A_39 : vector<1000x1xf32>
    %div3A_41 = vector.broadcast %add3A_40 : vector<1000x1xf32> to vector<1000x32xf32>
    %div3A_42 = arith.divf %slice3A_36, %div3A_41 : vector<1000x32xf32>
    %add3A_43 = arith.addf %add3A_35, %div3A_42 : vector<1000x32xf32>
    %slice3A_44 = vector.extract_strided_slice %add3A {offsets = [0, 96], sizes = [1000, 32], strides = [1, 1]} : vector<1000x144xf32> to vector<1000x32xf32>
    %slice3A_45 = vector.extract_strided_slice %add3A_19 {offsets = [0, 3], sizes = [1000, 1], strides = [1, 1]} : vector<1000x16xf32> to vector<1000x1xf32>
    %add3A_46 = arith.constant 1.000000e-16 : f32
    %add3A_47 = vector.broadcast %add3A_46 : f32 to vector<1000x1xf32>
    %add3A_48 = arith.addf %slice3A_45, %add3A_47 : vector<1000x1xf32>
    %div3A_49 = vector.broadcast %add3A_48 : vector<1000x1xf32> to vector<1000x32xf32>
    %div3A_50 = arith.divf %slice3A_44, %div3A_49 : vector<1000x32xf32>
    %add3A_51 = arith.addf %add3A_43, %div3A_50 : vector<1000x32xf32>
    %mul3A = arith.constant 2.500000e-01 : f32
    %mul3A_52 = vector.broadcast %mul3A : f32 to vector<1000x32xf32>
    %mul3A_53 = arith.mulf %mul3A_52, %add3A_51 : vector<1000x32xf32>
    %get3A_54 = arith.constant 0 : index
    %get3A_55 = arith.constant 0 : index
    %get3A_56 = vector.load %arg3[%get3A_54, %get3A_55] : memref<1x32xf32, #tpu.memory_space<vmem>>, vector<1x32xf32>
    %add3A_57 = vector.broadcast %get3A_56 : vector<1x32xf32> to vector<1000x32xf32>
    %add3A_58 = arith.addf %mul3A_53, %add3A_57 : vector<1000x32xf32>
    %max3A = arith.constant 0.000000e+00 : f32
    %max3A_59 = vector.broadcast %max3A : f32 to vector<1000x32xf32>
    %max3A_60 = arith.maximumf %add3A_58, %max3A_59 : vector<1000x32xf32>
    %swap3A = arith.constant 0 : index
    %swap3A_61 = arith.constant 0 : index
    %swap3A_62 = vector.load %arg5[%swap3A, %swap3A_61] : memref<1000x32xf32, #tpu.memory_space<vmem>>, vector<1000x32xf32>
    tpu.vector_store %arg5[%swap3A, %swap3A_61], %max3A_60 {strides = array<i32>} : memref<1000x32xf32, #tpu.memory_space<vmem>>, vector<1000x32xf32>,
    %slice3A_63 = vector.extract_strided_slice %add3A {offsets = [0, 128], sizes = [1000, 2], strides = [1, 1]} : vector<1000x144xf32> to vector<1000x2xf32>
    %slice3A_64 = vector.extract_strided_slice %add3A_19 {offsets = [0, 4], sizes = [1000, 1], strides = [1, 1]} : vector<1000x16xf32> to vector<1000x1xf32>
    %add3A_65 = arith.constant 1.000000e-16 : f32
    %add3A_66 = vector.broadcast %add3A_65 : f32 to vector<1000x1xf32>
    %add3A_67 = arith.addf %slice3A_64, %add3A_66 : vector<1000x1xf32>
    %div3A_68 = vector.broadcast %add3A_67 : vector<1000x1xf32> to vector<1000x2xf32>
    %div3A_69 = arith.divf %slice3A_63, %div3A_68 : vector<1000x2xf32>
    %add3A_70 = arith.constant 0.000000e+00 : f32
    %add3A_71 = vector.broadcast %add3A_70 : f32 to vector<1000x2xf32>
    %add3A_72 = arith.addf %add3A_71, %div3A_69 : vector<1000x2xf32>
    %slice3A_73 = vector.extract_strided_slice %add3A {offsets = [0, 130], sizes = [1000, 2], strides = [1, 1]} : vector<1000x144xf32> to vector<1000x2xf32>
    %slice3A_74 = vector.extract_strided_slice %add3A_19 {offsets = [0, 5], sizes = [1000, 1], strides = [1, 1]} : vector<1000x16xf32> to vector<1000x1xf32>
    %add3A_75 = arith.constant 1.000000e-16 : f32
    %add3A_76 = vector.broadcast %add3A_75 : f32 to vector<1000x1xf32>
    %add3A_77 = arith.addf %slice3A_74, %add3A_76 : vector<1000x1xf32>
    %div3A_78 = vector.broadcast %add3A_77 : vector<1000x1xf32> to vector<1000x2xf32>
    %div3A_79 = arith.divf %slice3A_73, %div3A_78 : vector<1000x2xf32>
    %add3A_80 = arith.addf %add3A_72, %div3A_79 : vector<1000x2xf32>
    %slice3A_81 = vector.extract_strided_slice %add3A {offsets = [0, 132], sizes = [1000, 2], strides = [1, 1]} : vector<1000x144xf32> to vector<1000x2xf32>
    %slice3A_82 = vector.extract_strided_slice %add3A_19 {offsets = [0, 6], sizes = [1000, 1], strides = [1, 1]} : vector<1000x16xf32> to vector<1000x1xf32>
    %add3A_83 = arith.constant 1.000000e-16 : f32
    %add3A_84 = vector.broadcast %add3A_83 : f32 to vector<1000x1xf32>
    %add3A_85 = arith.addf %slice3A_82, %add3A_84 : vector<1000x1xf32>
    %div3A_86 = vector.broadcast %add3A_85 : vector<1000x1xf32> to vector<1000x2xf32>
    %div3A_87 = arith.divf %slice3A_81, %div3A_86 : vector<1000x2xf32>
    %add3A_88 = arith.addf %add3A_80, %div3A_87 : vector<1000x2xf32>
    %slice3A_89 = vector.extract_strided_slice %add3A {offsets = [0, 134], sizes = [1000, 2], strides = [1, 1]} : vector<1000x144xf32> to vector<1000x2xf32>
    %slice3A_90 = vector.extract_strided_slice %add3A_19 {offsets = [0, 7], sizes = [1000, 1], strides = [1, 1]} : vector<1000x16xf32> to vector<1000x1xf32>
    %add3A_91 = arith.constant 1.000000e-16 : f32
    %add3A_92 = vector.broadcast %add3A_91 : f32 to vector<1000x1xf32>
    %add3A_93 = arith.addf %slice3A_90, %add3A_92 : vector<1000x1xf32>
    %div3A_94 = vector.broadcast %add3A_93 : vector<1000x1xf32> to vector<1000x2xf32>
    %div3A_95 = arith.divf %slice3A_89, %div3A_94 : vector<1000x2xf32>
    %add3A_96 = arith.addf %add3A_88, %div3A_95 : vector<1000x2xf32>
    %mul3A_97 = arith.constant 2.500000e-01 : f32
    %mul3A_98 = vector.broadcast %mul3A_97 : f32 to vector<1000x2xf32>
    %mul3A_99 = arith.mulf %mul3A_98, %add3A_96 : vector<1000x2xf32>
    %get3A_100 = arith.constant 0 : index
    %get3A_101 = arith.constant 0 : index
    %get3A_102 = vector.load %arg4[%get3A_100, %get3A_101] : memref<1x2xf32, #tpu.memory_space<vmem>>, vector<1x2xf32>
    %add3A_103 = vector.broadcast %get3A_102 : vector<1x2xf32> to vector<1000x2xf32>
    %add3A_104 = arith.addf %mul3A_99, %add3A_103 : vector<1000x2xf32>
    %swap3A_105 = arith.constant 0 : index
    %swap3A_106 = arith.constant 0 : index
    %swap3A_107 = vector.load %arg6[%swap3A_105, %swap3A_106] : memref<1000x2xf32, #tpu.memory_space<vmem>>, vector<1000x2xf32>
    tpu.vector_store %arg6[%swap3A_105, %swap3A_106], %add3A_104 {strides = array<i32>} : memref<1000x2xf32, #tpu.memory_space<vmem>>, vector<1000x2xf32>,
    return
  }
  func.func @transform_0(%arg0: i32) -> (i32, i32, i32) {
    %c0_i32 = arith.constant 0 : i32
    %c0_i32_0 = arith.constant 0 : i32
    %c0_i32_1 = arith.constant 0 : i32
    return %c0_i32, %arg0, %c0_i32_0 : i32, i32, i32
  }
  func.func @transform_1(%arg0: i32) -> (i32, i32, i32) {
    %c0_i32 = arith.constant 0 : i32
    %c0_i32_0 = arith.constant 0 : i32
    %c0_i32_1 = arith.constant 0 : i32
    return %c0_i32, %arg0, %c0_i32_0 : i32, i32, i32
  }
  func.func @transform_2(%arg0: i32) -> (i32, i32) {
    %c0_i32 = arith.constant 0 : i32
    %c0_i32_0 = arith.constant 0 : i32
    %c0_i32_1 = arith.constant 0 : i32
    return %c0_i32, %c0_i32_0 : i32, i32
  }
  func.func @transform_3(%arg0: i32) -> (i32, i32) {
    %c0_i32 = arith.constant 0 : i32
    %c0_i32_0 = arith.constant 0 : i32
    %c0_i32_1 = arith.constant 0 : i32
    return %c0_i32, %c0_i32_0 : i32, i32
  }
  func.func @transform_4(%arg0: i32) -> (i32, i32) {
    %c0_i32 = arith.constant 0 : i32
    %c0_i32_0 = arith.constant 0 : i32
    return %arg0, %c0_i32 : i32, i32
  }
  func.func @transform_5(%arg0: i32) -> (i32, i32) {
    %c0_i32 = arith.constant 0 : i32
    %c0_i32_0 = arith.constant 0 : i32
    return %arg0, %c0_i32 : i32, i32
  }
}

module attributes {stable_mosaic.version = 14 : i64} {
  func.func @_cls_body(%arg0: memref<100x3200xf32, #tpu.memory_space<vmem>>, %arg1: memref<3200x200xf32, #tpu.memory_space<vmem>>, %arg2: memref<1x200xf32, #tpu.memory_space<vmem>>, %arg3: memref<100x200xf32, #tpu.memory_space<vmem>>) attributes {dimension_semantics = [], scalar_prefetch = 0 : i64, scratch_operands = 0 : i64, tpu.core_type = #tpu.core_type<tc>} {
    %get3A = arith.constant 0 : index
    %get3A_0 = arith.constant 0 : index
    %get3A_1 = vector.load %arg0[%get3A, %get3A_0] : memref<100x3200xf32, #tpu.memory_space<vmem>>, vector<100x3200xf32>
    %get3A_2 = arith.constant 0 : index
    %get3A_3 = arith.constant 0 : index
    %get3A_4 = vector.load %arg1[%get3A_2, %get3A_3] : memref<3200x200xf32, #tpu.memory_space<vmem>>, vector<3200x200xf32>
    %dot_general3A = arith.constant dense<0.000000e+00> : vector<100x200xf32>
    %dot_general3A_5 = tpu.matmul %get3A_1, %get3A_4, %dot_general3A {dimension_numbers = #tpu.dot_dimension_numbers<[1], [0], [0], [1], [0, 0, 1, 1], [], []>, transpose_lhs_hint = false} : vector<100x3200xf32>, vector<3200x200xf32>, vector<100x200xf32> -> vector<100x200xf32>
    %get3A_6 = arith.constant 0 : index
    %get3A_7 = arith.constant 0 : index
    %get3A_8 = vector.load %arg2[%get3A_6, %get3A_7] : memref<1x200xf32, #tpu.memory_space<vmem>>, vector<1x200xf32>
    %add3A = vector.broadcast %get3A_8 : vector<1x200xf32> to vector<100x200xf32>
    %add3A_9 = arith.addf %dot_general3A_5, %add3A : vector<100x200xf32>
    %swap3A = arith.constant 0 : index
    %swap3A_10 = arith.constant 0 : index
    %swap3A_11 = vector.load %arg3[%swap3A, %swap3A_10] : memref<100x200xf32, #tpu.memory_space<vmem>>, vector<100x200xf32>
    tpu.vector_store %arg3[%swap3A, %swap3A_10], %add3A_9 {strides = array<i32>} : memref<100x200xf32, #tpu.memory_space<vmem>>, vector<100x200xf32>,
    return
  }
}

</mosaic_0001>

<sc_bundles>
// kernel: kernel.14.cloned.1.call-start
scs
__scs_entry_jumppad:
0x0: {  	(pc) =	sbr.rel $0x88, $3  }
0x1: {  	(tag) =	ssettag $0x0;
	lr =	simm.s32 $0x1  }
0x2: {  	[smem:$0x3F84] =	sst lr;
	_ =	strace $0xD0000000  }
0x3: {  	_ = 	snop  }
0x4: {  	_ = 	snop  }
0x5: {  	_ = 	snop  }
0x6: {  	_ = 	snop  }
0x7: {  	_ = 	snop  }
__scs_overlays_trampoline_lowered:
0x8: {  	[smem:$0x3F93] =	sst s0  }
0x9: {  	[smem:$0x3F94] =	sst s1  }
0xa: {  	[smem:$0x3F95] =	sst s2  }
0xb: {  	[smem:$0x3F96] =	sst s3  }
0xc: {  	[smem:$0x3F97] =	sst s4  }
0xd: {  	[smem:$0x3F98] =	sst s5  }
0xe: {  	[smem:$0x3F99] =	sst s6  }
0xf: {  	[smem:$0x3F9A] =	sst s7  }
0x10: {  	[smem:$0x3F9B] =	sst s8  }
0x11: {  	[smem:$0x3F9C] =	sst s9;
	s0 =	simm.s32 @!p0 $0x0  }
0x12: {  	s1 =	sld [smem:$0x3F82];
	s0 =	simm.s32 @p0 $0x1  }
0x13: {  	[smem:$0x3F9D] =	sst s0;
	s0 =	simm.s32 @!p1 $0x0  }
0x14: {  	s2 =	sld [smem:$0x3F81];
	s0 =	simm.s32 @p1 $0x1  }
0x15: {  	[smem:$0x3F9E] =	sst s0;
	s0 =	simm.s32 @!p2 $0x0  }
0x16: {  	s3 =	sld [smem:$0x3FDB];
	s0 =	simm.s32 @p2 $0x1  }
0x17: {  	s4 =	simm.s32 $0x1BF5;
	[smem:$0x3FA0] =	sst s0  }
0x18: {  	s0 =	sld [smem:$0x3F83];
	_ =	swait.ge [sflag:s4], $0x0  }
0x19: {  	s7 =	sld [smem:$0x3F84]  }
0x1a: {  	s8 =	sadd.s32 $0xFFFFE003, lr  }
0x1b: {  	s9 =	sadd.s32 $0xFFFFFEF7, lr;
	s5 =	simm.s32 $0xFFFFFFFF;
	p2 =	slt.u32 s8, $0xFFFFF086  }
0x1c: {  	p1 =	slt.u32 s9, $0xF7A;
	s5 =	simm.s32 @!p2 $0x0  }
0x1d: {  	s5 =	simm.s32 @p1 $0x1;
	p0 =	seq.s32 s7, s2  }
0x1e: {  	s7 =	smul.u32 @!p0 $0xF7A, s2;
	p2 =	seq.s32 @!p0 s5, $0x0  }
0x1f: {  	s9 =	smul.u32 $0xF7A, s1;
	s8 =	simm.s32 @!p0 $0x1BF5;
	p2 =	por !p2, p0  }
0x20: {  	[sflag:s8] =	ssyncset.s32 @!p0 $0xFFFFF086;
	s6 =	sadd.s32 @!p0 s3, s7;
	s7 =	simm.s32 @!p0 $0x108  }
0x21: {  	s3 =	sadd.s32 s3, s9;
	s6 =	sadd.s32 @!p0 $0x88, s6;
	s7 =	simm.s32 @p2 $0x1082  }
0x22: {  	[simem:s7], [sflag:s8] =	dma.local @!p0 [hbm:s6], $0xF7A  }
0x23: {  	s9 =	sor.u32 $0xD0000000, s2;
	s6 =	simm.s32 $0x108;
	_ =	swait.ge @!p0 [sflag:s8], $0x0  }
0x24: {  	s3 =	sadd.s32 $0x88, s3;
	s6 =	simm.s32 @!p1 $0x1082;
	[sflag:s4] =	ssyncset.s32 $0xFFFFF086  }
0x25: {  	[simem:s6], [sflag:s4] =	dma.local [hbm:s3], $0xF7A  }
0x26: {  	[smem:$0x3F84] =	sst s1;
	(tag) =	ssettag s2;
	_ =	strace s9  }
0x27: {  	s1 =	sld [smem:$0x3F94]  }
0x28: {  	s2 =	sld [smem:$0x3F95]  }
0x29: {  	s4 =	sld [smem:$0x3F97]  }
0x2a: {  	p0 =	seq.s32 s5, $0x0;
	s5 =	sld [smem:$0x3F98]  }
0x2b: {  	s6 =	sld [smem:$0x3F99]  }
0x2c: {  	s7 =	sld [smem:$0x3F9A]  }
0x2d: {  	s3 =	simm.s32 $0x108;
	s8 =	sld [smem:$0x3F9B]  }
0x2e: {  	s3 =	simm.s32 @!p0 $0x1082;
	s9 =	sld [smem:$0x3F9C]  }
0x2f: {  	lr =	sadd.s32 s0, s3;
	s0 =	sld [smem:$0x3F93]  }
0x30: {  	s3 =	sld [smem:$0x3F96]  }
0x31: {  	[smem:$0x3F9F] =	sst s10  }
0x32: {  	s10 =	sld [smem:$0x3F9D];
	_ =	sdelay $0x3  }
0x33: {  	p0 =	seq.s32 s10, $0x1;
	s10 =	sld [smem:$0x3F9F];
	_ =	sdelay $0x3  }
0x34: {  	[smem:$0x3F9F] =	sst s10  }
0x35: {  	s10 =	sld [smem:$0x3F9E];
	_ =	sdelay $0x3  }
0x36: {  	p1 =	seq.s32 s10, $0x1;
	s10 =	sld [smem:$0x3F9F];
	_ =	sdelay $0x3  }
0x37: {  	[smem:$0x3F9F] =	sst s10  }
0x38: {  	s10 =	sld [smem:$0x3FA0]  }
0x39: {  	_ = 	snop;
	(pc) =	sbr.ind lr, $3  }
0x3a: {  	_ = 	snop  }
0x3b: {  	_ = 	snop  }
0x3c: {  	p2 =	seq.s32 s10, $0x1;
	s10 =	sld [smem:$0x3F9F]  }
0x3d: {  	_ =	shalt  }
0x3e: {  	_ =	shalt  }
0x3f: {  	_ =	shalt  }
0x40: {  	_ =	shalt  }
0x41: {  	_ =	shalt  }
0x42: {  	_ =	shalt  }
0x43: {  	_ =	shalt  }
0x44: {  	_ =	shalt  }
0x45: {  	_ =	shalt  }
0x46: {  	_ =	shalt  }
0x47: {  	_ =	shalt  }
0x48: {  	_ =	shalt  }
0x49: {  	_ =	shalt  }
0x4a: {  	_ =	shalt  }
0x4b: {  	_ =	shalt  }
0x4c: {  	_ =	shalt  }
0x4d: {  	_ =	shalt  }
0x4e: {  	_ =	shalt  }
0x4f: {  	_ =	shalt  }
0x50: {  	_ =	shalt  }
0x51: {  	_ =	shalt  }
0x52: {  	_ =	shalt  }
0x53: {  	_ =	shalt  }
0x54: {  	_ =	shalt  }
0x55: {  	_ =	shalt  }
0x56: {  	_ =	shalt  }
0x57: {  	_ =	shalt  }
0x58: {  	_ =	shalt  }
0x59: {  	_ =	shalt  }
0x5a: {  	_ =	shalt  }
0x5b: {  	_ =	shalt  }
0x5c: {  	_ =	shalt  }
0x5d: {  	_ =	shalt  }
0x5e: {  	_ =	shalt  }
0x5f: {  	_ =	shalt  }
0x60: {  	_ =	shalt  }
0x61: {  	_ =	shalt  }
0x62: {  	_ =	shalt  }
0x63: {  	_ =	shalt  }
0x64: {  	_ =	shalt  }
0x65: {  	_ =	shalt  }
0x66: {  	_ =	shalt  }
0x67: {  	_ =	shalt  }
0x68: {  	_ =	shalt  }
0x69: {  	_ =	shalt  }
0x6a: {  	_ =	shalt  }
0x6b: {  	_ =	shalt  }
0x6c: {  	_ =	shalt  }
0x6d: {  	_ =	shalt  }
0x6e: {  	_ =	shalt  }
0x6f: {  	_ =	shalt  }
0x70: {  	_ =	shalt  }
0x71: {  	_ =	shalt  }
0x72: {  	_ =	shalt  }
0x73: {  	_ =	shalt  }
0x74: {  	_ =	shalt  }
0x75: {  	_ =	shalt  }
0x76: {  	_ =	shalt  }
0x77: {  	_ =	shalt  }
0x78: {  	_ =	shalt  }
0x79: {  	_ =	shalt  }
0x7a: {  	_ =	shalt  }
0x7b: {  	_ =	shalt  }
0x7c: {  	_ =	shalt  }
0x7d: {  	_ =	shalt  }
0x7e: {  	_ =	shalt  }
0x7f: {  	_ =	shalt  }
0x80: {  	_ =	shalt  }
0x81: {  	_ =	shalt  }
0x82: {  	_ =	shalt  }
0x83: {  	_ =	shalt  }
0x84: {  	_ =	shalt  }
0x85: {  	_ =	shalt  }
0x86: {  	_ =	shalt  }
0x87: {  	_ =	shalt  }
.Lfunc_end0:
.L_simem_size_0:
called_computation_lowered:
.L_overlay_start_0:
0x88: {  	s2 =	sld [smem:$0x3FD9]  }
0x89: {  	s3 =	sld [smem:$0x3FFE];
	_ =	sdelay $0x1  }
0x8a: {  	s1 =	srdreg.scid  }
0x8b: {  	s0 =	sand.u32 $0x1, s1  }
0x8c: {  	s16 =	sshll.u32 s0, $0xA;
	s2 =	sadd.s32 s3, s2  }
0x8d: {  	s2 =	sadd.s32 s2, s16  }
0x8e: {  	[smem:$0x3FAB] =	sst s2  }
0x8f: {  	_ = 	snop  }
0x90: {  	(tm) =	ssettm $0x1  }
0x91: {  	s17 =	sld [smem:$0x3FFB];
	_ =	sdelay $0x3  }
0x92: {  	_ =	strace s17  }
0x93: {  	s2 =	sld [smem:$0x3FFC];
	_ =	sdelay $0x3  }
0x94: {  	_ =	strace s2  }
0x95: {  	s2 =	sld [smem:$0x3FFD];
	_ =	sdelay $0x3  }
0x96: {  	_ =	strace s2  }
0x97: {  	_ =	strace $0x8FFFFFFF  }
0x98: {  	s18 =	sld [smem:$0x3FDB];
	_ =	sdelay $0x1  }
0x99: {  	s19 =	simm.s32 $_scs_section_size  }
0x9a: {  	s4 =	simm.s32 $_size__tile_overlayer_lowered;
	s5 =	simm.s32 $_tile_overlayer_lowered  }
0x9b: {  	s22 =	simm.s32 $0x1BFF;
	s21 =	sshll.u32 s5, $0x1;
	s2 =	sadd.s32 s19, s18  }
0x9c: {  	s6 =	simm.s32 $0x0;
	s20 =	sshll.u32 s4, $0x1;
	s4 =	sadd.s32 s21, s2  }
0x9d: {  	[timem:s6], [sflag:s22] =	dma.local [hbm:s4], s20  }
0x9e: {  	_ =	swait.ge [sflag:s22], s20  }
0x9f: {  	s3 =	ssub.s32 $0x0, s20;
	[sflag:s22] =	ssyncset.done $0x0  }
0xa0: {  	[sflag:s22] =	ssyncadd.s32 s3;
	_ =	sdelay $0x1  }
0xa1: {  	s23 =	simm.s32 $0x1B8B  }
0xa2: {  	_ =	swait.ge [sflag:s23], $0x1  }
0xa3: {  	[sflag:s23] =	ssyncset.done $0x0  }
0xa4: {  	s25 =	simm.s32 $0x1B8E;
	s24 =	sld [smem:$0x3FFE];
	[sflag:s23] =	ssyncadd.s32 $0xFFFFFFFF  }
0xa5: {  	s26 =	simm.s32 $execute0_lowered;
	[smem:$0x3FD2] =	sst s25  }
0xa6: {  	s4 =	sshll.u32 s26, $0x1;
	_ =	strace $0x80000046;
	[dreg:$0x1] =	wrdreg $0xFFFFFFFF  }
0xa7: {  	s28 =	simm.s32 $_size_execute0_lowered;
	s2 =	sadd.s32 s2, s4;
	[dreg:$0x0] =	wrdreg $0x0  }
0xa8: {  	s4 =	sshll.u32 s28, $0x1;
	[dreg:$0x2] =	wrdreg s2  }
0xa9: {  	[dreg:$0x3] =	wrdreg s4  }
0xaa: {  	[dreg:$0x4] =	wrdreg $0xC0  }
0xab: {  	_ =	task [dreg:s6], $0x5FFFF  }
0xac: {  	[dreg:$0x1] =	wrdreg $0xFFFFFFFF  }
0xad: {  	[dreg:$0x0] =	wrdreg $0x60  }
0xae: {  	[dreg:$0x2] =	wrdreg s24  }
0xaf: {  	[dreg:$0x3] =	wrdreg $0x0  }
0xb0: {  	[dreg:$0x4] =	wrdreg $0x138800  }
0xb1: {  	[dreg:$0x5] =	wrdreg $0x9  }
0xb2: {  	_ =	task.clear_ibuf [dreg:s6], $0x6FFFF;
	_ =	strace $0x90000046  }
0xb3: {  	s29 =	simm.s32 $0x9;
	_ =	strace $0x80000048  }
0xb4: {  	_ =	swait.ge [sflag:s29], $0x1  }
0xb5: {  	[sflag:s29] =	ssyncadd.s32 $0xFFFFFFFF  }
0xb6: {  	_ =	strace $0x90000048  }
0xb7: {  	_ =	sfence  }
0xb8: {  	s30 =	sld [smem:$0x0];
	_ =	sdelay $0x2  }
0xb9: {  	s31 =	sshll.u32 s1, $0xD;
	s1 =	sshrl.u32 s1, $0x2  }
0xba: {  	s3 =	sand.u32 $0x4000, s31;
	s1 =	sadd.s32 s1, s30  }
0xbb: {  	s0 =	sor.u32 s3, s0;
	s1 =	sshll.u32 s1, $0x11  }
0xbc: {  	s0 =	sor.u32 s1, s0  }
0xbd: {  	s0 =	sadd.s32 $0x8F2B, s0  }
0xbe: {  	[sflag:s0] =	ssyncadd.remote.s32 $0x1  }
0xbf: {  	_ =	sfence.sel $0xFFFF  }
0xc0: {  	[dreg:$0x0] =	wrdreg $0xFFFFFFFF;
	(pc) =	sbr.abs _section_cstart, $3  }
0xc1: {  	[dreg:$0x1] =	wrdreg $0xFFFFFFFF  }
0xc2: {  	_ =	task.clear_ibuf [dreg:s6], $0x2FFFF;
	_ =	strace $0x9FFFFFFF  }
0xc3: {  	(tm) =	ssettm $0x7FFFFFFF  }
tec
execute0_lowered:
.L_overlay_start_1:
0x0: {  	(tag) =	ssettag $0x1  }
0x1: {  	s0 =	rddreg [dreg:$0x0]  }
0x2: {  	s18 =	rddreg [dreg:$0x1]  }
0x3: {  	s19 =	rddreg [dreg:$0x2];
	s4 =	simm.s32 $0x0  }
0x4: {  	s20 =	stileid.u32;
	s3 =	srdreg.scid;
	s31 =	simm.s32 $0x28  }
0x5: {  	s29 =	simm.s32 $0x7;
	[smem:$0x7FF] =	sst s4;
	s5 =	sadd.s32 $0x21C00, s0  }
0x6: {  	s6 =	sadd.s32 $0x17E00, s0;
	s7 =	sadd.s32 $0xA5600, s0;
	s1 =	smul.u32 $0x13C00, s20  }
0x7: {  	s8 =	sadd.s32 $0x12E00, s0;
	s2 =	smul.u32 $0x2780, s20;
	s9 =	sadd.s32 $0xDE00, s0  }
0x8: {  	s10 =	sadd.s32 $0x30000, s0;
	s3 =	sand.u32 $0x1, s3;
	s15 =	sadd.s32 $0x14B800, s0  }
0x9: {  	s16 =	sadd.s32 $0x141A00, s0;
	s30 =	sadd.s32 $0x7C280, s0;
	p0 =	seq.s32 s20, $0xF  }
0xa: {  	_ =	strace $0x80000047;
	s13 =	ssub.s32 $0x2, s3;
	s17 =	smul.u32 $0x138800, s3  }
0xb: {  	s24 =	sshll.u32 s3, $0x4;
	[dreg:$0x8] =	wrdreg s30;
	s3 =	smul.u32 $0x27100, s3  }
0xc: {  	s30 =	sadd.s32 $0x25080, s19;
	s11 =	sshrl.u32 s1, $0x3;
	s12 =	sshrl.u32 s2, $0x3  }
0xd: {  	s14 =	sshrl.u32 s13, $0x1;
	s23 =	sadd.s32 s1, s18;
	s25 =	sadd.s32 s2, s19  }
0xe: {  	s26 =	sor.u32 s20, s24;
	[dreg:$0x13] =	wrdreg s30;
	s20 =	simm.s32 $0xD  }
0xf: {  	s19 =	simm.s32 $0x2;
	s11 =	sadd.s32 s11, s0;
	[dreg:$0x4] =	wrdreg s23  }
0x10: {  	s12 =	sadd.s32 s12, s0;
	s13 =	ssub.s32 s13, s14;
	[dreg:$0x6] =	wrdreg s25  }
0x11: {  	s28 =	smul.u32 $0x2710, s26;
	s1 =	sadd.s32 s1, s17;
	s0 =	sadd.s32 $0xD810, s0  }
0x12: {  	s14 =	sshrl.u32 s17, $0x3;
	s2 =	sadd.s32 s2, s3;
	s3 =	sshrl.u32 s3, $0x3  }
0x13: {  	s11 =	sadd.s32 $0x57200, s11;
	s12 =	sadd.s32 $0x8E00, s12;
	s1 =	sshrl.u32 s1, $0x3  }
0x14: {  	[dreg:$0x9] =	wrdreg s0;
	s0 =	sadd.s32 s15, s14;
	s2 =	sshrl.u32 s2, $0x3  }
0x15: {  	s21 =	sadd.s32 s16, s3;
	s3 =	simm.s32 $0x4;
	[dreg:$0x5] =	wrdreg s11  }
0x16: {  	[dreg:$0x7] =	wrdreg s12;
	s1 =	sadd.s32 s15, s1;
	s17 =	sshrl.u32 s28, $0x3  }
0x17: {  	s11 =	smul.u32 $0x4E20, s26;
	s2 =	sadd.s32 s16, s2;
	s22 =	sadd.s32 $0x28, s28  }
0x18: {  	s0 =	sadd.s32 $0x25080, s0;
	s25 =	sadd.s32 $0x4A10, s21;
	[dreg:$0xa] =	wrdreg s1  }
0x19: {  	s26 =	smax.u32 s13, $0x1;
	s28 =	sadd.s32 $0x128400, s18;
	[dreg:$0xb] =	wrdreg s2  }
0x1a: {  	s12 =	simm.s32 $0x6;
	s16 =	simm.s32 $0x1A400;
	[dreg:$0xf] =	wrdreg s0  }
0x1b: {  	s18 =	simm.s32 $0x16760;
	s13 =	simm.s32 $0x0;
	[dreg:$0x10] =	wrdreg s25  }
.Ltmp0:
0x1c: {  	s23 =	sadd.s32 s5, s17;
	[dreg:$0x11] =	wrdreg s26;
	(pc) =	sbr.rel .LBB2_1-.Ltmp0, $4  }
0x1d: {  	s1 =	sadd.s32 s6, s17;
	[dreg:$0x12] =	wrdreg s28;
	s25 =	simm.s32 $0x185B0  }
0x1e: {  	s26 =	simm.s32 $0x17E08;
	s0 =	simm.s32 $0x3;
	[dreg:$0xc] =	wrdreg s23  }
0x1f: {  	[dreg:$0xd] =	wrdreg s1;
	s24 =	sadd.s32 s7, s11;
	s11 =	simm.s32 $0x5  }
0x20: {  	s23 =	simm.s32 $0x9;
	[dreg:$0xe] =	wrdreg s24;
	s24 =	simm.s32 $0xA  }
.LBB2_14:
0x21: {  	s1 =	simm.s32 $0x11  }
0x22: {  	_ =	swait.ge [sflag:s1], $0x280  }
0x23: {  	[sflag:s1] =	ssyncset.done $0x0  }
0x24: {  	s21 =	simm.s32 $0x12;
	[sflag:s1] =	ssyncadd.s32 $0xFFFFFD80  }
0x25: {  	_ =	swait.ge [sflag:s21], $0x1400  }
0x26: {  	[sflag:s21] =	ssyncset.done $0x0  }
0x27: {  	[sflag:s21] =	ssyncadd.s32 $0xFFFFEC00  }
0x28: {  	_ =	swait.ge [sflag:s11], $0x280  }
0x29: {  	[sflag:s11] =	ssyncset.done $0x0  }
0x2a: {  	[sflag:s11] =	ssyncadd.s32 $0xFFFFFD80  }
0x2b: {  	_ =	swait.ge [sflag:s12], $0x1400  }
0x2c: {  	[sflag:s12] =	ssyncset.done $0x0  }
0x2d: {  	[sflag:s12] =	ssyncadd.s32 $0xFFFFEC00  }
0x2e: {  	[bflag:$0x0] =	sbarrier.arrive $0xFFFF  }
0x2f: {  	s2 =	rddreg [dreg:$0xf]  }
0x30: {  	s1 =	simm.s32 @p0 $0x1FD3;
	s13 =	rddreg [dreg:$0x16]  }
0x31: {  	[hbm:s2], [sflag:s1] =	dma.local @p0 [spmem:s13], $0x2080  }
0x32: {  	s2 =	simm.s32 @p0 $0x13  }
0x33: {  	_ =	swait.ge @p0 [sflag:s2], $0x2080  }
0x34: {  	[sflag:s2] =	ssyncset.done @p0 $0x0;
	s13 =	rddreg [dreg:$0x10]  }
0x35: {  	s14 =	rddreg [dreg:$0x17];
	[sflag:s2] =	ssyncadd.s32 @p0 $0xFFFFDF80  }
0x36: {  	[hbm:s13], [sflag:s1] =	dma.local @p0 [spmem:s14], $0x410  }
0x37: {  	_ =	swait.ge @p0 [sflag:s2], $0x410  }
0x38: {  	s1 =	rddreg [dreg:$0xa]  }
0x39: {  	[sflag:s2] =	ssyncset.done @p0 $0x0;
	s13 =	rddreg [dreg:$0x15]  }
0x3a: {  	[sflag:s2] =	ssyncadd.s32 @p0 $0xFFFFFBF0;
	s2 =	rddreg [dreg:$0x18]  }
0x3b: {  	[hbm:s1], [sflag:s13] =	dma.local @!p0 [spmem:s2], $0x2780  }
0x3c: {  	s1 =	simm.s32 @!p0 $0x13  }
0x3d: {  	_ =	swait.ge @!p0 [sflag:s1], $0x2780  }
0x3e: {  	[sflag:s1] =	ssyncset.done @!p0 $0x0;
	s2 =	rddreg [dreg:$0xb]  }
0x3f: {  	s14 =	rddreg [dreg:$0x19];
	[sflag:s1] =	ssyncadd.s32 @!p0 $0xFFFFD880  }
0x40: {  	[hbm:s2], [sflag:s13] =	dma.local @!p0 [spmem:s14], $0x4F0  }
0x41: {  	_ =	swait.ge @!p0 [sflag:s1], $0x4F0  }
0x42: {  	s28 =	rddreg [dreg:$0x14]  }
0x43: {  	s30 =	rddreg [dreg:$0x11];
	s13 =	sadd.s32 $0x1, s28  }
0x44: {  	p1 =	sne.s32 s13, s30  }
.Ltmp1:
0x45: {  	_ = 	snop;
	(pc) =	sbr.rel @!p1 .LBB2_15-.Ltmp1, $3  }
0x46: {  	_ =	sdelay $0x1  }
0x47: {  	[sflag:s1] =	ssyncset.done @!p0 $0x0  }
0x48: {  	[sflag:s1] =	ssyncadd.s32 @!p0 $0xFFFFFB10  }
.LBB2_1:
0x49: {  	[dreg:$0x14] =	wrdreg s13  }
0x4a: {  	s1 =	rddreg [dreg:$0x12]  }
0x4b: {  	s2 =	rddreg [dreg:$0x8];
	s13 =	sshrl.u32 @p0 s1, $0x3  }
0x4c: {  	s1 =	simm.s32 @p0 $0x1FD3;
	[dreg:$0x16] =	wrdreg s13  }
0x4d: {  	[spmem:s13], [sflag:s1] =	dma.local @p0 [hbm:s2], $0x2080  }
0x4e: {  	s2 =	simm.s32 @p0 $0x13  }
0x4f: {  	_ =	swait.ge @p0 [sflag:s2], $0x2080  }
0x50: {  	s13 =	rddreg [dreg:$0x13]  }
0x51: {  	[sflag:s2] =	ssyncset.done @p0 $0x0;
	s14 =	sshrl.u32 @p0 s13, $0x3;
	s13 =	rddreg [dreg:$0x9]  }
0x52: {  	[sflag:s2] =	ssyncadd.s32 @p0 $0xFFFFDF80;
	[dreg:$0x17] =	wrdreg s14  }
0x53: {  	[spmem:s14], [sflag:s1] =	dma.local @p0 [hbm:s13], $0x410  }
0x54: {  	s1 =	stileid.u32  }
0x55: {  	_ =	swait.ge @p0 [sflag:s2], $0x410;
	s1 =	sshll.u32 @!p0 s1, $0x6  }
0x56: {  	[sflag:s2] =	ssyncset.done @p0 $0x0;
	s13 =	sor.u32 @!p0 $0x1C13, s1;
	s1 =	rddreg [dreg:$0x4]  }
0x57: {  	[sflag:s2] =	ssyncadd.s32 @p0 $0xFFFFFBF0;
	s2 =	sshrl.u32 @!p0 s1, $0x3;
	s1 =	rddreg [dreg:$0x5]  }
0x58: {  	[dreg:$0x18] =	wrdreg s2  }
0x59: {  	[spmem:s2], [sflag:s13] =	dma.local @!p0 [hbm:s1], $0x2780  }
0x5a: {  	s1 =	simm.s32 @!p0 $0x13  }
0x5b: {  	_ =	swait.ge @!p0 [sflag:s1], $0x2780;
	[dreg:$0x15] =	wrdreg s13  }
0x5c: {  	s2 =	rddreg [dreg:$0x6]  }
0x5d: {  	[sflag:s1] =	ssyncset.done @!p0 $0x0;
	s14 =	sshrl.u32 @!p0 s2, $0x3;
	s2 =	rddreg [dreg:$0x7]  }
0x5e: {  	[sflag:s1] =	ssyncadd.s32 @!p0 $0xFFFFD880;
	[dreg:$0x19] =	wrdreg s14  }
0x5f: {  	[spmem:s14], [sflag:s13] =	dma.local @!p0 [hbm:s2], $0x4F0  }
0x60: {  	_ =	swait.ge @!p0 [sflag:s1], $0x4F0  }
0x61: {  	[sflag:s1] =	ssyncset.done @!p0 $0x0  }
0x62: {  	[sflag:s1] =	ssyncadd.s32 @!p0 $0xFFFFFB10  }
0x63: {  	[bflag:$0x0] =	sbarrier.arrive $0xFFFF  }
0x64: {  	s2 =	simm.s32 $0x15F90;
	s15 =	rddreg [dreg:$0xc]  }
0x65: {  	[tilespmem:s2], [sflag:$0x1] =	stream.linear.gather [hbm4b:s15+s4], $0x28, $0x38;
	[tilespmem:$0x1BA80] =	vst v63  }
0x66: {  	s13 =	simm.s32 $0x15FB8;
	s17 =	rddreg [dreg:$0xd]  }
0x67: {  	[tilespmem:s13], [sflag:$0x1] =	stream.linear.gather [hbm4b:s17+s4], $0x28, $0x38;
	[tilespmem:$0x1BA80] =	vst v63  }
0x68: {  	s30 =	simm.s32 $0x15FE0;
	s21 =	rddreg [dreg:$0xe];
	s15 =	simm.s32 $0x1  }
0x69: {  	[tilespmem:s30], [sflag:$0x1] =	stream.linear.gather [hbm4b:s21+s4], $0x280, $0x38;
	[tilespmem:$0x1BA80] =	vst v63  }
0x6a: {  	_ =	swait.ge [sflag:s15], $0x28  }
0x6b: {  	[sflag:s15] =	ssyncset.done $0x0  }
0x6c: {  	[sflag:s15] =	ssyncadd.s32 $0xFFFFFFD8  }
0x6d: {  	_ =	swait.ge [sflag:s15], $0x28  }
0x6e: {  	[sflag:s15] =	ssyncset.done $0x0  }
0x6f: {  	[sflag:s15] =	ssyncadd.s32 $0xFFFFFFD8  }
0x70: {  	_ =	swait.ge [sflag:s15], $0x280  }
0x71: {  	[sflag:s15] =	ssyncset.done $0x0  }
0x72: {  	s17 =	simm.s32 $0x16260;
	[sflag:s15] =	ssyncadd.s32 $0xFFFFFD80  }
0x73: {  	[tilespmem:s17], [sflag:$0x2] =	stream.indirect.gather [hbm4b:s8+s31], $0x10, s2, s31, $0xb8;
	[tilespmem:$0x1BA80] =	vst v63  }
.Ltmp2:
0x74: {  	_ = 	snop;
	(pc) =	sbr.rel .LBB2_2-.Ltmp2, $4  }
0x75: {  	s21 =	simm.s32 $0x164E0  }
0x76: {  	[tilespmem:s21], [sflag:$0x3] =	stream.indirect.gather [hbm4b:s9+s31], $0x10, s13, s31, $0xb8;
	[tilespmem:$0x1BA80] =	vst v63  }
0x77: {  	s28 =	simm.s32 $0x0;
	s30 =	simm.s32 $0x169E0  }
0x78: {  	[tilespmem:s30], [sflag:$0x4] =	stream.indirect.gather [hbm4b:s10+s31], $0x80, s2, s31, $0xb8;
	[tilespmem:$0x1BA80] =	vst v63  }
.LBB2_13:
0x79: {  	s28 =	sadd.s32 $0x1, s28  }
0x7a: {  	p1 =	sne.s32 s28, $0xFA  }
.Ltmp3:
0x7b: {  	_ = 	snop;
	(pc) =	sbr.rel @!p1 .LBB2_14-.Ltmp3, $1  }
0x7c: {  	_ =	sdelay $0x3  }
.LBB2_2:
0x7d: {  	s1 =	smul.u32 $0xAB, s28;
	_ =	sdelay $0x1  }
0x7e: {  	s1 =	sshrl.u32 s1, $0x9  }
0x7f: {  	s1 =	sand.u32 $0x7F, s1  }
0x80: {  	s1 =	smul.u32 $0x3, s1;
	_ =	sdelay $0x1  }
0x81: {  	s1 =	ssub.s32 s28, s1  }
0x82: {  	s1 =	sand.u32 $0xFF, s1  }
0x83: {  	p1 =	seq.s32 s1, $0x2  }
.Ltmp4:
0x84: {  	_ = 	snop;
	(pc) =	sbr.rel @p1 .LBB2_10-.Ltmp4, $1  }
0x85: {  	_ =	sdelay $0x3  }
0x86: {  	p3 =	seq.s32 s1, $0x1  }
.Ltmp5:
0x87: {  	_ = 	snop;
	(pc) =	sbr.rel @!p3 .LBB2_4-.Ltmp5, $3  }
0x88: {  	_ =	sdelay $0x1  }
0x89: {  	p1 =	slt.u32 s28, $0x2  }
0x8a: {  	s1 =	smul.u32 $0x28, s28;
	p2 =	seq.s32 @!p1 s28, $0xF9  }
0x8b: {  	s2 =	simm.s32 @!p1 $0x11  }
0x8c: {  	_ =	swait.ge @!p1 [sflag:s2], $0x280  }
0x8d: {  	[sflag:s2] =	ssyncset.done @!p1 $0x0  }
0x8e: {  	[sflag:s2] =	ssyncadd.s32 @!p1 $0xFFFFFD80;
	s2 =	simm.s32 @!p1 $0x12  }
0x8f: {  	p2 =	por p1, !p2;
	_ =	swait.ge @!p1 [sflag:s2], $0x1400  }
0x90: {  	s1 =	sadd.s32 @p2 s1, s22;
	[sflag:s2] =	ssyncset.done @!p1 $0x0  }
0x91: {  	[sflag:s2] =	ssyncadd.s32 @!p1 $0xFFFFEC00;
	s2 =	sshrl.u32 @p2 s1, $0x3  }
0x92: {  	s14 =	simm.s32 @p2 $0x19C30;
	s1 =	sshll.u32 @p2 s1, $0x1;
	s13 =	sadd.s32 @p2 s5, s2  }
0x93: {  	[tilespmem:s14], [sflag:$0xD] =	stream.linear.gather @p2 [hbm4b:s13+s4], $0x28, $0x38;
	[tilespmem:$0x1BA80] =	vst v63  }
0x94: {  	s2 =	sadd.s32 @p2 s6, s2;
	s1 =	sand.u32 @p2 $0x1FFFFFF0, s1;
	s13 =	simm.s32 @p2 $0x19C58  }
0x95: {  	[tilespmem:s13], [sflag:$0xD] =	stream.linear.gather @p2 [hbm4b:s2+s4], $0x28, $0x38;
	[tilespmem:$0x1BA80] =	vst v63  }
0x96: {  	s1 =	sadd.s32 @p2 s7, s1;
	s2 =	simm.s32 @p2 $0x19C80  }
0x97: {  	[tilespmem:s2], [sflag:$0xD] =	stream.linear.gather @p2 [hbm4b:s1+s4], $0x280, $0x38;
	[tilespmem:$0x1BA80] =	vst v63  }
0x98: {  	_ =	swait.ge @p2 [sflag:s20], $0x28  }
0x99: {  	[sflag:s20] =	ssyncset.done @p2 $0x0  }
0x9a: {  	[sflag:s20] =	ssyncadd.s32 @p2 $0xFFFFFFD8  }
0x9b: {  	_ =	swait.ge @p2 [sflag:s20], $0x28  }
0x9c: {  	[sflag:s20] =	ssyncset.done @p2 $0x0  }
0x9d: {  	[sflag:s20] =	ssyncadd.s32 @p2 $0xFFFFFFD8  }
0x9e: {  	_ =	swait.ge @p2 [sflag:s20], $0x280  }
0x9f: {  	[sflag:s20] =	ssyncset.done @p2 $0x0  }
0xa0: {  	s1 =	simm.s32 @p2 $0x19F00;
	[sflag:s20] =	ssyncadd.s32 @p2 $0xFFFFFD80  }
0xa1: {  	[tilespmem:s1], [sflag:$0xE] =	stream.indirect.gather @p2 [hbm4b:s8+s31], $0x10, s14, s31, $0xb8;
	[tilespmem:$0x1BA80] =	vst v63  }
0xa2: {  	s1 =	simm.s32 @p2 $0x1A180  }
0xa3: {  	[tilespmem:s1], [sflag:$0xF] =	stream.indirect.gather @p2 [hbm4b:s9+s31], $0x10, s13, s31, $0xb8;
	[tilespmem:$0x1BA80] =	vst v63  }
0xa4: {  	s15 =	simm.s32 $0x8;
	s1 =	simm.s32 @p2 $0x1A680  }
0xa5: {  	[tilespmem:s1], [sflag:$0x10] =	stream.indirect.gather @p2 [hbm4b:s10+s31], $0x80, s14, s31, $0xb8;
	[tilespmem:$0x1BA80] =	vst v63  }
0xa6: {  	_ =	swait.ge [sflag:s15], $0x280  }
0xa7: {  	[sflag:s15] =	ssyncset.done $0x0  }
0xa8: {  	[sflag:s15] =	ssyncadd.s32 $0xFFFFFD80  }
0xa9: {  	_ =	swait.ge [sflag:s23], $0x280  }
0xaa: {  	[sflag:s23] =	ssyncset.done $0x0  }
0xab: {  	[sflag:s23] =	ssyncadd.s32 $0xFFFFFD80  }
0xac: {  	_ =	swait.ge [sflag:s24], $0x1400  }
0xad: {  	[sflag:s24] =	ssyncset.done $0x0  }
0xae: {  	s30 =	simm.s32 $0x18330;
	[sflag:s24] =	ssyncadd.s32 $0xFFFFEC00  }
0xaf: {  	s1 =	simm.s32 $0x180B0;
	v0 =	vld [tilespmem:s30+$0x0]  }
0xb0: {  	v1 =	vld [tilespmem:s1+$0x0]  }
0xb1: {  	s2 =	simm.s32 $0x17E30  }
0xb2: {  	v2 =	vld [tilespmem:s2+$0x0];
	_ =	sdelay $0x2  }
0xb3: {  	v0 =	vadd.f32 v0, v1;
	_ =	sdelay $0x1  }
0xb4: {  	v0 =	vadd.f32 v2, v0;
	_ =	sdelay $0x1  }
0xb5: {  	v1 =	vmul.f32 $2.000000030e-01, v0  }
0xb6: {  	vm0 =	vgt.f32 v0, $0.0e+00  }
0xb7: {  	v0 =	vsel vm0, v0, v1  }
0xb8: {  	v0 =	vmul.f32 $1.442695020e+00, v0;
	_ =	sdelay $0x1  }
0xb9: {  	(erf) = vpow2.f32 v0;
	_ =	sdelay $0x4  }
0xba: {  	s17 =	simm.s32 $0x0  }
0xbb: {  	v0 =	vmov s17;
	_ =	sdelay $0x2  }
0xbc: {  	s21 =	simm.s32 $0x185B0;
	v1 =	vpop (erf)  }
0xbd: {  	[tilespmem:s21+$0x0] =	vst v1  }
0xbe: {  	s13 =	simm.s32 $0x18870;
	v1 =	vld.idx.msk [tilespmem:v0+s25+$0x0], $0xffff  }
0xbf: {  	v2 =	vld [tilespmem:s13+$0xFFFFFFC0]  }
0xc0: {  	v3 =	vld [tilespmem:s13+$0xFFFFFFD0];
	_ =	sdelay $0x2  }
0xc1: {  	v4 =	vor.u32 $0x1, v0  }
0xc2: {  	v2 =	vmul.f32 v2, v1  }
0xc3: {  	v1 =	vmul.f32 v3, v1  }
0xc4: {  	v3 =	vld [tilespmem:s13+$0xFFFFFFF0];
	[tilespmem:s13+$0xFFFFFFC0] =	vst v2  }
0xc5: {  	[tilespmem:s13+$0xFFFFFFD0] =	vst v1;
	v2 =	vld [tilespmem:s13+$0xFFFFFFE0]  }
0xc6: {  	v1 =	vld.idx.msk [tilespmem:v4+s25+$0x0], $0xffff;
	_ =	sdelay $0x3  }
0xc7: {  	v63 =	vor.u32 $0x2, v0  }
0xc8: {  	v2 =	vmul.f32 v2, v1;
	v1 =	vmul.f32 v3, v1;
	_ =	sdelay $0x1  }
0xc9: {  	[tilespmem:s13+$0xFFFFFFF0] =	vst v1;
	v1 =	vld [tilespmem:s13+$0x10]  }
0xca: {  	[tilespmem:s13+$0xFFFFFFE0] =	vst v2;
	v2 =	vld [tilespmem:s13+$0x0]  }
0xcb: {  	v3 =	vld.idx.msk [tilespmem:v63+s25+$0x0], $0xffff;
	_ =	sdelay $0x3  }
0xcc: {  	v0 =	vor.u32 $0x3, v0  }
0xcd: {  	s14 =	simm.s32 $0x1;
	s15 =	simm.s32 $0x185C0;
	s17 =	simm.s32 $0x188F0;
	v2 =	vmul.f32 v2, v3;
	v1 =	vmul.f32 v1, v3  }
.LBB2_8:
0xce: {  	s1 =	sadd.s32 $0x10, s1;
	s30 =	sadd.s32 $0x10, s30;
	s2 =	sadd.s32 $0x10, s2  }
0xcf: {  	p1 =	sne.s32 s14, $0x27;
	s21 =	smov.u32 s14;
	s14 =	sadd.s32 $0x1, s14;
	[tilespmem:s13+$0x0] =	vst v2  }
0xd0: {  	[tilespmem:s13+$0x10] =	vst v1;
	v1 =	vld [tilespmem:s13+$0x30]  }
0xd1: {  	v0 =	vld.idx.msk [tilespmem:v0+s25+$0x0], $0xffff  }
0xd2: {  	v2 =	vld [tilespmem:s13+$0x20];
	_ =	sdelay $0x4  }
0xd3: {  	v2 =	vmul.f32 v2, v0;
	v0 =	vmul.f32 v1, v0;
	_ =	sdelay $0x1  }
0xd4: {  	[tilespmem:s13+$0x20] =	vst v2  }
0xd5: {  	[tilespmem:s13+$0x30] =	vst v0;
	s13 =	smov.u32 s17  }
0xd6: {  	v0 =	vld [tilespmem:s30+$0x0]  }
0xd7: {  	v1 =	vld [tilespmem:s1+$0x0];
	_ =	sdelay $0x1  }
0xd8: {  	v2 =	vld [tilespmem:s2+$0x0];
	_ =	sdelay $0x2  }
0xd9: {  	v0 =	vadd.f32 v0, v1;
	_ =	sdelay $0x1  }
0xda: {  	v0 =	vadd.f32 v2, v0;
	_ =	sdelay $0x1  }
0xdb: {  	v1 =	vmul.f32 $2.000000030e-01, v0  }
0xdc: {  	vm0 =	vgt.f32 v0, $0.0e+00  }
0xdd: {  	v0 =	vsel vm0, v0, v1  }
0xde: {  	v0 =	vmul.f32 $1.442695020e+00, v0;
	_ =	sdelay $0x1  }
0xdf: {  	(erf) = vpow2.f32 v0;
	_ =	sdelay $0x4  }
0xe0: {  	s21 =	sshll.u32 s21, $0x4  }
0xe1: {  	v0 =	vmov s21;
	_ =	sdelay $0x2  }
0xe2: {  	v1 =	vpop (erf)  }
0xe3: {  	[tilespmem:s15+$0x0] =	vst v1  }
0xe4: {  	v1 =	vld.idx.msk [tilespmem:v0+s25+$0x0], $0xffff  }
0xe5: {  	v2 =	vld [tilespmem:s17+$0xFFFFFFC0]  }
0xe6: {  	v3 =	vld [tilespmem:s17+$0xFFFFFFD0];
	_ =	sdelay $0x2  }
0xe7: {  	v4 =	vor.u32 $0x1, v0  }
0xe8: {  	v2 =	vmul.f32 v2, v1  }
0xe9: {  	v1 =	vmul.f32 v3, v1  }
0xea: {  	[tilespmem:s17+$0xFFFFFFC0] =	vst v2  }
0xeb: {  	[tilespmem:s17+$0xFFFFFFD0] =	vst v1;
	v1 =	vld [tilespmem:s17+$0xFFFFFFF0]  }
0xec: {  	v2 =	vld.idx.msk [tilespmem:v4+s25+$0x0], $0xffff  }
0xed: {  	v3 =	vld [tilespmem:s17+$0xFFFFFFE0];
	_ =	sdelay $0x3  }
0xee: {  	v4 =	vor.u32 $0x2, v0  }
0xef: {  	v1 =	vmul.f32 v1, v2;
	v3 =	vmul.f32 v3, v2;
	_ =	sdelay $0x1  }
0xf0: {  	[tilespmem:s17+$0xFFFFFFE0] =	vst v3  }
0xf1: {  	[tilespmem:s17+$0xFFFFFFF0] =	vst v1;
	v1 =	vld [tilespmem:s17+$0x10]  }
0xf2: {  	v3 =	vld.idx.msk [tilespmem:v4+s25+$0x0], $0xffff  }
0xf3: {  	v2 =	vld [tilespmem:s17+$0x0]  }
.Ltmp6:
0xf4: {  	(pc) =	sbr.rel @p1 .LBB2_8-.Ltmp6, $3  }
0xf5: {  	_ =	sdelay $0x1  }
0xf6: {  	v0 =	vor.u32 $0x3, v0  }
0xf7: {  	s15 =	sadd.s32 $0x10, s15;
	s17 =	sadd.s32 $0x80, s17;
	v1 =	vmul.f32 v1, v3;
	v2 =	vmul.f32 v2, v3  }
0xf8: {  	_ =	sdelay $0x1  }
0xf9: {  	[tilespmem:s13+$0x0] =	vst v2  }
0xfa: {  	v62 =	vld [tilespmem:s13+$0x20];
	[tilespmem:s13+$0x10] =	vst v1  }
0xfb: {  	v0 =	vld.idx.msk [tilespmem:v0+s25+$0x0], $0xffff  }
0xfc: {  	v63 =	vld [tilespmem:s13+$0x30];
	_ =	sdelay $0x3  }
0xfd: {  	v1 =	vmul.f32 v62, v0  }
0xfe: {  	v0 =	vmul.f32 v63, v0  }
.Ltmp7:
0xff: {  	[tilespmem:s13+$0x20] =	vst v1;
	(pc) =	sbr.rel .LBB2_13-.Ltmp7, $4  }
0x100: {  	s1 =	rddreg [dreg:$0x2];
	[tilespmem:s13+$0x30] =	vst v0  }
0x101: {  	[spmem:s1] =	stream.indirect.scatter.add.f32 [tilespmem:s25], [sflag:$0xB], $0x10, s26, s31, $0xb8;
	[tilespmem:$0x1BA80] =	vst v63  }
0x102: {  	s30 =	rddreg [dreg:$0x1];
	s2 =	simm.s32 $0x18830  }
0x103: {  	[spmem:s30] =	stream.indirect.scatter.add.f32 [tilespmem:s2], [sflag:$0xC], $0x80, s26, s31, $0xb8;
	[tilespmem:$0x1BA80] =	vst v63  }
.LBB2_10:
0x104: {  	_ =	swait.ge [sflag:s11], $0x280;
	p1 =	seq.s32 s28, $0xF9  }
0x105: {  	[sflag:s11] =	ssyncset.done $0x0;
	s1 =	smul.u32 @!p1 $0x28, s28  }
0x106: {  	[sflag:s11] =	ssyncadd.s32 $0xFFFFFD80  }
0x107: {  	s14 =	simm.s32 @!p1 $0x0;
	_ =	swait.ge [sflag:s12], $0x1400;
	s1 =	sadd.s32 @!p1 s1, s22  }
0x108: {  	s15 =	simm.s32 @!p1 $0x15F90;
	[sflag:s12] =	ssyncset.done $0x0;
	s2 =	sshrl.u32 @!p1 s1, $0x3  }
0x109: {  	s1 =	sshll.u32 @!p1 s1, $0x1;
	[sflag:s12] =	ssyncadd.s32 $0xFFFFEC00;
	s13 =	sadd.s32 @!p1 s5, s2  }
0x10a: {  	[tilespmem:s15], [sflag:$0x1] =	stream.linear.gather @!p1 [hbm4b:s13+s14], $0x28, $0x38;
	[tilespmem:$0x1BA80] =	vst v63  }
0x10b: {  	s2 =	sadd.s32 @!p1 s6, s2;
	s1 =	sand.u32 @!p1 $0x1FFFFFF0, s1;
	s13 =	simm.s32 @!p1 $0x15FB8  }
0x10c: {  	[tilespmem:s13], [sflag:$0x1] =	stream.linear.gather @!p1 [hbm4b:s2+s14], $0x28, $0x38;
	[tilespmem:$0x1BA80] =	vst v63  }
0x10d: {  	s1 =	sadd.s32 @!p1 s7, s1;
	s2 =	simm.s32 @!p1 $0x15FE0  }
0x10e: {  	[tilespmem:s2], [sflag:$0x1] =	stream.linear.gather @!p1 [hbm4b:s1+s14], $0x280, $0x38;
	[tilespmem:$0x1BA80] =	vst v63  }
0x10f: {  	s1 =	simm.s32 @!p1 $0x1  }
0x110: {  	_ =	swait.ge @!p1 [sflag:s1], $0x28  }
0x111: {  	[sflag:s1] =	ssyncset.done @!p1 $0x0  }
0x112: {  	[sflag:s1] =	ssyncadd.s32 @!p1 $0xFFFFFFD8  }
0x113: {  	_ =	swait.ge @!p1 [sflag:s1], $0x28  }
0x114: {  	[sflag:s1] =	ssyncset.done @!p1 $0x0  }
0x115: {  	[sflag:s1] =	ssyncadd.s32 @!p1 $0xFFFFFFD8  }
0x116: {  	_ =	swait.ge @!p1 [sflag:s1], $0x280  }
0x117: {  	[sflag:s1] =	ssyncset.done @!p1 $0x0  }
0x118: {  	s2 =	simm.s32 @!p1 $0x16260;
	[sflag:s1] =	ssyncadd.s32 @!p1 $0xFFFFFD80;
	s1 =	simm.s32 @!p1 $0x28  }
0x119: {  	[tilespmem:s2], [sflag:$0x2] =	stream.indirect.gather @!p1 [hbm4b:s8+s1], $0x10, s15, s1, $0xb8;
	[tilespmem:$0x1BA80] =	vst v63  }
0x11a: {  	s2 =	simm.s32 @!p1 $0x164E0  }
0x11b: {  	[tilespmem:s2], [sflag:$0x3] =	stream.indirect.gather @!p1 [hbm4b:s9+s1], $0x10, s13, s1, $0xb8;
	[tilespmem:$0x1BA80] =	vst v63  }
0x11c: {  	s2 =	simm.s32 @!p1 $0x169E0;
	s13 =	simm.s32 $0xE  }
0x11d: {  	[tilespmem:s2], [sflag:$0x4] =	stream.indirect.gather @!p1 [hbm4b:s10+s1], $0x80, s15, s1, $0xb8;
	[tilespmem:$0x1BA80] =	vst v63  }
0x11e: {  	_ =	swait.ge [sflag:s13], $0x280  }
0x11f: {  	[sflag:s13] =	ssyncset.done $0x0  }
0x120: {  	s14 =	simm.s32 $0xF;
	[sflag:s13] =	ssyncadd.s32 $0xFFFFFD80  }
0x121: {  	_ =	swait.ge [sflag:s14], $0x280  }
0x122: {  	[sflag:s14] =	ssyncset.done $0x0  }
0x123: {  	s15 =	simm.s32 $0x10;
	[sflag:s14] =	ssyncadd.s32 $0xFFFFFD80  }
0x124: {  	_ =	swait.ge [sflag:s15], $0x1400  }
0x125: {  	[sflag:s15] =	ssyncset.done $0x0  }
0x126: {  	s30 =	simm.s32 $0x1A180;
	[sflag:s15] =	ssyncadd.s32 $0xFFFFEC00  }
0x127: {  	s1 =	simm.s32 $0x19F00;
	v0 =	vld [tilespmem:s30+$0x0]  }
0x128: {  	v1 =	vld [tilespmem:s1+$0x0]  }
0x129: {  	s2 =	simm.s32 $0x19C80  }
0x12a: {  	v2 =	vld [tilespmem:s2+$0x0];
	_ =	sdelay $0x2  }
0x12b: {  	v0 =	vadd.f32 v0, v1;
	_ =	sdelay $0x1  }
0x12c: {  	v0 =	vadd.f32 v2, v0;
	_ =	sdelay $0x1  }
0x12d: {  	v1 =	vmul.f32 $2.000000030e-01, v0  }
0x12e: {  	vm0 =	vgt.f32 v0, $0.0e+00  }
0x12f: {  	v0 =	vsel vm0, v0, v1  }
0x130: {  	v0 =	vmul.f32 $1.442695020e+00, v0;
	_ =	sdelay $0x1  }
0x131: {  	(erf) = vpow2.f32 v0;
	_ =	sdelay $0x4  }
0x132: {  	s17 =	simm.s32 $0x0  }
0x133: {  	v0 =	vmov s17;
	_ =	sdelay $0x2  }
0x134: {  	s21 =	simm.s32 $0x1A400;
	v1 =	vpop (erf)  }
0x135: {  	[tilespmem:s21+$0x0] =	vst v1  }
0x136: {  	s13 =	simm.s32 $0x1A6C0;
	v1 =	vld.idx.msk [tilespmem:v0+s16+$0x0], $0xffff  }
0x137: {  	v2 =	vld [tilespmem:s13+$0xFFFFFFC0]  }
0x138: {  	v3 =	vld [tilespmem:s13+$0xFFFFFFD0];
	_ =	sdelay $0x2  }
0x139: {  	v4 =	vor.u32 $0x1, v0  }
0x13a: {  	v2 =	vmul.f32 v2, v1  }
0x13b: {  	v1 =	vmul.f32 v3, v1  }
0x13c: {  	v3 =	vld [tilespmem:s13+$0xFFFFFFF0];
	[tilespmem:s13+$0xFFFFFFC0] =	vst v2  }
0x13d: {  	[tilespmem:s13+$0xFFFFFFD0] =	vst v1;
	v2 =	vld [tilespmem:s13+$0xFFFFFFE0]  }
0x13e: {  	v1 =	vld.idx.msk [tilespmem:v4+s16+$0x0], $0xffff;
	_ =	sdelay $0x3  }
0x13f: {  	v63 =	vor.u32 $0x2, v0  }
0x140: {  	v2 =	vmul.f32 v2, v1;
	v1 =	vmul.f32 v3, v1;
	_ =	sdelay $0x1  }
0x141: {  	[tilespmem:s13+$0xFFFFFFF0] =	vst v1;
	v1 =	vld [tilespmem:s13+$0x10]  }
0x142: {  	[tilespmem:s13+$0xFFFFFFE0] =	vst v2;
	v2 =	vld [tilespmem:s13+$0x0]  }
0x143: {  	v3 =	vld.idx.msk [tilespmem:v63+s16+$0x0], $0xffff;
	_ =	sdelay $0x3  }
0x144: {  	v0 =	vor.u32 $0x3, v0  }
0x145: {  	s14 =	simm.s32 $0x1;
	s15 =	simm.s32 $0x1A410;
	s17 =	simm.s32 $0x1A740;
	v2 =	vmul.f32 v2, v3;
	v1 =	vmul.f32 v1, v3  }
.LBB2_11:
0x146: {  	s1 =	sadd.s32 $0x10, s1;
	s30 =	sadd.s32 $0x10, s30;
	s2 =	sadd.s32 $0x10, s2  }
0x147: {  	p1 =	sne.s32 s14, $0x27;
	s21 =	smov.u32 s14;
	s14 =	sadd.s32 $0x1, s14;
	[tilespmem:s13+$0x0] =	vst v2  }
0x148: {  	[tilespmem:s13+$0x10] =	vst v1;
	v1 =	vld [tilespmem:s13+$0x30]  }
0x149: {  	v0 =	vld.idx.msk [tilespmem:v0+s16+$0x0], $0xffff  }
0x14a: {  	v2 =	vld [tilespmem:s13+$0x20];
	_ =	sdelay $0x4  }
0x14b: {  	v2 =	vmul.f32 v2, v0;
	v0 =	vmul.f32 v1, v0;
	_ =	sdelay $0x1  }
0x14c: {  	[tilespmem:s13+$0x20] =	vst v2  }
0x14d: {  	[tilespmem:s13+$0x30] =	vst v0;
	s13 =	smov.u32 s17  }
0x14e: {  	v0 =	vld [tilespmem:s30+$0x0]  }
0x14f: {  	v1 =	vld [tilespmem:s1+$0x0];
	_ =	sdelay $0x1  }
0x150: {  	v2 =	vld [tilespmem:s2+$0x0];
	_ =	sdelay $0x2  }
0x151: {  	v0 =	vadd.f32 v0, v1;
	_ =	sdelay $0x1  }
0x152: {  	v0 =	vadd.f32 v2, v0;
	_ =	sdelay $0x1  }
0x153: {  	v1 =	vmul.f32 $2.000000030e-01, v0  }
0x154: {  	vm0 =	vgt.f32 v0, $0.0e+00  }
0x155: {  	v0 =	vsel vm0, v0, v1  }
0x156: {  	v0 =	vmul.f32 $1.442695020e+00, v0;
	_ =	sdelay $0x1  }
0x157: {  	(erf) = vpow2.f32 v0;
	_ =	sdelay $0x4  }
0x158: {  	s21 =	sshll.u32 s21, $0x4  }
0x159: {  	v0 =	vmov s21;
	_ =	sdelay $0x2  }
0x15a: {  	v1 =	vpop (erf)  }
0x15b: {  	[tilespmem:s15+$0x0] =	vst v1  }
0x15c: {  	v1 =	vld.idx.msk [tilespmem:v0+s16+$0x0], $0xffff  }
0x15d: {  	v2 =	vld [tilespmem:s17+$0xFFFFFFC0]  }
0x15e: {  	v3 =	vld [tilespmem:s17+$0xFFFFFFD0];
	_ =	sdelay $0x2  }
0x15f: {  	v4 =	vor.u32 $0x1, v0  }
0x160: {  	v2 =	vmul.f32 v2, v1  }
0x161: {  	v1 =	vmul.f32 v3, v1  }
0x162: {  	[tilespmem:s17+$0xFFFFFFC0] =	vst v2  }
0x163: {  	[tilespmem:s17+$0xFFFFFFD0] =	vst v1;
	v1 =	vld [tilespmem:s17+$0xFFFFFFF0]  }
0x164: {  	v2 =	vld.idx.msk [tilespmem:v4+s16+$0x0], $0xffff  }
0x165: {  	v3 =	vld [tilespmem:s17+$0xFFFFFFE0];
	_ =	sdelay $0x3  }
0x166: {  	v4 =	vor.u32 $0x2, v0  }
0x167: {  	v1 =	vmul.f32 v1, v2;
	v3 =	vmul.f32 v3, v2;
	_ =	sdelay $0x1  }
0x168: {  	[tilespmem:s17+$0xFFFFFFE0] =	vst v3  }
0x169: {  	[tilespmem:s17+$0xFFFFFFF0] =	vst v1;
	v1 =	vld [tilespmem:s17+$0x10]  }
0x16a: {  	v3 =	vld.idx.msk [tilespmem:v4+s16+$0x0], $0xffff  }
0x16b: {  	v2 =	vld [tilespmem:s17+$0x0]  }
.Ltmp8:
0x16c: {  	(pc) =	sbr.rel @p1 .LBB2_11-.Ltmp8, $3  }
0x16d: {  	_ =	sdelay $0x1  }
0x16e: {  	v0 =	vor.u32 $0x3, v0  }
0x16f: {  	s15 =	sadd.s32 $0x10, s15;
	s17 =	sadd.s32 $0x80, s17;
	v1 =	vmul.f32 v1, v3;
	v2 =	vmul.f32 v2, v3  }
0x170: {  	_ =	sdelay $0x1  }
0x171: {  	[tilespmem:s13+$0x0] =	vst v2  }
0x172: {  	v62 =	vld [tilespmem:s13+$0x20];
	[tilespmem:s13+$0x10] =	vst v1  }
0x173: {  	v0 =	vld.idx.msk [tilespmem:v0+s16+$0x0], $0xffff  }
0x174: {  	v63 =	vld [tilespmem:s13+$0x30];
	_ =	sdelay $0x3  }
0x175: {  	v1 =	vmul.f32 v62, v0  }
0x176: {  	v0 =	vmul.f32 v63, v0  }
.Ltmp9:
0x177: {  	[tilespmem:s13+$0x20] =	vst v1;
	(pc) =	sbr.rel .LBB2_13-.Ltmp9, $4  }
0x178: {  	s1 =	rddreg [dreg:$0x2];
	s2 =	simm.s32 $0x19C58;
	[tilespmem:s13+$0x30] =	vst v0  }
0x179: {  	[spmem:s1] =	stream.indirect.scatter.add.f32 [tilespmem:s16], [sflag:$0x11], $0x10, s2, s31, $0xb8;
	[tilespmem:$0x1BA80] =	vst v63  }
0x17a: {  	s21 =	rddreg [dreg:$0x1];
	s30 =	simm.s32 $0x1A680  }
0x17b: {  	[spmem:s21] =	stream.indirect.scatter.add.f32 [tilespmem:s30], [sflag:$0x12], $0x80, s2, s31, $0xb8;
	[tilespmem:$0x1BA80] =	vst v63  }
.LBB2_4:
0x17c: {  	s2 =	simm.s32 @!p1 $0xB  }
0x17d: {  	_ =	swait.ge @!p1 [sflag:s2], $0x280  }
0x17e: {  	[sflag:s2] =	ssyncset.done @!p1 $0x0  }
0x17f: {  	[sflag:s2] =	ssyncadd.s32 @!p1 $0xFFFFFD80;
	s2 =	simm.s32 @!p1 $0xC  }
0x180: {  	p2 =	por p1, !p2;
	_ =	swait.ge @!p1 [sflag:s2], $0x1400  }
0x181: {  	s1 =	sadd.s32 @p2 s1, s22;
	[sflag:s2] =	ssyncset.done @!p1 $0x0  }
0x182: {  	[sflag:s2] =	ssyncadd.s32 @!p1 $0xFFFFEC00;
	s2 =	sshrl.u32 @p2 s1, $0x3  }
0x183: {  	s14 =	simm.s32 @p2 $0x17DE0;
	s1 =	sshll.u32 @p2 s1, $0x1;
	s13 =	sadd.s32 @p2 s5, s2  }
0x184: {  	[tilespmem:s14], [sflag:$0x7] =	stream.linear.gather @p2 [hbm4b:s13+s4], $0x28, $0x38;
	[tilespmem:$0x1BA80] =	vst v63  }
0x185: {  	s2 =	sadd.s32 @p2 s6, s2;
	s1 =	sand.u32 @p2 $0x1FFFFFF0, s1  }
0x186: {  	[tilespmem:s26], [sflag:$0x7] =	stream.linear.gather @p2 [hbm4b:s2+s4], $0x28, $0x38;
	[tilespmem:$0x1BA80] =	vst v63  }
0x187: {  	s1 =	sadd.s32 @p2 s7, s1;
	s2 =	simm.s32 @p2 $0x17E30  }
0x188: {  	[tilespmem:s2], [sflag:$0x7] =	stream.linear.gather @p2 [hbm4b:s1+s4], $0x280, $0x38;
	[tilespmem:$0x1BA80] =	vst v63  }
0x189: {  	_ =	swait.ge @p2 [sflag:s29], $0x28  }
0x18a: {  	[sflag:s29] =	ssyncset.done @p2 $0x0  }
0x18b: {  	[sflag:s29] =	ssyncadd.s32 @p2 $0xFFFFFFD8  }
0x18c: {  	_ =	swait.ge @p2 [sflag:s29], $0x28  }
0x18d: {  	[sflag:s29] =	ssyncset.done @p2 $0x0  }
0x18e: {  	[sflag:s29] =	ssyncadd.s32 @p2 $0xFFFFFFD8  }
0x18f: {  	_ =	swait.ge @p2 [sflag:s29], $0x280  }
0x190: {  	[sflag:s29] =	ssyncset.done @p2 $0x0  }
0x191: {  	s1 =	simm.s32 @p2 $0x180B0;
	[sflag:s29] =	ssyncadd.s32 @p2 $0xFFFFFD80  }
0x192: {  	[tilespmem:s1], [sflag:$0x8] =	stream.indirect.gather @p2 [hbm4b:s8+s31], $0x10, s14, s31, $0xb8;
	[tilespmem:$0x1BA80] =	vst v63  }
0x193: {  	s1 =	simm.s32 @p2 $0x18330  }
0x194: {  	[tilespmem:s1], [sflag:$0x9] =	stream.indirect.gather @p2 [hbm4b:s9+s31], $0x10, s26, s31, $0xb8;
	[tilespmem:$0x1BA80] =	vst v63  }
0x195: {  	s1 =	simm.s32 @p2 $0x18830  }
0x196: {  	[tilespmem:s1], [sflag:$0xA] =	stream.indirect.gather @p2 [hbm4b:s10+s31], $0x80, s14, s31, $0xb8;
	[tilespmem:$0x1BA80] =	vst v63  }
0x197: {  	_ =	swait.ge [sflag:s19], $0x280  }
0x198: {  	[sflag:s19] =	ssyncset.done $0x0  }
0x199: {  	[sflag:s19] =	ssyncadd.s32 $0xFFFFFD80  }
0x19a: {  	_ =	swait.ge [sflag:s0], $0x280  }
0x19b: {  	[sflag:s0] =	ssyncset.done $0x0  }
0x19c: {  	[sflag:s0] =	ssyncadd.s32 $0xFFFFFD80  }
0x19d: {  	_ =	swait.ge [sflag:s3], $0x1400  }
0x19e: {  	[sflag:s3] =	ssyncset.done $0x0  }
0x19f: {  	s30 =	simm.s32 $0x164E0;
	[sflag:s3] =	ssyncadd.s32 $0xFFFFEC00  }
0x1a0: {  	s1 =	simm.s32 $0x16260;
	v0 =	vld [tilespmem:s30+$0x0]  }
0x1a1: {  	v1 =	vld [tilespmem:s1+$0x0]  }
0x1a2: {  	s2 =	simm.s32 $0x15FE0  }
0x1a3: {  	v2 =	vld [tilespmem:s2+$0x0];
	_ =	sdelay $0x2  }
0x1a4: {  	v0 =	vadd.f32 v0, v1;
	_ =	sdelay $0x1  }
0x1a5: {  	v0 =	vadd.f32 v2, v0;
	_ =	sdelay $0x1  }
0x1a6: {  	v1 =	vmul.f32 $2.000000030e-01, v0  }
0x1a7: {  	vm0 =	vgt.f32 v0, $0.0e+00  }
0x1a8: {  	v0 =	vsel vm0, v0, v1  }
0x1a9: {  	v0 =	vmul.f32 $1.442695020e+00, v0;
	_ =	sdelay $0x1  }
0x1aa: {  	(erf) = vpow2.f32 v0;
	_ =	sdelay $0x4  }
0x1ab: {  	s17 =	simm.s32 $0x0  }
0x1ac: {  	v0 =	vmov s17;
	_ =	sdelay $0x2  }
0x1ad: {  	s21 =	simm.s32 $0x16760;
	v1 =	vpop (erf)  }
0x1ae: {  	[tilespmem:s21+$0x0] =	vst v1  }
0x1af: {  	s13 =	simm.s32 $0x16A20;
	v1 =	vld.idx.msk [tilespmem:v0+s18+$0x0], $0xffff  }
0x1b0: {  	v2 =	vld [tilespmem:s13+$0xFFFFFFC0]  }
0x1b1: {  	v3 =	vld [tilespmem:s13+$0xFFFFFFD0];
	_ =	sdelay $0x2  }
0x1b2: {  	v4 =	vor.u32 $0x1, v0  }
0x1b3: {  	v2 =	vmul.f32 v2, v1  }
0x1b4: {  	v1 =	vmul.f32 v3, v1  }
0x1b5: {  	v3 =	vld [tilespmem:s13+$0xFFFFFFF0];
	[tilespmem:s13+$0xFFFFFFC0] =	vst v2  }
0x1b6: {  	[tilespmem:s13+$0xFFFFFFD0] =	vst v1;
	v2 =	vld [tilespmem:s13+$0xFFFFFFE0]  }
0x1b7: {  	v1 =	vld.idx.msk [tilespmem:v4+s18+$0x0], $0xffff;
	_ =	sdelay $0x3  }
0x1b8: {  	v63 =	vor.u32 $0x2, v0  }
0x1b9: {  	v2 =	vmul.f32 v2, v1;
	v1 =	vmul.f32 v3, v1;
	_ =	sdelay $0x1  }
0x1ba: {  	[tilespmem:s13+$0xFFFFFFF0] =	vst v1;
	v1 =	vld [tilespmem:s13+$0x10]  }
0x1bb: {  	[tilespmem:s13+$0xFFFFFFE0] =	vst v2;
	v2 =	vld [tilespmem:s13+$0x0]  }
0x1bc: {  	v3 =	vld.idx.msk [tilespmem:v63+s18+$0x0], $0xffff;
	_ =	sdelay $0x3  }
0x1bd: {  	v0 =	vor.u32 $0x3, v0  }
0x1be: {  	s15 =	simm.s32 $0x16770;
	s14 =	simm.s32 $0x1;
	s17 =	simm.s32 $0x16AA0;
	v2 =	vmul.f32 v2, v3;
	v1 =	vmul.f32 v1, v3  }
.LBB2_5:
0x1bf: {  	s1 =	sadd.s32 $0x10, s1;
	s30 =	sadd.s32 $0x10, s30;
	s2 =	sadd.s32 $0x10, s2  }
0x1c0: {  	p1 =	sne.s32 s14, $0x27;
	s21 =	smov.u32 s14;
	s14 =	sadd.s32 $0x1, s14;
	[tilespmem:s13+$0x0] =	vst v2  }
0x1c1: {  	[tilespmem:s13+$0x10] =	vst v1;
	v1 =	vld [tilespmem:s13+$0x30]  }
0x1c2: {  	v0 =	vld.idx.msk [tilespmem:v0+s18+$0x0], $0xffff  }
0x1c3: {  	v2 =	vld [tilespmem:s13+$0x20];
	_ =	sdelay $0x4  }
0x1c4: {  	v2 =	vmul.f32 v2, v0;
	v0 =	vmul.f32 v1, v0;
	_ =	sdelay $0x1  }
0x1c5: {  	[tilespmem:s13+$0x20] =	vst v2  }
0x1c6: {  	[tilespmem:s13+$0x30] =	vst v0;
	s13 =	smov.u32 s17  }
0x1c7: {  	v0 =	vld [tilespmem:s30+$0x0]  }
0x1c8: {  	v1 =	vld [tilespmem:s1+$0x0];
	_ =	sdelay $0x1  }
0x1c9: {  	v2 =	vld [tilespmem:s2+$0x0];
	_ =	sdelay $0x2  }
0x1ca: {  	v0 =	vadd.f32 v0, v1;
	_ =	sdelay $0x1  }
0x1cb: {  	v0 =	vadd.f32 v2, v0;
	_ =	sdelay $0x1  }
0x1cc: {  	v1 =	vmul.f32 $2.000000030e-01, v0  }
0x1cd: {  	vm0 =	vgt.f32 v0, $0.0e+00  }
0x1ce: {  	v0 =	vsel vm0, v0, v1  }
0x1cf: {  	v0 =	vmul.f32 $1.442695020e+00, v0;
	_ =	sdelay $0x1  }
0x1d0: {  	(erf) = vpow2.f32 v0;
	_ =	sdelay $0x4  }
0x1d1: {  	s21 =	sshll.u32 s21, $0x4  }
0x1d2: {  	v0 =	vmov s21;
	_ =	sdelay $0x2  }
0x1d3: {  	v1 =	vpop (erf)  }
0x1d4: {  	[tilespmem:s15+$0x0] =	vst v1  }
0x1d5: {  	v1 =	vld.idx.msk [tilespmem:v0+s18+$0x0], $0xffff  }
0x1d6: {  	v2 =	vld [tilespmem:s17+$0xFFFFFFC0]  }
0x1d7: {  	v3 =	vld [tilespmem:s17+$0xFFFFFFD0];
	_ =	sdelay $0x2  }
0x1d8: {  	v4 =	vor.u32 $0x1, v0  }
0x1d9: {  	v2 =	vmul.f32 v2, v1  }
0x1da: {  	v1 =	vmul.f32 v3, v1  }
0x1db: {  	[tilespmem:s17+$0xFFFFFFC0] =	vst v2  }
0x1dc: {  	[tilespmem:s17+$0xFFFFFFD0] =	vst v1;
	v1 =	vld [tilespmem:s17+$0xFFFFFFF0]  }
0x1dd: {  	v2 =	vld.idx.msk [tilespmem:v4+s18+$0x0], $0xffff  }
0x1de: {  	v3 =	vld [tilespmem:s17+$0xFFFFFFE0];
	_ =	sdelay $0x3  }
0x1df: {  	v4 =	vor.u32 $0x2, v0  }
0x1e0: {  	v1 =	vmul.f32 v1, v2;
	v3 =	vmul.f32 v3, v2;
	_ =	sdelay $0x1  }
0x1e1: {  	[tilespmem:s17+$0xFFFFFFE0] =	vst v3  }
0x1e2: {  	[tilespmem:s17+$0xFFFFFFF0] =	vst v1;
	v1 =	vld [tilespmem:s17+$0x10]  }
0x1e3: {  	v3 =	vld.idx.msk [tilespmem:v4+s18+$0x0], $0xffff  }
0x1e4: {  	v2 =	vld [tilespmem:s17+$0x0]  }
.Ltmp10:
0x1e5: {  	(pc) =	sbr.rel @p1 .LBB2_5-.Ltmp10, $3  }
0x1e6: {  	_ =	sdelay $0x1  }
0x1e7: {  	v0 =	vor.u32 $0x3, v0  }
0x1e8: {  	s15 =	sadd.s32 $0x10, s15;
	s17 =	sadd.s32 $0x80, s17;
	v1 =	vmul.f32 v1, v3;
	v2 =	vmul.f32 v2, v3  }
0x1e9: {  	_ =	sdelay $0x1  }
0x1ea: {  	[tilespmem:s13+$0x0] =	vst v2  }
0x1eb: {  	v62 =	vld [tilespmem:s13+$0x20];
	[tilespmem:s13+$0x10] =	vst v1  }
0x1ec: {  	v0 =	vld.idx.msk [tilespmem:v0+s18+$0x0], $0xffff  }
0x1ed: {  	v63 =	vld [tilespmem:s13+$0x30];
	_ =	sdelay $0x3  }
0x1ee: {  	v1 =	vmul.f32 v62, v0  }
0x1ef: {  	v0 =	vmul.f32 v63, v0  }
.Ltmp11:
0x1f0: {  	[tilespmem:s13+$0x20] =	vst v1;
	(pc) =	sbr.rel .LBB2_13-.Ltmp11, $4  }
0x1f1: {  	s1 =	rddreg [dreg:$0x2];
	s2 =	simm.s32 $0x15FB8;
	[tilespmem:s13+$0x30] =	vst v0  }
0x1f2: {  	[spmem:s1] =	stream.indirect.scatter.add.f32 [tilespmem:s18], [sflag:$0x5], $0x10, s2, s31, $0xb8;
	[tilespmem:$0x1BA80] =	vst v63  }
0x1f3: {  	s21 =	rddreg [dreg:$0x1];
	s30 =	simm.s32 $0x169E0  }
0x1f4: {  	[spmem:s21] =	stream.indirect.scatter.add.f32 [tilespmem:s30], [sflag:$0x6], $0x80, s2, s31, $0xb8;
	[tilespmem:$0x1BA80] =	vst v63  }
.LBB2_15:
0x1f5: {  	_ =	sfence.sel $0x180000  }
0x1f6: {  	[bflag:$0x0] =	sbarrier.arrive $0xFFFF  }
0x1f7: {  	_ =	strace $0x90000047  }
0x1f8: {  	s0 =	stileid.u32;
	[bflag:$0x2] =	sbarrier.arrive $0xFFFF  }
0x1f9: {  	p0 =	sne.s32 s0, $0x0;
	s0 =	rddreg [dreg:$0x3]  }
0x1fa: {  	s0 =	sadd.s32 @!p0 $0x100000, s0  }
0x1fb: {  	[sflag:s0] =	ssyncadd.tile.s32 @!p0 $0x1;
	_ =	shalt  }
.Lfunc_end2:
_tile_overlayer_lowered:
.L_overlay_start_2:
0x1fc: {  	(tag) =	ssettag $0x2  }
0x1fd: {  	s0 =	rddreg [dreg:$0x0];
	s2 =	stileid.u32  }
0x1fe: {  	s1 =	rddreg [dreg:$0x1];
	p0 =	sne.s32 s2, $0x0  }
0x1ff: {  	s3 =	rddreg [dreg:$0x2];
	[bflag:$0x3] =	sbarrier.arrive $0xFFFF;
	s2 =	simm.s32 @!p0 $0x1C13  }
0x200: {  	[timem:s3], [sflag:s2] =	dma.local @!p0 [hbm:s0], s1  }
0x201: {  	s0 =	simm.s32 @!p0 $0x13  }
0x202: {  	_ =	swait.ge @!p0 [sflag:s0], s1  }
0x203: {  	s1 =	ssub.s32 @!p0 $0x0, s1;
	[sflag:s0] =	ssyncset.done @!p0 $0x0  }
0x204: {  	[sflag:s0] =	ssyncadd.s32 @!p0 s1  }
0x205: {  	[bflag:$0x3] =	sbarrier.arrive $0xFFFF  }
0x206: {  	_ =	shalt  }

// kernel: kernel.17.cloned.1.call-start
scs
__scs_entry_jumppad:
0x0: {  	(pc) =	sbr.rel $0x88, $3  }
0x1: {  	(tag) =	ssettag $0x0;
	lr =	simm.s32 $0x1  }
0x2: {  	[smem:$0x3F84] =	sst lr;
	_ =	strace $0xD0000000  }
0x3: {  	_ = 	snop  }
0x4: {  	_ = 	snop  }
0x5: {  	_ = 	snop  }
0x6: {  	_ = 	snop  }
0x7: {  	_ = 	snop  }
__scs_overlays_trampoline_lowered:
0x8: {  	[smem:$0x3F93] =	sst s0  }
0x9: {  	[smem:$0x3F94] =	sst s1  }
0xa: {  	[smem:$0x3F95] =	sst s2  }
0xb: {  	[smem:$0x3F96] =	sst s3  }
0xc: {  	[smem:$0x3F97] =	sst s4  }
0xd: {  	[smem:$0x3F98] =	sst s5  }
0xe: {  	[smem:$0x3F99] =	sst s6  }
0xf: {  	[smem:$0x3F9A] =	sst s7  }
0x10: {  	[smem:$0x3F9B] =	sst s8  }
0x11: {  	[smem:$0x3F9C] =	sst s9;
	s0 =	simm.s32 @!p0 $0x0  }
0x12: {  	s1 =	sld [smem:$0x3F82];
	s0 =	simm.s32 @p0 $0x1  }
0x13: {  	[smem:$0x3F9D] =	sst s0;
	s0 =	simm.s32 @!p1 $0x0  }
0x14: {  	s2 =	sld [smem:$0x3F81];
	s0 =	simm.s32 @p1 $0x1  }
0x15: {  	[smem:$0x3F9E] =	sst s0;
	s0 =	simm.s32 @!p2 $0x0  }
0x16: {  	s3 =	sld [smem:$0x3FDB];
	s0 =	simm.s32 @p2 $0x1  }
0x17: {  	s4 =	simm.s32 $0x1BF5;
	[smem:$0x3FA0] =	sst s0  }
0x18: {  	s0 =	sld [smem:$0x3F83];
	_ =	swait.ge [sflag:s4], $0x0  }
0x19: {  	s7 =	sld [smem:$0x3F84]  }
0x1a: {  	s8 =	sadd.s32 $0xFFFFE003, lr  }
0x1b: {  	s9 =	sadd.s32 $0xFFFFFEF7, lr;
	s5 =	simm.s32 $0xFFFFFFFF;
	p2 =	slt.u32 s8, $0xFFFFF086  }
0x1c: {  	p1 =	slt.u32 s9, $0xF7A;
	s5 =	simm.s32 @!p2 $0x0  }
0x1d: {  	s5 =	simm.s32 @p1 $0x1;
	p0 =	seq.s32 s7, s2  }
0x1e: {  	s7 =	smul.u32 @!p0 $0xF7A, s2;
	p2 =	seq.s32 @!p0 s5, $0x0  }
0x1f: {  	s9 =	smul.u32 $0xF7A, s1;
	s8 =	simm.s32 @!p0 $0x1BF5;
	p2 =	por !p2, p0  }
0x20: {  	[sflag:s8] =	ssyncset.s32 @!p0 $0xFFFFF086;
	s6 =	sadd.s32 @!p0 s3, s7;
	s7 =	simm.s32 @!p0 $0x108  }
0x21: {  	s3 =	sadd.s32 s3, s9;
	s6 =	sadd.s32 @!p0 $0x88, s6;
	s7 =	simm.s32 @p2 $0x1082  }
0x22: {  	[simem:s7], [sflag:s8] =	dma.local @!p0 [hbm:s6], $0xF7A  }
0x23: {  	s9 =	sor.u32 $0xD0000000, s2;
	s6 =	simm.s32 $0x108;
	_ =	swait.ge @!p0 [sflag:s8], $0x0  }
0x24: {  	s3 =	sadd.s32 $0x88, s3;
	s6 =	simm.s32 @!p1 $0x1082;
	[sflag:s4] =	ssyncset.s32 $0xFFFFF086  }
0x25: {  	[simem:s6], [sflag:s4] =	dma.local [hbm:s3], $0xF7A  }
0x26: {  	[smem:$0x3F84] =	sst s1;
	(tag) =	ssettag s2;
	_ =	strace s9  }
0x27: {  	s1 =	sld [smem:$0x3F94]  }
0x28: {  	s2 =	sld [smem:$0x3F95]  }
0x29: {  	s4 =	sld [smem:$0x3F97]  }
0x2a: {  	p0 =	seq.s32 s5, $0x0;
	s5 =	sld [smem:$0x3F98]  }
0x2b: {  	s6 =	sld [smem:$0x3F99]  }
0x2c: {  	s7 =	sld [smem:$0x3F9A]  }
0x2d: {  	s3 =	simm.s32 $0x108;
	s8 =	sld [smem:$0x3F9B]  }
0x2e: {  	s3 =	simm.s32 @!p0 $0x1082;
	s9 =	sld [smem:$0x3F9C]  }
0x2f: {  	lr =	sadd.s32 s0, s3;
	s0 =	sld [smem:$0x3F93]  }
0x30: {  	s3 =	sld [smem:$0x3F96]  }
0x31: {  	[smem:$0x3F9F] =	sst s10  }
0x32: {  	s10 =	sld [smem:$0x3F9D];
	_ =	sdelay $0x3  }
0x33: {  	p0 =	seq.s32 s10, $0x1;
	s10 =	sld [smem:$0x3F9F];
	_ =	sdelay $0x3  }
0x34: {  	[smem:$0x3F9F] =	sst s10  }
0x35: {  	s10 =	sld [smem:$0x3F9E];
	_ =	sdelay $0x3  }
0x36: {  	p1 =	seq.s32 s10, $0x1;
	s10 =	sld [smem:$0x3F9F];
	_ =	sdelay $0x3  }
0x37: {  	[smem:$0x3F9F] =	sst s10  }
0x38: {  	s10 =	sld [smem:$0x3FA0]  }
0x39: {  	_ = 	snop;
	(pc) =	sbr.ind lr, $3  }
0x3a: {  	_ = 	snop  }
0x3b: {  	_ = 	snop  }
0x3c: {  	p2 =	seq.s32 s10, $0x1;
	s10 =	sld [smem:$0x3F9F]  }
0x3d: {  	_ =	shalt  }
0x3e: {  	_ =	shalt  }
0x3f: {  	_ =	shalt  }
0x40: {  	_ =	shalt  }
0x41: {  	_ =	shalt  }
0x42: {  	_ =	shalt  }
0x43: {  	_ =	shalt  }
0x44: {  	_ =	shalt  }
0x45: {  	_ =	shalt  }
0x46: {  	_ =	shalt  }
0x47: {  	_ =	shalt  }
0x48: {  	_ =	shalt  }
0x49: {  	_ =	shalt  }
0x4a: {  	_ =	shalt  }
0x4b: {  	_ =	shalt  }
0x4c: {  	_ =	shalt  }
0x4d: {  	_ =	shalt  }
0x4e: {  	_ =	shalt  }
0x4f: {  	_ =	shalt  }
0x50: {  	_ =	shalt  }
0x51: {  	_ =	shalt  }
0x52: {  	_ =	shalt  }
0x53: {  	_ =	shalt  }
0x54: {  	_ =	shalt  }
0x55: {  	_ =	shalt  }
0x56: {  	_ =	shalt  }
0x57: {  	_ =	shalt  }
0x58: {  	_ =	shalt  }
0x59: {  	_ =	shalt  }
0x5a: {  	_ =	shalt  }
0x5b: {  	_ =	shalt  }
0x5c: {  	_ =	shalt  }
0x5d: {  	_ =	shalt  }
0x5e: {  	_ =	shalt  }
0x5f: {  	_ =	shalt  }
0x60: {  	_ =	shalt  }
0x61: {  	_ =	shalt  }
0x62: {  	_ =	shalt  }
0x63: {  	_ =	shalt  }
0x64: {  	_ =	shalt  }
0x65: {  	_ =	shalt  }
0x66: {  	_ =	shalt  }
0x67: {  	_ =	shalt  }
0x68: {  	_ =	shalt  }
0x69: {  	_ =	shalt  }
0x6a: {  	_ =	shalt  }
0x6b: {  	_ =	shalt  }
0x6c: {  	_ =	shalt  }
0x6d: {  	_ =	shalt  }
0x6e: {  	_ =	shalt  }
0x6f: {  	_ =	shalt  }
0x70: {  	_ =	shalt  }
0x71: {  	_ =	shalt  }
0x72: {  	_ =	shalt  }
0x73: {  	_ =	shalt  }
0x74: {  	_ =	shalt  }
0x75: {  	_ =	shalt  }
0x76: {  	_ =	shalt  }
0x77: {  	_ =	shalt  }
0x78: {  	_ =	shalt  }
0x79: {  	_ =	shalt  }
0x7a: {  	_ =	shalt  }
0x7b: {  	_ =	shalt  }
0x7c: {  	_ =	shalt  }
0x7d: {  	_ =	shalt  }
0x7e: {  	_ =	shalt  }
0x7f: {  	_ =	shalt  }
0x80: {  	_ =	shalt  }
0x81: {  	_ =	shalt  }
0x82: {  	_ =	shalt  }
0x83: {  	_ =	shalt  }
0x84: {  	_ =	shalt  }
0x85: {  	_ =	shalt  }
0x86: {  	_ =	shalt  }
0x87: {  	_ =	shalt  }
.Lfunc_end0:
.L_simem_size_0:
called_computation.1_lowered:
.L_overlay_start_0:
0x88: {  	s2 =	sld [smem:$0x3FD9]  }
0x89: {  	s3 =	sld [smem:$0x3FFE];
	_ =	sdelay $0x1  }
0x8a: {  	s1 =	srdreg.scid  }
0x8b: {  	s0 =	sand.u32 $0x1, s1  }
0x8c: {  	s16 =	sshll.u32 s0, $0xA;
	s2 =	sadd.s32 s3, s2  }
0x8d: {  	s2 =	sadd.s32 s2, s16  }
0x8e: {  	[smem:$0x3FAB] =	sst s2  }
0x8f: {  	_ = 	snop  }
0x90: {  	(tm) =	ssettm $0x1  }
0x91: {  	s17 =	sld [smem:$0x3FFB];
	_ =	sdelay $0x3  }
0x92: {  	_ =	strace s17  }
0x93: {  	s2 =	sld [smem:$0x3FFC];
	_ =	sdelay $0x3  }
0x94: {  	_ =	strace s2  }
0x95: {  	s2 =	sld [smem:$0x3FFD];
	_ =	sdelay $0x3  }
0x96: {  	_ =	strace s2  }
0x97: {  	_ =	strace $0x8FFFFFFF  }
0x98: {  	s18 =	sld [smem:$0x3FDB];
	_ =	sdelay $0x1  }
0x99: {  	s19 =	simm.s32 $_scs_section_size  }
0x9a: {  	s4 =	simm.s32 $_size__tile_overlayer_lowered;
	s5 =	simm.s32 $_tile_overlayer_lowered  }
0x9b: {  	s22 =	simm.s32 $0x1BFF;
	s21 =	sshll.u32 s5, $0x1;
	s2 =	sadd.s32 s19, s18  }
0x9c: {  	s6 =	simm.s32 $0x0;
	s20 =	sshll.u32 s4, $0x1;
	s4 =	sadd.s32 s21, s2  }
0x9d: {  	[timem:s6], [sflag:s22] =	dma.local [hbm:s4], s20  }
0x9e: {  	_ =	swait.ge [sflag:s22], s20  }
0x9f: {  	s3 =	ssub.s32 $0x0, s20;
	[sflag:s22] =	ssyncset.done $0x0  }
0xa0: {  	[sflag:s22] =	ssyncadd.s32 s3;
	_ =	sdelay $0x1  }
0xa1: {  	s23 =	simm.s32 $0x1B8B  }
0xa2: {  	_ =	swait.ge [sflag:s23], $0x1  }
0xa3: {  	[sflag:s23] =	ssyncset.done $0x0  }
0xa4: {  	s25 =	simm.s32 $0x1B8E;
	s24 =	sld [smem:$0x3FFE];
	[sflag:s23] =	ssyncadd.s32 $0xFFFFFFFF  }
0xa5: {  	s26 =	simm.s32 $execute0_lowered;
	[smem:$0x3FD2] =	sst s25  }
0xa6: {  	s4 =	sshll.u32 s26, $0x1;
	_ =	strace $0x80000049;
	[dreg:$0x1] =	wrdreg $0xFFFFFFFF  }
0xa7: {  	s28 =	simm.s32 $_size_execute0_lowered;
	s2 =	sadd.s32 s2, s4;
	[dreg:$0x0] =	wrdreg $0x0  }
0xa8: {  	s4 =	sshll.u32 s28, $0x1;
	[dreg:$0x2] =	wrdreg s2  }
0xa9: {  	[dreg:$0x3] =	wrdreg s4  }
0xaa: {  	[dreg:$0x4] =	wrdreg $0xC0  }
0xab: {  	_ =	task [dreg:s6], $0x5FFFF  }
0xac: {  	[dreg:$0x1] =	wrdreg $0xFFFFFFFF  }
0xad: {  	[dreg:$0x0] =	wrdreg $0x60  }
0xae: {  	[dreg:$0x2] =	wrdreg s24  }
0xaf: {  	[dreg:$0x3] =	wrdreg $0x0  }
0xb0: {  	[dreg:$0x4] =	wrdreg $0x138800  }
0xb1: {  	[dreg:$0x5] =	wrdreg $0x9  }
0xb2: {  	_ =	task.clear_ibuf [dreg:s6], $0x6FFFF;
	_ =	strace $0x90000049  }
0xb3: {  	s29 =	simm.s32 $0x9;
	_ =	strace $0x8000004B  }
0xb4: {  	_ =	swait.ge [sflag:s29], $0x1  }
0xb5: {  	[sflag:s29] =	ssyncadd.s32 $0xFFFFFFFF  }
0xb6: {  	_ =	strace $0x9000004B  }
0xb7: {  	_ =	sfence  }
0xb8: {  	s30 =	sld [smem:$0x0];
	_ =	sdelay $0x2  }
0xb9: {  	s31 =	sshll.u32 s1, $0xD;
	s1 =	sshrl.u32 s1, $0x2  }
0xba: {  	s3 =	sand.u32 $0x4000, s31;
	s1 =	sadd.s32 s1, s30  }
0xbb: {  	s0 =	sor.u32 s3, s0;
	s1 =	sshll.u32 s1, $0x11  }
0xbc: {  	s0 =	sor.u32 s1, s0  }
0xbd: {  	s0 =	sadd.s32 $0x8F2B, s0  }
0xbe: {  	[sflag:s0] =	ssyncadd.remote.s32 $0x1  }
0xbf: {  	_ =	sfence.sel $0xFFFF  }
0xc0: {  	[dreg:$0x0] =	wrdreg $0xFFFFFFFF;
	(pc) =	sbr.abs _section_cstart, $3  }
0xc1: {  	[dreg:$0x1] =	wrdreg $0xFFFFFFFF  }
0xc2: {  	_ =	task.clear_ibuf [dreg:s6], $0x2FFFF;
	_ =	strace $0x9FFFFFFF  }
0xc3: {  	(tm) =	ssettm $0x7FFFFFFF  }
tec
execute0_lowered:
.L_overlay_start_1:
0x0: {  	(tag) =	ssettag $0x1  }
0x1: {  	s0 =	rddreg [dreg:$0x0]  }
0x2: {  	s18 =	rddreg [dreg:$0x1]  }
0x3: {  	s19 =	rddreg [dreg:$0x2];
	s4 =	simm.s32 $0x0  }
0x4: {  	s20 =	stileid.u32;
	s3 =	srdreg.scid;
	s31 =	simm.s32 $0x28  }
0x5: {  	s29 =	simm.s32 $0x7;
	[smem:$0x7FF] =	sst s4;
	s5 =	sadd.s32 $0x21C00, s0  }
0x6: {  	s6 =	sadd.s32 $0x17E00, s0;
	s7 =	sadd.s32 $0x199A00, s0;
	s1 =	smul.u32 $0x13C00, s20  }
0x7: {  	s8 =	sadd.s32 $0xDA00, s0;
	s2 =	smul.u32 $0x2780, s20;
	s9 =	sadd.s32 $0x8A00, s0  }
0x8: {  	s10 =	sadd.s32 $0x2BA00, s0;
	s3 =	sand.u32 $0x1, s3;
	s15 =	sadd.s32 $0xCC800, s0  }
0x9: {  	s16 =	sadd.s32 $0x52C00, s0;
	s30 =	sadd.s32 $0xCA680, s0;
	p0 =	seq.s32 s20, $0xF  }
0xa: {  	_ =	strace $0x8000004A;
	s13 =	ssub.s32 $0x2, s3;
	s17 =	smul.u32 $0x138800, s3  }
0xb: {  	s24 =	sshll.u32 s3, $0x4;
	[dreg:$0x8] =	wrdreg s30;
	s3 =	smul.u32 $0x27100, s3  }
0xc: {  	s30 =	sadd.s32 $0x25080, s19;
	s11 =	sshrl.u32 s1, $0x3;
	s12 =	sshrl.u32 s2, $0x3  }
0xd: {  	s14 =	sshrl.u32 s13, $0x1;
	s23 =	sadd.s32 s1, s18;
	s25 =	sadd.s32 s2, s19  }
0xe: {  	s26 =	sor.u32 s20, s24;
	[dreg:$0x13] =	wrdreg s30;
	s20 =	simm.s32 $0xD  }
0xf: {  	s19 =	simm.s32 $0x2;
	s11 =	sadd.s32 s11, s0;
	[dreg:$0x4] =	wrdreg s23  }
0x10: {  	s12 =	sadd.s32 s12, s0;
	s13 =	ssub.s32 s13, s14;
	[dreg:$0x6] =	wrdreg s25  }
0x11: {  	s28 =	smul.u32 $0x2710, s26;
	s1 =	sadd.s32 s1, s17;
	s0 =	sadd.s32 $0x17410, s0  }
0x12: {  	s14 =	sshrl.u32 s17, $0x3;
	s2 =	sadd.s32 s2, s3;
	s3 =	sshrl.u32 s3, $0x3  }
0x13: {  	s11 =	sadd.s32 $0xA5600, s11;
	s12 =	sadd.s32 $0x12A00, s12;
	s1 =	sshrl.u32 s1, $0x3  }
0x14: {  	[dreg:$0x9] =	wrdreg s0;
	s0 =	sadd.s32 s15, s14;
	s2 =	sshrl.u32 s2, $0x3  }
0x15: {  	s21 =	sadd.s32 s16, s3;
	s3 =	simm.s32 $0x4;
	[dreg:$0x5] =	wrdreg s11  }
0x16: {  	[dreg:$0x7] =	wrdreg s12;
	s1 =	sadd.s32 s15, s1;
	s17 =	sshrl.u32 s28, $0x3  }
0x17: {  	s11 =	smul.u32 $0x4E20, s26;
	s2 =	sadd.s32 s16, s2;
	s22 =	sadd.s32 $0x28, s28  }
0x18: {  	s0 =	sadd.s32 $0x25080, s0;
	s25 =	sadd.s32 $0x4A10, s21;
	[dreg:$0xa] =	wrdreg s1  }
0x19: {  	s26 =	smax.u32 s13, $0x1;
	s28 =	sadd.s32 $0x128400, s18;
	[dreg:$0xb] =	wrdreg s2  }
0x1a: {  	s12 =	simm.s32 $0x6;
	s16 =	simm.s32 $0x1A400;
	[dreg:$0xf] =	wrdreg s0  }
0x1b: {  	s18 =	simm.s32 $0x16760;
	s13 =	simm.s32 $0x0;
	[dreg:$0x10] =	wrdreg s25  }
.Ltmp0:
0x1c: {  	s23 =	sadd.s32 s5, s17;
	[dreg:$0x11] =	wrdreg s26;
	(pc) =	sbr.rel .LBB2_1-.Ltmp0, $4  }
0x1d: {  	s1 =	sadd.s32 s6, s17;
	[dreg:$0x12] =	wrdreg s28;
	s25 =	simm.s32 $0x185B0  }
0x1e: {  	s26 =	simm.s32 $0x17E08;
	s0 =	simm.s32 $0x3;
	[dreg:$0xc] =	wrdreg s23  }
0x1f: {  	[dreg:$0xd] =	wrdreg s1;
	s24 =	sadd.s32 s7, s11;
	s11 =	simm.s32 $0x5  }
0x20: {  	s23 =	simm.s32 $0x9;
	[dreg:$0xe] =	wrdreg s24;
	s24 =	simm.s32 $0xA  }
.LBB2_14:
0x21: {  	s1 =	simm.s32 $0x11  }
0x22: {  	_ =	swait.ge [sflag:s1], $0x280  }
0x23: {  	[sflag:s1] =	ssyncset.done $0x0  }
0x24: {  	s21 =	simm.s32 $0x12;
	[sflag:s1] =	ssyncadd.s32 $0xFFFFFD80  }
0x25: {  	_ =	swait.ge [sflag:s21], $0x1400  }
0x26: {  	[sflag:s21] =	ssyncset.done $0x0  }
0x27: {  	[sflag:s21] =	ssyncadd.s32 $0xFFFFEC00  }
0x28: {  	_ =	swait.ge [sflag:s11], $0x280  }
0x29: {  	[sflag:s11] =	ssyncset.done $0x0  }
0x2a: {  	[sflag:s11] =	ssyncadd.s32 $0xFFFFFD80  }
0x2b: {  	_ =	swait.ge [sflag:s12], $0x1400  }
0x2c: {  	[sflag:s12] =	ssyncset.done $0x0  }
0x2d: {  	[sflag:s12] =	ssyncadd.s32 $0xFFFFEC00  }
0x2e: {  	[bflag:$0x0] =	sbarrier.arrive $0xFFFF  }
0x2f: {  	s2 =	rddreg [dreg:$0xf]  }
0x30: {  	s1 =	simm.s32 @p0 $0x1FD3;
	s13 =	rddreg [dreg:$0x16]  }
0x31: {  	[hbm:s2], [sflag:s1] =	dma.local @p0 [spmem:s13], $0x2080  }
0x32: {  	s2 =	simm.s32 @p0 $0x13  }
0x33: {  	_ =	swait.ge @p0 [sflag:s2], $0x2080  }
0x34: {  	[sflag:s2] =	ssyncset.done @p0 $0x0;
	s13 =	rddreg [dreg:$0x10]  }
0x35: {  	s14 =	rddreg [dreg:$0x17];
	[sflag:s2] =	ssyncadd.s32 @p0 $0xFFFFDF80  }
0x36: {  	[hbm:s13], [sflag:s1] =	dma.local @p0 [spmem:s14], $0x410  }
0x37: {  	_ =	swait.ge @p0 [sflag:s2], $0x410  }
0x38: {  	s1 =	rddreg [dreg:$0xa]  }
0x39: {  	[sflag:s2] =	ssyncset.done @p0 $0x0;
	s13 =	rddreg [dreg:$0x15]  }
0x3a: {  	[sflag:s2] =	ssyncadd.s32 @p0 $0xFFFFFBF0;
	s2 =	rddreg [dreg:$0x18]  }
0x3b: {  	[hbm:s1], [sflag:s13] =	dma.local @!p0 [spmem:s2], $0x2780  }
0x3c: {  	s1 =	simm.s32 @!p0 $0x13  }
0x3d: {  	_ =	swait.ge @!p0 [sflag:s1], $0x2780  }
0x3e: {  	[sflag:s1] =	ssyncset.done @!p0 $0x0;
	s2 =	rddreg [dreg:$0xb]  }
0x3f: {  	s14 =	rddreg [dreg:$0x19];
	[sflag:s1] =	ssyncadd.s32 @!p0 $0xFFFFD880  }
0x40: {  	[hbm:s2], [sflag:s13] =	dma.local @!p0 [spmem:s14], $0x4F0  }
0x41: {  	_ =	swait.ge @!p0 [sflag:s1], $0x4F0  }
0x42: {  	s28 =	rddreg [dreg:$0x14]  }
0x43: {  	s30 =	rddreg [dreg:$0x11];
	s13 =	sadd.s32 $0x1, s28  }
0x44: {  	p1 =	sne.s32 s13, s30  }
.Ltmp1:
0x45: {  	_ = 	snop;
	(pc) =	sbr.rel @!p1 .LBB2_15-.Ltmp1, $3  }
0x46: {  	_ =	sdelay $0x1  }
0x47: {  	[sflag:s1] =	ssyncset.done @!p0 $0x0  }
0x48: {  	[sflag:s1] =	ssyncadd.s32 @!p0 $0xFFFFFB10  }
.LBB2_1:
0x49: {  	[dreg:$0x14] =	wrdreg s13  }
0x4a: {  	s1 =	rddreg [dreg:$0x12]  }
0x4b: {  	s2 =	rddreg [dreg:$0x8];
	s13 =	sshrl.u32 @p0 s1, $0x3  }
0x4c: {  	s1 =	simm.s32 @p0 $0x1FD3;
	[dreg:$0x16] =	wrdreg s13  }
0x4d: {  	[spmem:s13], [sflag:s1] =	dma.local @p0 [hbm:s2], $0x2080  }
0x4e: {  	s2 =	simm.s32 @p0 $0x13  }
0x4f: {  	_ =	swait.ge @p0 [sflag:s2], $0x2080  }
0x50: {  	s13 =	rddreg [dreg:$0x13]  }
0x51: {  	[sflag:s2] =	ssyncset.done @p0 $0x0;
	s14 =	sshrl.u32 @p0 s13, $0x3;
	s13 =	rddreg [dreg:$0x9]  }
0x52: {  	[sflag:s2] =	ssyncadd.s32 @p0 $0xFFFFDF80;
	[dreg:$0x17] =	wrdreg s14  }
0x53: {  	[spmem:s14], [sflag:s1] =	dma.local @p0 [hbm:s13], $0x410  }
0x54: {  	s1 =	stileid.u32  }
0x55: {  	_ =	swait.ge @p0 [sflag:s2], $0x410;
	s1 =	sshll.u32 @!p0 s1, $0x6  }
0x56: {  	[sflag:s2] =	ssyncset.done @p0 $0x0;
	s13 =	sor.u32 @!p0 $0x1C13, s1;
	s1 =	rddreg [dreg:$0x4]  }
0x57: {  	[sflag:s2] =	ssyncadd.s32 @p0 $0xFFFFFBF0;
	s2 =	sshrl.u32 @!p0 s1, $0x3;
	s1 =	rddreg [dreg:$0x5]  }
0x58: {  	[dreg:$0x18] =	wrdreg s2  }
0x59: {  	[spmem:s2], [sflag:s13] =	dma.local @!p0 [hbm:s1], $0x2780  }
0x5a: {  	s1 =	simm.s32 @!p0 $0x13  }
0x5b: {  	_ =	swait.ge @!p0 [sflag:s1], $0x2780;
	[dreg:$0x15] =	wrdreg s13  }
0x5c: {  	s2 =	rddreg [dreg:$0x6]  }
0x5d: {  	[sflag:s1] =	ssyncset.done @!p0 $0x0;
	s14 =	sshrl.u32 @!p0 s2, $0x3;
	s2 =	rddreg [dreg:$0x7]  }
0x5e: {  	[sflag:s1] =	ssyncadd.s32 @!p0 $0xFFFFD880;
	[dreg:$0x19] =	wrdreg s14  }
0x5f: {  	[spmem:s14], [sflag:s13] =	dma.local @!p0 [hbm:s2], $0x4F0  }
0x60: {  	_ =	swait.ge @!p0 [sflag:s1], $0x4F0  }
0x61: {  	[sflag:s1] =	ssyncset.done @!p0 $0x0  }
0x62: {  	[sflag:s1] =	ssyncadd.s32 @!p0 $0xFFFFFB10  }
0x63: {  	[bflag:$0x0] =	sbarrier.arrive $0xFFFF  }
0x64: {  	s2 =	simm.s32 $0x15F90;
	s15 =	rddreg [dreg:$0xc]  }
0x65: {  	[tilespmem:s2], [sflag:$0x1] =	stream.linear.gather [hbm4b:s15+s4], $0x28, $0x38;
	[tilespmem:$0x1BA80] =	vst v63  }
0x66: {  	s13 =	simm.s32 $0x15FB8;
	s17 =	rddreg [dreg:$0xd]  }
0x67: {  	[tilespmem:s13], [sflag:$0x1] =	stream.linear.gather [hbm4b:s17+s4], $0x28, $0x38;
	[tilespmem:$0x1BA80] =	vst v63  }
0x68: {  	s30 =	simm.s32 $0x15FE0;
	s21 =	rddreg [dreg:$0xe];
	s15 =	simm.s32 $0x1  }
0x69: {  	[tilespmem:s30], [sflag:$0x1] =	stream.linear.gather [hbm4b:s21+s4], $0x280, $0x38;
	[tilespmem:$0x1BA80] =	vst v63  }
0x6a: {  	_ =	swait.ge [sflag:s15], $0x28  }
0x6b: {  	[sflag:s15] =	ssyncset.done $0x0  }
0x6c: {  	[sflag:s15] =	ssyncadd.s32 $0xFFFFFFD8  }
0x6d: {  	_ =	swait.ge [sflag:s15], $0x28  }
0x6e: {  	[sflag:s15] =	ssyncset.done $0x0  }
0x6f: {  	[sflag:s15] =	ssyncadd.s32 $0xFFFFFFD8  }
0x70: {  	_ =	swait.ge [sflag:s15], $0x280  }
0x71: {  	[sflag:s15] =	ssyncset.done $0x0  }
0x72: {  	s17 =	simm.s32 $0x16260;
	[sflag:s15] =	ssyncadd.s32 $0xFFFFFD80  }
0x73: {  	[tilespmem:s17], [sflag:$0x2] =	stream.indirect.gather [hbm4b:s8+s31], $0x10, s2, s31, $0xb8;
	[tilespmem:$0x1BA80] =	vst v63  }
.Ltmp2:
0x74: {  	_ = 	snop;
	(pc) =	sbr.rel .LBB2_2-.Ltmp2, $4  }
0x75: {  	s21 =	simm.s32 $0x164E0  }
0x76: {  	[tilespmem:s21], [sflag:$0x3] =	stream.indirect.gather [hbm4b:s9+s31], $0x10, s13, s31, $0xb8;
	[tilespmem:$0x1BA80] =	vst v63  }
0x77: {  	s28 =	simm.s32 $0x0;
	s30 =	simm.s32 $0x169E0  }
0x78: {  	[tilespmem:s30], [sflag:$0x4] =	stream.indirect.gather [hbm4b:s10+s31], $0x80, s2, s31, $0xb8;
	[tilespmem:$0x1BA80] =	vst v63  }
.LBB2_13:
0x79: {  	s28 =	sadd.s32 $0x1, s28  }
0x7a: {  	p1 =	sne.s32 s28, $0xFA  }
.Ltmp3:
0x7b: {  	_ = 	snop;
	(pc) =	sbr.rel @!p1 .LBB2_14-.Ltmp3, $1  }
0x7c: {  	_ =	sdelay $0x3  }
.LBB2_2:
0x7d: {  	s1 =	smul.u32 $0xAB, s28;
	_ =	sdelay $0x1  }
0x7e: {  	s1 =	sshrl.u32 s1, $0x9  }
0x7f: {  	s1 =	sand.u32 $0x7F, s1  }
0x80: {  	s1 =	smul.u32 $0x3, s1;
	_ =	sdelay $0x1  }
0x81: {  	s1 =	ssub.s32 s28, s1  }
0x82: {  	s1 =	sand.u32 $0xFF, s1  }
0x83: {  	p1 =	seq.s32 s1, $0x2  }
.Ltmp4:
0x84: {  	_ = 	snop;
	(pc) =	sbr.rel @p1 .LBB2_10-.Ltmp4, $1  }
0x85: {  	_ =	sdelay $0x3  }
0x86: {  	p3 =	seq.s32 s1, $0x1  }
.Ltmp5:
0x87: {  	_ = 	snop;
	(pc) =	sbr.rel @!p3 .LBB2_4-.Ltmp5, $3  }
0x88: {  	_ =	sdelay $0x1  }
0x89: {  	p1 =	slt.u32 s28, $0x2  }
0x8a: {  	s1 =	smul.u32 $0x28, s28;
	p2 =	seq.s32 @!p1 s28, $0xF9  }
0x8b: {  	s2 =	simm.s32 @!p1 $0x11  }
0x8c: {  	_ =	swait.ge @!p1 [sflag:s2], $0x280  }
0x8d: {  	[sflag:s2] =	ssyncset.done @!p1 $0x0  }
0x8e: {  	[sflag:s2] =	ssyncadd.s32 @!p1 $0xFFFFFD80;
	s2 =	simm.s32 @!p1 $0x12  }
0x8f: {  	p2 =	por p1, !p2;
	_ =	swait.ge @!p1 [sflag:s2], $0x1400  }
0x90: {  	s1 =	sadd.s32 @p2 s1, s22;
	[sflag:s2] =	ssyncset.done @!p1 $0x0  }
0x91: {  	[sflag:s2] =	ssyncadd.s32 @!p1 $0xFFFFEC00;
	s2 =	sshrl.u32 @p2 s1, $0x3  }
0x92: {  	s14 =	simm.s32 @p2 $0x19C30;
	s1 =	sshll.u32 @p2 s1, $0x1;
	s13 =	sadd.s32 @p2 s5, s2  }
0x93: {  	[tilespmem:s14], [sflag:$0xD] =	stream.linear.gather @p2 [hbm4b:s13+s4], $0x28, $0x38;
	[tilespmem:$0x1BA80] =	vst v63  }
0x94: {  	s2 =	sadd.s32 @p2 s6, s2;
	s1 =	sand.u32 @p2 $0x1FFFFFF0, s1;
	s13 =	simm.s32 @p2 $0x19C58  }
0x95: {  	[tilespmem:s13], [sflag:$0xD] =	stream.linear.gather @p2 [hbm4b:s2+s4], $0x28, $0x38;
	[tilespmem:$0x1BA80] =	vst v63  }
0x96: {  	s1 =	sadd.s32 @p2 s7, s1;
	s2 =	simm.s32 @p2 $0x19C80  }
0x97: {  	[tilespmem:s2], [sflag:$0xD] =	stream.linear.gather @p2 [hbm4b:s1+s4], $0x280, $0x38;
	[tilespmem:$0x1BA80] =	vst v63  }
0x98: {  	_ =	swait.ge @p2 [sflag:s20], $0x28  }
0x99: {  	[sflag:s20] =	ssyncset.done @p2 $0x0  }
0x9a: {  	[sflag:s20] =	ssyncadd.s32 @p2 $0xFFFFFFD8  }
0x9b: {  	_ =	swait.ge @p2 [sflag:s20], $0x28  }
0x9c: {  	[sflag:s20] =	ssyncset.done @p2 $0x0  }
0x9d: {  	[sflag:s20] =	ssyncadd.s32 @p2 $0xFFFFFFD8  }
0x9e: {  	_ =	swait.ge @p2 [sflag:s20], $0x280  }
0x9f: {  	[sflag:s20] =	ssyncset.done @p2 $0x0  }
0xa0: {  	s1 =	simm.s32 @p2 $0x19F00;
	[sflag:s20] =	ssyncadd.s32 @p2 $0xFFFFFD80  }
0xa1: {  	[tilespmem:s1], [sflag:$0xE] =	stream.indirect.gather @p2 [hbm4b:s8+s31], $0x10, s14, s31, $0xb8;
	[tilespmem:$0x1BA80] =	vst v63  }
0xa2: {  	s1 =	simm.s32 @p2 $0x1A180  }
0xa3: {  	[tilespmem:s1], [sflag:$0xF] =	stream.indirect.gather @p2 [hbm4b:s9+s31], $0x10, s13, s31, $0xb8;
	[tilespmem:$0x1BA80] =	vst v63  }
0xa4: {  	s15 =	simm.s32 $0x8;
	s1 =	simm.s32 @p2 $0x1A680  }
0xa5: {  	[tilespmem:s1], [sflag:$0x10] =	stream.indirect.gather @p2 [hbm4b:s10+s31], $0x80, s14, s31, $0xb8;
	[tilespmem:$0x1BA80] =	vst v63  }
0xa6: {  	_ =	swait.ge [sflag:s15], $0x280  }
0xa7: {  	[sflag:s15] =	ssyncset.done $0x0  }
0xa8: {  	[sflag:s15] =	ssyncadd.s32 $0xFFFFFD80  }
0xa9: {  	_ =	swait.ge [sflag:s23], $0x280  }
0xaa: {  	[sflag:s23] =	ssyncset.done $0x0  }
0xab: {  	[sflag:s23] =	ssyncadd.s32 $0xFFFFFD80  }
0xac: {  	_ =	swait.ge [sflag:s24], $0x1400  }
0xad: {  	[sflag:s24] =	ssyncset.done $0x0  }
0xae: {  	s30 =	simm.s32 $0x18330;
	[sflag:s24] =	ssyncadd.s32 $0xFFFFEC00  }
0xaf: {  	s1 =	simm.s32 $0x180B0;
	v0 =	vld [tilespmem:s30+$0x0]  }
0xb0: {  	v1 =	vld [tilespmem:s1+$0x0]  }
0xb1: {  	s2 =	simm.s32 $0x17E30  }
0xb2: {  	v2 =	vld [tilespmem:s2+$0x0];
	_ =	sdelay $0x2  }
0xb3: {  	v0 =	vadd.f32 v0, v1;
	_ =	sdelay $0x1  }
0xb4: {  	v0 =	vadd.f32 v2, v0;
	_ =	sdelay $0x1  }
0xb5: {  	v1 =	vmul.f32 $2.000000030e-01, v0  }
0xb6: {  	vm0 =	vgt.f32 v0, $0.0e+00  }
0xb7: {  	v0 =	vsel vm0, v0, v1  }
0xb8: {  	v0 =	vmul.f32 $1.442695020e+00, v0;
	_ =	sdelay $0x1  }
0xb9: {  	(erf) = vpow2.f32 v0;
	_ =	sdelay $0x4  }
0xba: {  	s17 =	simm.s32 $0x0  }
0xbb: {  	v0 =	vmov s17;
	_ =	sdelay $0x2  }
0xbc: {  	s21 =	simm.s32 $0x185B0;
	v1 =	vpop (erf)  }
0xbd: {  	[tilespmem:s21+$0x0] =	vst v1  }
0xbe: {  	s13 =	simm.s32 $0x18870;
	v1 =	vld.idx.msk [tilespmem:v0+s25+$0x0], $0xffff  }
0xbf: {  	v2 =	vld [tilespmem:s13+$0xFFFFFFC0]  }
0xc0: {  	v3 =	vld [tilespmem:s13+$0xFFFFFFD0];
	_ =	sdelay $0x2  }
0xc1: {  	v4 =	vor.u32 $0x1, v0  }
0xc2: {  	v2 =	vmul.f32 v2, v1  }
0xc3: {  	v1 =	vmul.f32 v3, v1  }
0xc4: {  	v3 =	vld [tilespmem:s13+$0xFFFFFFF0];
	[tilespmem:s13+$0xFFFFFFC0] =	vst v2  }
0xc5: {  	[tilespmem:s13+$0xFFFFFFD0] =	vst v1;
	v2 =	vld [tilespmem:s13+$0xFFFFFFE0]  }
0xc6: {  	v1 =	vld.idx.msk [tilespmem:v4+s25+$0x0], $0xffff;
	_ =	sdelay $0x3  }
0xc7: {  	v63 =	vor.u32 $0x2, v0  }
0xc8: {  	v2 =	vmul.f32 v2, v1;
	v1 =	vmul.f32 v3, v1;
	_ =	sdelay $0x1  }
0xc9: {  	[tilespmem:s13+$0xFFFFFFF0] =	vst v1;
	v1 =	vld [tilespmem:s13+$0x10]  }
0xca: {  	[tilespmem:s13+$0xFFFFFFE0] =	vst v2;
	v2 =	vld [tilespmem:s13+$0x0]  }
0xcb: {  	v3 =	vld.idx.msk [tilespmem:v63+s25+$0x0], $0xffff;
	_ =	sdelay $0x3  }
0xcc: {  	v0 =	vor.u32 $0x3, v0  }
0xcd: {  	s14 =	simm.s32 $0x1;
	s15 =	simm.s32 $0x185C0;
	s17 =	simm.s32 $0x188F0;
	v2 =	vmul.f32 v2, v3;
	v1 =	vmul.f32 v1, v3  }
.LBB2_8:
0xce: {  	s1 =	sadd.s32 $0x10, s1;
	s30 =	sadd.s32 $0x10, s30;
	s2 =	sadd.s32 $0x10, s2  }
0xcf: {  	p1 =	sne.s32 s14, $0x27;
	s21 =	smov.u32 s14;
	s14 =	sadd.s32 $0x1, s14;
	[tilespmem:s13+$0x0] =	vst v2  }
0xd0: {  	[tilespmem:s13+$0x10] =	vst v1;
	v1 =	vld [tilespmem:s13+$0x30]  }
0xd1: {  	v0 =	vld.idx.msk [tilespmem:v0+s25+$0x0], $0xffff  }
0xd2: {  	v2 =	vld [tilespmem:s13+$0x20];
	_ =	sdelay $0x4  }
0xd3: {  	v2 =	vmul.f32 v2, v0;
	v0 =	vmul.f32 v1, v0;
	_ =	sdelay $0x1  }
0xd4: {  	[tilespmem:s13+$0x20] =	vst v2  }
0xd5: {  	[tilespmem:s13+$0x30] =	vst v0;
	s13 =	smov.u32 s17  }
0xd6: {  	v0 =	vld [tilespmem:s30+$0x0]  }
0xd7: {  	v1 =	vld [tilespmem:s1+$0x0];
	_ =	sdelay $0x1  }
0xd8: {  	v2 =	vld [tilespmem:s2+$0x0];
	_ =	sdelay $0x2  }
0xd9: {  	v0 =	vadd.f32 v0, v1;
	_ =	sdelay $0x1  }
0xda: {  	v0 =	vadd.f32 v2, v0;
	_ =	sdelay $0x1  }
0xdb: {  	v1 =	vmul.f32 $2.000000030e-01, v0  }
0xdc: {  	vm0 =	vgt.f32 v0, $0.0e+00  }
0xdd: {  	v0 =	vsel vm0, v0, v1  }
0xde: {  	v0 =	vmul.f32 $1.442695020e+00, v0;
	_ =	sdelay $0x1  }
0xdf: {  	(erf) = vpow2.f32 v0;
	_ =	sdelay $0x4  }
0xe0: {  	s21 =	sshll.u32 s21, $0x4  }
0xe1: {  	v0 =	vmov s21;
	_ =	sdelay $0x2  }
0xe2: {  	v1 =	vpop (erf)  }
0xe3: {  	[tilespmem:s15+$0x0] =	vst v1  }
0xe4: {  	v1 =	vld.idx.msk [tilespmem:v0+s25+$0x0], $0xffff  }
0xe5: {  	v2 =	vld [tilespmem:s17+$0xFFFFFFC0]  }
0xe6: {  	v3 =	vld [tilespmem:s17+$0xFFFFFFD0];
	_ =	sdelay $0x2  }
0xe7: {  	v4 =	vor.u32 $0x1, v0  }
0xe8: {  	v2 =	vmul.f32 v2, v1  }
0xe9: {  	v1 =	vmul.f32 v3, v1  }
0xea: {  	[tilespmem:s17+$0xFFFFFFC0] =	vst v2  }
0xeb: {  	[tilespmem:s17+$0xFFFFFFD0] =	vst v1;
	v1 =	vld [tilespmem:s17+$0xFFFFFFF0]  }
0xec: {  	v2 =	vld.idx.msk [tilespmem:v4+s25+$0x0], $0xffff  }
0xed: {  	v3 =	vld [tilespmem:s17+$0xFFFFFFE0];
	_ =	sdelay $0x3  }
0xee: {  	v4 =	vor.u32 $0x2, v0  }
0xef: {  	v1 =	vmul.f32 v1, v2;
	v3 =	vmul.f32 v3, v2;
	_ =	sdelay $0x1  }
0xf0: {  	[tilespmem:s17+$0xFFFFFFE0] =	vst v3  }
0xf1: {  	[tilespmem:s17+$0xFFFFFFF0] =	vst v1;
	v1 =	vld [tilespmem:s17+$0x10]  }
0xf2: {  	v3 =	vld.idx.msk [tilespmem:v4+s25+$0x0], $0xffff  }
0xf3: {  	v2 =	vld [tilespmem:s17+$0x0]  }
.Ltmp6:
0xf4: {  	(pc) =	sbr.rel @p1 .LBB2_8-.Ltmp6, $3  }
0xf5: {  	_ =	sdelay $0x1  }
0xf6: {  	v0 =	vor.u32 $0x3, v0  }
0xf7: {  	s15 =	sadd.s32 $0x10, s15;
	s17 =	sadd.s32 $0x80, s17;
	v1 =	vmul.f32 v1, v3;
	v2 =	vmul.f32 v2, v3  }
0xf8: {  	_ =	sdelay $0x1  }
0xf9: {  	[tilespmem:s13+$0x0] =	vst v2  }
0xfa: {  	v62 =	vld [tilespmem:s13+$0x20];
	[tilespmem:s13+$0x10] =	vst v1  }
0xfb: {  	v0 =	vld.idx.msk [tilespmem:v0+s25+$0x0], $0xffff  }
0xfc: {  	v63 =	vld [tilespmem:s13+$0x30];
	_ =	sdelay $0x3  }
0xfd: {  	v1 =	vmul.f32 v62, v0  }
0xfe: {  	v0 =	vmul.f32 v63, v0  }
.Ltmp7:
0xff: {  	[tilespmem:s13+$0x20] =	vst v1;
	(pc) =	sbr.rel .LBB2_13-.Ltmp7, $4  }
0x100: {  	s1 =	rddreg [dreg:$0x2];
	[tilespmem:s13+$0x30] =	vst v0  }
0x101: {  	[spmem:s1] =	stream.indirect.scatter.add.f32 [tilespmem:s25], [sflag:$0xB], $0x10, s26, s31, $0xb8;
	[tilespmem:$0x1BA80] =	vst v63  }
0x102: {  	s30 =	rddreg [dreg:$0x1];
	s2 =	simm.s32 $0x18830  }
0x103: {  	[spmem:s30] =	stream.indirect.scatter.add.f32 [tilespmem:s2], [sflag:$0xC], $0x80, s26, s31, $0xb8;
	[tilespmem:$0x1BA80] =	vst v63  }
.LBB2_10:
0x104: {  	_ =	swait.ge [sflag:s11], $0x280;
	p1 =	seq.s32 s28, $0xF9  }
0x105: {  	[sflag:s11] =	ssyncset.done $0x0;
	s1 =	smul.u32 @!p1 $0x28, s28  }
0x106: {  	[sflag:s11] =	ssyncadd.s32 $0xFFFFFD80  }
0x107: {  	s14 =	simm.s32 @!p1 $0x0;
	_ =	swait.ge [sflag:s12], $0x1400;
	s1 =	sadd.s32 @!p1 s1, s22  }
0x108: {  	s15 =	simm.s32 @!p1 $0x15F90;
	[sflag:s12] =	ssyncset.done $0x0;
	s2 =	sshrl.u32 @!p1 s1, $0x3  }
0x109: {  	s1 =	sshll.u32 @!p1 s1, $0x1;
	[sflag:s12] =	ssyncadd.s32 $0xFFFFEC00;
	s13 =	sadd.s32 @!p1 s5, s2  }
0x10a: {  	[tilespmem:s15], [sflag:$0x1] =	stream.linear.gather @!p1 [hbm4b:s13+s14], $0x28, $0x38;
	[tilespmem:$0x1BA80] =	vst v63  }
0x10b: {  	s2 =	sadd.s32 @!p1 s6, s2;
	s1 =	sand.u32 @!p1 $0x1FFFFFF0, s1;
	s13 =	simm.s32 @!p1 $0x15FB8  }
0x10c: {  	[tilespmem:s13], [sflag:$0x1] =	stream.linear.gather @!p1 [hbm4b:s2+s14], $0x28, $0x38;
	[tilespmem:$0x1BA80] =	vst v63  }
0x10d: {  	s1 =	sadd.s32 @!p1 s7, s1;
	s2 =	simm.s32 @!p1 $0x15FE0  }
0x10e: {  	[tilespmem:s2], [sflag:$0x1] =	stream.linear.gather @!p1 [hbm4b:s1+s14], $0x280, $0x38;
	[tilespmem:$0x1BA80] =	vst v63  }
0x10f: {  	s1 =	simm.s32 @!p1 $0x1  }
0x110: {  	_ =	swait.ge @!p1 [sflag:s1], $0x28  }
0x111: {  	[sflag:s1] =	ssyncset.done @!p1 $0x0  }
0x112: {  	[sflag:s1] =	ssyncadd.s32 @!p1 $0xFFFFFFD8  }
0x113: {  	_ =	swait.ge @!p1 [sflag:s1], $0x28  }
0x114: {  	[sflag:s1] =	ssyncset.done @!p1 $0x0  }
0x115: {  	[sflag:s1] =	ssyncadd.s32 @!p1 $0xFFFFFFD8  }
0x116: {  	_ =	swait.ge @!p1 [sflag:s1], $0x280  }
0x117: {  	[sflag:s1] =	ssyncset.done @!p1 $0x0  }
0x118: {  	s2 =	simm.s32 @!p1 $0x16260;
	[sflag:s1] =	ssyncadd.s32 @!p1 $0xFFFFFD80;
	s1 =	simm.s32 @!p1 $0x28  }
0x119: {  	[tilespmem:s2], [sflag:$0x2] =	stream.indirect.gather @!p1 [hbm4b:s8+s1], $0x10, s15, s1, $0xb8;
	[tilespmem:$0x1BA80] =	vst v63  }
0x11a: {  	s2 =	simm.s32 @!p1 $0x164E0  }
0x11b: {  	[tilespmem:s2], [sflag:$0x3] =	stream.indirect.gather @!p1 [hbm4b:s9+s1], $0x10, s13, s1, $0xb8;
	[tilespmem:$0x1BA80] =	vst v63  }
0x11c: {  	s2 =	simm.s32 @!p1 $0x169E0;
	s13 =	simm.s32 $0xE  }
0x11d: {  	[tilespmem:s2], [sflag:$0x4] =	stream.indirect.gather @!p1 [hbm4b:s10+s1], $0x80, s15, s1, $0xb8;
	[tilespmem:$0x1BA80] =	vst v63  }
0x11e: {  	_ =	swait.ge [sflag:s13], $0x280  }
0x11f: {  	[sflag:s13] =	ssyncset.done $0x0  }
0x120: {  	s14 =	simm.s32 $0xF;
	[sflag:s13] =	ssyncadd.s32 $0xFFFFFD80  }
0x121: {  	_ =	swait.ge [sflag:s14], $0x280  }
0x122: {  	[sflag:s14] =	ssyncset.done $0x0  }
0x123: {  	s15 =	simm.s32 $0x10;
	[sflag:s14] =	ssyncadd.s32 $0xFFFFFD80  }
0x124: {  	_ =	swait.ge [sflag:s15], $0x1400  }
0x125: {  	[sflag:s15] =	ssyncset.done $0x0  }
0x126: {  	s30 =	simm.s32 $0x1A180;
	[sflag:s15] =	ssyncadd.s32 $0xFFFFEC00  }
0x127: {  	s1 =	simm.s32 $0x19F00;
	v0 =	vld [tilespmem:s30+$0x0]  }
0x128: {  	v1 =	vld [tilespmem:s1+$0x0]  }
0x129: {  	s2 =	simm.s32 $0x19C80  }
0x12a: {  	v2 =	vld [tilespmem:s2+$0x0];
	_ =	sdelay $0x2  }
0x12b: {  	v0 =	vadd.f32 v0, v1;
	_ =	sdelay $0x1  }
0x12c: {  	v0 =	vadd.f32 v2, v0;
	_ =	sdelay $0x1  }
0x12d: {  	v1 =	vmul.f32 $2.000000030e-01, v0  }
0x12e: {  	vm0 =	vgt.f32 v0, $0.0e+00  }
0x12f: {  	v0 =	vsel vm0, v0, v1  }
0x130: {  	v0 =	vmul.f32 $1.442695020e+00, v0;
	_ =	sdelay $0x1  }
0x131: {  	(erf) = vpow2.f32 v0;
	_ =	sdelay $0x4  }
0x132: {  	s17 =	simm.s32 $0x0  }
0x133: {  	v0 =	vmov s17;
	_ =	sdelay $0x2  }
0x134: {  	s21 =	simm.s32 $0x1A400;
	v1 =	vpop (erf)  }
0x135: {  	[tilespmem:s21+$0x0] =	vst v1  }
0x136: {  	s13 =	simm.s32 $0x1A6C0;
	v1 =	vld.idx.msk [tilespmem:v0+s16+$0x0], $0xffff  }
0x137: {  	v2 =	vld [tilespmem:s13+$0xFFFFFFC0]  }
0x138: {  	v3 =	vld [tilespmem:s13+$0xFFFFFFD0];
	_ =	sdelay $0x2  }
0x139: {  	v4 =	vor.u32 $0x1, v0  }
0x13a: {  	v2 =	vmul.f32 v2, v1  }
0x13b: {  	v1 =	vmul.f32 v3, v1  }
0x13c: {  	v3 =	vld [tilespmem:s13+$0xFFFFFFF0];
	[tilespmem:s13+$0xFFFFFFC0] =	vst v2  }
0x13d: {  	[tilespmem:s13+$0xFFFFFFD0] =	vst v1;
	v2 =	vld [tilespmem:s13+$0xFFFFFFE0]  }
0x13e: {  	v1 =	vld.idx.msk [tilespmem:v4+s16+$0x0], $0xffff;
	_ =	sdelay $0x3  }
0x13f: {  	v63 =	vor.u32 $0x2, v0  }
0x140: {  	v2 =	vmul.f32 v2, v1;
	v1 =	vmul.f32 v3, v1;
	_ =	sdelay $0x1  }
0x141: {  	[tilespmem:s13+$0xFFFFFFF0] =	vst v1;
	v1 =	vld [tilespmem:s13+$0x10]  }
0x142: {  	[tilespmem:s13+$0xFFFFFFE0] =	vst v2;
	v2 =	vld [tilespmem:s13+$0x0]  }
0x143: {  	v3 =	vld.idx.msk [tilespmem:v63+s16+$0x0], $0xffff;
	_ =	sdelay $0x3  }
0x144: {  	v0 =	vor.u32 $0x3, v0  }
0x145: {  	s14 =	simm.s32 $0x1;
	s15 =	simm.s32 $0x1A410;
	s17 =	simm.s32 $0x1A740;
	v2 =	vmul.f32 v2, v3;
	v1 =	vmul.f32 v1, v3  }
.LBB2_11:
0x146: {  	s1 =	sadd.s32 $0x10, s1;
	s30 =	sadd.s32 $0x10, s30;
	s2 =	sadd.s32 $0x10, s2  }
0x147: {  	p1 =	sne.s32 s14, $0x27;
	s21 =	smov.u32 s14;
	s14 =	sadd.s32 $0x1, s14;
	[tilespmem:s13+$0x0] =	vst v2  }
0x148: {  	[tilespmem:s13+$0x10] =	vst v1;
	v1 =	vld [tilespmem:s13+$0x30]  }
0x149: {  	v0 =	vld.idx.msk [tilespmem:v0+s16+$0x0], $0xffff  }
0x14a: {  	v2 =	vld [tilespmem:s13+$0x20];
	_ =	sdelay $0x4  }
0x14b: {  	v2 =	vmul.f32 v2, v0;
	v0 =	vmul.f32 v1, v0;
	_ =	sdelay $0x1  }
0x14c: {  	[tilespmem:s13+$0x20] =	vst v2  }
0x14d: {  	[tilespmem:s13+$0x30] =	vst v0;
	s13 =	smov.u32 s17  }
0x14e: {  	v0 =	vld [tilespmem:s30+$0x0]  }
0x14f: {  	v1 =	vld [tilespmem:s1+$0x0];
	_ =	sdelay $0x1  }
0x150: {  	v2 =	vld [tilespmem:s2+$0x0];
	_ =	sdelay $0x2  }
0x151: {  	v0 =	vadd.f32 v0, v1;
	_ =	sdelay $0x1  }
0x152: {  	v0 =	vadd.f32 v2, v0;
	_ =	sdelay $0x1  }
0x153: {  	v1 =	vmul.f32 $2.000000030e-01, v0  }
0x154: {  	vm0 =	vgt.f32 v0, $0.0e+00  }
0x155: {  	v0 =	vsel vm0, v0, v1  }
0x156: {  	v0 =	vmul.f32 $1.442695020e+00, v0;
	_ =	sdelay $0x1  }
0x157: {  	(erf) = vpow2.f32 v0;
	_ =	sdelay $0x4  }
0x158: {  	s21 =	sshll.u32 s21, $0x4  }
0x159: {  	v0 =	vmov s21;
	_ =	sdelay $0x2  }
0x15a: {  	v1 =	vpop (erf)  }
0x15b: {  	[tilespmem:s15+$0x0] =	vst v1  }
0x15c: {  	v1 =	vld.idx.msk [tilespmem:v0+s16+$0x0], $0xffff  }
0x15d: {  	v2 =	vld [tilespmem:s17+$0xFFFFFFC0]  }
0x15e: {  	v3 =	vld [tilespmem:s17+$0xFFFFFFD0];
	_ =	sdelay $0x2  }
0x15f: {  	v4 =	vor.u32 $0x1, v0  }
0x160: {  	v2 =	vmul.f32 v2, v1  }
0x161: {  	v1 =	vmul.f32 v3, v1  }
0x162: {  	[tilespmem:s17+$0xFFFFFFC0] =	vst v2  }
0x163: {  	[tilespmem:s17+$0xFFFFFFD0] =	vst v1;
	v1 =	vld [tilespmem:s17+$0xFFFFFFF0]  }
0x164: {  	v2 =	vld.idx.msk [tilespmem:v4+s16+$0x0], $0xffff  }
0x165: {  	v3 =	vld [tilespmem:s17+$0xFFFFFFE0];
	_ =	sdelay $0x3  }
0x166: {  	v4 =	vor.u32 $0x2, v0  }
0x167: {  	v1 =	vmul.f32 v1, v2;
	v3 =	vmul.f32 v3, v2;
	_ =	sdelay $0x1  }
0x168: {  	[tilespmem:s17+$0xFFFFFFE0] =	vst v3  }
0x169: {  	[tilespmem:s17+$0xFFFFFFF0] =	vst v1;
	v1 =	vld [tilespmem:s17+$0x10]  }
0x16a: {  	v3 =	vld.idx.msk [tilespmem:v4+s16+$0x0], $0xffff  }
0x16b: {  	v2 =	vld [tilespmem:s17+$0x0]  }
.Ltmp8:
0x16c: {  	(pc) =	sbr.rel @p1 .LBB2_11-.Ltmp8, $3  }
0x16d: {  	_ =	sdelay $0x1  }
0x16e: {  	v0 =	vor.u32 $0x3, v0  }
0x16f: {  	s15 =	sadd.s32 $0x10, s15;
	s17 =	sadd.s32 $0x80, s17;
	v1 =	vmul.f32 v1, v3;
	v2 =	vmul.f32 v2, v3  }
0x170: {  	_ =	sdelay $0x1  }
0x171: {  	[tilespmem:s13+$0x0] =	vst v2  }
0x172: {  	v62 =	vld [tilespmem:s13+$0x20];
	[tilespmem:s13+$0x10] =	vst v1  }
0x173: {  	v0 =	vld.idx.msk [tilespmem:v0+s16+$0x0], $0xffff  }
0x174: {  	v63 =	vld [tilespmem:s13+$0x30];
	_ =	sdelay $0x3  }
0x175: {  	v1 =	vmul.f32 v62, v0  }
0x176: {  	v0 =	vmul.f32 v63, v0  }
.Ltmp9:
0x177: {  	[tilespmem:s13+$0x20] =	vst v1;
	(pc) =	sbr.rel .LBB2_13-.Ltmp9, $4  }
0x178: {  	s1 =	rddreg [dreg:$0x2];
	s2 =	simm.s32 $0x19C58;
	[tilespmem:s13+$0x30] =	vst v0  }
0x179: {  	[spmem:s1] =	stream.indirect.scatter.add.f32 [tilespmem:s16], [sflag:$0x11], $0x10, s2, s31, $0xb8;
	[tilespmem:$0x1BA80] =	vst v63  }
0x17a: {  	s21 =	rddreg [dreg:$0x1];
	s30 =	simm.s32 $0x1A680  }
0x17b: {  	[spmem:s21] =	stream.indirect.scatter.add.f32 [tilespmem:s30], [sflag:$0x12], $0x80, s2, s31, $0xb8;
	[tilespmem:$0x1BA80] =	vst v63  }
.LBB2_4:
0x17c: {  	s2 =	simm.s32 @!p1 $0xB  }
0x17d: {  	_ =	swait.ge @!p1 [sflag:s2], $0x280  }
0x17e: {  	[sflag:s2] =	ssyncset.done @!p1 $0x0  }
0x17f: {  	[sflag:s2] =	ssyncadd.s32 @!p1 $0xFFFFFD80;
	s2 =	simm.s32 @!p1 $0xC  }
0x180: {  	p2 =	por p1, !p2;
	_ =	swait.ge @!p1 [sflag:s2], $0x1400  }
0x181: {  	s1 =	sadd.s32 @p2 s1, s22;
	[sflag:s2] =	ssyncset.done @!p1 $0x0  }
0x182: {  	[sflag:s2] =	ssyncadd.s32 @!p1 $0xFFFFEC00;
	s2 =	sshrl.u32 @p2 s1, $0x3  }
0x183: {  	s14 =	simm.s32 @p2 $0x17DE0;
	s1 =	sshll.u32 @p2 s1, $0x1;
	s13 =	sadd.s32 @p2 s5, s2  }
0x184: {  	[tilespmem:s14], [sflag:$0x7] =	stream.linear.gather @p2 [hbm4b:s13+s4], $0x28, $0x38;
	[tilespmem:$0x1BA80] =	vst v63  }
0x185: {  	s2 =	sadd.s32 @p2 s6, s2;
	s1 =	sand.u32 @p2 $0x1FFFFFF0, s1  }
0x186: {  	[tilespmem:s26], [sflag:$0x7] =	stream.linear.gather @p2 [hbm4b:s2+s4], $0x28, $0x38;
	[tilespmem:$0x1BA80] =	vst v63  }
0x187: {  	s1 =	sadd.s32 @p2 s7, s1;
	s2 =	simm.s32 @p2 $0x17E30  }
0x188: {  	[tilespmem:s2], [sflag:$0x7] =	stream.linear.gather @p2 [hbm4b:s1+s4], $0x280, $0x38;
	[tilespmem:$0x1BA80] =	vst v63  }
0x189: {  	_ =	swait.ge @p2 [sflag:s29], $0x28  }
0x18a: {  	[sflag:s29] =	ssyncset.done @p2 $0x0  }
0x18b: {  	[sflag:s29] =	ssyncadd.s32 @p2 $0xFFFFFFD8  }
0x18c: {  	_ =	swait.ge @p2 [sflag:s29], $0x28  }
0x18d: {  	[sflag:s29] =	ssyncset.done @p2 $0x0  }
0x18e: {  	[sflag:s29] =	ssyncadd.s32 @p2 $0xFFFFFFD8  }
0x18f: {  	_ =	swait.ge @p2 [sflag:s29], $0x280  }
0x190: {  	[sflag:s29] =	ssyncset.done @p2 $0x0  }
0x191: {  	s1 =	simm.s32 @p2 $0x180B0;
	[sflag:s29] =	ssyncadd.s32 @p2 $0xFFFFFD80  }
0x192: {  	[tilespmem:s1], [sflag:$0x8] =	stream.indirect.gather @p2 [hbm4b:s8+s31], $0x10, s14, s31, $0xb8;
	[tilespmem:$0x1BA80] =	vst v63  }
0x193: {  	s1 =	simm.s32 @p2 $0x18330  }
0x194: {  	[tilespmem:s1], [sflag:$0x9] =	stream.indirect.gather @p2 [hbm4b:s9+s31], $0x10, s26, s31, $0xb8;
	[tilespmem:$0x1BA80] =	vst v63  }
0x195: {  	s1 =	simm.s32 @p2 $0x18830  }
0x196: {  	[tilespmem:s1], [sflag:$0xA] =	stream.indirect.gather @p2 [hbm4b:s10+s31], $0x80, s14, s31, $0xb8;
	[tilespmem:$0x1BA80] =	vst v63  }
0x197: {  	_ =	swait.ge [sflag:s19], $0x280  }
0x198: {  	[sflag:s19] =	ssyncset.done $0x0  }
0x199: {  	[sflag:s19] =	ssyncadd.s32 $0xFFFFFD80  }
0x19a: {  	_ =	swait.ge [sflag:s0], $0x280  }
0x19b: {  	[sflag:s0] =	ssyncset.done $0x0  }
0x19c: {  	[sflag:s0] =	ssyncadd.s32 $0xFFFFFD80  }
0x19d: {  	_ =	swait.ge [sflag:s3], $0x1400  }
0x19e: {  	[sflag:s3] =	ssyncset.done $0x0  }
0x19f: {  	s30 =	simm.s32 $0x164E0;
	[sflag:s3] =	ssyncadd.s32 $0xFFFFEC00  }
0x1a0: {  	s1 =	simm.s32 $0x16260;
	v0 =	vld [tilespmem:s30+$0x0]  }
0x1a1: {  	v1 =	vld [tilespmem:s1+$0x0]  }
0x1a2: {  	s2 =	simm.s32 $0x15FE0  }
0x1a3: {  	v2 =	vld [tilespmem:s2+$0x0];
	_ =	sdelay $0x2  }
0x1a4: {  	v0 =	vadd.f32 v0, v1;
	_ =	sdelay $0x1  }
0x1a5: {  	v0 =	vadd.f32 v2, v0;
	_ =	sdelay $0x1  }
0x1a6: {  	v1 =	vmul.f32 $2.000000030e-01, v0  }
0x1a7: {  	vm0 =	vgt.f32 v0, $0.0e+00  }
0x1a8: {  	v0 =	vsel vm0, v0, v1  }
0x1a9: {  	v0 =	vmul.f32 $1.442695020e+00, v0;
	_ =	sdelay $0x1  }
0x1aa: {  	(erf) = vpow2.f32 v0;
	_ =	sdelay $0x4  }
0x1ab: {  	s17 =	simm.s32 $0x0  }
0x1ac: {  	v0 =	vmov s17;
	_ =	sdelay $0x2  }
0x1ad: {  	s21 =	simm.s32 $0x16760;
	v1 =	vpop (erf)  }
0x1ae: {  	[tilespmem:s21+$0x0] =	vst v1  }
0x1af: {  	s13 =	simm.s32 $0x16A20;
	v1 =	vld.idx.msk [tilespmem:v0+s18+$0x0], $0xffff  }
0x1b0: {  	v2 =	vld [tilespmem:s13+$0xFFFFFFC0]  }
0x1b1: {  	v3 =	vld [tilespmem:s13+$0xFFFFFFD0];
	_ =	sdelay $0x2  }
0x1b2: {  	v4 =	vor.u32 $0x1, v0  }
0x1b3: {  	v2 =	vmul.f32 v2, v1  }
0x1b4: {  	v1 =	vmul.f32 v3, v1  }
0x1b5: {  	v3 =	vld [tilespmem:s13+$0xFFFFFFF0];
	[tilespmem:s13+$0xFFFFFFC0] =	vst v2  }
0x1b6: {  	[tilespmem:s13+$0xFFFFFFD0] =	vst v1;
	v2 =	vld [tilespmem:s13+$0xFFFFFFE0]  }
0x1b7: {  	v1 =	vld.idx.msk [tilespmem:v4+s18+$0x0], $0xffff;
	_ =	sdelay $0x3  }
0x1b8: {  	v63 =	vor.u32 $0x2, v0  }
0x1b9: {  	v2 =	vmul.f32 v2, v1;
	v1 =	vmul.f32 v3, v1;
	_ =	sdelay $0x1  }
0x1ba: {  	[tilespmem:s13+$0xFFFFFFF0] =	vst v1;
	v1 =	vld [tilespmem:s13+$0x10]  }
0x1bb: {  	[tilespmem:s13+$0xFFFFFFE0] =	vst v2;
	v2 =	vld [tilespmem:s13+$0x0]  }
0x1bc: {  	v3 =	vld.idx.msk [tilespmem:v63+s18+$0x0], $0xffff;
	_ =	sdelay $0x3  }
0x1bd: {  	v0 =	vor.u32 $0x3, v0  }
0x1be: {  	s15 =	simm.s32 $0x16770;
	s14 =	simm.s32 $0x1;
	s17 =	simm.s32 $0x16AA0;
	v2 =	vmul.f32 v2, v3;
	v1 =	vmul.f32 v1, v3  }
.LBB2_5:
0x1bf: {  	s1 =	sadd.s32 $0x10, s1;
	s30 =	sadd.s32 $0x10, s30;
	s2 =	sadd.s32 $0x10, s2  }
0x1c0: {  	p1 =	sne.s32 s14, $0x27;
	s21 =	smov.u32 s14;
	s14 =	sadd.s32 $0x1, s14;
	[tilespmem:s13+$0x0] =	vst v2  }
0x1c1: {  	[tilespmem:s13+$0x10] =	vst v1;
	v1 =	vld [tilespmem:s13+$0x30]  }
0x1c2: {  	v0 =	vld.idx.msk [tilespmem:v0+s18+$0x0], $0xffff  }
0x1c3: {  	v2 =	vld [tilespmem:s13+$0x20];
	_ =	sdelay $0x4  }
0x1c4: {  	v2 =	vmul.f32 v2, v0;
	v0 =	vmul.f32 v1, v0;
	_ =	sdelay $0x1  }
0x1c5: {  	[tilespmem:s13+$0x20] =	vst v2  }
0x1c6: {  	[tilespmem:s13+$0x30] =	vst v0;
	s13 =	smov.u32 s17  }
0x1c7: {  	v0 =	vld [tilespmem:s30+$0x0]  }
0x1c8: {  	v1 =	vld [tilespmem:s1+$0x0];
	_ =	sdelay $0x1  }
0x1c9: {  	v2 =	vld [tilespmem:s2+$0x0];
	_ =	sdelay $0x2  }
0x1ca: {  	v0 =	vadd.f32 v0, v1;
	_ =	sdelay $0x1  }
0x1cb: {  	v0 =	vadd.f32 v2, v0;
	_ =	sdelay $0x1  }
0x1cc: {  	v1 =	vmul.f32 $2.000000030e-01, v0  }
0x1cd: {  	vm0 =	vgt.f32 v0, $0.0e+00  }
0x1ce: {  	v0 =	vsel vm0, v0, v1  }
0x1cf: {  	v0 =	vmul.f32 $1.442695020e+00, v0;
	_ =	sdelay $0x1  }
0x1d0: {  	(erf) = vpow2.f32 v0;
	_ =	sdelay $0x4  }
0x1d1: {  	s21 =	sshll.u32 s21, $0x4  }
0x1d2: {  	v0 =	vmov s21;
	_ =	sdelay $0x2  }
0x1d3: {  	v1 =	vpop (erf)  }
0x1d4: {  	[tilespmem:s15+$0x0] =	vst v1  }
0x1d5: {  	v1 =	vld.idx.msk [tilespmem:v0+s18+$0x0], $0xffff  }
0x1d6: {  	v2 =	vld [tilespmem:s17+$0xFFFFFFC0]  }
0x1d7: {  	v3 =	vld [tilespmem:s17+$0xFFFFFFD0];
	_ =	sdelay $0x2  }
0x1d8: {  	v4 =	vor.u32 $0x1, v0  }
0x1d9: {  	v2 =	vmul.f32 v2, v1  }
0x1da: {  	v1 =	vmul.f32 v3, v1  }
0x1db: {  	[tilespmem:s17+$0xFFFFFFC0] =	vst v2  }
0x1dc: {  	[tilespmem:s17+$0xFFFFFFD0] =	vst v1;
	v1 =	vld [tilespmem:s17+$0xFFFFFFF0]  }
0x1dd: {  	v2 =	vld.idx.msk [tilespmem:v4+s18+$0x0], $0xffff  }
0x1de: {  	v3 =	vld [tilespmem:s17+$0xFFFFFFE0];
	_ =	sdelay $0x3  }
0x1df: {  	v4 =	vor.u32 $0x2, v0  }
0x1e0: {  	v1 =	vmul.f32 v1, v2;
	v3 =	vmul.f32 v3, v2;
	_ =	sdelay $0x1  }
0x1e1: {  	[tilespmem:s17+$0xFFFFFFE0] =	vst v3  }
0x1e2: {  	[tilespmem:s17+$0xFFFFFFF0] =	vst v1;
	v1 =	vld [tilespmem:s17+$0x10]  }
0x1e3: {  	v3 =	vld.idx.msk [tilespmem:v4+s18+$0x0], $0xffff  }
0x1e4: {  	v2 =	vld [tilespmem:s17+$0x0]  }
.Ltmp10:
0x1e5: {  	(pc) =	sbr.rel @p1 .LBB2_5-.Ltmp10, $3  }
0x1e6: {  	_ =	sdelay $0x1  }
0x1e7: {  	v0 =	vor.u32 $0x3, v0  }
0x1e8: {  	s15 =	sadd.s32 $0x10, s15;
	s17 =	sadd.s32 $0x80, s17;
	v1 =	vmul.f32 v1, v3;
	v2 =	vmul.f32 v2, v3  }
0x1e9: {  	_ =	sdelay $0x1  }
0x1ea: {  	[tilespmem:s13+$0x0] =	vst v2  }
0x1eb: {  	v62 =	vld [tilespmem:s13+$0x20];
	[tilespmem:s13+$0x10] =	vst v1  }
0x1ec: {  	v0 =	vld.idx.msk [tilespmem:v0+s18+$0x0], $0xffff  }
0x1ed: {  	v63 =	vld [tilespmem:s13+$0x30];
	_ =	sdelay $0x3  }
0x1ee: {  	v1 =	vmul.f32 v62, v0  }
0x1ef: {  	v0 =	vmul.f32 v63, v0  }
.Ltmp11:
0x1f0: {  	[tilespmem:s13+$0x20] =	vst v1;
	(pc) =	sbr.rel .LBB2_13-.Ltmp11, $4  }
0x1f1: {  	s1 =	rddreg [dreg:$0x2];
	s2 =	simm.s32 $0x15FB8;
	[tilespmem:s13+$0x30] =	vst v0  }
0x1f2: {  	[spmem:s1] =	stream.indirect.scatter.add.f32 [tilespmem:s18], [sflag:$0x5], $0x10, s2, s31, $0xb8;
	[tilespmem:$0x1BA80] =	vst v63  }
0x1f3: {  	s21 =	rddreg [dreg:$0x1];
	s30 =	simm.s32 $0x169E0  }
0x1f4: {  	[spmem:s21] =	stream.indirect.scatter.add.f32 [tilespmem:s30], [sflag:$0x6], $0x80, s2, s31, $0xb8;
	[tilespmem:$0x1BA80] =	vst v63  }
.LBB2_15:
0x1f5: {  	_ =	sfence.sel $0x180000  }
0x1f6: {  	[bflag:$0x0] =	sbarrier.arrive $0xFFFF  }
0x1f7: {  	_ =	strace $0x9000004A  }
0x1f8: {  	s0 =	stileid.u32;
	[bflag:$0x2] =	sbarrier.arrive $0xFFFF  }
0x1f9: {  	p0 =	sne.s32 s0, $0x0;
	s0 =	rddreg [dreg:$0x3]  }
0x1fa: {  	s0 =	sadd.s32 @!p0 $0x100000, s0  }
0x1fb: {  	[sflag:s0] =	ssyncadd.tile.s32 @!p0 $0x1;
	_ =	shalt  }
.Lfunc_end2:
_tile_overlayer_lowered:
.L_overlay_start_2:
0x1fc: {  	(tag) =	ssettag $0x2  }
0x1fd: {  	s0 =	rddreg [dreg:$0x0];
	s2 =	stileid.u32  }
0x1fe: {  	s1 =	rddreg [dreg:$0x1];
	p0 =	sne.s32 s2, $0x0  }
0x1ff: {  	s3 =	rddreg [dreg:$0x2];
	[bflag:$0x3] =	sbarrier.arrive $0xFFFF;
	s2 =	simm.s32 @!p0 $0x1C13  }
0x200: {  	[timem:s3], [sflag:s2] =	dma.local @!p0 [hbm:s0], s1  }
0x201: {  	s0 =	simm.s32 @!p0 $0x13  }
0x202: {  	_ =	swait.ge @!p0 [sflag:s0], s1  }
0x203: {  	s1 =	ssub.s32 @!p0 $0x0, s1;
	[sflag:s0] =	ssyncset.done @!p0 $0x0  }
0x204: {  	[sflag:s0] =	ssyncadd.s32 @!p0 s1  }
0x205: {  	[bflag:$0x3] =	sbarrier.arrive $0xFFFF  }
0x206: {  	_ =	shalt  }

// kernel: kernel.20.cloned.1.call-start
scs
__scs_entry_jumppad:
0x0: {  	(pc) =	sbr.rel $0x88, $3  }
0x1: {  	(tag) =	ssettag $0x0;
	lr =	simm.s32 $0x1  }
0x2: {  	[smem:$0x3F84] =	sst lr;
	_ =	strace $0xD0000000  }
0x3: {  	_ = 	snop  }
0x4: {  	_ = 	snop  }
0x5: {  	_ = 	snop  }
0x6: {  	_ = 	snop  }
0x7: {  	_ = 	snop  }
__scs_overlays_trampoline_lowered:
0x8: {  	[smem:$0x3F93] =	sst s0  }
0x9: {  	[smem:$0x3F94] =	sst s1  }
0xa: {  	[smem:$0x3F95] =	sst s2  }
0xb: {  	[smem:$0x3F96] =	sst s3  }
0xc: {  	[smem:$0x3F97] =	sst s4  }
0xd: {  	[smem:$0x3F98] =	sst s5  }
0xe: {  	[smem:$0x3F99] =	sst s6  }
0xf: {  	[smem:$0x3F9A] =	sst s7  }
0x10: {  	[smem:$0x3F9B] =	sst s8  }
0x11: {  	[smem:$0x3F9C] =	sst s9;
	s0 =	simm.s32 @!p0 $0x0  }
0x12: {  	s1 =	sld [smem:$0x3F82];
	s0 =	simm.s32 @p0 $0x1  }
0x13: {  	[smem:$0x3F9D] =	sst s0;
	s0 =	simm.s32 @!p1 $0x0  }
0x14: {  	s2 =	sld [smem:$0x3F81];
	s0 =	simm.s32 @p1 $0x1  }
0x15: {  	[smem:$0x3F9E] =	sst s0;
	s0 =	simm.s32 @!p2 $0x0  }
0x16: {  	s3 =	sld [smem:$0x3FDB];
	s0 =	simm.s32 @p2 $0x1  }
0x17: {  	s4 =	simm.s32 $0x1BF5;
	[smem:$0x3FA0] =	sst s0  }
0x18: {  	s0 =	sld [smem:$0x3F83];
	_ =	swait.ge [sflag:s4], $0x0  }
0x19: {  	s7 =	sld [smem:$0x3F84]  }
0x1a: {  	s8 =	sadd.s32 $0xFFFFE003, lr  }
0x1b: {  	s9 =	sadd.s32 $0xFFFFFEF7, lr;
	s5 =	simm.s32 $0xFFFFFFFF;
	p2 =	slt.u32 s8, $0xFFFFF086  }
0x1c: {  	p1 =	slt.u32 s9, $0xF7A;
	s5 =	simm.s32 @!p2 $0x0  }
0x1d: {  	s5 =	simm.s32 @p1 $0x1;
	p0 =	seq.s32 s7, s2  }
0x1e: {  	s7 =	smul.u32 @!p0 $0xF7A, s2;
	p2 =	seq.s32 @!p0 s5, $0x0  }
0x1f: {  	s9 =	smul.u32 $0xF7A, s1;
	s8 =	simm.s32 @!p0 $0x1BF5;
	p2 =	por !p2, p0  }
0x20: {  	[sflag:s8] =	ssyncset.s32 @!p0 $0xFFFFF086;
	s6 =	sadd.s32 @!p0 s3, s7;
	s7 =	simm.s32 @!p0 $0x108  }
0x21: {  	s3 =	sadd.s32 s3, s9;
	s6 =	sadd.s32 @!p0 $0x88, s6;
	s7 =	simm.s32 @p2 $0x1082  }
0x22: {  	[simem:s7], [sflag:s8] =	dma.local @!p0 [hbm:s6], $0xF7A  }
0x23: {  	s9 =	sor.u32 $0xD0000000, s2;
	s6 =	simm.s32 $0x108;
	_ =	swait.ge @!p0 [sflag:s8], $0x0  }
0x24: {  	s3 =	sadd.s32 $0x88, s3;
	s6 =	simm.s32 @!p1 $0x1082;
	[sflag:s4] =	ssyncset.s32 $0xFFFFF086  }
0x25: {  	[simem:s6], [sflag:s4] =	dma.local [hbm:s3], $0xF7A  }
0x26: {  	[smem:$0x3F84] =	sst s1;
	(tag) =	ssettag s2;
	_ =	strace s9  }
0x27: {  	s1 =	sld [smem:$0x3F94]  }
0x28: {  	s2 =	sld [smem:$0x3F95]  }
0x29: {  	s4 =	sld [smem:$0x3F97]  }
0x2a: {  	p0 =	seq.s32 s5, $0x0;
	s5 =	sld [smem:$0x3F98]  }
0x2b: {  	s6 =	sld [smem:$0x3F99]  }
0x2c: {  	s7 =	sld [smem:$0x3F9A]  }
0x2d: {  	s3 =	simm.s32 $0x108;
	s8 =	sld [smem:$0x3F9B]  }
0x2e: {  	s3 =	simm.s32 @!p0 $0x1082;
	s9 =	sld [smem:$0x3F9C]  }
0x2f: {  	lr =	sadd.s32 s0, s3;
	s0 =	sld [smem:$0x3F93]  }
0x30: {  	s3 =	sld [smem:$0x3F96]  }
0x31: {  	[smem:$0x3F9F] =	sst s10  }
0x32: {  	s10 =	sld [smem:$0x3F9D];
	_ =	sdelay $0x3  }
0x33: {  	p0 =	seq.s32 s10, $0x1;
	s10 =	sld [smem:$0x3F9F];
	_ =	sdelay $0x3  }
0x34: {  	[smem:$0x3F9F] =	sst s10  }
0x35: {  	s10 =	sld [smem:$0x3F9E];
	_ =	sdelay $0x3  }
0x36: {  	p1 =	seq.s32 s10, $0x1;
	s10 =	sld [smem:$0x3F9F];
	_ =	sdelay $0x3  }
0x37: {  	[smem:$0x3F9F] =	sst s10  }
0x38: {  	s10 =	sld [smem:$0x3FA0]  }
0x39: {  	_ = 	snop;
	(pc) =	sbr.ind lr, $3  }
0x3a: {  	_ = 	snop  }
0x3b: {  	_ = 	snop  }
0x3c: {  	p2 =	seq.s32 s10, $0x1;
	s10 =	sld [smem:$0x3F9F]  }
0x3d: {  	_ =	shalt  }
0x3e: {  	_ =	shalt  }
0x3f: {  	_ =	shalt  }
0x40: {  	_ =	shalt  }
0x41: {  	_ =	shalt  }
0x42: {  	_ =	shalt  }
0x43: {  	_ =	shalt  }
0x44: {  	_ =	shalt  }
0x45: {  	_ =	shalt  }
0x46: {  	_ =	shalt  }
0x47: {  	_ =	shalt  }
0x48: {  	_ =	shalt  }
0x49: {  	_ =	shalt  }
0x4a: {  	_ =	shalt  }
0x4b: {  	_ =	shalt  }
0x4c: {  	_ =	shalt  }
0x4d: {  	_ =	shalt  }
0x4e: {  	_ =	shalt  }
0x4f: {  	_ =	shalt  }
0x50: {  	_ =	shalt  }
0x51: {  	_ =	shalt  }
0x52: {  	_ =	shalt  }
0x53: {  	_ =	shalt  }
0x54: {  	_ =	shalt  }
0x55: {  	_ =	shalt  }
0x56: {  	_ =	shalt  }
0x57: {  	_ =	shalt  }
0x58: {  	_ =	shalt  }
0x59: {  	_ =	shalt  }
0x5a: {  	_ =	shalt  }
0x5b: {  	_ =	shalt  }
0x5c: {  	_ =	shalt  }
0x5d: {  	_ =	shalt  }
0x5e: {  	_ =	shalt  }
0x5f: {  	_ =	shalt  }
0x60: {  	_ =	shalt  }
0x61: {  	_ =	shalt  }
0x62: {  	_ =	shalt  }
0x63: {  	_ =	shalt  }
0x64: {  	_ =	shalt  }
0x65: {  	_ =	shalt  }
0x66: {  	_ =	shalt  }
0x67: {  	_ =	shalt  }
0x68: {  	_ =	shalt  }
0x69: {  	_ =	shalt  }
0x6a: {  	_ =	shalt  }
0x6b: {  	_ =	shalt  }
0x6c: {  	_ =	shalt  }
0x6d: {  	_ =	shalt  }
0x6e: {  	_ =	shalt  }
0x6f: {  	_ =	shalt  }
0x70: {  	_ =	shalt  }
0x71: {  	_ =	shalt  }
0x72: {  	_ =	shalt  }
0x73: {  	_ =	shalt  }
0x74: {  	_ =	shalt  }
0x75: {  	_ =	shalt  }
0x76: {  	_ =	shalt  }
0x77: {  	_ =	shalt  }
0x78: {  	_ =	shalt  }
0x79: {  	_ =	shalt  }
0x7a: {  	_ =	shalt  }
0x7b: {  	_ =	shalt  }
0x7c: {  	_ =	shalt  }
0x7d: {  	_ =	shalt  }
0x7e: {  	_ =	shalt  }
0x7f: {  	_ =	shalt  }
0x80: {  	_ =	shalt  }
0x81: {  	_ =	shalt  }
0x82: {  	_ =	shalt  }
0x83: {  	_ =	shalt  }
0x84: {  	_ =	shalt  }
0x85: {  	_ =	shalt  }
0x86: {  	_ =	shalt  }
0x87: {  	_ =	shalt  }
.Lfunc_end0:
.L_simem_size_0:
called_computation.2_lowered:
.L_overlay_start_0:
0x88: {  	s2 =	sld [smem:$0x3FD9]  }
0x89: {  	s3 =	sld [smem:$0x3FFE];
	_ =	sdelay $0x1  }
0x8a: {  	s1 =	srdreg.scid  }
0x8b: {  	s0 =	sand.u32 $0x1, s1  }
0x8c: {  	s16 =	sshll.u32 s0, $0xA;
	s2 =	sadd.s32 s3, s2  }
0x8d: {  	s2 =	sadd.s32 s2, s16  }
0x8e: {  	[smem:$0x3FAB] =	sst s2  }
0x8f: {  	_ = 	snop  }
0x90: {  	(tm) =	ssettm $0x1  }
0x91: {  	s17 =	sld [smem:$0x3FFB];
	_ =	sdelay $0x3  }
0x92: {  	_ =	strace s17  }
0x93: {  	s2 =	sld [smem:$0x3FFC];
	_ =	sdelay $0x3  }
0x94: {  	_ =	strace s2  }
0x95: {  	s2 =	sld [smem:$0x3FFD];
	_ =	sdelay $0x3  }
0x96: {  	_ =	strace s2  }
0x97: {  	_ =	strace $0x8FFFFFFF  }
0x98: {  	s18 =	sld [smem:$0x3FDB];
	_ =	sdelay $0x1  }
0x99: {  	s19 =	simm.s32 $_scs_section_size  }
0x9a: {  	s4 =	simm.s32 $_size__tile_overlayer_lowered;
	s5 =	simm.s32 $_tile_overlayer_lowered  }
0x9b: {  	s22 =	simm.s32 $0x1BFF;
	s21 =	sshll.u32 s5, $0x1;
	s2 =	sadd.s32 s19, s18  }
0x9c: {  	s6 =	simm.s32 $0x0;
	s20 =	sshll.u32 s4, $0x1;
	s4 =	sadd.s32 s21, s2  }
0x9d: {  	[timem:s6], [sflag:s22] =	dma.local [hbm:s4], s20  }
0x9e: {  	_ =	swait.ge [sflag:s22], s20  }
0x9f: {  	s3 =	ssub.s32 $0x0, s20;
	[sflag:s22] =	ssyncset.done $0x0  }
0xa0: {  	[sflag:s22] =	ssyncadd.s32 s3;
	_ =	sdelay $0x1  }
0xa1: {  	s23 =	simm.s32 $0x1B8B  }
0xa2: {  	_ =	swait.ge [sflag:s23], $0x1  }
0xa3: {  	[sflag:s23] =	ssyncset.done $0x0  }
0xa4: {  	s25 =	simm.s32 $0x1B8E;
	s24 =	sld [smem:$0x3FFE];
	[sflag:s23] =	ssyncadd.s32 $0xFFFFFFFF  }
0xa5: {  	s26 =	simm.s32 $execute0_lowered;
	[smem:$0x3FD2] =	sst s25  }
0xa6: {  	s4 =	sshll.u32 s26, $0x1;
	_ =	strace $0x8000004C;
	[dreg:$0x1] =	wrdreg $0xFFFFFFFF  }
0xa7: {  	s28 =	simm.s32 $_size_execute0_lowered;
	s2 =	sadd.s32 s2, s4;
	[dreg:$0x0] =	wrdreg $0x0  }
0xa8: {  	s4 =	sshll.u32 s28, $0x1;
	[dreg:$0x2] =	wrdreg s2  }
0xa9: {  	[dreg:$0x3] =	wrdreg s4  }
0xaa: {  	[dreg:$0x4] =	wrdreg $0xC0  }
0xab: {  	_ =	task [dreg:s6], $0x5FFFF  }
0xac: {  	[dreg:$0x1] =	wrdreg $0xFFFFFFFF  }
0xad: {  	[dreg:$0x0] =	wrdreg $0x60  }
0xae: {  	[dreg:$0x2] =	wrdreg s24  }
0xaf: {  	[dreg:$0x3] =	wrdreg $0x0  }
0xb0: {  	[dreg:$0x4] =	wrdreg $0x15F900  }
0xb1: {  	[dreg:$0x5] =	wrdreg $0x9  }
0xb2: {  	_ =	task.clear_ibuf [dreg:s6], $0x6FFFF;
	_ =	strace $0x9000004C  }
0xb3: {  	s29 =	simm.s32 $0x9;
	_ =	strace $0x8000004E  }
0xb4: {  	_ =	swait.ge [sflag:s29], $0x1  }
0xb5: {  	[sflag:s29] =	ssyncadd.s32 $0xFFFFFFFF  }
0xb6: {  	_ =	strace $0x9000004E  }
0xb7: {  	_ =	sfence  }
0xb8: {  	s30 =	sld [smem:$0x0];
	_ =	sdelay $0x2  }
0xb9: {  	s31 =	sshll.u32 s1, $0xD;
	s1 =	sshrl.u32 s1, $0x2  }
0xba: {  	s3 =	sand.u32 $0x4000, s31;
	s1 =	sadd.s32 s1, s30  }
0xbb: {  	s0 =	sor.u32 s3, s0;
	s1 =	sshll.u32 s1, $0x11  }
0xbc: {  	s0 =	sor.u32 s1, s0  }
0xbd: {  	s0 =	sadd.s32 $0x8F2B, s0  }
0xbe: {  	[sflag:s0] =	ssyncadd.remote.s32 $0x1  }
0xbf: {  	_ =	sfence.sel $0xFFFF  }
0xc0: {  	[dreg:$0x0] =	wrdreg $0xFFFFFFFF;
	(pc) =	sbr.abs _section_cstart, $3  }
0xc1: {  	[dreg:$0x1] =	wrdreg $0xFFFFFFFF  }
0xc2: {  	_ =	task.clear_ibuf [dreg:s6], $0x2FFFF;
	_ =	strace $0x9FFFFFFF  }
0xc3: {  	(tm) =	ssettm $0x7FFFFFFF  }
tec
execute0_lowered:
.L_overlay_start_1:
0x0: {  	(tag) =	ssettag $0x1  }
0x1: {  	s0 =	rddreg [dreg:$0x0]  }
0x2: {  	s18 =	rddreg [dreg:$0x1]  }
0x3: {  	s19 =	rddreg [dreg:$0x2]  }
0x4: {  	s4 =	simm.s32 $0x0;
	s20 =	stileid.u32;
	s3 =	srdreg.scid  }
0x5: {  	s31 =	simm.s32 $0x28;
	s29 =	simm.s32 $0x7;
	[smem:$0x7FF] =	sst s4  }
0x6: {  	s5 =	sadd.s32 $0x21C00, s0;
	s6 =	sadd.s32 $0x17E00, s0;
	s1 =	smul.u32 $0x16380, s20  }
0x7: {  	s7 =	sadd.s32 $0x235E00, s0;
	s8 =	sadd.s32 $0x12800, s0;
	s2 =	smul.u32 $0x2780, s20  }
0x8: {  	s9 =	sadd.s32 $0xD800, s0;
	s10 =	sadd.s32 $0x11AC00, s0;
	s3 =	sand.u32 $0x1, s3  }
0x9: {  	s15 =	sadd.s32 $0x2BA00, s0;
	s16 =	sadd.s32 $0x83A00, s0;
	s30 =	sadd.s32 $0xCF090, s0  }
0xa: {  	p0 =	seq.s32 s20, $0xF;
	_ =	strace $0x8000004D;
	s13 =	ssub.s32 $0x2, s3  }
0xb: {  	s24 =	sshll.u32 s3, $0x4;
	s17 =	smul.u32 $0x15F900, s3;
	[dreg:$0x8] =	wrdreg s30  }
0xc: {  	s3 =	smul.u32 $0x27100, s3;
	s30 =	sadd.s32 $0x25080, s19;
	s11 =	sshrl.u32 s1, $0x3  }
0xd: {  	s12 =	sshrl.u32 s2, $0x3;
	s14 =	sshrl.u32 s13, $0x1;
	s23 =	sadd.s32 s1, s18  }
0xe: {  	s25 =	sadd.s32 s2, s19;
	s26 =	sor.u32 s20, s24;
	[dreg:$0x13] =	wrdreg s30  }
0xf: {  	s20 =	simm.s32 $0xD;
	s19 =	simm.s32 $0x2;
	s11 =	sadd.s32 s11, s0  }
0x10: {  	s12 =	sadd.s32 s12, s0;
	s13 =	ssub.s32 s13, s14;
	[dreg:$0x4] =	wrdreg s23  }
0x11: {  	[dreg:$0x6] =	wrdreg s25;
	s28 =	smul.u32 $0x2710, s26;
	s1 =	sadd.s32 s1, s17  }
0x12: {  	s0 =	sadd.s32 $0xD210, s0;
	s14 =	sshrl.u32 s17, $0x3;
	s2 =	sadd.s32 s2, s3  }
0x13: {  	s3 =	sshrl.u32 s3, $0x3;
	s11 =	sadd.s32 $0xA5600, s11;
	s12 =	sadd.s32 $0x8800, s12  }
0x14: {  	s1 =	sshrl.u32 s1, $0x3;
	[dreg:$0x9] =	wrdreg s0;
	s0 =	sadd.s32 s15, s14  }
0x15: {  	s2 =	sshrl.u32 s2, $0x3;
	s21 =	sadd.s32 s16, s3;
	[dreg:$0x5] =	wrdreg s11  }
0x16: {  	s3 =	simm.s32 $0x4;
	[dreg:$0x7] =	wrdreg s12;
	s1 =	sadd.s32 s15, s1  }
0x17: {  	s17 =	sshrl.u32 s28, $0x3;
	s11 =	smul.u32 $0x4E20, s26;
	s2 =	sadd.s32 s16, s2  }
0x18: {  	s22 =	sadd.s32 $0x28, s28;
	s0 =	sadd.s32 $0x29A90, s0;
	[dreg:$0xa] =	wrdreg s1  }
0x19: {  	s25 =	sadd.s32 $0x4A10, s21;
	s26 =	smax.u32 s13, $0x1;
	[dreg:$0xb] =	wrdreg s2  }
0x1a: {  	s28 =	sadd.s32 $0x14D480, s18;
	s12 =	simm.s32 $0x6;
	[dreg:$0xf] =	wrdreg s0  }
0x1b: {  	v0 =	vimm.s32 $0x77665544;
	s16 =	simm.s32 $0x1D010;
	s18 =	simm.s32 $0x18E70;
	[dreg:$0x10] =	wrdreg s25  }
.Ltmp0:
0x1c: {  	v0 =	vunpack.c.l.s4.s8 v0;
	s13 =	simm.s32 $0x0;
	[dreg:$0x11] =	wrdreg s26;
	(pc) =	sbr.rel .LBB2_1-.Ltmp0, $4  }
0x1d: {  	s23 =	sadd.s32 s5, s17;
	s1 =	sadd.s32 s6, s17;
	[dreg:$0x12] =	wrdreg s28  }
0x1e: {  	v0 =	vunpack.c.0.s8.s32 v0;
	s25 =	simm.s32 $0x1AF40;
	s26 =	simm.s32 $0x1A798;
	[dreg:$0xc] =	wrdreg s23  }
0x1f: {  	vm0 =	vcmask $0x1F00;
	s0 =	simm.s32 $0x3;
	[dreg:$0xd] =	wrdreg s1;
	s24 =	sadd.s32 s7, s11  }
0x20: {  	v0 =	vnsel vm0, $0x7, v0;
	s11 =	simm.s32 $0x5;
	[dreg:$0xe] =	wrdreg s24;
	s24 =	simm.s32 $0xA  }
.LBB2_14:
0x21: {  	s1 =	simm.s32 $0x11  }
0x22: {  	_ =	swait.ge [sflag:s1], $0x280  }
0x23: {  	[sflag:s1] =	ssyncset.done $0x0  }
0x24: {  	s23 =	simm.s32 $0x12;
	[sflag:s1] =	ssyncadd.s32 $0xFFFFFD80  }
0x25: {  	_ =	swait.ge [sflag:s23], $0x1680  }
0x26: {  	[sflag:s23] =	ssyncset.done $0x0  }
0x27: {  	[sflag:s23] =	ssyncadd.s32 $0xFFFFE980  }
0x28: {  	_ =	swait.ge [sflag:s11], $0x280  }
0x29: {  	[sflag:s11] =	ssyncset.done $0x0  }
0x2a: {  	[sflag:s11] =	ssyncadd.s32 $0xFFFFFD80  }
0x2b: {  	_ =	swait.ge [sflag:s12], $0x1680  }
0x2c: {  	[sflag:s12] =	ssyncset.done $0x0  }
0x2d: {  	[sflag:s12] =	ssyncadd.s32 $0xFFFFE980  }
0x2e: {  	[bflag:$0x0] =	sbarrier.arrive $0xFFFF  }
0x2f: {  	s2 =	rddreg [dreg:$0xf]  }
0x30: {  	s1 =	simm.s32 @p0 $0x1FD3;
	s13 =	rddreg [dreg:$0x16]  }
0x31: {  	[hbm:s2], [sflag:s1] =	dma.local @p0 [spmem:s13], $0x2490  }
0x32: {  	s2 =	simm.s32 @p0 $0x13  }
0x33: {  	_ =	swait.ge @p0 [sflag:s2], $0x2490  }
0x34: {  	[sflag:s2] =	ssyncset.done @p0 $0x0;
	s13 =	rddreg [dreg:$0x10]  }
0x35: {  	s14 =	rddreg [dreg:$0x17];
	[sflag:s2] =	ssyncadd.s32 @p0 $0xFFFFDB70  }
0x36: {  	[hbm:s13], [sflag:s1] =	dma.local @p0 [spmem:s14], $0x410  }
0x37: {  	_ =	swait.ge @p0 [sflag:s2], $0x410  }
0x38: {  	s1 =	rddreg [dreg:$0xa]  }
0x39: {  	[sflag:s2] =	ssyncset.done @p0 $0x0;
	s13 =	rddreg [dreg:$0x15]  }
0x3a: {  	[sflag:s2] =	ssyncadd.s32 @p0 $0xFFFFFBF0;
	s2 =	rddreg [dreg:$0x18]  }
0x3b: {  	[hbm:s1], [sflag:s13] =	dma.local @!p0 [spmem:s2], $0x2C70  }
0x3c: {  	s1 =	simm.s32 @!p0 $0x13  }
0x3d: {  	_ =	swait.ge @!p0 [sflag:s1], $0x2C70  }
0x3e: {  	[sflag:s1] =	ssyncset.done @!p0 $0x0;
	s2 =	rddreg [dreg:$0xb]  }
0x3f: {  	s14 =	rddreg [dreg:$0x19];
	[sflag:s1] =	ssyncadd.s32 @!p0 $0xFFFFD390  }
0x40: {  	[hbm:s2], [sflag:s13] =	dma.local @!p0 [spmem:s14], $0x4F0  }
0x41: {  	_ =	swait.ge @!p0 [sflag:s1], $0x4F0  }
0x42: {  	s28 =	rddreg [dreg:$0x14]  }
0x43: {  	s30 =	rddreg [dreg:$0x11];
	s13 =	sadd.s32 $0x1, s28  }
0x44: {  	p1 =	sne.s32 s13, s30  }
.Ltmp1:
0x45: {  	_ = 	snop;
	(pc) =	sbr.rel @!p1 .LBB2_15-.Ltmp1, $3  }
0x46: {  	_ =	sdelay $0x1  }
0x47: {  	[sflag:s1] =	ssyncset.done @!p0 $0x0  }
0x48: {  	[sflag:s1] =	ssyncadd.s32 @!p0 $0xFFFFFB10  }
.LBB2_1:
0x49: {  	[dreg:$0x14] =	wrdreg s13  }
0x4a: {  	s1 =	rddreg [dreg:$0x12]  }
0x4b: {  	s2 =	rddreg [dreg:$0x8];
	s13 =	sshrl.u32 @p0 s1, $0x3  }
0x4c: {  	s1 =	simm.s32 @p0 $0x1FD3;
	[dreg:$0x16] =	wrdreg s13  }
0x4d: {  	[spmem:s13], [sflag:s1] =	dma.local @p0 [hbm:s2], $0x2490  }
0x4e: {  	s2 =	simm.s32 @p0 $0x13  }
0x4f: {  	_ =	swait.ge @p0 [sflag:s2], $0x2490  }
0x50: {  	s13 =	rddreg [dreg:$0x13]  }
0x51: {  	[sflag:s2] =	ssyncset.done @p0 $0x0;
	s14 =	sshrl.u32 @p0 s13, $0x3;
	s13 =	rddreg [dreg:$0x9]  }
0x52: {  	[sflag:s2] =	ssyncadd.s32 @p0 $0xFFFFDB70;
	[dreg:$0x17] =	wrdreg s14  }
0x53: {  	[spmem:s14], [sflag:s1] =	dma.local @p0 [hbm:s13], $0x410  }
0x54: {  	s1 =	stileid.u32  }
0x55: {  	_ =	swait.ge @p0 [sflag:s2], $0x410;
	s1 =	sshll.u32 @!p0 s1, $0x6  }
0x56: {  	[sflag:s2] =	ssyncset.done @p0 $0x0;
	s13 =	sor.u32 @!p0 $0x1C13, s1;
	s1 =	rddreg [dreg:$0x4]  }
0x57: {  	[sflag:s2] =	ssyncadd.s32 @p0 $0xFFFFFBF0;
	s2 =	sshrl.u32 @!p0 s1, $0x3;
	s1 =	rddreg [dreg:$0x5]  }
0x58: {  	[dreg:$0x18] =	wrdreg s2  }
0x59: {  	[spmem:s2], [sflag:s13] =	dma.local @!p0 [hbm:s1], $0x2C70  }
0x5a: {  	s1 =	simm.s32 @!p0 $0x13  }
0x5b: {  	_ =	swait.ge @!p0 [sflag:s1], $0x2C70;
	[dreg:$0x15] =	wrdreg s13  }
0x5c: {  	s2 =	rddreg [dreg:$0x6]  }
0x5d: {  	[sflag:s1] =	ssyncset.done @!p0 $0x0;
	s14 =	sshrl.u32 @!p0 s2, $0x3;
	s2 =	rddreg [dreg:$0x7]  }
0x5e: {  	[sflag:s1] =	ssyncadd.s32 @!p0 $0xFFFFD390;
	[dreg:$0x19] =	wrdreg s14  }
0x5f: {  	[spmem:s14], [sflag:s13] =	dma.local @!p0 [hbm:s2], $0x4F0  }
0x60: {  	_ =	swait.ge @!p0 [sflag:s1], $0x4F0  }
0x61: {  	[sflag:s1] =	ssyncset.done @!p0 $0x0  }
0x62: {  	[sflag:s1] =	ssyncadd.s32 @!p0 $0xFFFFFB10  }
0x63: {  	[bflag:$0x0] =	sbarrier.arrive $0xFFFF  }
0x64: {  	s2 =	simm.s32 $0x186A0;
	s21 =	rddreg [dreg:$0xc]  }
0x65: {  	[tilespmem:s2], [sflag:$0x1] =	stream.linear.gather [hbm4b:s21+s4], $0x28, $0x38;
	[tilespmem:$0x1E910] =	vst v63  }
0x66: {  	s30 =	simm.s32 $0x186C8;
	s23 =	rddreg [dreg:$0xd]  }
0x67: {  	[tilespmem:s30], [sflag:$0x1] =	stream.linear.gather [hbm4b:s23+s4], $0x28, $0x38;
	[tilespmem:$0x1E910] =	vst v63  }
0x68: {  	s15 =	simm.s32 $0x186F0;
	s17 =	simm.s32 $0x1;
	s14 =	rddreg [dreg:$0xe]  }
0x69: {  	[tilespmem:s15], [sflag:$0x1] =	stream.linear.gather [hbm4b:s14+s4], $0x280, $0x38;
	[tilespmem:$0x1E910] =	vst v63  }
0x6a: {  	_ =	swait.ge [sflag:s17], $0x28  }
0x6b: {  	[sflag:s17] =	ssyncset.done $0x0  }
0x6c: {  	[sflag:s17] =	ssyncadd.s32 $0xFFFFFFD8  }
0x6d: {  	_ =	swait.ge [sflag:s17], $0x28  }
0x6e: {  	[sflag:s17] =	ssyncset.done $0x0  }
0x6f: {  	[sflag:s17] =	ssyncadd.s32 $0xFFFFFFD8  }
0x70: {  	_ =	swait.ge [sflag:s17], $0x280  }
0x71: {  	[sflag:s17] =	ssyncset.done $0x0  }
0x72: {  	s21 =	simm.s32 $0x18970;
	[sflag:s17] =	ssyncadd.s32 $0xFFFFFD80  }
0x73: {  	[tilespmem:s21], [sflag:$0x2] =	stream.indirect.gather [hbm4b:s8+s31], $0x10, s2, s31, $0xb8;
	[tilespmem:$0x1E910] =	vst v63  }
.Ltmp2:
0x74: {  	_ = 	snop;
	(pc) =	sbr.rel .LBB2_2-.Ltmp2, $4  }
0x75: {  	s23 =	simm.s32 $0x18BF0  }
0x76: {  	[tilespmem:s23], [sflag:$0x3] =	stream.indirect.gather [hbm4b:s9+s31], $0x10, s30, s31, $0xb8;
	[tilespmem:$0x1E910] =	vst v63  }
0x77: {  	s28 =	simm.s32 $0x0;
	s30 =	simm.s32 $0x190F0  }
0x78: {  	[tilespmem:s30], [sflag:$0x4] =	stream.indirect.gather [hbm4b:s10+s31], $0x90, s2, s31, $0xb8;
	[tilespmem:$0x1E910] =	vst v63  }
.LBB2_13:
0x79: {  	s28 =	sadd.s32 $0x1, s28  }
0x7a: {  	p1 =	sne.s32 s28, $0xFA  }
.Ltmp3:
0x7b: {  	_ = 	snop;
	(pc) =	sbr.rel @!p1 .LBB2_14-.Ltmp3, $1  }
0x7c: {  	_ =	sdelay $0x3  }
.LBB2_2:
0x7d: {  	s1 =	smul.u32 $0xAB, s28;
	_ =	sdelay $0x1  }
0x7e: {  	s1 =	sshrl.u32 s1, $0x9  }
0x7f: {  	s1 =	sand.u32 $0x7F, s1  }
0x80: {  	s1 =	smul.u32 $0x3, s1;
	_ =	sdelay $0x1  }
0x81: {  	s1 =	ssub.s32 s28, s1  }
0x82: {  	s1 =	sand.u32 $0xFF, s1  }
0x83: {  	p1 =	seq.s32 s1, $0x2  }
.Ltmp4:
0x84: {  	_ = 	snop;
	(pc) =	sbr.rel @p1 .LBB2_10-.Ltmp4, $1  }
0x85: {  	_ =	sdelay $0x3  }
0x86: {  	p3 =	seq.s32 s1, $0x1  }
.Ltmp5:
0x87: {  	_ = 	snop;
	(pc) =	sbr.rel @!p3 .LBB2_4-.Ltmp5, $3  }
0x88: {  	_ =	sdelay $0x1  }
0x89: {  	p1 =	slt.u32 s28, $0x2  }
0x8a: {  	s1 =	smul.u32 $0x28, s28;
	p2 =	seq.s32 @!p1 s28, $0xF9  }
0x8b: {  	s2 =	simm.s32 @!p1 $0x11  }
0x8c: {  	_ =	swait.ge @!p1 [sflag:s2], $0x280  }
0x8d: {  	[sflag:s2] =	ssyncset.done @!p1 $0x0  }
0x8e: {  	[sflag:s2] =	ssyncadd.s32 @!p1 $0xFFFFFD80;
	s2 =	simm.s32 @!p1 $0x12  }
0x8f: {  	p2 =	por p1, !p2;
	_ =	swait.ge @!p1 [sflag:s2], $0x1680  }
0x90: {  	s1 =	sadd.s32 @p2 s1, s22;
	[sflag:s2] =	ssyncset.done @!p1 $0x0  }
0x91: {  	[sflag:s2] =	ssyncadd.s32 @!p1 $0xFFFFE980;
	s2 =	sshrl.u32 @p2 s1, $0x3  }
0x92: {  	s14 =	simm.s32 @p2 $0x1C840;
	s1 =	sshll.u32 @p2 s1, $0x1;
	s13 =	sadd.s32 @p2 s5, s2  }
0x93: {  	[tilespmem:s14], [sflag:$0xD] =	stream.linear.gather @p2 [hbm4b:s13+s4], $0x28, $0x38;
	[tilespmem:$0x1E910] =	vst v63  }
0x94: {  	s2 =	sadd.s32 @p2 s6, s2;
	s1 =	sand.u32 @p2 $0x1FFFFFF0, s1;
	s13 =	simm.s32 @p2 $0x1C868  }
0x95: {  	[tilespmem:s13], [sflag:$0xD] =	stream.linear.gather @p2 [hbm4b:s2+s4], $0x28, $0x38;
	[tilespmem:$0x1E910] =	vst v63  }
0x96: {  	s1 =	sadd.s32 @p2 s7, s1;
	s2 =	simm.s32 @p2 $0x1C890  }
0x97: {  	[tilespmem:s2], [sflag:$0xD] =	stream.linear.gather @p2 [hbm4b:s1+s4], $0x280, $0x38;
	[tilespmem:$0x1E910] =	vst v63  }
0x98: {  	_ =	swait.ge @p2 [sflag:s20], $0x28  }
0x99: {  	[sflag:s20] =	ssyncset.done @p2 $0x0  }
0x9a: {  	[sflag:s20] =	ssyncadd.s32 @p2 $0xFFFFFFD8  }
0x9b: {  	_ =	swait.ge @p2 [sflag:s20], $0x28  }
0x9c: {  	[sflag:s20] =	ssyncset.done @p2 $0x0  }
0x9d: {  	[sflag:s20] =	ssyncadd.s32 @p2 $0xFFFFFFD8  }
0x9e: {  	_ =	swait.ge @p2 [sflag:s20], $0x280  }
0x9f: {  	[sflag:s20] =	ssyncset.done @p2 $0x0  }
0xa0: {  	s1 =	simm.s32 @p2 $0x1CB10;
	[sflag:s20] =	ssyncadd.s32 @p2 $0xFFFFFD80  }
0xa1: {  	[tilespmem:s1], [sflag:$0xE] =	stream.indirect.gather @p2 [hbm4b:s8+s31], $0x10, s14, s31, $0xb8;
	[tilespmem:$0x1E910] =	vst v63  }
0xa2: {  	s1 =	simm.s32 @p2 $0x1CD90  }
0xa3: {  	[tilespmem:s1], [sflag:$0xF] =	stream.indirect.gather @p2 [hbm4b:s9+s31], $0x10, s13, s31, $0xb8;
	[tilespmem:$0x1E910] =	vst v63  }
0xa4: {  	s17 =	simm.s32 $0x8;
	s1 =	simm.s32 @p2 $0x1D290  }
0xa5: {  	[tilespmem:s1], [sflag:$0x10] =	stream.indirect.gather @p2 [hbm4b:s10+s31], $0x90, s14, s31, $0xb8;
	[tilespmem:$0x1E910] =	vst v63  }
0xa6: {  	_ =	swait.ge [sflag:s17], $0x280  }
0xa7: {  	[sflag:s17] =	ssyncset.done $0x0  }
0xa8: {  	s21 =	simm.s32 $0x9;
	[sflag:s17] =	ssyncadd.s32 $0xFFFFFD80  }
0xa9: {  	_ =	swait.ge [sflag:s21], $0x280  }
0xaa: {  	[sflag:s21] =	ssyncset.done $0x0  }
0xab: {  	[sflag:s21] =	ssyncadd.s32 $0xFFFFFD80  }
0xac: {  	_ =	swait.ge [sflag:s24], $0x1680  }
0xad: {  	[sflag:s24] =	ssyncset.done $0x0  }
0xae: {  	s30 =	simm.s32 $0x1ACC0;
	[sflag:s24] =	ssyncadd.s32 $0xFFFFE980  }
0xaf: {  	s1 =	simm.s32 $0x1AA40;
	v1 =	vld [tilespmem:s30+$0x0]  }
0xb0: {  	v2 =	vld [tilespmem:s1+$0x0]  }
0xb1: {  	s2 =	simm.s32 $0x1A7C0  }
0xb2: {  	v3 =	vld [tilespmem:s2+$0x0];
	_ =	sdelay $0x2  }
0xb3: {  	v1 =	vadd.f32 v1, v2;
	_ =	sdelay $0x1  }
0xb4: {  	v1 =	vadd.f32 v3, v1;
	_ =	sdelay $0x1  }
0xb5: {  	v2 =	vmul.f32 $2.000000030e-01, v1  }
0xb6: {  	vm0 =	vgt.f32 v1, $0.0e+00  }
0xb7: {  	v1 =	vsel vm0, v1, v2  }
0xb8: {  	v1 =	vmul.f32 $1.442695020e+00, v1;
	_ =	sdelay $0x1  }
0xb9: {  	(erf) = vpow2.f32 v1;
	_ =	sdelay $0x4  }
0xba: {  	s21 =	simm.s32 $0x0  }
0xbb: {  	v1 =	vmov s21;
	_ =	sdelay $0x2  }
0xbc: {  	s23 =	simm.s32 $0x1AF40;
	v2 =	vpop (erf)  }
0xbd: {  	[tilespmem:s23+$0x0] =	vst v2  }
0xbe: {  	s13 =	simm.s32 $0x1B200;
	v2 =	vld.idx.msk [tilespmem:v1+s25+$0x0], $0xffff  }
0xbf: {  	v3 =	vld [tilespmem:s13+$0xFFFFFFC0]  }
0xc0: {  	v4 =	vld [tilespmem:s13+$0xFFFFFFD0];
	_ =	sdelay $0x2  }
0xc1: {  	v5 =	vor.u32 $0x1, v1  }
0xc2: {  	v3 =	vmul.f32 v3, v2  }
0xc3: {  	v2 =	vmul.f32 v4, v2  }
0xc4: {  	v4 =	vld [tilespmem:s13+$0xFFFFFFF0];
	[tilespmem:s13+$0xFFFFFFC0] =	vst v3  }
0xc5: {  	[tilespmem:s13+$0xFFFFFFD0] =	vst v2;
	v3 =	vld [tilespmem:s13+$0xFFFFFFE0]  }
0xc6: {  	v2 =	vld.idx.msk [tilespmem:v5+s25+$0x0], $0xffff;
	_ =	sdelay $0x3  }
0xc7: {  	v5 =	vor.u32 $0x2, v1  }
0xc8: {  	v3 =	vmul.f32 v3, v2;
	v2 =	vmul.f32 v4, v2;
	_ =	sdelay $0x1  }
0xc9: {  	[tilespmem:s13+$0xFFFFFFF0] =	vst v2;
	v2 =	vld [tilespmem:s13+$0x10]  }
0xca: {  	[tilespmem:s13+$0xFFFFFFE0] =	vst v3;
	v3 =	vld [tilespmem:s13+$0x0]  }
0xcb: {  	v4 =	vld.idx.msk [tilespmem:v5+s25+$0x0], $0xffff;
	_ =	sdelay $0x3  }
0xcc: {  	v1 =	vor.u32 $0x3, v1  }
0xcd: {  	s15 =	simm.s32 $0x1AF50;
	s14 =	simm.s32 $0x1;
	s17 =	simm.s32 $0x1B290;
	v3 =	vmul.f32 v3, v4;
	v2 =	vmul.f32 v2, v4  }
.LBB2_8:
0xce: {  	s1 =	sadd.s32 $0x10, s1;
	s30 =	sadd.s32 $0x10, s30;
	s2 =	sadd.s32 $0x10, s2  }
0xcf: {  	p1 =	sne.s32 s14, $0x27;
	s23 =	smov.u32 s14;
	s14 =	sadd.s32 $0x1, s14;
	[tilespmem:s13+$0x0] =	vst v3  }
0xd0: {  	[tilespmem:s13+$0x10] =	vst v2;
	v2 =	vld [tilespmem:s13+$0x30]  }
0xd1: {  	v1 =	vld.idx.msk [tilespmem:v1+s25+$0x0], $0xffff  }
0xd2: {  	v3 =	vld [tilespmem:s13+$0x20];
	_ =	sdelay $0x3  }
0xd3: {  	v4 =	vor.u32 s21, v0  }
0xd4: {  	v3 =	vmul.f32 v3, v1;
	v1 =	vmul.f32 v2, v1;
	_ =	sdelay $0x1  }
0xd5: {  	[tilespmem:s13+$0x20] =	vst v3  }
0xd6: {  	[tilespmem:s13+$0x30] =	vst v1  }
0xd7: {  	v1 =	vld.idx.msk [tilespmem:v4+s25+$0x0], $0xffff  }
0xd8: {  	v2 =	vld [tilespmem:s13+$0x40];
	_ =	sdelay $0x4  }
0xd9: {  	v1 =	vmul.f32 v2, v1;
	_ =	sdelay $0x1  }
0xda: {  	[tilespmem:s13+$0x40] =	vst v1;
	s13 =	smov.u32 s17  }
0xdb: {  	v1 =	vld [tilespmem:s30+$0x0]  }
0xdc: {  	v2 =	vld [tilespmem:s1+$0x0];
	_ =	sdelay $0x1  }
0xdd: {  	v3 =	vld [tilespmem:s2+$0x0];
	_ =	sdelay $0x2  }
0xde: {  	v1 =	vadd.f32 v1, v2;
	_ =	sdelay $0x1  }
0xdf: {  	v1 =	vadd.f32 v3, v1;
	_ =	sdelay $0x1  }
0xe0: {  	v2 =	vmul.f32 $2.000000030e-01, v1  }
0xe1: {  	vm0 =	vgt.f32 v1, $0.0e+00  }
0xe2: {  	v1 =	vsel vm0, v1, v2  }
0xe3: {  	v1 =	vmul.f32 $1.442695020e+00, v1;
	_ =	sdelay $0x1  }
0xe4: {  	(erf) = vpow2.f32 v1;
	_ =	sdelay $0x4  }
0xe5: {  	s21 =	sshll.u32 s23, $0x4  }
0xe6: {  	v1 =	vmov s21;
	_ =	sdelay $0x2  }
0xe7: {  	v2 =	vpop (erf)  }
0xe8: {  	[tilespmem:s15+$0x0] =	vst v2  }
0xe9: {  	v2 =	vld.idx.msk [tilespmem:v1+s25+$0x0], $0xffff  }
0xea: {  	v3 =	vld [tilespmem:s17+$0xFFFFFFC0]  }
0xeb: {  	v4 =	vld [tilespmem:s17+$0xFFFFFFD0];
	_ =	sdelay $0x2  }
0xec: {  	v5 =	vor.u32 $0x1, v1  }
0xed: {  	v3 =	vmul.f32 v3, v2  }
0xee: {  	v2 =	vmul.f32 v4, v2  }
0xef: {  	[tilespmem:s17+$0xFFFFFFC0] =	vst v3  }
0xf0: {  	[tilespmem:s17+$0xFFFFFFD0] =	vst v2;
	v2 =	vld [tilespmem:s17+$0xFFFFFFF0]  }
0xf1: {  	v3 =	vld.idx.msk [tilespmem:v5+s25+$0x0], $0xffff  }
0xf2: {  	v4 =	vld [tilespmem:s17+$0xFFFFFFE0];
	_ =	sdelay $0x3  }
0xf3: {  	v5 =	vor.u32 $0x2, v1  }
0xf4: {  	v2 =	vmul.f32 v2, v3;
	v4 =	vmul.f32 v4, v3;
	_ =	sdelay $0x1  }
0xf5: {  	[tilespmem:s17+$0xFFFFFFE0] =	vst v4  }
0xf6: {  	[tilespmem:s17+$0xFFFFFFF0] =	vst v2;
	v2 =	vld [tilespmem:s17+$0x10]  }
0xf7: {  	v4 =	vld.idx.msk [tilespmem:v5+s25+$0x0], $0xffff  }
0xf8: {  	v3 =	vld [tilespmem:s17+$0x0]  }
.Ltmp6:
0xf9: {  	(pc) =	sbr.rel @p1 .LBB2_8-.Ltmp6, $3  }
0xfa: {  	_ =	sdelay $0x1  }
0xfb: {  	v1 =	vor.u32 $0x3, v1  }
0xfc: {  	s15 =	sadd.s32 $0x10, s15;
	s17 =	sadd.s32 $0x90, s17;
	v2 =	vmul.f32 v2, v4;
	v3 =	vmul.f32 v3, v4  }
0xfd: {  	_ =	sdelay $0x1  }
0xfe: {  	[tilespmem:s13+$0x0] =	vst v3  }
0xff: {  	[tilespmem:s13+$0x10] =	vst v2;
	v2 =	vld [tilespmem:s13+$0x20]  }
0x100: {  	v1 =	vld.idx.msk [tilespmem:v1+s25+$0x0], $0xffff  }
0x101: {  	v3 =	vld [tilespmem:s13+$0x30];
	_ =	sdelay $0x2  }
0x102: {  	v4 =	vor.u32 s21, v0  }
0x103: {  	v2 =	vmul.f32 v2, v1  }
0x104: {  	v1 =	vmul.f32 v3, v1  }
0x105: {  	[tilespmem:s13+$0x20] =	vst v2  }
0x106: {  	[tilespmem:s13+$0x30] =	vst v1;
	v2 =	vld [tilespmem:s13+$0x40]  }
0x107: {  	v1 =	vld.idx.msk [tilespmem:v4+s25+$0x0], $0xffff;
	_ =	sdelay $0x4  }
0x108: {  	v1 =	vmul.f32 v2, v1  }
.Ltmp7:
0x109: {  	_ = 	snop;
	(pc) =	sbr.rel .LBB2_13-.Ltmp7, $4  }
0x10a: {  	s1 =	rddreg [dreg:$0x2];
	[tilespmem:s13+$0x40] =	vst v1  }
0x10b: {  	[spmem:s1] =	stream.indirect.scatter.add.f32 [tilespmem:s25], [sflag:$0xB], $0x10, s26, s31, $0xb8;
	[tilespmem:$0x1E910] =	vst v63  }
0x10c: {  	s30 =	rddreg [dreg:$0x1];
	s2 =	simm.s32 $0x1B1C0  }
0x10d: {  	[spmem:s30] =	stream.indirect.scatter.add.f32 [tilespmem:s2], [sflag:$0xC], $0x90, s26, s31, $0xb8;
	[tilespmem:$0x1E910] =	vst v63  }
.LBB2_10:
0x10e: {  	_ =	swait.ge [sflag:s11], $0x280;
	p1 =	seq.s32 s28, $0xF9  }
0x10f: {  	[sflag:s11] =	ssyncset.done $0x0;
	s1 =	smul.u32 @!p1 $0x28, s28  }
0x110: {  	[sflag:s11] =	ssyncadd.s32 $0xFFFFFD80  }
0x111: {  	s14 =	simm.s32 @!p1 $0x0;
	_ =	swait.ge [sflag:s12], $0x1680;
	s1 =	sadd.s32 @!p1 s1, s22  }
0x112: {  	s15 =	simm.s32 @!p1 $0x186A0;
	[sflag:s12] =	ssyncset.done $0x0;
	s2 =	sshrl.u32 @!p1 s1, $0x3  }
0x113: {  	s1 =	sshll.u32 @!p1 s1, $0x1;
	[sflag:s12] =	ssyncadd.s32 $0xFFFFE980;
	s13 =	sadd.s32 @!p1 s5, s2  }
0x114: {  	[tilespmem:s15], [sflag:$0x1] =	stream.linear.gather @!p1 [hbm4b:s13+s14], $0x28, $0x38;
	[tilespmem:$0x1E910] =	vst v63  }
0x115: {  	s2 =	sadd.s32 @!p1 s6, s2;
	s1 =	sand.u32 @!p1 $0x1FFFFFF0, s1;
	s13 =	simm.s32 @!p1 $0x186C8  }
0x116: {  	[tilespmem:s13], [sflag:$0x1] =	stream.linear.gather @!p1 [hbm4b:s2+s14], $0x28, $0x38;
	[tilespmem:$0x1E910] =	vst v63  }
0x117: {  	s1 =	sadd.s32 @!p1 s7, s1;
	s2 =	simm.s32 @!p1 $0x186F0  }
0x118: {  	[tilespmem:s2], [sflag:$0x1] =	stream.linear.gather @!p1 [hbm4b:s1+s14], $0x280, $0x38;
	[tilespmem:$0x1E910] =	vst v63  }
0x119: {  	s1 =	simm.s32 @!p1 $0x1  }
0x11a: {  	_ =	swait.ge @!p1 [sflag:s1], $0x28  }
0x11b: {  	[sflag:s1] =	ssyncset.done @!p1 $0x0  }
0x11c: {  	[sflag:s1] =	ssyncadd.s32 @!p1 $0xFFFFFFD8  }
0x11d: {  	_ =	swait.ge @!p1 [sflag:s1], $0x28  }
0x11e: {  	[sflag:s1] =	ssyncset.done @!p1 $0x0  }
0x11f: {  	[sflag:s1] =	ssyncadd.s32 @!p1 $0xFFFFFFD8  }
0x120: {  	_ =	swait.ge @!p1 [sflag:s1], $0x280  }
0x121: {  	[sflag:s1] =	ssyncset.done @!p1 $0x0  }
0x122: {  	s2 =	simm.s32 @!p1 $0x18970;
	[sflag:s1] =	ssyncadd.s32 @!p1 $0xFFFFFD80;
	s1 =	simm.s32 @!p1 $0x28  }
0x123: {  	[tilespmem:s2], [sflag:$0x2] =	stream.indirect.gather @!p1 [hbm4b:s8+s1], $0x10, s15, s1, $0xb8;
	[tilespmem:$0x1E910] =	vst v63  }
0x124: {  	s2 =	simm.s32 @!p1 $0x18BF0  }
0x125: {  	[tilespmem:s2], [sflag:$0x3] =	stream.indirect.gather @!p1 [hbm4b:s9+s1], $0x10, s13, s1, $0xb8;
	[tilespmem:$0x1E910] =	vst v63  }
0x126: {  	s2 =	simm.s32 @!p1 $0x190F0  }
0x127: {  	[tilespmem:s2], [sflag:$0x4] =	stream.indirect.gather @!p1 [hbm4b:s10+s1], $0x90, s15, s1, $0xb8;
	[tilespmem:$0x1E910] =	vst v63  }
0x128: {  	s15 =	simm.s32 $0xE  }
0x129: {  	_ =	swait.ge [sflag:s15], $0x280  }
0x12a: {  	[sflag:s15] =	ssyncset.done $0x0  }
0x12b: {  	s17 =	simm.s32 $0xF;
	[sflag:s15] =	ssyncadd.s32 $0xFFFFFD80  }
0x12c: {  	_ =	swait.ge [sflag:s17], $0x280  }
0x12d: {  	[sflag:s17] =	ssyncset.done $0x0  }
0x12e: {  	s21 =	simm.s32 $0x10;
	[sflag:s17] =	ssyncadd.s32 $0xFFFFFD80  }
0x12f: {  	_ =	swait.ge [sflag:s21], $0x1680  }
0x130: {  	[sflag:s21] =	ssyncset.done $0x0  }
0x131: {  	s30 =	simm.s32 $0x1CD90;
	[sflag:s21] =	ssyncadd.s32 $0xFFFFE980  }
0x132: {  	s1 =	simm.s32 $0x1CB10;
	v1 =	vld [tilespmem:s30+$0x0]  }
0x133: {  	v2 =	vld [tilespmem:s1+$0x0]  }
0x134: {  	s2 =	simm.s32 $0x1C890  }
0x135: {  	v3 =	vld [tilespmem:s2+$0x0];
	_ =	sdelay $0x2  }
0x136: {  	v1 =	vadd.f32 v1, v2;
	_ =	sdelay $0x1  }
0x137: {  	v1 =	vadd.f32 v3, v1;
	_ =	sdelay $0x1  }
0x138: {  	v2 =	vmul.f32 $2.000000030e-01, v1  }
0x139: {  	vm0 =	vgt.f32 v1, $0.0e+00  }
0x13a: {  	v1 =	vsel vm0, v1, v2  }
0x13b: {  	v1 =	vmul.f32 $1.442695020e+00, v1;
	_ =	sdelay $0x1  }
0x13c: {  	(erf) = vpow2.f32 v1;
	_ =	sdelay $0x4  }
0x13d: {  	s21 =	simm.s32 $0x0  }
0x13e: {  	v1 =	vmov s21;
	_ =	sdelay $0x2  }
0x13f: {  	s23 =	simm.s32 $0x1D010;
	v2 =	vpop (erf)  }
0x140: {  	[tilespmem:s23+$0x0] =	vst v2  }
0x141: {  	s13 =	simm.s32 $0x1D2D0;
	v2 =	vld.idx.msk [tilespmem:v1+s16+$0x0], $0xffff  }
0x142: {  	v3 =	vld [tilespmem:s13+$0xFFFFFFC0]  }
0x143: {  	v4 =	vld [tilespmem:s13+$0xFFFFFFD0];
	_ =	sdelay $0x2  }
0x144: {  	v5 =	vor.u32 $0x1, v1  }
0x145: {  	v3 =	vmul.f32 v3, v2  }
0x146: {  	v2 =	vmul.f32 v4, v2  }
0x147: {  	v4 =	vld [tilespmem:s13+$0xFFFFFFF0];
	[tilespmem:s13+$0xFFFFFFC0] =	vst v3  }
0x148: {  	[tilespmem:s13+$0xFFFFFFD0] =	vst v2;
	v3 =	vld [tilespmem:s13+$0xFFFFFFE0]  }
0x149: {  	v2 =	vld.idx.msk [tilespmem:v5+s16+$0x0], $0xffff;
	_ =	sdelay $0x3  }
0x14a: {  	v5 =	vor.u32 $0x2, v1  }
0x14b: {  	v3 =	vmul.f32 v3, v2;
	v2 =	vmul.f32 v4, v2;
	_ =	sdelay $0x1  }
0x14c: {  	[tilespmem:s13+$0xFFFFFFF0] =	vst v2;
	v2 =	vld [tilespmem:s13+$0x10]  }
0x14d: {  	[tilespmem:s13+$0xFFFFFFE0] =	vst v3;
	v3 =	vld [tilespmem:s13+$0x0]  }
0x14e: {  	v4 =	vld.idx.msk [tilespmem:v5+s16+$0x0], $0xffff;
	_ =	sdelay $0x3  }
0x14f: {  	v1 =	vor.u32 $0x3, v1  }
0x150: {  	s14 =	simm.s32 $0x1;
	s15 =	simm.s32 $0x1D020;
	s17 =	simm.s32 $0x1D360;
	v3 =	vmul.f32 v3, v4;
	v2 =	vmul.f32 v2, v4  }
.LBB2_11:
0x151: {  	s1 =	sadd.s32 $0x10, s1;
	s30 =	sadd.s32 $0x10, s30;
	s2 =	sadd.s32 $0x10, s2  }
0x152: {  	p1 =	sne.s32 s14, $0x27;
	s23 =	smov.u32 s14;
	s14 =	sadd.s32 $0x1, s14;
	[tilespmem:s13+$0x0] =	vst v3  }
0x153: {  	[tilespmem:s13+$0x10] =	vst v2;
	v2 =	vld [tilespmem:s13+$0x30]  }
0x154: {  	v1 =	vld.idx.msk [tilespmem:v1+s16+$0x0], $0xffff  }
0x155: {  	v3 =	vld [tilespmem:s13+$0x20];
	_ =	sdelay $0x3  }
0x156: {  	v4 =	vor.u32 s21, v0  }
0x157: {  	v3 =	vmul.f32 v3, v1;
	v1 =	vmul.f32 v2, v1;
	_ =	sdelay $0x1  }
0x158: {  	[tilespmem:s13+$0x20] =	vst v3  }
0x159: {  	[tilespmem:s13+$0x30] =	vst v1  }
0x15a: {  	v1 =	vld.idx.msk [tilespmem:v4+s16+$0x0], $0xffff  }
0x15b: {  	v2 =	vld [tilespmem:s13+$0x40];
	_ =	sdelay $0x4  }
0x15c: {  	v1 =	vmul.f32 v2, v1;
	_ =	sdelay $0x1  }
0x15d: {  	[tilespmem:s13+$0x40] =	vst v1;
	s13 =	smov.u32 s17  }
0x15e: {  	v1 =	vld [tilespmem:s30+$0x0]  }
0x15f: {  	v2 =	vld [tilespmem:s1+$0x0];
	_ =	sdelay $0x1  }
0x160: {  	v3 =	vld [tilespmem:s2+$0x0];
	_ =	sdelay $0x2  }
0x161: {  	v1 =	vadd.f32 v1, v2;
	_ =	sdelay $0x1  }
0x162: {  	v1 =	vadd.f32 v3, v1;
	_ =	sdelay $0x1  }
0x163: {  	v2 =	vmul.f32 $2.000000030e-01, v1  }
0x164: {  	vm0 =	vgt.f32 v1, $0.0e+00  }
0x165: {  	v1 =	vsel vm0, v1, v2  }
0x166: {  	v1 =	vmul.f32 $1.442695020e+00, v1;
	_ =	sdelay $0x1  }
0x167: {  	(erf) = vpow2.f32 v1;
	_ =	sdelay $0x4  }
0x168: {  	s21 =	sshll.u32 s23, $0x4  }
0x169: {  	v1 =	vmov s21;
	_ =	sdelay $0x2  }
0x16a: {  	v2 =	vpop (erf)  }
0x16b: {  	[tilespmem:s15+$0x0] =	vst v2  }
0x16c: {  	v2 =	vld.idx.msk [tilespmem:v1+s16+$0x0], $0xffff  }
0x16d: {  	v3 =	vld [tilespmem:s17+$0xFFFFFFC0]  }
0x16e: {  	v4 =	vld [tilespmem:s17+$0xFFFFFFD0];
	_ =	sdelay $0x2  }
0x16f: {  	v5 =	vor.u32 $0x1, v1  }
0x170: {  	v3 =	vmul.f32 v3, v2  }
0x171: {  	v2 =	vmul.f32 v4, v2  }
0x172: {  	[tilespmem:s17+$0xFFFFFFC0] =	vst v3  }
0x173: {  	[tilespmem:s17+$0xFFFFFFD0] =	vst v2;
	v2 =	vld [tilespmem:s17+$0xFFFFFFF0]  }
0x174: {  	v3 =	vld.idx.msk [tilespmem:v5+s16+$0x0], $0xffff  }
0x175: {  	v4 =	vld [tilespmem:s17+$0xFFFFFFE0];
	_ =	sdelay $0x3  }
0x176: {  	v5 =	vor.u32 $0x2, v1  }
0x177: {  	v2 =	vmul.f32 v2, v3;
	v4 =	vmul.f32 v4, v3;
	_ =	sdelay $0x1  }
0x178: {  	[tilespmem:s17+$0xFFFFFFE0] =	vst v4  }
0x179: {  	[tilespmem:s17+$0xFFFFFFF0] =	vst v2;
	v2 =	vld [tilespmem:s17+$0x10]  }
0x17a: {  	v4 =	vld.idx.msk [tilespmem:v5+s16+$0x0], $0xffff  }
0x17b: {  	v3 =	vld [tilespmem:s17+$0x0]  }
.Ltmp8:
0x17c: {  	(pc) =	sbr.rel @p1 .LBB2_11-.Ltmp8, $3  }
0x17d: {  	_ =	sdelay $0x1  }
0x17e: {  	v1 =	vor.u32 $0x3, v1  }
0x17f: {  	s15 =	sadd.s32 $0x10, s15;
	s17 =	sadd.s32 $0x90, s17;
	v2 =	vmul.f32 v2, v4;
	v3 =	vmul.f32 v3, v4  }
0x180: {  	_ =	sdelay $0x1  }
0x181: {  	[tilespmem:s13+$0x0] =	vst v3  }
0x182: {  	[tilespmem:s13+$0x10] =	vst v2;
	v2 =	vld [tilespmem:s13+$0x20]  }
0x183: {  	v1 =	vld.idx.msk [tilespmem:v1+s16+$0x0], $0xffff  }
0x184: {  	v3 =	vld [tilespmem:s13+$0x30];
	_ =	sdelay $0x2  }
0x185: {  	v4 =	vor.u32 s21, v0  }
0x186: {  	v2 =	vmul.f32 v2, v1  }
0x187: {  	v1 =	vmul.f32 v3, v1  }
0x188: {  	[tilespmem:s13+$0x20] =	vst v2  }
0x189: {  	[tilespmem:s13+$0x30] =	vst v1;
	v2 =	vld [tilespmem:s13+$0x40]  }
0x18a: {  	v1 =	vld.idx.msk [tilespmem:v4+s16+$0x0], $0xffff;
	_ =	sdelay $0x4  }
0x18b: {  	v1 =	vmul.f32 v2, v1  }
.Ltmp9:
0x18c: {  	_ = 	snop;
	(pc) =	sbr.rel .LBB2_13-.Ltmp9, $4  }
0x18d: {  	s1 =	rddreg [dreg:$0x2];
	s2 =	simm.s32 $0x1C868;
	[tilespmem:s13+$0x40] =	vst v1  }
0x18e: {  	[spmem:s1] =	stream.indirect.scatter.add.f32 [tilespmem:s16], [sflag:$0x11], $0x10, s2, s31, $0xb8;
	[tilespmem:$0x1E910] =	vst v63  }
0x18f: {  	s23 =	rddreg [dreg:$0x1];
	s30 =	simm.s32 $0x1D290  }
0x190: {  	[spmem:s23] =	stream.indirect.scatter.add.f32 [tilespmem:s30], [sflag:$0x12], $0x90, s2, s31, $0xb8;
	[tilespmem:$0x1E910] =	vst v63  }
.LBB2_4:
0x191: {  	s2 =	simm.s32 @!p1 $0xB  }
0x192: {  	_ =	swait.ge @!p1 [sflag:s2], $0x280  }
0x193: {  	[sflag:s2] =	ssyncset.done @!p1 $0x0  }
0x194: {  	[sflag:s2] =	ssyncadd.s32 @!p1 $0xFFFFFD80;
	s2 =	simm.s32 @!p1 $0xC  }
0x195: {  	p2 =	por p1, !p2;
	_ =	swait.ge @!p1 [sflag:s2], $0x1680  }
0x196: {  	s1 =	sadd.s32 @p2 s1, s22;
	[sflag:s2] =	ssyncset.done @!p1 $0x0  }
0x197: {  	[sflag:s2] =	ssyncadd.s32 @!p1 $0xFFFFE980;
	s2 =	sshrl.u32 @p2 s1, $0x3  }
0x198: {  	s14 =	simm.s32 @p2 $0x1A770;
	s1 =	sshll.u32 @p2 s1, $0x1;
	s13 =	sadd.s32 @p2 s5, s2  }
0x199: {  	[tilespmem:s14], [sflag:$0x7] =	stream.linear.gather @p2 [hbm4b:s13+s4], $0x28, $0x38;
	[tilespmem:$0x1E910] =	vst v63  }
0x19a: {  	s2 =	sadd.s32 @p2 s6, s2;
	s1 =	sand.u32 @p2 $0x1FFFFFF0, s1  }
0x19b: {  	[tilespmem:s26], [sflag:$0x7] =	stream.linear.gather @p2 [hbm4b:s2+s4], $0x28, $0x38;
	[tilespmem:$0x1E910] =	vst v63  }
0x19c: {  	s1 =	sadd.s32 @p2 s7, s1;
	s2 =	simm.s32 @p2 $0x1A7C0  }
0x19d: {  	[tilespmem:s2], [sflag:$0x7] =	stream.linear.gather @p2 [hbm4b:s1+s4], $0x280, $0x38;
	[tilespmem:$0x1E910] =	vst v63  }
0x19e: {  	_ =	swait.ge @p2 [sflag:s29], $0x28  }
0x19f: {  	[sflag:s29] =	ssyncset.done @p2 $0x0  }
0x1a0: {  	[sflag:s29] =	ssyncadd.s32 @p2 $0xFFFFFFD8  }
0x1a1: {  	_ =	swait.ge @p2 [sflag:s29], $0x28  }
0x1a2: {  	[sflag:s29] =	ssyncset.done @p2 $0x0  }
0x1a3: {  	[sflag:s29] =	ssyncadd.s32 @p2 $0xFFFFFFD8  }
0x1a4: {  	_ =	swait.ge @p2 [sflag:s29], $0x280  }
0x1a5: {  	[sflag:s29] =	ssyncset.done @p2 $0x0  }
0x1a6: {  	s1 =	simm.s32 @p2 $0x1AA40;
	[sflag:s29] =	ssyncadd.s32 @p2 $0xFFFFFD80  }
0x1a7: {  	[tilespmem:s1], [sflag:$0x8] =	stream.indirect.gather @p2 [hbm4b:s8+s31], $0x10, s14, s31, $0xb8;
	[tilespmem:$0x1E910] =	vst v63  }
0x1a8: {  	s1 =	simm.s32 @p2 $0x1ACC0  }
0x1a9: {  	[tilespmem:s1], [sflag:$0x9] =	stream.indirect.gather @p2 [hbm4b:s9+s31], $0x10, s26, s31, $0xb8;
	[tilespmem:$0x1E910] =	vst v63  }
0x1aa: {  	s1 =	simm.s32 @p2 $0x1B1C0  }
0x1ab: {  	[tilespmem:s1], [sflag:$0xA] =	stream.indirect.gather @p2 [hbm4b:s10+s31], $0x90, s14, s31, $0xb8;
	[tilespmem:$0x1E910] =	vst v63  }
0x1ac: {  	_ =	swait.ge [sflag:s19], $0x280  }
0x1ad: {  	[sflag:s19] =	ssyncset.done $0x0  }
0x1ae: {  	[sflag:s19] =	ssyncadd.s32 $0xFFFFFD80  }
0x1af: {  	_ =	swait.ge [sflag:s0], $0x280  }
0x1b0: {  	[sflag:s0] =	ssyncset.done $0x0  }
0x1b1: {  	[sflag:s0] =	ssyncadd.s32 $0xFFFFFD80  }
0x1b2: {  	_ =	swait.ge [sflag:s3], $0x1680  }
0x1b3: {  	[sflag:s3] =	ssyncset.done $0x0  }
0x1b4: {  	s30 =	simm.s32 $0x18BF0;
	[sflag:s3] =	ssyncadd.s32 $0xFFFFE980  }
0x1b5: {  	s1 =	simm.s32 $0x18970;
	v1 =	vld [tilespmem:s30+$0x0]  }
0x1b6: {  	v2 =	vld [tilespmem:s1+$0x0]  }
0x1b7: {  	s2 =	simm.s32 $0x186F0  }
0x1b8: {  	v3 =	vld [tilespmem:s2+$0x0];
	_ =	sdelay $0x2  }
0x1b9: {  	v1 =	vadd.f32 v1, v2;
	_ =	sdelay $0x1  }
0x1ba: {  	v1 =	vadd.f32 v3, v1;
	_ =	sdelay $0x1  }
0x1bb: {  	v2 =	vmul.f32 $2.000000030e-01, v1  }
0x1bc: {  	vm0 =	vgt.f32 v1, $0.0e+00  }
0x1bd: {  	v1 =	vsel vm0, v1, v2  }
0x1be: {  	v1 =	vmul.f32 $1.442695020e+00, v1;
	_ =	sdelay $0x1  }
0x1bf: {  	(erf) = vpow2.f32 v1;
	_ =	sdelay $0x4  }
0x1c0: {  	s21 =	simm.s32 $0x0  }
0x1c1: {  	v1 =	vmov s21;
	_ =	sdelay $0x2  }
0x1c2: {  	s23 =	simm.s32 $0x18E70;
	v2 =	vpop (erf)  }
0x1c3: {  	[tilespmem:s23+$0x0] =	vst v2  }
0x1c4: {  	s13 =	simm.s32 $0x19130;
	v2 =	vld.idx.msk [tilespmem:v1+s18+$0x0], $0xffff  }
0x1c5: {  	v3 =	vld [tilespmem:s13+$0xFFFFFFC0]  }
0x1c6: {  	v4 =	vld [tilespmem:s13+$0xFFFFFFD0];
	_ =	sdelay $0x2  }
0x1c7: {  	v5 =	vor.u32 $0x1, v1  }
0x1c8: {  	v3 =	vmul.f32 v3, v2  }
0x1c9: {  	v2 =	vmul.f32 v4, v2  }
0x1ca: {  	v4 =	vld [tilespmem:s13+$0xFFFFFFF0];
	[tilespmem:s13+$0xFFFFFFC0] =	vst v3  }
0x1cb: {  	[tilespmem:s13+$0xFFFFFFD0] =	vst v2;
	v3 =	vld [tilespmem:s13+$0xFFFFFFE0]  }
0x1cc: {  	v2 =	vld.idx.msk [tilespmem:v5+s18+$0x0], $0xffff;
	_ =	sdelay $0x3  }
0x1cd: {  	v5 =	vor.u32 $0x2, v1  }
0x1ce: {  	v3 =	vmul.f32 v3, v2;
	v2 =	vmul.f32 v4, v2;
	_ =	sdelay $0x1  }
0x1cf: {  	[tilespmem:s13+$0xFFFFFFF0] =	vst v2;
	v2 =	vld [tilespmem:s13+$0x10]  }
0x1d0: {  	[tilespmem:s13+$0xFFFFFFE0] =	vst v3;
	v3 =	vld [tilespmem:s13+$0x0]  }
0x1d1: {  	v4 =	vld.idx.msk [tilespmem:v5+s18+$0x0], $0xffff;
	_ =	sdelay $0x3  }
0x1d2: {  	v1 =	vor.u32 $0x3, v1  }
0x1d3: {  	s15 =	simm.s32 $0x18E80;
	s17 =	simm.s32 $0x191C0;
	s14 =	simm.s32 $0x1;
	v3 =	vmul.f32 v3, v4;
	v2 =	vmul.f32 v2, v4  }
.LBB2_5:
0x1d4: {  	s1 =	sadd.s32 $0x10, s1;
	s30 =	sadd.s32 $0x10, s30;
	s2 =	sadd.s32 $0x10, s2  }
0x1d5: {  	p1 =	sne.s32 s14, $0x27;
	s23 =	smov.u32 s14;
	s14 =	sadd.s32 $0x1, s14;
	[tilespmem:s13+$0x0] =	vst v3  }
0x1d6: {  	[tilespmem:s13+$0x10] =	vst v2;
	v2 =	vld [tilespmem:s13+$0x30]  }
0x1d7: {  	v1 =	vld.idx.msk [tilespmem:v1+s18+$0x0], $0xffff  }
0x1d8: {  	v3 =	vld [tilespmem:s13+$0x20];
	_ =	sdelay $0x3  }
0x1d9: {  	v4 =	vor.u32 s21, v0  }
0x1da: {  	v3 =	vmul.f32 v3, v1;
	v1 =	vmul.f32 v2, v1;
	_ =	sdelay $0x1  }
0x1db: {  	[tilespmem:s13+$0x20] =	vst v3  }
0x1dc: {  	[tilespmem:s13+$0x30] =	vst v1  }
0x1dd: {  	v1 =	vld.idx.msk [tilespmem:v4+s18+$0x0], $0xffff  }
0x1de: {  	v2 =	vld [tilespmem:s13+$0x40];
	_ =	sdelay $0x4  }
0x1df: {  	v1 =	vmul.f32 v2, v1;
	_ =	sdelay $0x1  }
0x1e0: {  	[tilespmem:s13+$0x40] =	vst v1;
	s13 =	smov.u32 s17  }
0x1e1: {  	v1 =	vld [tilespmem:s30+$0x0]  }
0x1e2: {  	v2 =	vld [tilespmem:s1+$0x0];
	_ =	sdelay $0x1  }
0x1e3: {  	v3 =	vld [tilespmem:s2+$0x0];
	_ =	sdelay $0x2  }
0x1e4: {  	v1 =	vadd.f32 v1, v2;
	_ =	sdelay $0x1  }
0x1e5: {  	v1 =	vadd.f32 v3, v1;
	_ =	sdelay $0x1  }
0x1e6: {  	v2 =	vmul.f32 $2.000000030e-01, v1  }
0x1e7: {  	vm0 =	vgt.f32 v1, $0.0e+00  }
0x1e8: {  	v1 =	vsel vm0, v1, v2  }
0x1e9: {  	v1 =	vmul.f32 $1.442695020e+00, v1;
	_ =	sdelay $0x1  }
0x1ea: {  	(erf) = vpow2.f32 v1;
	_ =	sdelay $0x4  }
0x1eb: {  	s21 =	sshll.u32 s23, $0x4  }
0x1ec: {  	v1 =	vmov s21;
	_ =	sdelay $0x2  }
0x1ed: {  	v2 =	vpop (erf)  }
0x1ee: {  	[tilespmem:s15+$0x0] =	vst v2  }
0x1ef: {  	v2 =	vld.idx.msk [tilespmem:v1+s18+$0x0], $0xffff  }
0x1f0: {  	v3 =	vld [tilespmem:s17+$0xFFFFFFC0]  }
0x1f1: {  	v4 =	vld [tilespmem:s17+$0xFFFFFFD0];
	_ =	sdelay $0x2  }
0x1f2: {  	v5 =	vor.u32 $0x1, v1  }
0x1f3: {  	v3 =	vmul.f32 v3, v2  }
0x1f4: {  	v2 =	vmul.f32 v4, v2  }
0x1f5: {  	[tilespmem:s17+$0xFFFFFFC0] =	vst v3  }
0x1f6: {  	[tilespmem:s17+$0xFFFFFFD0] =	vst v2;
	v2 =	vld [tilespmem:s17+$0xFFFFFFF0]  }
0x1f7: {  	v3 =	vld.idx.msk [tilespmem:v5+s18+$0x0], $0xffff  }
0x1f8: {  	v4 =	vld [tilespmem:s17+$0xFFFFFFE0];
	_ =	sdelay $0x3  }
0x1f9: {  	v5 =	vor.u32 $0x2, v1  }
0x1fa: {  	v2 =	vmul.f32 v2, v3;
	v4 =	vmul.f32 v4, v3;
	_ =	sdelay $0x1  }
0x1fb: {  	[tilespmem:s17+$0xFFFFFFE0] =	vst v4  }
0x1fc: {  	[tilespmem:s17+$0xFFFFFFF0] =	vst v2;
	v2 =	vld [tilespmem:s17+$0x10]  }
0x1fd: {  	v4 =	vld.idx.msk [tilespmem:v5+s18+$0x0], $0xffff  }
0x1fe: {  	v3 =	vld [tilespmem:s17+$0x0]  }
.Ltmp10:
0x1ff: {  	(pc) =	sbr.rel @p1 .LBB2_5-.Ltmp10, $3  }
0x200: {  	_ =	sdelay $0x1  }
0x201: {  	v1 =	vor.u32 $0x3, v1  }
0x202: {  	s15 =	sadd.s32 $0x10, s15;
	s17 =	sadd.s32 $0x90, s17;
	v2 =	vmul.f32 v2, v4;
	v3 =	vmul.f32 v3, v4  }
0x203: {  	_ =	sdelay $0x1  }
0x204: {  	[tilespmem:s13+$0x0] =	vst v3  }
0x205: {  	[tilespmem:s13+$0x10] =	vst v2;
	v2 =	vld [tilespmem:s13+$0x20]  }
0x206: {  	v1 =	vld.idx.msk [tilespmem:v1+s18+$0x0], $0xffff  }
0x207: {  	v3 =	vld [tilespmem:s13+$0x30];
	_ =	sdelay $0x2  }
0x208: {  	v4 =	vor.u32 s21, v0  }
0x209: {  	v2 =	vmul.f32 v2, v1  }
0x20a: {  	v1 =	vmul.f32 v3, v1  }
0x20b: {  	[tilespmem:s13+$0x20] =	vst v2  }
0x20c: {  	[tilespmem:s13+$0x30] =	vst v1;
	v2 =	vld [tilespmem:s13+$0x40]  }
0x20d: {  	v1 =	vld.idx.msk [tilespmem:v4+s18+$0x0], $0xffff;
	_ =	sdelay $0x4  }
0x20e: {  	v1 =	vmul.f32 v2, v1  }
.Ltmp11:
0x20f: {  	_ = 	snop;
	(pc) =	sbr.rel .LBB2_13-.Ltmp11, $4  }
0x210: {  	s1 =	rddreg [dreg:$0x2];
	s2 =	simm.s32 $0x186C8;
	[tilespmem:s13+$0x40] =	vst v1  }
0x211: {  	[spmem:s1] =	stream.indirect.scatter.add.f32 [tilespmem:s18], [sflag:$0x5], $0x10, s2, s31, $0xb8;
	[tilespmem:$0x1E910] =	vst v63  }
0x212: {  	s23 =	rddreg [dreg:$0x1];
	s30 =	simm.s32 $0x190F0  }
0x213: {  	[spmem:s23] =	stream.indirect.scatter.add.f32 [tilespmem:s30], [sflag:$0x6], $0x90, s2, s31, $0xb8;
	[tilespmem:$0x1E910] =	vst v63  }
.LBB2_15:
0x214: {  	_ =	sfence.sel $0x180000  }
0x215: {  	[bflag:$0x0] =	sbarrier.arrive $0xFFFF  }
0x216: {  	_ =	strace $0x9000004D  }
0x217: {  	s0 =	stileid.u32;
	[bflag:$0x2] =	sbarrier.arrive $0xFFFF  }
0x218: {  	p0 =	sne.s32 s0, $0x0;
	s0 =	rddreg [dreg:$0x3]  }
0x219: {  	s0 =	sadd.s32 @!p0 $0x100000, s0  }
0x21a: {  	[sflag:s0] =	ssyncadd.tile.s32 @!p0 $0x1;
	_ =	shalt  }
.Lfunc_end2:
_tile_overlayer_lowered:
.L_overlay_start_2:
0x21b: {  	(tag) =	ssettag $0x2  }
0x21c: {  	s0 =	rddreg [dreg:$0x0];
	s2 =	stileid.u32  }
0x21d: {  	s1 =	rddreg [dreg:$0x1];
	p0 =	sne.s32 s2, $0x0  }
0x21e: {  	s3 =	rddreg [dreg:$0x2];
	[bflag:$0x3] =	sbarrier.arrive $0xFFFF;
	s2 =	simm.s32 @!p0 $0x1C13  }
0x21f: {  	[timem:s3], [sflag:s2] =	dma.local @!p0 [hbm:s0], s1  }
0x220: {  	s0 =	simm.s32 @!p0 $0x13  }
0x221: {  	_ =	swait.ge @!p0 [sflag:s0], s1  }
0x222: {  	s1 =	ssub.s32 @!p0 $0x0, s1;
	[sflag:s0] =	ssyncset.done @!p0 $0x0  }
0x223: {  	[sflag:s0] =	ssyncadd.s32 @!p0 s1  }
0x224: {  	[bflag:$0x3] =	sbarrier.arrive $0xFFFF  }
0x225: {  	_ =	shalt  }

</sc_bundles>
